<compile_context>
chip_gen: v7x
topology: tpu7x:2x2x1
jax: 0.10.2.dev20260603
libtpu: 0.0.44.dev20260713+nightly
codegen_flags: <defaults>
</compile_context>

<pallas_src>
import functools

import jax
import jax.numpy as jnp
from jax import lax
from jax.experimental import pallas as pl
from jax.experimental.pallas import tpu as pltpu
from jax.experimental.pallas import tpu_sc as plsc



def _ln(h, scale, bias):
    m = jnp.mean(h, axis=-1, keepdims=True)
    v = jnp.mean(h * h, axis=-1, keepdims=True) - m * m
    k = lax.rsqrt(v + 1e-5)
    return h * (k * scale) + (bias - m * k * scale)


def _preproj_body(mesh_ref, grid_ref, w1s_ref, w1d_ref, b1_ref, ps_ref, pd_ref):
    ps_ref[...] = jnp.dot(mesh_ref[...], w1s_ref[...],
                          preferred_element_type=jnp.float32)
    pd_ref[...] = jnp.dot(grid_ref[...], w1d_ref[...],
                          preferred_element_type=jnp.float32) + b1_ref[...]


def _tc_preproj(mesh_f, grid_f, w1s, w1d, b1):
    n, h = mesh_f.shape
    tn = 1000
    rows = pl.BlockSpec((tn, h), lambda i: (i, 0))
    full = pl.BlockSpec((h, h), lambda i: (0, 0))
    vec = pl.BlockSpec((1, h), lambda i: (0, 0))
    return pl.pallas_call(
        _preproj_body,
        grid=(n // tn,),
        in_specs=[rows, rows, full, full, vec],
        out_specs=[rows, rows],
        out_shape=[jax.ShapeDtypeStruct((n, h), jnp.float32)] * 2,
    )(mesh_f, grid_f, w1s, w1d, b1.reshape(1, h))


def _edge_body(e_ref, g_ref, w1e_ref, w2_ref, b2_ref, s_ref, b_ref,
               out_ref):
    e = e_ref[...]
    h = jnp.dot(e.astype(jnp.bfloat16), w1e_ref[...],
                preferred_element_type=jnp.float32)
    h = h + g_ref[...]
    h = h * jax.nn.sigmoid(h)
    h = jnp.dot(h.astype(jnp.bfloat16), w2_ref[...],
                preferred_element_type=jnp.float32) + b2_ref[...]
    ep = e + _ln(h, s_ref[...], b_ref[...])
    lw = 128
    for k in range(4):
        out_ref[k] = ep[:, k * lw:(k + 1) * lw]


def _tc_edge(e, g, w1e, w2, b2, sc, bi):
    ne, h = e.shape
    te = next(x for x in (1600, 1280, 800, 640, 400, 160) if ne % x == 0)
    rows = pl.BlockSpec((te, h), lambda i: (i, 0))
    full = pl.BlockSpec((h, h), lambda i: (0, 0))
    vec = pl.BlockSpec((1, h), lambda i: (0, 0))
    blocked = pl.BlockSpec((4, te, 128), lambda i: (0, i, 0))
    return pl.pallas_call(
        _edge_body,
        grid=(ne // te,),
        in_specs=[rows, rows, full, full, vec, vec, vec],
        out_specs=blocked,
        out_shape=jax.ShapeDtypeStruct((4, ne, 128), jnp.float32),
    )(e, g, w1e.astype(jnp.bfloat16), w2.astype(jnp.bfloat16),
      b2.reshape(1, h), sc.reshape(1, h), bi.reshape(1, h))


def _node_body(n_ref, agg_ref, w1a_ref, w1b_ref, b1_ref, w2_ref,
               b2_ref, s_ref, b_ref, out_ref):
    nd = n_ref[...]
    h = jnp.dot(nd, w1a_ref[...], preferred_element_type=jnp.float32)
    h = h + jnp.dot(agg_ref[...], w1b_ref[...],
                    preferred_element_type=jnp.float32) + b1_ref[...]
    h = h * jax.nn.sigmoid(h)
    h = jnp.dot(h, w2_ref[...], preferred_element_type=jnp.float32) + b2_ref[...]
    out_ref[...] = nd + _ln(h, s_ref[...], b_ref[...])


def _tc_node(node_f, agg, w1a, w1b, b1, w2, b2, sc, bi):
    n, h = node_f.shape
    tn = 1000
    rows = pl.BlockSpec((tn, h), lambda i: (i, 0))
    full = pl.BlockSpec((h, h), lambda i: (0, 0))
    vec = pl.BlockSpec((1, h), lambda i: (0, 0))
    return pl.pallas_call(
        _node_body,
        grid=(n // tn,),
        in_specs=[rows, rows, full, full, vec, full, vec, vec, vec],
        out_specs=rows,
        out_shape=jax.ShapeDtypeStruct((n, h), jnp.float32),
    )(node_f, agg, w1a, w1b, b1.reshape(1, h), w2, b2.reshape(1, h),
      sc.reshape(1, h), bi.reshape(1, h))



def _sc_gather(psrc, pdst, src_idx, dst_idx):
    n, h = psrc.shape
    e = src_idx.shape[0]
    nw = 32
    per_w = e // nw
    c = 40
    nch = per_w // c
    src3 = src_idx.reshape(nw, nch, c)
    dst3 = dst_idx.reshape(nw, nch, c)
    mesh = plsc.VectorSubcoreMesh(core_axis_name="c", subcore_axis_name="s")

    bufty = pltpu.VMEM((c, h), jnp.float32)

    @functools.partial(
        pl.kernel, mesh=mesh,
        out_type=jax.ShapeDtypeStruct((e, h), jnp.float32),
        scratch_types=[
            pltpu.VMEM((nch, c), jnp.int32), pltpu.VMEM((nch, c), jnp.int32),
            bufty, bufty, bufty, bufty,
            pltpu.SemaphoreType.DMA, pltpu.SemaphoreType.DMA,
            pltpu.SemaphoreType.DMA, pltpu.SemaphoreType.DMA,
        ])
    def k(ps_hbm, pd_hbm, si_hbm, di_hbm, gs_hbm,
          idxs, idxd, bufa0, bufa1, bufb0, bufb1, semg0, semg1, semw0, semw1):
        wid = lax.axis_index("s") * 2 + lax.axis_index("c")
        pltpu.sync_copy(si_hbm.at[wid], idxs)
        pltpu.sync_copy(di_hbm.at[wid], idxd)
        bufs = ((bufa0, bufb0, semg0, semw0), (bufa1, bufb1, semg1, semw1))

        def gath(j, p):
            ba, bb, sg, _ = bufs[p]
            pltpu.async_copy(ps_hbm.at[idxs.at[j]], ba, sg)
            pltpu.async_copy(pd_hbm.at[idxd.at[j]], bb, sg)

        def waitg(p):
            ba, bb, sg, _ = bufs[p]
            pltpu.make_async_copy(ps_hbm.at[idxs.at[0]], ba, sg).wait()
            pltpu.make_async_copy(pd_hbm.at[idxd.at[0]], bb, sg).wait()

        def addpair(p):
            ba, bb, _, _ = bufs[p]

            def arow(r, carry):
                for kk in range(h // 16):
                    sl = pl.ds(kk * 16, 16)
                    ba[r, sl] = ba[r, sl] + bb[r, sl]
                return carry

            lax.fori_loop(0, c, arow, 0)

        def wrote(j, p):
            ba, _, _, sw = bufs[p]
            base = wid * per_w + j * c
            pltpu.async_copy(ba, gs_hbm.at[pl.ds(base, c)], sw)

        def waitw(p):
            ba, _, _, sw = bufs[p]
            pltpu.make_async_copy(ba, gs_hbm.at[pl.ds(0, c)], sw).wait()

        gath(0, 0)
        gath(1, 1)

        def body(i, carry):
            j0 = 2 * i
            waitg(0)
            addpair(0)
            wrote(j0, 0)
            waitg(1)
            addpair(1)
            wrote(j0 + 1, 1)
            waitw(0)

            @pl.when(j0 + 2 < nch)
            def _():
                gath(j0 + 2, 0)

            waitw(1)

            @pl.when(j0 + 3 < nch)
            def _():
                gath(j0 + 3, 1)

            return carry

        lax.fori_loop(0, nch // 2, body, 0)
        if nch % 2:
            waitg(0)
            addpair(0)
            wrote(nch - 1, 0)
            waitw(0)

    return k(psrc, pdst, src3, dst3)


def _sc_scatter(eprime, dst_idx, zrows):
    nblk4, e, cb = eprime.shape
    n = zrows.shape[0]
    nblk = nblk4 // 2
    per_tile = e // 16
    cs = 80
    nch = per_tile // cs
    rc = 400
    nrc = n // rc
    nrit = (nrc + 15) // 16
    dst4 = dst_idx.reshape(16, nch, 1, cs)
    mesh = plsc.VectorSubcoreMesh(core_axis_name="c", subcore_axis_name="s")

    @functools.partial(
        pl.kernel, mesh=mesh,
        out_type=jax.ShapeDtypeStruct((n, nblk4 * cb), jnp.float32),
        scratch_types=[
            pltpu.VMEM((nch, 1, cs), jnp.int32),
            pltpu.VMEM((cs, cb), jnp.float32),
            pltpu.VMEM((cs, cb), jnp.float32),
            pltpu.VMEM_SHARED((n, cb), jnp.float32),
            pltpu.SemaphoreType.DMA, pltpu.SemaphoreType.DMA,
        ])
    def k(ep_hbm, di_hbm, z_hbm, agg_hbm, idxall, ebuf0, ebuf1, acc,
          sem0, sem1):
        c = lax.axis_index("c")
        s = lax.axis_index("s")
        pltpu.sync_copy(di_hbm.at[s], idxall)
        bufs = ((ebuf0, sem0), (ebuf1, sem1))

        for bb in range(nblk):
            blk = bb * 2 + c
            col = blk * cb

            def zbody(j, carry):
                idx = j * 16 + s

                @pl.when(idx < nrc)
                def _():
                    rb = idx * rc
                    pltpu.sync_copy(z_hbm.at[pl.ds(rb, rc)],
                                    acc.at[pl.ds(rb, rc)])
                return carry

            lax.fori_loop(0, nrit, zbody, 0)
            plsc.subcore_barrier()

            def load(j, p):
                buf, sem = bufs[p]
                pltpu.async_copy(
                    ep_hbm.at[blk, pl.ds(s * per_tile + j * cs, cs)],
                    buf, sem)

            def waitl(p):
                buf, sem = bufs[p]
                pltpu.make_async_copy(
                    ep_hbm.at[blk, pl.ds(0, cs)], buf, sem).wait()

            def scat(j, p):
                buf, _ = bufs[p]
                pltpu.sync_copy(buf, acc.at[idxall.at[j, 0]], add=True)

            load(0, 0)

            def body(i, carry):
                j0 = 2 * i
                load(j0 + 1, 1)
                waitl(0)
                scat(j0, 0)
                load(j0 + 2, 0)
                waitl(1)
                scat(j0 + 1, 1)
                return carry

            npairs = (nch - 1) // 2
            lax.fori_loop(0, npairs, body, 0)
            waitl(0)
            if nch % 2 == 0:
                load(nch - 1, 1)
            scat(2 * npairs, 0)
            if nch % 2 == 0:
                waitl(1)
                scat(nch - 1, 1)
            plsc.subcore_barrier()

            def wbody(j, carry):
                idx = j * 16 + s

                @pl.when(idx < nrc)
                def _():
                    rb = idx * rc
                    pltpu.sync_copy(acc.at[pl.ds(rb, rc)],
                                    agg_hbm.at[pl.ds(rb, rc), pl.ds(col, cb)])
                return carry

            lax.fori_loop(0, nrit, wbody, 0)
            plsc.subcore_barrier()

    assert nch >= 2 and nch * cs == per_tile, (nch, per_tile)
    return k(eprime, dst4, zrows)



def kernel(mesh2grid_edge_features, grid_node_features, mesh_node_features,
           edge_index, We1, be1, We2, be2, ge_scale, ge_bias,
           Wn1, bn1, Wn2, bn2, gn_scale, gn_bias):
    h = mesh2grid_edge_features.shape[1]
    n = grid_node_features.shape[0]
    dst = edge_index[:, 0].astype(jnp.int32)
    src = edge_index[:, 1].astype(jnp.int32)

    w1e, w1s, w1d = We1[:h], We1[h:2 * h], We1[2 * h:]
    ps, pd = _tc_preproj(mesh_node_features, grid_node_features, w1s, w1d, be1)
    zrows = jnp.zeros((n, 128), jnp.float32)
    gsum = _sc_gather(ps, pd, src, dst)
    ep = _tc_edge(mesh2grid_edge_features, gsum, w1e, We2, be2,
                  ge_scale, ge_bias)
    agg = _sc_scatter(ep, dst, zrows)
    return _tc_node(grid_node_features, agg, Wn1[:h], Wn1[h:],
                    bn1, Wn2, bn2, gn_scale, gn_bias)

# --- scband reference (transcript-rebuilt; emitter-appended) ---
"""Pipeline reference for scband-dgraph-cast-40321152975372 (READ-ONLY COPY).

The authoritative reference and input builder live on the scoring server;
editing this copy changes nothing except your own understanding.
"""

import jax, jax.numpy as jnp
import numpy as np

H = 512
N = 10000
E = 160000

def _ln(x, scale, bias):
    m = jnp.mean(x, axis=-1, keepdims=True)
    v = jnp.var(x, axis=-1, keepdims=True)
    return (x - m) / jnp.sqrt(v + 1e-5) * scale + bias

def _mlp(x, W1, b1, W2, b2, s, b):
    h = jax.nn.silu(x @ W1 + b1)
    h = h @ W2 + b2
    return _ln(h, s, b)

def setup_inputs(seed: int = 0) -> dict:
    key = jax.random.key(seed)
    ks = [jax.random.fold_in(key, i) for i in range(20)]
    inp = {}
    inp['mesh2grid_edge_features'] = jax.random.normal(ks[0], (E, H), dtype=jnp.float32)
    inp['grid_node_features'] = jax.random.normal(ks[1], (N, H), dtype=jnp.float32)
    inp['mesh_node_features'] = jax.random.normal(ks[2], (N, H), dtype=jnp.float32)
    inp['edge_index'] = jax.random.randint(ks[3], (E, 2), 0, N, dtype=jnp.int64)
    # MeshEdgeBlock MLP params: input = concat(edge, src_node, dst_node) -> 3H
    inp['We1'] = jax.random.normal(ks[4], (3 * H, H), dtype=jnp.float32) / np.sqrt(3 * H)
    inp['be1'] = jnp.zeros((H,), dtype=jnp.float32)
    inp['We2'] = jax.random.normal(ks[5], (H, H), dtype=jnp.float32) / np.sqrt(H)
    inp['be2'] = jnp.zeros((H,), dtype=jnp.float32)
    inp['ge_scale'] = jnp.ones((H,), dtype=jnp.float32)
    inp['ge_bias'] = jnp.zeros((H,), dtype=jnp.float32)
    # MeshNodeBlock MLP params: input = concat(node, aggregated_edges) -> 2H
    inp['Wn1'] = jax.random.normal(ks[6], (2 * H, H), dtype=jnp.float32) / np.sqrt(2 * H)
    inp['bn1'] = jnp.zeros((H,), dtype=jnp.float32)
    inp['Wn2'] = jax.random.normal(ks[7], (H, H), dtype=jnp.float32) / np.sqrt(H)
    inp['bn2'] = jnp.zeros((H,), dtype=jnp.float32)
    inp['gn_scale'] = jnp.ones((H,), dtype=jnp.float32)
    inp['gn_bias'] = jnp.zeros((H,), dtype=jnp.float32)
    return inp

def reference(mesh2grid_edge_features, grid_node_features, mesh_node_features, edge_index,
              We1, be1, We2, be2, ge_scale, ge_bias,
              Wn1, bn1, Wn2, bn2, gn_scale, gn_bias):
    # Single-device case: halo exchange returns no extra rows, augmented mesh == mesh.
    dst_indices = edge_index[:, 0]  # grid node destinations
    src_indices = edge_index[:, 1]  # mesh node sources
    num_local = grid_node_features.shape[0]
    augmented_mesh = mesh_node_features
    # MeshEdgeBlock: e' = e + MLP([e, src, dst])
    src_f = jnp.take(augmented_mesh, src_indices, axis=0)
    dst_f = jnp.take(grid_node_features, dst_indices, axis=0)
    e_in = jnp.concatenate([mesh2grid_edge_features, src_f, dst_f], axis=-1)
    e_feats = mesh2grid_edge_features + _mlp(e_in, We1, be1, We2, be2, ge_scale, ge_bias)
    # MeshNodeBlock: n' = MLP([n, scatter_add(e', dst)])
    agg = jax.ops.segment_sum(e_feats, dst_indices, num_segments=num_local)
    n_in = jnp.concatenate([grid_node_features[:num_local], agg], axis=-1)
    n_feats = _mlp(n_in, Wn1, bn1, Wn2, bn2, gn_scale, gn_bias)
    return grid_node_features + n_feats

if __name__ == "__main__":
    import jax
    _d = setup_inputs()
    print(jax.jit(kernel)(*tuple(_d.values())))

</pallas_src>

<mosaic_0001>
#map = affine_map<(d0, d1) -> (0, 0, 0)>
#map1 = affine_map<(d0, d1) -> (0, 0, 0, 0)>
#map2 = affine_map<(d0, d1) -> (0, 0)>
module attributes {stable_mosaic.version = 14 : i64} {
  func.func @k(%arg0: i32, %arg1: i32, %arg2: memref<4x160000x128xf32, #tpu.memory_space<hbm>>, %arg3: memref<16x125x1x80xi32, #tpu.memory_space<hbm>>, %arg4: memref<10000x128xf32, #tpu.memory_space<hbm>>, %arg5: memref<10000x512xf32, #tpu.memory_space<hbm>>, %arg6: memref<125x1x80xi32, #tpu.memory_space<vmem>>, %arg7: memref<80x128xf32, #tpu.memory_space<vmem>>, %arg8: memref<80x128xf32, #tpu.memory_space<vmem>>, %arg9: memref<10000x128xf32, #tpu.memory_space<vmem_shared>>, %arg10: memref<!tpu.dma_semaphore, #tpu.memory_space<semaphore_mem>>, %arg11: memref<!tpu.dma_semaphore, #tpu.memory_space<semaphore_mem>>) attributes {dimension_semantics = [#tpu.dimension_semantics<core_parallel>, #tpu.dimension_semantics<subcore_parallel>], iteration_bounds = array<i64: 2, 16>, scalar_prefetch = 0 : i64, scratch_operands = 6 : i64, tpu.core_type = #tpu.core_type<sc_vector_subcore>, window_params = [{transform_indices = #map}, {transform_indices = #map1}, {transform_indices = #map2}, {transform_indices = #map2}]} {
    "tpu.region"() ({
      %run_scoped3A_83 = tpu.sem_alloc : memref<!tpu.dma_semaphore, #tpu.memory_space<semaphore_mem>>
      %dma_start3A_84 = arith.constant 0 : i32
      %dma_start3A_85 = arith.constant 0 : i32
      %dma_start3A_86 = arith.constant 0 : i32
      %dma_start3A_87 = tpu.memref_slice %arg3[%arg1, %dma_start3A_84, %dma_start3A_85, %dma_start3A_86] : memref<16x125x1x80xi32, #tpu.memory_space<hbm>> -> memref<1x125x1x80xi32, #tpu.memory_space<hbm>>
      %dma_start3A_88 = tpu.memref_squeeze %dma_start3A_87 : memref<1x125x1x80xi32, #tpu.memory_space<hbm>> -> memref<125x1x80xi32, #tpu.memory_space<hbm>>
      %dma_start3A_89 = arith.constant 0 : i32
      %dma_start3A_90 = arith.constant 0 : i32
      %dma_start3A_91 = arith.constant 0 : i32
      %dma_start3A_92 = tpu.memref_slice %arg3[%arg1, %dma_start3A_89, %dma_start3A_90, %dma_start3A_91] : memref<16x125x1x80xi32, #tpu.memory_space<hbm>> -> memref<1x125x1x80xi32, #tpu.memory_space<hbm>>
      %dma_start3A_93 = tpu.memref_squeeze %dma_start3A_92 : memref<1x125x1x80xi32, #tpu.memory_space<hbm>> -> memref<125x1x80xi32, #tpu.memory_space<hbm>>
      tpu.enqueue_dma source(%dma_start3A_93 : memref<125x1x80xi32, #tpu.memory_space<hbm>>) target(%arg6 : memref<125x1x80xi32, #tpu.memory_space<vmem>>) target_semaphore(%run_scoped3A_83 : memref<!tpu.dma_semaphore, #tpu.memory_space<semaphore_mem>>)
      %dma_wait3A_94 = arith.constant 0 : i32
      %dma_wait3A_95 = arith.constant 0 : i32
      %dma_wait3A_96 = arith.constant 0 : i32
      %dma_wait3A_97 = tpu.memref_slice %arg3[%arg1, %dma_wait3A_94, %dma_wait3A_95, %dma_wait3A_96] : memref<16x125x1x80xi32, #tpu.memory_space<hbm>> -> memref<1x125x1x80xi32, #tpu.memory_space<hbm>>
      %dma_wait3A_98 = tpu.memref_squeeze %dma_wait3A_97 : memref<1x125x1x80xi32, #tpu.memory_space<hbm>> -> memref<125x1x80xi32, #tpu.memory_space<hbm>>
      %dma_wait3A_99 = arith.constant 0 : i32
      %dma_wait3A_100 = arith.constant 0 : i32
      %dma_wait3A_101 = arith.constant 0 : i32
      %dma_wait3A_102 = tpu.memref_slice %arg3[%arg1, %dma_wait3A_99, %dma_wait3A_100, %dma_wait3A_101] : memref<16x125x1x80xi32, #tpu.memory_space<hbm>> -> memref<1x125x1x80xi32, #tpu.memory_space<hbm>>
      %dma_wait3A_103 = tpu.memref_squeeze %dma_wait3A_102 : memref<1x125x1x80xi32, #tpu.memory_space<hbm>> -> memref<125x1x80xi32, #tpu.memory_space<hbm>>
      tpu.wait_dma2 semaphore(%run_scoped3A_83 : memref<!tpu.dma_semaphore, #tpu.memory_space<semaphore_mem>>) src(%dma_wait3A_103 : memref<125x1x80xi32, #tpu.memory_space<hbm>>) dst(%arg6 : memref<125x1x80xi32, #tpu.memory_space<vmem>>)
      tpu.yield
    }) : () -> ()
    %add3A = arith.constant 0 : i32
    %add3A_0 = arith.addi %add3A, %arg0 : i32
    %mul3A = arith.constant 128 : i32
    %mul3A_1 = arith.muli %add3A_0, %mul3A : i32
    %scan3A = arith.constant 0 : i32
    %scan3A_2 = arith.constant 0 : i32
    %scan3A_3 = arith.constant 2 : i32
    %scan3A_4 = arith.addi %scan3A_2, %scan3A_3 : i32
    %scan3A_5 = arith.constant 1 : i32
    scf.for %scan3A_83 = %scan3A_2 to %scan3A_4 step %scan3A_5  : i32 {
      %mul3A_84 = arith.constant 16 : i32
      %mul3A_85 = arith.muli %scan3A_83, %mul3A_84 : i32
      %add3A_86 = arith.addi %mul3A_85, %arg1 : i32
      %lt3A = arith.constant 25 : i32
      %lt3A_87 = arith.cmpi slt, %add3A_86, %lt3A : i32
      %convert_element_type3A = arith.extui %lt3A_87 : i1 to i32
      %cond3A = arith.constant 0 : i32
      %cond3A_88 = arith.cmpi ne, %convert_element_type3A, %cond3A : i32
      scf.if %cond3A_88 {
        %mul3A_89 = arith.constant 400 : i32
        %mul3A_90 = arith.muli %add3A_86, %mul3A_89 : i32
        "tpu.region"() ({
          %run_scoped3A_91 = tpu.sem_alloc : memref<!tpu.dma_semaphore, #tpu.memory_space<semaphore_mem>>
          %dma_start3A_92 = arith.constant 0 : i32
          %dma_start3A_93 = tpu.memref_slice %arg9[%mul3A_90, %dma_start3A_92] : memref<10000x128xf32, #tpu.memory_space<vmem_shared>> -> memref<400x128xf32, #tpu.memory_space<vmem_shared>>
          %dma_start3A_94 = arith.constant 0 : i32
          %dma_start3A_95 = tpu.memref_slice %arg4[%mul3A_90, %dma_start3A_94] : memref<10000x128xf32, #tpu.memory_space<hbm>> -> memref<400x128xf32, #tpu.memory_space<hbm>>
          tpu.enqueue_dma source(%dma_start3A_95 : memref<400x128xf32, #tpu.memory_space<hbm>>) target(%dma_start3A_93 : memref<400x128xf32, #tpu.memory_space<vmem_shared>>) target_semaphore(%run_scoped3A_91 : memref<!tpu.dma_semaphore, #tpu.memory_space<semaphore_mem>>)
          %dma_wait3A_96 = arith.constant 0 : i32
          %dma_wait3A_97 = tpu.memref_slice %arg9[%mul3A_90, %dma_wait3A_96] : memref<10000x128xf32, #tpu.memory_space<vmem_shared>> -> memref<400x128xf32, #tpu.memory_space<vmem_shared>>
          %dma_wait3A_98 = arith.constant 0 : i32
          %dma_wait3A_99 = tpu.memref_slice %arg4[%mul3A_90, %dma_wait3A_98] : memref<10000x128xf32, #tpu.memory_space<hbm>> -> memref<400x128xf32, #tpu.memory_space<hbm>>
          tpu.wait_dma2 semaphore(%run_scoped3A_91 : memref<!tpu.dma_semaphore, #tpu.memory_space<semaphore_mem>>) src(%dma_wait3A_99 : memref<400x128xf32, #tpu.memory_space<hbm>>) dst(%dma_wait3A_97 : memref<400x128xf32, #tpu.memory_space<vmem_shared>>)
          tpu.yield
        }) : () -> ()
      } else {
      }
    }
    %scan3A_6 = arith.constant 2 : i32
    %barrier3A = arith.constant 0 : index
    tpu.barrier barrier_id(%barrier3A)
    %mul3A_7 = arith.constant 10000 : i32
    %mul3A_8 = arith.muli %arg1, %mul3A_7 : i32
    %add3A_9 = arith.constant 0 : i32
    %add3A_10 = arith.addi %mul3A_8, %add3A_9 : i32
    %dma_start3A = arith.constant 0 : i32
    %dma_start3A_11 = tpu.memref_slice %arg2[%add3A_0, %add3A_10, %dma_start3A] : memref<4x160000x128xf32, #tpu.memory_space<hbm>> -> memref<1x80x128xf32, #tpu.memory_space<hbm>>
    %dma_start3A_12 = tpu.memref_squeeze %dma_start3A_11 : memref<1x80x128xf32, #tpu.memory_space<hbm>> -> memref<80x128xf32, #tpu.memory_space<hbm>>
    %dma_start3A_13 = arith.constant 0 : i32
    %dma_start3A_14 = tpu.memref_slice %arg2[%add3A_0, %add3A_10, %dma_start3A_13] : memref<4x160000x128xf32, #tpu.memory_space<hbm>> -> memref<1x80x128xf32, #tpu.memory_space<hbm>>
    %dma_start3A_15 = tpu.memref_squeeze %dma_start3A_14 : memref<1x80x128xf32, #tpu.memory_space<hbm>> -> memref<80x128xf32, #tpu.memory_space<hbm>>
    tpu.enqueue_dma source(%dma_start3A_15 : memref<80x128xf32, #tpu.memory_space<hbm>>) target(%arg7 : memref<80x128xf32, #tpu.memory_space<vmem>>) target_semaphore(%arg10 : memref<!tpu.dma_semaphore, #tpu.memory_space<semaphore_mem>>)
    %scan3A_16 = arith.constant 0 : i32
    %scan3A_17 = arith.constant 0 : i32
    %scan3A_18 = arith.constant 62 : i32
    %scan3A_19 = arith.addi %scan3A_17, %scan3A_18 : i32
    %scan3A_20 = arith.constant 1 : i32
    scf.for %scan3A_83 = %scan3A_17 to %scan3A_19 step %scan3A_20  : i32 {
      %mul3A_84 = arith.constant 2 : i32
      %mul3A_85 = arith.muli %mul3A_84, %scan3A_83 : i32
      %add3A_86 = arith.constant 1 : i32
      %add3A_87 = arith.addi %mul3A_85, %add3A_86 : i32
      %mul3A_88 = arith.constant 10000 : i32
      %mul3A_89 = arith.muli %arg1, %mul3A_88 : i32
      %mul3A_90 = arith.constant 80 : i32
      %mul3A_91 = arith.muli %add3A_87, %mul3A_90 : i32
      %add3A_92 = arith.addi %mul3A_89, %mul3A_91 : i32
      %dma_start3A_93 = arith.constant 0 : i32
      %dma_start3A_94 = tpu.memref_slice %arg2[%add3A_0, %add3A_92, %dma_start3A_93] : memref<4x160000x128xf32, #tpu.memory_space<hbm>> -> memref<1x80x128xf32, #tpu.memory_space<hbm>>
      %dma_start3A_95 = tpu.memref_squeeze %dma_start3A_94 : memref<1x80x128xf32, #tpu.memory_space<hbm>> -> memref<80x128xf32, #tpu.memory_space<hbm>>
      %dma_start3A_96 = arith.constant 0 : i32
      %dma_start3A_97 = tpu.memref_slice %arg2[%add3A_0, %add3A_92, %dma_start3A_96] : memref<4x160000x128xf32, #tpu.memory_space<hbm>> -> memref<1x80x128xf32, #tpu.memory_space<hbm>>
      %dma_start3A_98 = tpu.memref_squeeze %dma_start3A_97 : memref<1x80x128xf32, #tpu.memory_space<hbm>> -> memref<80x128xf32, #tpu.memory_space<hbm>>
      tpu.enqueue_dma source(%dma_start3A_98 : memref<80x128xf32, #tpu.memory_space<hbm>>) target(%arg8 : memref<80x128xf32, #tpu.memory_space<vmem>>) target_semaphore(%arg11 : memref<!tpu.dma_semaphore, #tpu.memory_space<semaphore_mem>>)
      %dma_wait3A_99 = arith.constant 0 : i32
      %dma_wait3A_100 = arith.constant 0 : i32
      %dma_wait3A_101 = tpu.memref_slice %arg2[%add3A_0, %dma_wait3A_99, %dma_wait3A_100] : memref<4x160000x128xf32, #tpu.memory_space<hbm>> -> memref<1x80x128xf32, #tpu.memory_space<hbm>>
      %dma_wait3A_102 = tpu.memref_squeeze %dma_wait3A_101 : memref<1x80x128xf32, #tpu.memory_space<hbm>> -> memref<80x128xf32, #tpu.memory_space<hbm>>
      %dma_wait3A_103 = arith.constant 0 : i32
      %dma_wait3A_104 = arith.constant 0 : i32
      %dma_wait3A_105 = tpu.memref_slice %arg2[%add3A_0, %dma_wait3A_103, %dma_wait3A_104] : memref<4x160000x128xf32, #tpu.memory_space<hbm>> -> memref<1x80x128xf32, #tpu.memory_space<hbm>>
      %dma_wait3A_106 = tpu.memref_squeeze %dma_wait3A_105 : memref<1x80x128xf32, #tpu.memory_space<hbm>> -> memref<80x128xf32, #tpu.memory_space<hbm>>
      tpu.wait_dma2 semaphore(%arg10 : memref<!tpu.dma_semaphore, #tpu.memory_space<semaphore_mem>>) src(%dma_wait3A_106 : memref<80x128xf32, #tpu.memory_space<hbm>>) dst(%arg7 : memref<80x128xf32, #tpu.memory_space<vmem>>)
      %run_scoped3A_107 = arith.constant 0 : i32
      "tpu.region"() ({
        %run_scoped3A_132 = tpu.sem_alloc : memref<!tpu.dma_semaphore, #tpu.memory_space<semaphore_mem>>
        %dma_start3A_133 = arith.constant 0 : i32
        %dma_start3A_134 = tpu.memref_slice %arg6[%mul3A_85, %run_scoped3A_107, %dma_start3A_133] : memref<125x1x80xi32, #tpu.memory_space<vmem>> -> memref<1x1x80xi32, #tpu.memory_space<vmem>>
        %dma_start3A_135 = tpu.memref_squeeze %dma_start3A_134 : memref<1x1x80xi32, #tpu.memory_space<vmem>> -> memref<80xi32, #tpu.memory_space<vmem>>
        %dma_start3A_136 = arith.constant 0 : i32
        %dma_start3A_137 = arith.constant 0 : i32
        %dma_start3A_138 = tpu.memref_slice %arg9[%dma_start3A_136, %dma_start3A_137] : memref<10000x128xf32, #tpu.memory_space<vmem_shared>> -> memref<10000x128xf32, #tpu.memory_space<vmem_shared>>
        tpu.enqueue_indirect_dma source(%arg7 : memref<80x128xf32, #tpu.memory_space<vmem>>) target(%dma_start3A_138 : memref<10000x128xf32, #tpu.memory_space<vmem_shared>>) offsets(%dma_start3A_135 : memref<80xi32, #tpu.memory_space<vmem>>) semaphore(%run_scoped3A_132 : memref<!tpu.dma_semaphore, #tpu.memory_space<semaphore_mem>>) {add = true}
        %dma_wait3A_139 = arith.constant 0 : i32
        %dma_wait3A_140 = tpu.memref_slice %arg6[%mul3A_85, %run_scoped3A_107, %dma_wait3A_139] : memref<125x1x80xi32, #tpu.memory_space<vmem>> -> memref<1x1x80xi32, #tpu.memory_space<vmem>>
        %dma_wait3A_141 = tpu.memref_squeeze %dma_wait3A_140 : memref<1x1x80xi32, #tpu.memory_space<vmem>> -> memref<80xi32, #tpu.memory_space<vmem>>
        %dma_wait3A_142 = arith.constant 0 : i32
        %dma_wait3A_143 = arith.constant 0 : i32
        %dma_wait3A_144 = tpu.memref_slice %arg9[%dma_wait3A_142, %dma_wait3A_143] : memref<10000x128xf32, #tpu.memory_space<vmem_shared>> -> memref<10000x128xf32, #tpu.memory_space<vmem_shared>>
        tpu.wait_indirect_dma semaphore(%run_scoped3A_132 : memref<!tpu.dma_semaphore, #tpu.memory_space<semaphore_mem>>) src(%arg7 : memref<80x128xf32, #tpu.memory_space<vmem>>) dst(%dma_wait3A_144 : memref<10000x128xf32, #tpu.memory_space<vmem_shared>>)
        tpu.yield
      }) : () -> ()
      %add3A_108 = arith.constant 2 : i32
      %add3A_109 = arith.addi %mul3A_85, %add3A_108 : i32
      %mul3A_110 = arith.constant 10000 : i32
      %mul3A_111 = arith.muli %arg1, %mul3A_110 : i32
      %mul3A_112 = arith.constant 80 : i32
      %mul3A_113 = arith.muli %add3A_109, %mul3A_112 : i32
      %add3A_114 = arith.addi %mul3A_111, %mul3A_113 : i32
      %dma_start3A_115 = arith.constant 0 : i32
      %dma_start3A_116 = tpu.memref_slice %arg2[%add3A_0, %add3A_114, %dma_start3A_115] : memref<4x160000x128xf32, #tpu.memory_space<hbm>> -> memref<1x80x128xf32, #tpu.memory_space<hbm>>
      %dma_start3A_117 = tpu.memref_squeeze %dma_start3A_116 : memref<1x80x128xf32, #tpu.memory_space<hbm>> -> memref<80x128xf32, #tpu.memory_space<hbm>>
      %dma_start3A_118 = arith.constant 0 : i32
      %dma_start3A_119 = tpu.memref_slice %arg2[%add3A_0, %add3A_114, %dma_start3A_118] : memref<4x160000x128xf32, #tpu.memory_space<hbm>> -> memref<1x80x128xf32, #tpu.memory_space<hbm>>
      %dma_start3A_120 = tpu.memref_squeeze %dma_start3A_119 : memref<1x80x128xf32, #tpu.memory_space<hbm>> -> memref<80x128xf32, #tpu.memory_space<hbm>>
      tpu.enqueue_dma source(%dma_start3A_120 : memref<80x128xf32, #tpu.memory_space<hbm>>) target(%arg7 : memref<80x128xf32, #tpu.memory_space<vmem>>) target_semaphore(%arg10 : memref<!tpu.dma_semaphore, #tpu.memory_space<semaphore_mem>>)
      %dma_wait3A_121 = arith.constant 0 : i32
      %dma_wait3A_122 = arith.constant 0 : i32
      %dma_wait3A_123 = tpu.memref_slice %arg2[%add3A_0, %dma_wait3A_121, %dma_wait3A_122] : memref<4x160000x128xf32, #tpu.memory_space<hbm>> -> memref<1x80x128xf32, #tpu.memory_space<hbm>>
      %dma_wait3A_124 = tpu.memref_squeeze %dma_wait3A_123 : memref<1x80x128xf32, #tpu.memory_space<hbm>> -> memref<80x128xf32, #tpu.memory_space<hbm>>
      %dma_wait3A_125 = arith.constant 0 : i32
      %dma_wait3A_126 = arith.constant 0 : i32
      %dma_wait3A_127 = tpu.memref_slice %arg2[%add3A_0, %dma_wait3A_125, %dma_wait3A_126] : memref<4x160000x128xf32, #tpu.memory_space<hbm>> -> memref<1x80x128xf32, #tpu.memory_space<hbm>>
      %dma_wait3A_128 = tpu.memref_squeeze %dma_wait3A_127 : memref<1x80x128xf32, #tpu.memory_space<hbm>> -> memref<80x128xf32, #tpu.memory_space<hbm>>
      tpu.wait_dma2 semaphore(%arg11 : memref<!tpu.dma_semaphore, #tpu.memory_space<semaphore_mem>>) src(%dma_wait3A_128 : memref<80x128xf32, #tpu.memory_space<hbm>>) dst(%arg8 : memref<80x128xf32, #tpu.memory_space<vmem>>)
      %add3A_129 = arith.constant 1 : i32
      %add3A_130 = arith.addi %mul3A_85, %add3A_129 : i32
      %run_scoped3A_131 = arith.constant 0 : i32
      "tpu.region"() ({
        %run_scoped3A_132 = tpu.sem_alloc : memref<!tpu.dma_semaphore, #tpu.memory_space<semaphore_mem>>
        %dma_start3A_133 = arith.constant 0 : i32
        %dma_start3A_134 = tpu.memref_slice %arg6[%add3A_130, %run_scoped3A_131, %dma_start3A_133] : memref<125x1x80xi32, #tpu.memory_space<vmem>> -> memref<1x1x80xi32, #tpu.memory_space<vmem>>
        %dma_start3A_135 = tpu.memref_squeeze %dma_start3A_134 : memref<1x1x80xi32, #tpu.memory_space<vmem>> -> memref<80xi32, #tpu.memory_space<vmem>>
        %dma_start3A_136 = arith.constant 0 : i32
        %dma_start3A_137 = arith.constant 0 : i32
        %dma_start3A_138 = tpu.memref_slice %arg9[%dma_start3A_136, %dma_start3A_137] : memref<10000x128xf32, #tpu.memory_space<vmem_shared>> -> memref<10000x128xf32, #tpu.memory_space<vmem_shared>>
        tpu.enqueue_indirect_dma source(%arg8 : memref<80x128xf32, #tpu.memory_space<vmem>>) target(%dma_start3A_138 : memref<10000x128xf32, #tpu.memory_space<vmem_shared>>) offsets(%dma_start3A_135 : memref<80xi32, #tpu.memory_space<vmem>>) semaphore(%run_scoped3A_132 : memref<!tpu.dma_semaphore, #tpu.memory_space<semaphore_mem>>) {add = true}
        %dma_wait3A_139 = arith.constant 0 : i32
        %dma_wait3A_140 = tpu.memref_slice %arg6[%add3A_130, %run_scoped3A_131, %dma_wait3A_139] : memref<125x1x80xi32, #tpu.memory_space<vmem>> -> memref<1x1x80xi32, #tpu.memory_space<vmem>>
        %dma_wait3A_141 = tpu.memref_squeeze %dma_wait3A_140 : memref<1x1x80xi32, #tpu.memory_space<vmem>> -> memref<80xi32, #tpu.memory_space<vmem>>
        %dma_wait3A_142 = arith.constant 0 : i32
        %dma_wait3A_143 = arith.constant 0 : i32
        %dma_wait3A_144 = tpu.memref_slice %arg9[%dma_wait3A_142, %dma_wait3A_143] : memref<10000x128xf32, #tpu.memory_space<vmem_shared>> -> memref<10000x128xf32, #tpu.memory_space<vmem_shared>>
        tpu.wait_indirect_dma semaphore(%run_scoped3A_132 : memref<!tpu.dma_semaphore, #tpu.memory_space<semaphore_mem>>) src(%arg8 : memref<80x128xf32, #tpu.memory_space<vmem>>) dst(%dma_wait3A_144 : memref<10000x128xf32, #tpu.memory_space<vmem_shared>>)
        tpu.yield
      }) : () -> ()
    }
    %scan3A_21 = arith.constant 62 : i32
    %dma_wait3A = arith.constant 0 : i32
    %dma_wait3A_22 = arith.constant 0 : i32
    %dma_wait3A_23 = tpu.memref_slice %arg2[%add3A_0, %dma_wait3A, %dma_wait3A_22] : memref<4x160000x128xf32, #tpu.memory_space<hbm>> -> memref<1x80x128xf32, #tpu.memory_space<hbm>>
    %dma_wait3A_24 = tpu.memref_squeeze %dma_wait3A_23 : memref<1x80x128xf32, #tpu.memory_space<hbm>> -> memref<80x128xf32, #tpu.memory_space<hbm>>
    %dma_wait3A_25 = arith.constant 0 : i32
    %dma_wait3A_26 = arith.constant 0 : i32
    %dma_wait3A_27 = tpu.memref_slice %arg2[%add3A_0, %dma_wait3A_25, %dma_wait3A_26] : memref<4x160000x128xf32, #tpu.memory_space<hbm>> -> memref<1x80x128xf32, #tpu.memory_space<hbm>>
    %dma_wait3A_28 = tpu.memref_squeeze %dma_wait3A_27 : memref<1x80x128xf32, #tpu.memory_space<hbm>> -> memref<80x128xf32, #tpu.memory_space<hbm>>
    tpu.wait_dma2 semaphore(%arg10 : memref<!tpu.dma_semaphore, #tpu.memory_space<semaphore_mem>>) src(%dma_wait3A_28 : memref<80x128xf32, #tpu.memory_space<hbm>>) dst(%arg7 : memref<80x128xf32, #tpu.memory_space<vmem>>)
    %run_scoped3A = arith.constant 124 : i32
    %run_scoped3A_29 = arith.constant 0 : i32
    "tpu.region"() ({
      %run_scoped3A_83 = tpu.sem_alloc : memref<!tpu.dma_semaphore, #tpu.memory_space<semaphore_mem>>
      %dma_start3A_84 = arith.constant 0 : i32
      %dma_start3A_85 = tpu.memref_slice %arg6[%run_scoped3A, %run_scoped3A_29, %dma_start3A_84] : memref<125x1x80xi32, #tpu.memory_space<vmem>> -> memref<1x1x80xi32, #tpu.memory_space<vmem>>
      %dma_start3A_86 = tpu.memref_squeeze %dma_start3A_85 : memref<1x1x80xi32, #tpu.memory_space<vmem>> -> memref<80xi32, #tpu.memory_space<vmem>>
      %dma_start3A_87 = arith.constant 0 : i32
      %dma_start3A_88 = arith.constant 0 : i32
      %dma_start3A_89 = tpu.memref_slice %arg9[%dma_start3A_87, %dma_start3A_88] : memref<10000x128xf32, #tpu.memory_space<vmem_shared>> -> memref<10000x128xf32, #tpu.memory_space<vmem_shared>>
      tpu.enqueue_indirect_dma source(%arg7 : memref<80x128xf32, #tpu.memory_space<vmem>>) target(%dma_start3A_89 : memref<10000x128xf32, #tpu.memory_space<vmem_shared>>) offsets(%dma_start3A_86 : memref<80xi32, #tpu.memory_space<vmem>>) semaphore(%run_scoped3A_83 : memref<!tpu.dma_semaphore, #tpu.memory_space<semaphore_mem>>) {add = true}
      %dma_wait3A_90 = arith.constant 0 : i32
      %dma_wait3A_91 = tpu.memref_slice %arg6[%run_scoped3A, %run_scoped3A_29, %dma_wait3A_90] : memref<125x1x80xi32, #tpu.memory_space<vmem>> -> memref<1x1x80xi32, #tpu.memory_space<vmem>>
      %dma_wait3A_92 = tpu.memref_squeeze %dma_wait3A_91 : memref<1x1x80xi32, #tpu.memory_space<vmem>> -> memref<80xi32, #tpu.memory_space<vmem>>
      %dma_wait3A_93 = arith.constant 0 : i32
      %dma_wait3A_94 = arith.constant 0 : i32
      %dma_wait3A_95 = tpu.memref_slice %arg9[%dma_wait3A_93, %dma_wait3A_94] : memref<10000x128xf32, #tpu.memory_space<vmem_shared>> -> memref<10000x128xf32, #tpu.memory_space<vmem_shared>>
      tpu.wait_indirect_dma semaphore(%run_scoped3A_83 : memref<!tpu.dma_semaphore, #tpu.memory_space<semaphore_mem>>) src(%arg7 : memref<80x128xf32, #tpu.memory_space<vmem>>) dst(%dma_wait3A_95 : memref<10000x128xf32, #tpu.memory_space<vmem_shared>>)
      tpu.yield
    }) : () -> ()
    %barrier3A_30 = arith.constant 0 : index
    tpu.barrier barrier_id(%barrier3A_30)
    %scan3A_31 = arith.constant 0 : i32
    %scan3A_32 = arith.constant 0 : i32
    %scan3A_33 = arith.constant 2 : i32
    %scan3A_34 = arith.addi %scan3A_32, %scan3A_33 : i32
    %scan3A_35 = arith.constant 1 : i32
    scf.for %scan3A_83 = %scan3A_32 to %scan3A_34 step %scan3A_35  : i32 {
      %mul3A_84 = arith.constant 16 : i32
      %mul3A_85 = arith.muli %scan3A_83, %mul3A_84 : i32
      %add3A_86 = arith.addi %mul3A_85, %arg1 : i32
      %lt3A = arith.constant 25 : i32
      %lt3A_87 = arith.cmpi slt, %add3A_86, %lt3A : i32
      %convert_element_type3A = arith.extui %lt3A_87 : i1 to i32
      %cond3A = arith.constant 0 : i32
      %cond3A_88 = arith.cmpi ne, %convert_element_type3A, %cond3A : i32
      scf.if %cond3A_88 {
        %mul3A_89 = arith.constant 400 : i32
        %mul3A_90 = arith.muli %add3A_86, %mul3A_89 : i32
        "tpu.region"() ({
          %run_scoped3A_91 = tpu.sem_alloc : memref<!tpu.dma_semaphore, #tpu.memory_space<semaphore_mem>>
          %dma_start3A_92 = tpu.memref_slice %arg5[%mul3A_90, %mul3A_1] : memref<10000x512xf32, #tpu.memory_space<hbm>> -> memref<400x128xf32, #tpu.memory_space<hbm>>
          %dma_start3A_93 = arith.constant 0 : i32
          %dma_start3A_94 = tpu.memref_slice %arg9[%mul3A_90, %dma_start3A_93] : memref<10000x128xf32, #tpu.memory_space<vmem_shared>> -> memref<400x128xf32, #tpu.memory_space<vmem_shared>>
          tpu.enqueue_dma source(%dma_start3A_94 : memref<400x128xf32, #tpu.memory_space<vmem_shared>>) target(%dma_start3A_92 : memref<400x128xf32, #tpu.memory_space<hbm>>) target_semaphore(%run_scoped3A_91 : memref<!tpu.dma_semaphore, #tpu.memory_space<semaphore_mem>>)
          %dma_wait3A_95 = tpu.memref_slice %arg5[%mul3A_90, %mul3A_1] : memref<10000x512xf32, #tpu.memory_space<hbm>> -> memref<400x128xf32, #tpu.memory_space<hbm>>
          %dma_wait3A_96 = arith.constant 0 : i32
          %dma_wait3A_97 = tpu.memref_slice %arg9[%mul3A_90, %dma_wait3A_96] : memref<10000x128xf32, #tpu.memory_space<vmem_shared>> -> memref<400x128xf32, #tpu.memory_space<vmem_shared>>
          tpu.wait_dma2 semaphore(%run_scoped3A_91 : memref<!tpu.dma_semaphore, #tpu.memory_space<semaphore_mem>>) src(%dma_wait3A_97 : memref<400x128xf32, #tpu.memory_space<vmem_shared>>) dst(%dma_wait3A_95 : memref<400x128xf32, #tpu.memory_space<hbm>>)
          tpu.yield
        }) : () -> ()
      } else {
      }
    }
    %scan3A_36 = arith.constant 2 : i32
    %barrier3A_37 = arith.constant 0 : index
    tpu.barrier barrier_id(%barrier3A_37)
    %add3A_38 = arith.constant 2 : i32
    %add3A_39 = arith.addi %add3A_38, %arg0 : i32
    %mul3A_40 = arith.constant 128 : i32
    %mul3A_41 = arith.muli %add3A_39, %mul3A_40 : i32
    %scan3A_42 = arith.constant 0 : i32
    %scan3A_43 = arith.constant 0 : i32
    %scan3A_44 = arith.constant 2 : i32
    %scan3A_45 = arith.addi %scan3A_43, %scan3A_44 : i32
    %scan3A_46 = arith.constant 1 : i32
    scf.for %scan3A_83 = %scan3A_43 to %scan3A_45 step %scan3A_46  : i32 {
      %mul3A_84 = arith.constant 16 : i32
      %mul3A_85 = arith.muli %scan3A_83, %mul3A_84 : i32
      %add3A_86 = arith.addi %mul3A_85, %arg1 : i32
      %lt3A = arith.constant 25 : i32
      %lt3A_87 = arith.cmpi slt, %add3A_86, %lt3A : i32
      %convert_element_type3A = arith.extui %lt3A_87 : i1 to i32
      %cond3A = arith.constant 0 : i32
      %cond3A_88 = arith.cmpi ne, %convert_element_type3A, %cond3A : i32
      scf.if %cond3A_88 {
        %mul3A_89 = arith.constant 400 : i32
        %mul3A_90 = arith.muli %add3A_86, %mul3A_89 : i32
        "tpu.region"() ({
          %run_scoped3A_91 = tpu.sem_alloc : memref<!tpu.dma_semaphore, #tpu.memory_space<semaphore_mem>>
          %dma_start3A_92 = arith.constant 0 : i32
          %dma_start3A_93 = tpu.memref_slice %arg9[%mul3A_90, %dma_start3A_92] : memref<10000x128xf32, #tpu.memory_space<vmem_shared>> -> memref<400x128xf32, #tpu.memory_space<vmem_shared>>
          %dma_start3A_94 = arith.constant 0 : i32
          %dma_start3A_95 = tpu.memref_slice %arg4[%mul3A_90, %dma_start3A_94] : memref<10000x128xf32, #tpu.memory_space<hbm>> -> memref<400x128xf32, #tpu.memory_space<hbm>>
          tpu.enqueue_dma source(%dma_start3A_95 : memref<400x128xf32, #tpu.memory_space<hbm>>) target(%dma_start3A_93 : memref<400x128xf32, #tpu.memory_space<vmem_shared>>) target_semaphore(%run_scoped3A_91 : memref<!tpu.dma_semaphore, #tpu.memory_space<semaphore_mem>>)
          %dma_wait3A_96 = arith.constant 0 : i32
          %dma_wait3A_97 = tpu.memref_slice %arg9[%mul3A_90, %dma_wait3A_96] : memref<10000x128xf32, #tpu.memory_space<vmem_shared>> -> memref<400x128xf32, #tpu.memory_space<vmem_shared>>
          %dma_wait3A_98 = arith.constant 0 : i32
          %dma_wait3A_99 = tpu.memref_slice %arg4[%mul3A_90, %dma_wait3A_98] : memref<10000x128xf32, #tpu.memory_space<hbm>> -> memref<400x128xf32, #tpu.memory_space<hbm>>
          tpu.wait_dma2 semaphore(%run_scoped3A_91 : memref<!tpu.dma_semaphore, #tpu.memory_space<semaphore_mem>>) src(%dma_wait3A_99 : memref<400x128xf32, #tpu.memory_space<hbm>>) dst(%dma_wait3A_97 : memref<400x128xf32, #tpu.memory_space<vmem_shared>>)
          tpu.yield
        }) : () -> ()
      } else {
      }
    }
    %scan3A_47 = arith.constant 2 : i32
    %barrier3A_48 = arith.constant 0 : index
    tpu.barrier barrier_id(%barrier3A_48)
    %mul3A_49 = arith.constant 10000 : i32
    %mul3A_50 = arith.muli %arg1, %mul3A_49 : i32
    %add3A_51 = arith.constant 0 : i32
    %add3A_52 = arith.addi %mul3A_50, %add3A_51 : i32
    %dma_start3A_53 = arith.constant 0 : i32
    %dma_start3A_54 = tpu.memref_slice %arg2[%add3A_39, %add3A_52, %dma_start3A_53] : memref<4x160000x128xf32, #tpu.memory_space<hbm>> -> memref<1x80x128xf32, #tpu.memory_space<hbm>>
    %dma_start3A_55 = tpu.memref_squeeze %dma_start3A_54 : memref<1x80x128xf32, #tpu.memory_space<hbm>> -> memref<80x128xf32, #tpu.memory_space<hbm>>
    %dma_start3A_56 = arith.constant 0 : i32
    %dma_start3A_57 = tpu.memref_slice %arg2[%add3A_39, %add3A_52, %dma_start3A_56] : memref<4x160000x128xf32, #tpu.memory_space<hbm>> -> memref<1x80x128xf32, #tpu.memory_space<hbm>>
    %dma_start3A_58 = tpu.memref_squeeze %dma_start3A_57 : memref<1x80x128xf32, #tpu.memory_space<hbm>> -> memref<80x128xf32, #tpu.memory_space<hbm>>
    tpu.enqueue_dma source(%dma_start3A_58 : memref<80x128xf32, #tpu.memory_space<hbm>>) target(%arg7 : memref<80x128xf32, #tpu.memory_space<vmem>>) target_semaphore(%arg10 : memref<!tpu.dma_semaphore, #tpu.memory_space<semaphore_mem>>)
    %scan3A_59 = arith.constant 0 : i32
    %scan3A_60 = arith.constant 0 : i32
    %scan3A_61 = arith.constant 62 : i32
    %scan3A_62 = arith.addi %scan3A_60, %scan3A_61 : i32
    %scan3A_63 = arith.constant 1 : i32
    scf.for %scan3A_83 = %scan3A_60 to %scan3A_62 step %scan3A_63  : i32 {
      %mul3A_84 = arith.constant 2 : i32
      %mul3A_85 = arith.muli %mul3A_84, %scan3A_83 : i32
      %add3A_86 = arith.constant 1 : i32
      %add3A_87 = arith.addi %mul3A_85, %add3A_86 : i32
      %mul3A_88 = arith.constant 10000 : i32
      %mul3A_89 = arith.muli %arg1, %mul3A_88 : i32
      %mul3A_90 = arith.constant 80 : i32
      %mul3A_91 = arith.muli %add3A_87, %mul3A_90 : i32
      %add3A_92 = arith.addi %mul3A_89, %mul3A_91 : i32
      %dma_start3A_93 = arith.constant 0 : i32
      %dma_start3A_94 = tpu.memref_slice %arg2[%add3A_39, %add3A_92, %dma_start3A_93] : memref<4x160000x128xf32, #tpu.memory_space<hbm>> -> memref<1x80x128xf32, #tpu.memory_space<hbm>>
      %dma_start3A_95 = tpu.memref_squeeze %dma_start3A_94 : memref<1x80x128xf32, #tpu.memory_space<hbm>> -> memref<80x128xf32, #tpu.memory_space<hbm>>
      %dma_start3A_96 = arith.constant 0 : i32
      %dma_start3A_97 = tpu.memref_slice %arg2[%add3A_39, %add3A_92, %dma_start3A_96] : memref<4x160000x128xf32, #tpu.memory_space<hbm>> -> memref<1x80x128xf32, #tpu.memory_space<hbm>>
      %dma_start3A_98 = tpu.memref_squeeze %dma_start3A_97 : memref<1x80x128xf32, #tpu.memory_space<hbm>> -> memref<80x128xf32, #tpu.memory_space<hbm>>
      tpu.enqueue_dma source(%dma_start3A_98 : memref<80x128xf32, #tpu.memory_space<hbm>>) target(%arg8 : memref<80x128xf32, #tpu.memory_space<vmem>>) target_semaphore(%arg11 : memref<!tpu.dma_semaphore, #tpu.memory_space<semaphore_mem>>)
      %dma_wait3A_99 = arith.constant 0 : i32
      %dma_wait3A_100 = arith.constant 0 : i32
      %dma_wait3A_101 = tpu.memref_slice %arg2[%add3A_39, %dma_wait3A_99, %dma_wait3A_100] : memref<4x160000x128xf32, #tpu.memory_space<hbm>> -> memref<1x80x128xf32, #tpu.memory_space<hbm>>
      %dma_wait3A_102 = tpu.memref_squeeze %dma_wait3A_101 : memref<1x80x128xf32, #tpu.memory_space<hbm>> -> memref<80x128xf32, #tpu.memory_space<hbm>>
      %dma_wait3A_103 = arith.constant 0 : i32
      %dma_wait3A_104 = arith.constant 0 : i32
      %dma_wait3A_105 = tpu.memref_slice %arg2[%add3A_39, %dma_wait3A_103, %dma_wait3A_104] : memref<4x160000x128xf32, #tpu.memory_space<hbm>> -> memref<1x80x128xf32, #tpu.memory_space<hbm>>
      %dma_wait3A_106 = tpu.memref_squeeze %dma_wait3A_105 : memref<1x80x128xf32, #tpu.memory_space<hbm>> -> memref<80x128xf32, #tpu.memory_space<hbm>>
      tpu.wait_dma2 semaphore(%arg10 : memref<!tpu.dma_semaphore, #tpu.memory_space<semaphore_mem>>) src(%dma_wait3A_106 : memref<80x128xf32, #tpu.memory_space<hbm>>) dst(%arg7 : memref<80x128xf32, #tpu.memory_space<vmem>>)
      %run_scoped3A_107 = arith.constant 0 : i32
      "tpu.region"() ({
        %run_scoped3A_132 = tpu.sem_alloc : memref<!tpu.dma_semaphore, #tpu.memory_space<semaphore_mem>>
        %dma_start3A_133 = arith.constant 0 : i32
        %dma_start3A_134 = tpu.memref_slice %arg6[%mul3A_85, %run_scoped3A_107, %dma_start3A_133] : memref<125x1x80xi32, #tpu.memory_space<vmem>> -> memref<1x1x80xi32, #tpu.memory_space<vmem>>
        %dma_start3A_135 = tpu.memref_squeeze %dma_start3A_134 : memref<1x1x80xi32, #tpu.memory_space<vmem>> -> memref<80xi32, #tpu.memory_space<vmem>>
        %dma_start3A_136 = arith.constant 0 : i32
        %dma_start3A_137 = arith.constant 0 : i32
        %dma_start3A_138 = tpu.memref_slice %arg9[%dma_start3A_136, %dma_start3A_137] : memref<10000x128xf32, #tpu.memory_space<vmem_shared>> -> memref<10000x128xf32, #tpu.memory_space<vmem_shared>>
        tpu.enqueue_indirect_dma source(%arg7 : memref<80x128xf32, #tpu.memory_space<vmem>>) target(%dma_start3A_138 : memref<10000x128xf32, #tpu.memory_space<vmem_shared>>) offsets(%dma_start3A_135 : memref<80xi32, #tpu.memory_space<vmem>>) semaphore(%run_scoped3A_132 : memref<!tpu.dma_semaphore, #tpu.memory_space<semaphore_mem>>) {add = true}
        %dma_wait3A_139 = arith.constant 0 : i32
        %dma_wait3A_140 = tpu.memref_slice %arg6[%mul3A_85, %run_scoped3A_107, %dma_wait3A_139] : memref<125x1x80xi32, #tpu.memory_space<vmem>> -> memref<1x1x80xi32, #tpu.memory_space<vmem>>
        %dma_wait3A_141 = tpu.memref_squeeze %dma_wait3A_140 : memref<1x1x80xi32, #tpu.memory_space<vmem>> -> memref<80xi32, #tpu.memory_space<vmem>>
        %dma_wait3A_142 = arith.constant 0 : i32
        %dma_wait3A_143 = arith.constant 0 : i32
        %dma_wait3A_144 = tpu.memref_slice %arg9[%dma_wait3A_142, %dma_wait3A_143] : memref<10000x128xf32, #tpu.memory_space<vmem_shared>> -> memref<10000x128xf32, #tpu.memory_space<vmem_shared>>
        tpu.wait_indirect_dma semaphore(%run_scoped3A_132 : memref<!tpu.dma_semaphore, #tpu.memory_space<semaphore_mem>>) src(%arg7 : memref<80x128xf32, #tpu.memory_space<vmem>>) dst(%dma_wait3A_144 : memref<10000x128xf32, #tpu.memory_space<vmem_shared>>)
        tpu.yield
      }) : () -> ()
      %add3A_108 = arith.constant 2 : i32
      %add3A_109 = arith.addi %mul3A_85, %add3A_108 : i32
      %mul3A_110 = arith.constant 10000 : i32
      %mul3A_111 = arith.muli %arg1, %mul3A_110 : i32
      %mul3A_112 = arith.constant 80 : i32
      %mul3A_113 = arith.muli %add3A_109, %mul3A_112 : i32
      %add3A_114 = arith.addi %mul3A_111, %mul3A_113 : i32
      %dma_start3A_115 = arith.constant 0 : i32
      %dma_start3A_116 = tpu.memref_slice %arg2[%add3A_39, %add3A_114, %dma_start3A_115] : memref<4x160000x128xf32, #tpu.memory_space<hbm>> -> memref<1x80x128xf32, #tpu.memory_space<hbm>>
      %dma_start3A_117 = tpu.memref_squeeze %dma_start3A_116 : memref<1x80x128xf32, #tpu.memory_space<hbm>> -> memref<80x128xf32, #tpu.memory_space<hbm>>
      %dma_start3A_118 = arith.constant 0 : i32
      %dma_start3A_119 = tpu.memref_slice %arg2[%add3A_39, %add3A_114, %dma_start3A_118] : memref<4x160000x128xf32, #tpu.memory_space<hbm>> -> memref<1x80x128xf32, #tpu.memory_space<hbm>>
      %dma_start3A_120 = tpu.memref_squeeze %dma_start3A_119 : memref<1x80x128xf32, #tpu.memory_space<hbm>> -> memref<80x128xf32, #tpu.memory_space<hbm>>
      tpu.enqueue_dma source(%dma_start3A_120 : memref<80x128xf32, #tpu.memory_space<hbm>>) target(%arg7 : memref<80x128xf32, #tpu.memory_space<vmem>>) target_semaphore(%arg10 : memref<!tpu.dma_semaphore, #tpu.memory_space<semaphore_mem>>)
      %dma_wait3A_121 = arith.constant 0 : i32
      %dma_wait3A_122 = arith.constant 0 : i32
      %dma_wait3A_123 = tpu.memref_slice %arg2[%add3A_39, %dma_wait3A_121, %dma_wait3A_122] : memref<4x160000x128xf32, #tpu.memory_space<hbm>> -> memref<1x80x128xf32, #tpu.memory_space<hbm>>
      %dma_wait3A_124 = tpu.memref_squeeze %dma_wait3A_123 : memref<1x80x128xf32, #tpu.memory_space<hbm>> -> memref<80x128xf32, #tpu.memory_space<hbm>>
      %dma_wait3A_125 = arith.constant 0 : i32
      %dma_wait3A_126 = arith.constant 0 : i32
      %dma_wait3A_127 = tpu.memref_slice %arg2[%add3A_39, %dma_wait3A_125, %dma_wait3A_126] : memref<4x160000x128xf32, #tpu.memory_space<hbm>> -> memref<1x80x128xf32, #tpu.memory_space<hbm>>
      %dma_wait3A_128 = tpu.memref_squeeze %dma_wait3A_127 : memref<1x80x128xf32, #tpu.memory_space<hbm>> -> memref<80x128xf32, #tpu.memory_space<hbm>>
      tpu.wait_dma2 semaphore(%arg11 : memref<!tpu.dma_semaphore, #tpu.memory_space<semaphore_mem>>) src(%dma_wait3A_128 : memref<80x128xf32, #tpu.memory_space<hbm>>) dst(%arg8 : memref<80x128xf32, #tpu.memory_space<vmem>>)
      %add3A_129 = arith.constant 1 : i32
      %add3A_130 = arith.addi %mul3A_85, %add3A_129 : i32
      %run_scoped3A_131 = arith.constant 0 : i32
      "tpu.region"() ({
        %run_scoped3A_132 = tpu.sem_alloc : memref<!tpu.dma_semaphore, #tpu.memory_space<semaphore_mem>>
        %dma_start3A_133 = arith.constant 0 : i32
        %dma_start3A_134 = tpu.memref_slice %arg6[%add3A_130, %run_scoped3A_131, %dma_start3A_133] : memref<125x1x80xi32, #tpu.memory_space<vmem>> -> memref<1x1x80xi32, #tpu.memory_space<vmem>>
        %dma_start3A_135 = tpu.memref_squeeze %dma_start3A_134 : memref<1x1x80xi32, #tpu.memory_space<vmem>> -> memref<80xi32, #tpu.memory_space<vmem>>
        %dma_start3A_136 = arith.constant 0 : i32
        %dma_start3A_137 = arith.constant 0 : i32
        %dma_start3A_138 = tpu.memref_slice %arg9[%dma_start3A_136, %dma_start3A_137] : memref<10000x128xf32, #tpu.memory_space<vmem_shared>> -> memref<10000x128xf32, #tpu.memory_space<vmem_shared>>
        tpu.enqueue_indirect_dma source(%arg8 : memref<80x128xf32, #tpu.memory_space<vmem>>) target(%dma_start3A_138 : memref<10000x128xf32, #tpu.memory_space<vmem_shared>>) offsets(%dma_start3A_135 : memref<80xi32, #tpu.memory_space<vmem>>) semaphore(%run_scoped3A_132 : memref<!tpu.dma_semaphore, #tpu.memory_space<semaphore_mem>>) {add = true}
        %dma_wait3A_139 = arith.constant 0 : i32
        %dma_wait3A_140 = tpu.memref_slice %arg6[%add3A_130, %run_scoped3A_131, %dma_wait3A_139] : memref<125x1x80xi32, #tpu.memory_space<vmem>> -> memref<1x1x80xi32, #tpu.memory_space<vmem>>
        %dma_wait3A_141 = tpu.memref_squeeze %dma_wait3A_140 : memref<1x1x80xi32, #tpu.memory_space<vmem>> -> memref<80xi32, #tpu.memory_space<vmem>>
        %dma_wait3A_142 = arith.constant 0 : i32
        %dma_wait3A_143 = arith.constant 0 : i32
        %dma_wait3A_144 = tpu.memref_slice %arg9[%dma_wait3A_142, %dma_wait3A_143] : memref<10000x128xf32, #tpu.memory_space<vmem_shared>> -> memref<10000x128xf32, #tpu.memory_space<vmem_shared>>
        tpu.wait_indirect_dma semaphore(%run_scoped3A_132 : memref<!tpu.dma_semaphore, #tpu.memory_space<semaphore_mem>>) src(%arg8 : memref<80x128xf32, #tpu.memory_space<vmem>>) dst(%dma_wait3A_144 : memref<10000x128xf32, #tpu.memory_space<vmem_shared>>)
        tpu.yield
      }) : () -> ()
    }
    %scan3A_64 = arith.constant 62 : i32
    %dma_wait3A_65 = arith.constant 0 : i32
    %dma_wait3A_66 = arith.constant 0 : i32
    %dma_wait3A_67 = tpu.memref_slice %arg2[%add3A_39, %dma_wait3A_65, %dma_wait3A_66] : memref<4x160000x128xf32, #tpu.memory_space<hbm>> -> memref<1x80x128xf32, #tpu.memory_space<hbm>>
    %dma_wait3A_68 = tpu.memref_squeeze %dma_wait3A_67 : memref<1x80x128xf32, #tpu.memory_space<hbm>> -> memref<80x128xf32, #tpu.memory_space<hbm>>
    %dma_wait3A_69 = arith.constant 0 : i32
    %dma_wait3A_70 = arith.constant 0 : i32
    %dma_wait3A_71 = tpu.memref_slice %arg2[%add3A_39, %dma_wait3A_69, %dma_wait3A_70] : memref<4x160000x128xf32, #tpu.memory_space<hbm>> -> memref<1x80x128xf32, #tpu.memory_space<hbm>>
    %dma_wait3A_72 = tpu.memref_squeeze %dma_wait3A_71 : memref<1x80x128xf32, #tpu.memory_space<hbm>> -> memref<80x128xf32, #tpu.memory_space<hbm>>
    tpu.wait_dma2 semaphore(%arg10 : memref<!tpu.dma_semaphore, #tpu.memory_space<semaphore_mem>>) src(%dma_wait3A_72 : memref<80x128xf32, #tpu.memory_space<hbm>>) dst(%arg7 : memref<80x128xf32, #tpu.memory_space<vmem>>)
    %run_scoped3A_73 = arith.constant 124 : i32
    %run_scoped3A_74 = arith.constant 0 : i32
    "tpu.region"() ({
      %run_scoped3A_83 = tpu.sem_alloc : memref<!tpu.dma_semaphore, #tpu.memory_space<semaphore_mem>>
      %dma_start3A_84 = arith.constant 0 : i32
      %dma_start3A_85 = tpu.memref_slice %arg6[%run_scoped3A_73, %run_scoped3A_74, %dma_start3A_84] : memref<125x1x80xi32, #tpu.memory_space<vmem>> -> memref<1x1x80xi32, #tpu.memory_space<vmem>>
      %dma_start3A_86 = tpu.memref_squeeze %dma_start3A_85 : memref<1x1x80xi32, #tpu.memory_space<vmem>> -> memref<80xi32, #tpu.memory_space<vmem>>
      %dma_start3A_87 = arith.constant 0 : i32
      %dma_start3A_88 = arith.constant 0 : i32
      %dma_start3A_89 = tpu.memref_slice %arg9[%dma_start3A_87, %dma_start3A_88] : memref<10000x128xf32, #tpu.memory_space<vmem_shared>> -> memref<10000x128xf32, #tpu.memory_space<vmem_shared>>
      tpu.enqueue_indirect_dma source(%arg7 : memref<80x128xf32, #tpu.memory_space<vmem>>) target(%dma_start3A_89 : memref<10000x128xf32, #tpu.memory_space<vmem_shared>>) offsets(%dma_start3A_86 : memref<80xi32, #tpu.memory_space<vmem>>) semaphore(%run_scoped3A_83 : memref<!tpu.dma_semaphore, #tpu.memory_space<semaphore_mem>>) {add = true}
      %dma_wait3A_90 = arith.constant 0 : i32
      %dma_wait3A_91 = tpu.memref_slice %arg6[%run_scoped3A_73, %run_scoped3A_74, %dma_wait3A_90] : memref<125x1x80xi32, #tpu.memory_space<vmem>> -> memref<1x1x80xi32, #tpu.memory_space<vmem>>
      %dma_wait3A_92 = tpu.memref_squeeze %dma_wait3A_91 : memref<1x1x80xi32, #tpu.memory_space<vmem>> -> memref<80xi32, #tpu.memory_space<vmem>>
      %dma_wait3A_93 = arith.constant 0 : i32
      %dma_wait3A_94 = arith.constant 0 : i32
      %dma_wait3A_95 = tpu.memref_slice %arg9[%dma_wait3A_93, %dma_wait3A_94] : memref<10000x128xf32, #tpu.memory_space<vmem_shared>> -> memref<10000x128xf32, #tpu.memory_space<vmem_shared>>
      tpu.wait_indirect_dma semaphore(%run_scoped3A_83 : memref<!tpu.dma_semaphore, #tpu.memory_space<semaphore_mem>>) src(%arg7 : memref<80x128xf32, #tpu.memory_space<vmem>>) dst(%dma_wait3A_95 : memref<10000x128xf32, #tpu.memory_space<vmem_shared>>)
      tpu.yield
    }) : () -> ()
    %barrier3A_75 = arith.constant 0 : index
    tpu.barrier barrier_id(%barrier3A_75)
    %scan3A_76 = arith.constant 0 : i32
    %scan3A_77 = arith.constant 0 : i32
    %scan3A_78 = arith.constant 2 : i32
    %scan3A_79 = arith.addi %scan3A_77, %scan3A_78 : i32
    %scan3A_80 = arith.constant 1 : i32
    scf.for %scan3A_83 = %scan3A_77 to %scan3A_79 step %scan3A_80  : i32 {
      %mul3A_84 = arith.constant 16 : i32
      %mul3A_85 = arith.muli %scan3A_83, %mul3A_84 : i32
      %add3A_86 = arith.addi %mul3A_85, %arg1 : i32
      %lt3A = arith.constant 25 : i32
      %lt3A_87 = arith.cmpi slt, %add3A_86, %lt3A : i32
      %convert_element_type3A = arith.extui %lt3A_87 : i1 to i32
      %cond3A = arith.constant 0 : i32
      %cond3A_88 = arith.cmpi ne, %convert_element_type3A, %cond3A : i32
      scf.if %cond3A_88 {
        %mul3A_89 = arith.constant 400 : i32
        %mul3A_90 = arith.muli %add3A_86, %mul3A_89 : i32
        "tpu.region"() ({
          %run_scoped3A_91 = tpu.sem_alloc : memref<!tpu.dma_semaphore, #tpu.memory_space<semaphore_mem>>
          %dma_start3A_92 = tpu.memref_slice %arg5[%mul3A_90, %mul3A_41] : memref<10000x512xf32, #tpu.memory_space<hbm>> -> memref<400x128xf32, #tpu.memory_space<hbm>>
          %dma_start3A_93 = arith.constant 0 : i32
          %dma_start3A_94 = tpu.memref_slice %arg9[%mul3A_90, %dma_start3A_93] : memref<10000x128xf32, #tpu.memory_space<vmem_shared>> -> memref<400x128xf32, #tpu.memory_space<vmem_shared>>
          tpu.enqueue_dma source(%dma_start3A_94 : memref<400x128xf32, #tpu.memory_space<vmem_shared>>) target(%dma_start3A_92 : memref<400x128xf32, #tpu.memory_space<hbm>>) target_semaphore(%run_scoped3A_91 : memref<!tpu.dma_semaphore, #tpu.memory_space<semaphore_mem>>)
          %dma_wait3A_95 = tpu.memref_slice %arg5[%mul3A_90, %mul3A_41] : memref<10000x512xf32, #tpu.memory_space<hbm>> -> memref<400x128xf32, #tpu.memory_space<hbm>>
          %dma_wait3A_96 = arith.constant 0 : i32
          %dma_wait3A_97 = tpu.memref_slice %arg9[%mul3A_90, %dma_wait3A_96] : memref<10000x128xf32, #tpu.memory_space<vmem_shared>> -> memref<400x128xf32, #tpu.memory_space<vmem_shared>>
          tpu.wait_dma2 semaphore(%run_scoped3A_91 : memref<!tpu.dma_semaphore, #tpu.memory_space<semaphore_mem>>) src(%dma_wait3A_97 : memref<400x128xf32, #tpu.memory_space<vmem_shared>>) dst(%dma_wait3A_95 : memref<400x128xf32, #tpu.memory_space<hbm>>)
          tpu.yield
        }) : () -> ()
      } else {
      }
    }
    %scan3A_81 = arith.constant 2 : i32
    %barrier3A_82 = arith.constant 0 : index
    tpu.barrier barrier_id(%barrier3A_82)
    return
  }
}

#map = affine_map<(d0, d1) -> (0, 0)>
#map1 = affine_map<(d0, d1) -> (0, 0, 0)>
module attributes {stable_mosaic.version = 14 : i64} {
  func.func @k(%arg0: i32, %arg1: i32, %arg2: memref<10000x512xf32, #tpu.memory_space<hbm>>, %arg3: memref<10000x512xf32, #tpu.memory_space<hbm>>, %arg4: memref<32x125x40xi32, #tpu.memory_space<hbm>>, %arg5: memref<32x125x40xi32, #tpu.memory_space<hbm>>, %arg6: memref<160000x512xf32, #tpu.memory_space<hbm>>, %arg7: memref<125x40xi32, #tpu.memory_space<vmem>>, %arg8: memref<125x40xi32, #tpu.memory_space<vmem>>, %arg9: memref<40x512xf32, #tpu.memory_space<vmem>>, %arg10: memref<40x512xf32, #tpu.memory_space<vmem>>, %arg11: memref<40x512xf32, #tpu.memory_space<vmem>>, %arg12: memref<40x512xf32, #tpu.memory_space<vmem>>, %arg13: memref<!tpu.dma_semaphore, #tpu.memory_space<semaphore_mem>>, %arg14: memref<!tpu.dma_semaphore, #tpu.memory_space<semaphore_mem>>, %arg15: memref<!tpu.dma_semaphore, #tpu.memory_space<semaphore_mem>>, %arg16: memref<!tpu.dma_semaphore, #tpu.memory_space<semaphore_mem>>) attributes {dimension_semantics = [#tpu.dimension_semantics<core_parallel>, #tpu.dimension_semantics<subcore_parallel>], iteration_bounds = array<i64: 2, 16>, scalar_prefetch = 0 : i64, scratch_operands = 10 : i64, tpu.core_type = #tpu.core_type<sc_vector_subcore>, window_params = [{transform_indices = #map}, {transform_indices = #map}, {transform_indices = #map1}, {transform_indices = #map1}, {transform_indices = #map}]} {
    %mul3A = arith.constant 2 : i32
    %mul3A_0 = arith.muli %arg1, %mul3A : i32
    %add3A = arith.addi %mul3A_0, %arg0 : i32
    "tpu.region"() ({
      %run_scoped3A = tpu.sem_alloc : memref<!tpu.dma_semaphore, #tpu.memory_space<semaphore_mem>>
      %dma_start3A_66 = arith.constant 0 : i32
      %dma_start3A_67 = arith.constant 0 : i32
      %dma_start3A_68 = tpu.memref_slice %arg4[%add3A, %dma_start3A_66, %dma_start3A_67] : memref<32x125x40xi32, #tpu.memory_space<hbm>> -> memref<1x125x40xi32, #tpu.memory_space<hbm>>
      %dma_start3A_69 = tpu.memref_squeeze %dma_start3A_68 : memref<1x125x40xi32, #tpu.memory_space<hbm>> -> memref<125x40xi32, #tpu.memory_space<hbm>>
      %dma_start3A_70 = arith.constant 0 : i32
      %dma_start3A_71 = arith.constant 0 : i32
      %dma_start3A_72 = tpu.memref_slice %arg4[%add3A, %dma_start3A_70, %dma_start3A_71] : memref<32x125x40xi32, #tpu.memory_space<hbm>> -> memref<1x125x40xi32, #tpu.memory_space<hbm>>
      %dma_start3A_73 = tpu.memref_squeeze %dma_start3A_72 : memref<1x125x40xi32, #tpu.memory_space<hbm>> -> memref<125x40xi32, #tpu.memory_space<hbm>>
      tpu.enqueue_dma source(%dma_start3A_73 : memref<125x40xi32, #tpu.memory_space<hbm>>) target(%arg7 : memref<125x40xi32, #tpu.memory_space<vmem>>) target_semaphore(%run_scoped3A : memref<!tpu.dma_semaphore, #tpu.memory_space<semaphore_mem>>)
      %dma_wait3A_74 = arith.constant 0 : i32
      %dma_wait3A_75 = arith.constant 0 : i32
      %dma_wait3A_76 = tpu.memref_slice %arg4[%add3A, %dma_wait3A_74, %dma_wait3A_75] : memref<32x125x40xi32, #tpu.memory_space<hbm>> -> memref<1x125x40xi32, #tpu.memory_space<hbm>>
      %dma_wait3A_77 = tpu.memref_squeeze %dma_wait3A_76 : memref<1x125x40xi32, #tpu.memory_space<hbm>> -> memref<125x40xi32, #tpu.memory_space<hbm>>
      %dma_wait3A_78 = arith.constant 0 : i32
      %dma_wait3A_79 = arith.constant 0 : i32
      %dma_wait3A_80 = tpu.memref_slice %arg4[%add3A, %dma_wait3A_78, %dma_wait3A_79] : memref<32x125x40xi32, #tpu.memory_space<hbm>> -> memref<1x125x40xi32, #tpu.memory_space<hbm>>
      %dma_wait3A_81 = tpu.memref_squeeze %dma_wait3A_80 : memref<1x125x40xi32, #tpu.memory_space<hbm>> -> memref<125x40xi32, #tpu.memory_space<hbm>>
      tpu.wait_dma2 semaphore(%run_scoped3A : memref<!tpu.dma_semaphore, #tpu.memory_space<semaphore_mem>>) src(%dma_wait3A_81 : memref<125x40xi32, #tpu.memory_space<hbm>>) dst(%arg7 : memref<125x40xi32, #tpu.memory_space<vmem>>)
      tpu.yield
    }) : () -> ()
    "tpu.region"() ({
      %run_scoped3A = tpu.sem_alloc : memref<!tpu.dma_semaphore, #tpu.memory_space<semaphore_mem>>
      %dma_start3A_66 = arith.constant 0 : i32
      %dma_start3A_67 = arith.constant 0 : i32
      %dma_start3A_68 = tpu.memref_slice %arg5[%add3A, %dma_start3A_66, %dma_start3A_67] : memref<32x125x40xi32, #tpu.memory_space<hbm>> -> memref<1x125x40xi32, #tpu.memory_space<hbm>>
      %dma_start3A_69 = tpu.memref_squeeze %dma_start3A_68 : memref<1x125x40xi32, #tpu.memory_space<hbm>> -> memref<125x40xi32, #tpu.memory_space<hbm>>
      %dma_start3A_70 = arith.constant 0 : i32
      %dma_start3A_71 = arith.constant 0 : i32
      %dma_start3A_72 = tpu.memref_slice %arg5[%add3A, %dma_start3A_70, %dma_start3A_71] : memref<32x125x40xi32, #tpu.memory_space<hbm>> -> memref<1x125x40xi32, #tpu.memory_space<hbm>>
      %dma_start3A_73 = tpu.memref_squeeze %dma_start3A_72 : memref<1x125x40xi32, #tpu.memory_space<hbm>> -> memref<125x40xi32, #tpu.memory_space<hbm>>
      tpu.enqueue_dma source(%dma_start3A_73 : memref<125x40xi32, #tpu.memory_space<hbm>>) target(%arg8 : memref<125x40xi32, #tpu.memory_space<vmem>>) target_semaphore(%run_scoped3A : memref<!tpu.dma_semaphore, #tpu.memory_space<semaphore_mem>>)
      %dma_wait3A_74 = arith.constant 0 : i32
      %dma_wait3A_75 = arith.constant 0 : i32
      %dma_wait3A_76 = tpu.memref_slice %arg5[%add3A, %dma_wait3A_74, %dma_wait3A_75] : memref<32x125x40xi32, #tpu.memory_space<hbm>> -> memref<1x125x40xi32, #tpu.memory_space<hbm>>
      %dma_wait3A_77 = tpu.memref_squeeze %dma_wait3A_76 : memref<1x125x40xi32, #tpu.memory_space<hbm>> -> memref<125x40xi32, #tpu.memory_space<hbm>>
      %dma_wait3A_78 = arith.constant 0 : i32
      %dma_wait3A_79 = arith.constant 0 : i32
      %dma_wait3A_80 = tpu.memref_slice %arg5[%add3A, %dma_wait3A_78, %dma_wait3A_79] : memref<32x125x40xi32, #tpu.memory_space<hbm>> -> memref<1x125x40xi32, #tpu.memory_space<hbm>>
      %dma_wait3A_81 = tpu.memref_squeeze %dma_wait3A_80 : memref<1x125x40xi32, #tpu.memory_space<hbm>> -> memref<125x40xi32, #tpu.memory_space<hbm>>
      tpu.wait_dma2 semaphore(%run_scoped3A : memref<!tpu.dma_semaphore, #tpu.memory_space<semaphore_mem>>) src(%dma_wait3A_81 : memref<125x40xi32, #tpu.memory_space<hbm>>) dst(%arg8 : memref<125x40xi32, #tpu.memory_space<vmem>>)
      tpu.yield
    }) : () -> ()
    %dma_start3A = arith.constant 0 : i32
    %dma_start3A_1 = arith.constant 0 : i32
    %dma_start3A_2 = tpu.memref_slice %arg7[%dma_start3A, %dma_start3A_1] : memref<125x40xi32, #tpu.memory_space<vmem>> -> memref<1x40xi32, #tpu.memory_space<vmem>>
    %dma_start3A_3 = tpu.memref_squeeze %dma_start3A_2 : memref<1x40xi32, #tpu.memory_space<vmem>> -> memref<40xi32, #tpu.memory_space<vmem>>
    %dma_start3A_4 = arith.constant 0 : i32
    %dma_start3A_5 = arith.constant 0 : i32
    %dma_start3A_6 = tpu.memref_slice %arg2[%dma_start3A_4, %dma_start3A_5] : memref<10000x512xf32, #tpu.memory_space<hbm>> -> memref<10000x512xf32, #tpu.memory_space<hbm>>
    tpu.enqueue_indirect_dma source(%dma_start3A_6 : memref<10000x512xf32, #tpu.memory_space<hbm>>) target(%arg9 : memref<40x512xf32, #tpu.memory_space<vmem>>) offsets(%dma_start3A_3 : memref<40xi32, #tpu.memory_space<vmem>>) semaphore(%arg13 : memref<!tpu.dma_semaphore, #tpu.memory_space<semaphore_mem>>)
    %dma_start3A_7 = arith.constant 0 : i32
    %dma_start3A_8 = arith.constant 0 : i32
    %dma_start3A_9 = tpu.memref_slice %arg8[%dma_start3A_7, %dma_start3A_8] : memref<125x40xi32, #tpu.memory_space<vmem>> -> memref<1x40xi32, #tpu.memory_space<vmem>>
    %dma_start3A_10 = tpu.memref_squeeze %dma_start3A_9 : memref<1x40xi32, #tpu.memory_space<vmem>> -> memref<40xi32, #tpu.memory_space<vmem>>
    %dma_start3A_11 = arith.constant 0 : i32
    %dma_start3A_12 = arith.constant 0 : i32
    %dma_start3A_13 = tpu.memref_slice %arg3[%dma_start3A_11, %dma_start3A_12] : memref<10000x512xf32, #tpu.memory_space<hbm>> -> memref<10000x512xf32, #tpu.memory_space<hbm>>
    tpu.enqueue_indirect_dma source(%dma_start3A_13 : memref<10000x512xf32, #tpu.memory_space<hbm>>) target(%arg11 : memref<40x512xf32, #tpu.memory_space<vmem>>) offsets(%dma_start3A_10 : memref<40xi32, #tpu.memory_space<vmem>>) semaphore(%arg13 : memref<!tpu.dma_semaphore, #tpu.memory_space<semaphore_mem>>)
    %dma_start3A_14 = arith.constant 1 : i32
    %dma_start3A_15 = arith.constant 0 : i32
    %dma_start3A_16 = tpu.memref_slice %arg7[%dma_start3A_14, %dma_start3A_15] : memref<125x40xi32, #tpu.memory_space<vmem>> -> memref<1x40xi32, #tpu.memory_space<vmem>>
    %dma_start3A_17 = tpu.memref_squeeze %dma_start3A_16 : memref<1x40xi32, #tpu.memory_space<vmem>> -> memref<40xi32, #tpu.memory_space<vmem>>
    %dma_start3A_18 = arith.constant 0 : i32
    %dma_start3A_19 = arith.constant 0 : i32
    %dma_start3A_20 = tpu.memref_slice %arg2[%dma_start3A_18, %dma_start3A_19] : memref<10000x512xf32, #tpu.memory_space<hbm>> -> memref<10000x512xf32, #tpu.memory_space<hbm>>
    tpu.enqueue_indirect_dma source(%dma_start3A_20 : memref<10000x512xf32, #tpu.memory_space<hbm>>) target(%arg10 : memref<40x512xf32, #tpu.memory_space<vmem>>) offsets(%dma_start3A_17 : memref<40xi32, #tpu.memory_space<vmem>>) semaphore(%arg14 : memref<!tpu.dma_semaphore, #tpu.memory_space<semaphore_mem>>)
    %dma_start3A_21 = arith.constant 1 : i32
    %dma_start3A_22 = arith.constant 0 : i32
    %dma_start3A_23 = tpu.memref_slice %arg8[%dma_start3A_21, %dma_start3A_22] : memref<125x40xi32, #tpu.memory_space<vmem>> -> memref<1x40xi32, #tpu.memory_space<vmem>>
    %dma_start3A_24 = tpu.memref_squeeze %dma_start3A_23 : memref<1x40xi32, #tpu.memory_space<vmem>> -> memref<40xi32, #tpu.memory_space<vmem>>
    %dma_start3A_25 = arith.constant 0 : i32
    %dma_start3A_26 = arith.constant 0 : i32
    %dma_start3A_27 = tpu.memref_slice %arg3[%dma_start3A_25, %dma_start3A_26] : memref<10000x512xf32, #tpu.memory_space<hbm>> -> memref<10000x512xf32, #tpu.memory_space<hbm>>
    tpu.enqueue_indirect_dma source(%dma_start3A_27 : memref<10000x512xf32, #tpu.memory_space<hbm>>) target(%arg12 : memref<40x512xf32, #tpu.memory_space<vmem>>) offsets(%dma_start3A_24 : memref<40xi32, #tpu.memory_space<vmem>>) semaphore(%arg14 : memref<!tpu.dma_semaphore, #tpu.memory_space<semaphore_mem>>)
    %scan3A = arith.constant 0 : i32
    %scan3A_28 = arith.constant 0 : i32
    %scan3A_29 = arith.constant 62 : i32
    %scan3A_30 = arith.addi %scan3A_28, %scan3A_29 : i32
    %scan3A_31 = arith.constant 1 : i32
    scf.for %scan3A_66 = %scan3A_28 to %scan3A_30 step %scan3A_31  : i32 {
      %mul3A_67 = arith.constant 2 : i32
      %mul3A_68 = arith.muli %mul3A_67, %scan3A_66 : i32
      %dma_wait3A_69 = arith.constant 0 : i32
      %dma_wait3A_70 = arith.constant 0 : i32
      %dma_wait3A_71 = tpu.memref_slice %arg7[%dma_wait3A_69, %dma_wait3A_70] : memref<125x40xi32, #tpu.memory_space<vmem>> -> memref<1x40xi32, #tpu.memory_space<vmem>>
      %dma_wait3A_72 = tpu.memref_squeeze %dma_wait3A_71 : memref<1x40xi32, #tpu.memory_space<vmem>> -> memref<40xi32, #tpu.memory_space<vmem>>
      %dma_wait3A_73 = arith.constant 0 : i32
      %dma_wait3A_74 = arith.constant 0 : i32
      %dma_wait3A_75 = tpu.memref_slice %arg2[%dma_wait3A_73, %dma_wait3A_74] : memref<10000x512xf32, #tpu.memory_space<hbm>> -> memref<10000x512xf32, #tpu.memory_space<hbm>>
      tpu.wait_indirect_dma semaphore(%arg13 : memref<!tpu.dma_semaphore, #tpu.memory_space<semaphore_mem>>) src(%dma_wait3A_75 : memref<10000x512xf32, #tpu.memory_space<hbm>>) dst(%arg9 : memref<40x512xf32, #tpu.memory_space<vmem>>)
      %dma_wait3A_76 = arith.constant 0 : i32
      %dma_wait3A_77 = arith.constant 0 : i32
      %dma_wait3A_78 = tpu.memref_slice %arg8[%dma_wait3A_76, %dma_wait3A_77] : memref<125x40xi32, #tpu.memory_space<vmem>> -> memref<1x40xi32, #tpu.memory_space<vmem>>
      %dma_wait3A_79 = tpu.memref_squeeze %dma_wait3A_78 : memref<1x40xi32, #tpu.memory_space<vmem>> -> memref<40xi32, #tpu.memory_space<vmem>>
      %dma_wait3A_80 = arith.constant 0 : i32
      %dma_wait3A_81 = arith.constant 0 : i32
      %dma_wait3A_82 = tpu.memref_slice %arg3[%dma_wait3A_80, %dma_wait3A_81] : memref<10000x512xf32, #tpu.memory_space<hbm>> -> memref<10000x512xf32, #tpu.memory_space<hbm>>
      tpu.wait_indirect_dma semaphore(%arg13 : memref<!tpu.dma_semaphore, #tpu.memory_space<semaphore_mem>>) src(%dma_wait3A_82 : memref<10000x512xf32, #tpu.memory_space<hbm>>) dst(%arg11 : memref<40x512xf32, #tpu.memory_space<vmem>>)
      %scan3A_83 = arith.constant 0 : i32
      %scan3A_84 = arith.constant 0 : i32
      %scan3A_85 = arith.constant 40 : i32
      %scan3A_86 = arith.addi %scan3A_84, %scan3A_85 : i32
      %scan3A_87 = arith.constant 1 : i32
      scf.for %scan3A_152 = %scan3A_84 to %scan3A_86 step %scan3A_87  : i32 {
        %get3A = arith.index_cast %scan3A_152 : i32 to index
        %get3A_153 = arith.constant 0 : index
        %get3A_154 = tpu.vector_load %arg9[%get3A, %get3A_153] {strides = array<i32>} : memref<40x512xf32, #tpu.memory_space<vmem>>, vector<1x16xf32>,
        %get3A_155 = vector.shape_cast %get3A_154 : vector<1x16xf32> to vector<16xf32>
        %get3A_156 = arith.index_cast %scan3A_152 : i32 to index
        %get3A_157 = arith.constant 0 : index
        %get3A_158 = tpu.vector_load %arg11[%get3A_156, %get3A_157] {strides = array<i32>} : memref<40x512xf32, #tpu.memory_space<vmem>>, vector<1x16xf32>,
        %get3A_159 = vector.shape_cast %get3A_158 : vector<1x16xf32> to vector<16xf32>
        %add3A_160 = arith.addf %get3A_155, %get3A_159 : vector<16xf32>
        %swap3A = arith.index_cast %scan3A_152 : i32 to index
        %swap3A_161 = arith.constant 0 : index
        %swap3A_162 = tpu.vector_load %arg9[%swap3A, %swap3A_161] {strides = array<i32>} : memref<40x512xf32, #tpu.memory_space<vmem>>, vector<1x16xf32>,
        %swap3A_163 = vector.shape_cast %swap3A_162 : vector<1x16xf32> to vector<16xf32>
        %swap3A_164 = vector.shape_cast %add3A_160 : vector<16xf32> to vector<1x16xf32>
        tpu.vector_store %arg9[%swap3A, %swap3A_161], %swap3A_164 {strides = array<i32>} : memref<40x512xf32, #tpu.memory_space<vmem>>, vector<1x16xf32>,
        %get3A_165 = arith.index_cast %scan3A_152 : i32 to index
        %get3A_166 = arith.constant 16 : index
        %get3A_167 = tpu.vector_load %arg9[%get3A_165, %get3A_166] {strides = array<i32>} : memref<40x512xf32, #tpu.memory_space<vmem>>, vector<1x16xf32>,
        %get3A_168 = vector.shape_cast %get3A_167 : vector<1x16xf32> to vector<16xf32>
        %get3A_169 = arith.index_cast %scan3A_152 : i32 to index
        %get3A_170 = arith.constant 16 : index
        %get3A_171 = tpu.vector_load %arg11[%get3A_169, %get3A_170] {strides = array<i32>} : memref<40x512xf32, #tpu.memory_space<vmem>>, vector<1x16xf32>,
        %get3A_172 = vector.shape_cast %get3A_171 : vector<1x16xf32> to vector<16xf32>
        %add3A_173 = arith.addf %get3A_168, %get3A_172 : vector<16xf32>
        %swap3A_174 = arith.index_cast %scan3A_152 : i32 to index
        %swap3A_175 = arith.constant 16 : index
        %swap3A_176 = tpu.vector_load %arg9[%swap3A_174, %swap3A_175] {strides = array<i32>} : memref<40x512xf32, #tpu.memory_space<vmem>>, vector<1x16xf32>,
        %swap3A_177 = vector.shape_cast %swap3A_176 : vector<1x16xf32> to vector<16xf32>
        %swap3A_178 = vector.shape_cast %add3A_173 : vector<16xf32> to vector<1x16xf32>
        tpu.vector_store %arg9[%swap3A_174, %swap3A_175], %swap3A_178 {strides = array<i32>} : memref<40x512xf32, #tpu.memory_space<vmem>>, vector<1x16xf32>,
        %get3A_179 = arith.index_cast %scan3A_152 : i32 to index
        %get3A_180 = arith.constant 32 : index
        %get3A_181 = tpu.vector_load %arg9[%get3A_179, %get3A_180] {strides = array<i32>} : memref<40x512xf32, #tpu.memory_space<vmem>>, vector<1x16xf32>,
        %get3A_182 = vector.shape_cast %get3A_181 : vector<1x16xf32> to vector<16xf32>
        %get3A_183 = arith.index_cast %scan3A_152 : i32 to index
        %get3A_184 = arith.constant 32 : index
        %get3A_185 = tpu.vector_load %arg11[%get3A_183, %get3A_184] {strides = array<i32>} : memref<40x512xf32, #tpu.memory_space<vmem>>, vector<1x16xf32>,
        %get3A_186 = vector.shape_cast %get3A_185 : vector<1x16xf32> to vector<16xf32>
        %add3A_187 = arith.addf %get3A_182, %get3A_186 : vector<16xf32>
        %swap3A_188 = arith.index_cast %scan3A_152 : i32 to index
        %swap3A_189 = arith.constant 32 : index
        %swap3A_190 = tpu.vector_load %arg9[%swap3A_188, %swap3A_189] {strides = array<i32>} : memref<40x512xf32, #tpu.memory_space<vmem>>, vector<1x16xf32>,
        %swap3A_191 = vector.shape_cast %swap3A_190 : vector<1x16xf32> to vector<16xf32>
        %swap3A_192 = vector.shape_cast %add3A_187 : vector<16xf32> to vector<1x16xf32>
        tpu.vector_store %arg9[%swap3A_188, %swap3A_189], %swap3A_192 {strides = array<i32>} : memref<40x512xf32, #tpu.memory_space<vmem>>, vector<1x16xf32>,
        %get3A_193 = arith.index_cast %scan3A_152 : i32 to index
        %get3A_194 = arith.constant 48 : index
        %get3A_195 = tpu.vector_load %arg9[%get3A_193, %get3A_194] {strides = array<i32>} : memref<40x512xf32, #tpu.memory_space<vmem>>, vector<1x16xf32>,
        %get3A_196 = vector.shape_cast %get3A_195 : vector<1x16xf32> to vector<16xf32>
        %get3A_197 = arith.index_cast %scan3A_152 : i32 to index
        %get3A_198 = arith.constant 48 : index
        %get3A_199 = tpu.vector_load %arg11[%get3A_197, %get3A_198] {strides = array<i32>} : memref<40x512xf32, #tpu.memory_space<vmem>>, vector<1x16xf32>,
        %get3A_200 = vector.shape_cast %get3A_199 : vector<1x16xf32> to vector<16xf32>
        %add3A_201 = arith.addf %get3A_196, %get3A_200 : vector<16xf32>
        %swap3A_202 = arith.index_cast %scan3A_152 : i32 to index
        %swap3A_203 = arith.constant 48 : index
        %swap3A_204 = tpu.vector_load %arg9[%swap3A_202, %swap3A_203] {strides = array<i32>} : memref<40x512xf32, #tpu.memory_space<vmem>>, vector<1x16xf32>,
        %swap3A_205 = vector.shape_cast %swap3A_204 : vector<1x16xf32> to vector<16xf32>
        %swap3A_206 = vector.shape_cast %add3A_201 : vector<16xf32> to vector<1x16xf32>
        tpu.vector_store %arg9[%swap3A_202, %swap3A_203], %swap3A_206 {strides = array<i32>} : memref<40x512xf32, #tpu.memory_space<vmem>>, vector<1x16xf32>,
        %get3A_207 = arith.index_cast %scan3A_152 : i32 to index
        %get3A_208 = arith.constant 64 : index
        %get3A_209 = tpu.vector_load %arg9[%get3A_207, %get3A_208] {strides = array<i32>} : memref<40x512xf32, #tpu.memory_space<vmem>>, vector<1x16xf32>,
        %get3A_210 = vector.shape_cast %get3A_209 : vector<1x16xf32> to vector<16xf32>
        %get3A_211 = arith.index_cast %scan3A_152 : i32 to index
        %get3A_212 = arith.constant 64 : index
        %get3A_213 = tpu.vector_load %arg11[%get3A_211, %get3A_212] {strides = array<i32>} : memref<40x512xf32, #tpu.memory_space<vmem>>, vector<1x16xf32>,
        %get3A_214 = vector.shape_cast %get3A_213 : vector<1x16xf32> to vector<16xf32>
        %add3A_215 = arith.addf %get3A_210, %get3A_214 : vector<16xf32>
        %swap3A_216 = arith.index_cast %scan3A_152 : i32 to index
        %swap3A_217 = arith.constant 64 : index
        %swap3A_218 = tpu.vector_load %arg9[%swap3A_216, %swap3A_217] {strides = array<i32>} : memref<40x512xf32, #tpu.memory_space<vmem>>, vector<1x16xf32>,
        %swap3A_219 = vector.shape_cast %swap3A_218 : vector<1x16xf32> to vector<16xf32>
        %swap3A_220 = vector.shape_cast %add3A_215 : vector<16xf32> to vector<1x16xf32>
        tpu.vector_store %arg9[%swap3A_216, %swap3A_217], %swap3A_220 {strides = array<i32>} : memref<40x512xf32, #tpu.memory_space<vmem>>, vector<1x16xf32>,
        %get3A_221 = arith.index_cast %scan3A_152 : i32 to index
        %get3A_222 = arith.constant 80 : index
        %get3A_223 = tpu.vector_load %arg9[%get3A_221, %get3A_222] {strides = array<i32>} : memref<40x512xf32, #tpu.memory_space<vmem>>, vector<1x16xf32>,
        %get3A_224 = vector.shape_cast %get3A_223 : vector<1x16xf32> to vector<16xf32>
        %get3A_225 = arith.index_cast %scan3A_152 : i32 to index
        %get3A_226 = arith.constant 80 : index
        %get3A_227 = tpu.vector_load %arg11[%get3A_225, %get3A_226] {strides = array<i32>} : memref<40x512xf32, #tpu.memory_space<vmem>>, vector<1x16xf32>,
        %get3A_228 = vector.shape_cast %get3A_227 : vector<1x16xf32> to vector<16xf32>
        %add3A_229 = arith.addf %get3A_224, %get3A_228 : vector<16xf32>
        %swap3A_230 = arith.index_cast %scan3A_152 : i32 to index
        %swap3A_231 = arith.constant 80 : index
        %swap3A_232 = tpu.vector_load %arg9[%swap3A_230, %swap3A_231] {strides = array<i32>} : memref<40x512xf32, #tpu.memory_space<vmem>>, vector<1x16xf32>,
        %swap3A_233 = vector.shape_cast %swap3A_232 : vector<1x16xf32> to vector<16xf32>
        %swap3A_234 = vector.shape_cast %add3A_229 : vector<16xf32> to vector<1x16xf32>
        tpu.vector_store %arg9[%swap3A_230, %swap3A_231], %swap3A_234 {strides = array<i32>} : memref<40x512xf32, #tpu.memory_space<vmem>>, vector<1x16xf32>,
        %get3A_235 = arith.index_cast %scan3A_152 : i32 to index
        %get3A_236 = arith.constant 96 : index
        %get3A_237 = tpu.vector_load %arg9[%get3A_235, %get3A_236] {strides = array<i32>} : memref<40x512xf32, #tpu.memory_space<vmem>>, vector<1x16xf32>,
        %get3A_238 = vector.shape_cast %get3A_237 : vector<1x16xf32> to vector<16xf32>
        %get3A_239 = arith.index_cast %scan3A_152 : i32 to index
        %get3A_240 = arith.constant 96 : index
        %get3A_241 = tpu.vector_load %arg11[%get3A_239, %get3A_240] {strides = array<i32>} : memref<40x512xf32, #tpu.memory_space<vmem>>, vector<1x16xf32>,
        %get3A_242 = vector.shape_cast %get3A_241 : vector<1x16xf32> to vector<16xf32>
        %add3A_243 = arith.addf %get3A_238, %get3A_242 : vector<16xf32>
        %swap3A_244 = arith.index_cast %scan3A_152 : i32 to index
        %swap3A_245 = arith.constant 96 : index
        %swap3A_246 = tpu.vector_load %arg9[%swap3A_244, %swap3A_245] {strides = array<i32>} : memref<40x512xf32, #tpu.memory_space<vmem>>, vector<1x16xf32>,
        %swap3A_247 = vector.shape_cast %swap3A_246 : vector<1x16xf32> to vector<16xf32>
        %swap3A_248 = vector.shape_cast %add3A_243 : vector<16xf32> to vector<1x16xf32>
        tpu.vector_store %arg9[%swap3A_244, %swap3A_245], %swap3A_248 {strides = array<i32>} : memref<40x512xf32, #tpu.memory_space<vmem>>, vector<1x16xf32>,
        %get3A_249 = arith.index_cast %scan3A_152 : i32 to index
        %get3A_250 = arith.constant 112 : index
        %get3A_251 = tpu.vector_load %arg9[%get3A_249, %get3A_250] {strides = array<i32>} : memref<40x512xf32, #tpu.memory_space<vmem>>, vector<1x16xf32>,
        %get3A_252 = vector.shape_cast %get3A_251 : vector<1x16xf32> to vector<16xf32>
        %get3A_253 = arith.index_cast %scan3A_152 : i32 to index
        %get3A_254 = arith.constant 112 : index
        %get3A_255 = tpu.vector_load %arg11[%get3A_253, %get3A_254] {strides = array<i32>} : memref<40x512xf32, #tpu.memory_space<vmem>>, vector<1x16xf32>,
        %get3A_256 = vector.shape_cast %get3A_255 : vector<1x16xf32> to vector<16xf32>
        %add3A_257 = arith.addf %get3A_252, %get3A_256 : vector<16xf32>
        %swap3A_258 = arith.index_cast %scan3A_152 : i32 to index
        %swap3A_259 = arith.constant 112 : index
        %swap3A_260 = tpu.vector_load %arg9[%swap3A_258, %swap3A_259] {strides = array<i32>} : memref<40x512xf32, #tpu.memory_space<vmem>>, vector<1x16xf32>,
        %swap3A_261 = vector.shape_cast %swap3A_260 : vector<1x16xf32> to vector<16xf32>
        %swap3A_262 = vector.shape_cast %add3A_257 : vector<16xf32> to vector<1x16xf32>
        tpu.vector_store %arg9[%swap3A_258, %swap3A_259], %swap3A_262 {strides = array<i32>} : memref<40x512xf32, #tpu.memory_space<vmem>>, vector<1x16xf32>,
        %get3A_263 = arith.index_cast %scan3A_152 : i32 to index
        %get3A_264 = arith.constant 128 : index
        %get3A_265 = tpu.vector_load %arg9[%get3A_263, %get3A_264] {strides = array<i32>} : memref<40x512xf32, #tpu.memory_space<vmem>>, vector<1x16xf32>,
        %get3A_266 = vector.shape_cast %get3A_265 : vector<1x16xf32> to vector<16xf32>
        %get3A_267 = arith.index_cast %scan3A_152 : i32 to index
        %get3A_268 = arith.constant 128 : index
        %get3A_269 = tpu.vector_load %arg11[%get3A_267, %get3A_268] {strides = array<i32>} : memref<40x512xf32, #tpu.memory_space<vmem>>, vector<1x16xf32>,
        %get3A_270 = vector.shape_cast %get3A_269 : vector<1x16xf32> to vector<16xf32>
        %add3A_271 = arith.addf %get3A_266, %get3A_270 : vector<16xf32>
        %swap3A_272 = arith.index_cast %scan3A_152 : i32 to index
        %swap3A_273 = arith.constant 128 : index
        %swap3A_274 = tpu.vector_load %arg9[%swap3A_272, %swap3A_273] {strides = array<i32>} : memref<40x512xf32, #tpu.memory_space<vmem>>, vector<1x16xf32>,
        %swap3A_275 = vector.shape_cast %swap3A_274 : vector<1x16xf32> to vector<16xf32>
        %swap3A_276 = vector.shape_cast %add3A_271 : vector<16xf32> to vector<1x16xf32>
        tpu.vector_store %arg9[%swap3A_272, %swap3A_273], %swap3A_276 {strides = array<i32>} : memref<40x512xf32, #tpu.memory_space<vmem>>, vector<1x16xf32>,
        %get3A_277 = arith.index_cast %scan3A_152 : i32 to index
        %get3A_278 = arith.constant 144 : index
        %get3A_279 = tpu.vector_load %arg9[%get3A_277, %get3A_278] {strides = array<i32>} : memref<40x512xf32, #tpu.memory_space<vmem>>, vector<1x16xf32>,
        %get3A_280 = vector.shape_cast %get3A_279 : vector<1x16xf32> to vector<16xf32>
        %get3A_281 = arith.index_cast %scan3A_152 : i32 to index
        %get3A_282 = arith.constant 144 : index
        %get3A_283 = tpu.vector_load %arg11[%get3A_281, %get3A_282] {strides = array<i32>} : memref<40x512xf32, #tpu.memory_space<vmem>>, vector<1x16xf32>,
        %get3A_284 = vector.shape_cast %get3A_283 : vector<1x16xf32> to vector<16xf32>
        %add3A_285 = arith.addf %get3A_280, %get3A_284 : vector<16xf32>
        %swap3A_286 = arith.index_cast %scan3A_152 : i32 to index
        %swap3A_287 = arith.constant 144 : index
        %swap3A_288 = tpu.vector_load %arg9[%swap3A_286, %swap3A_287] {strides = array<i32>} : memref<40x512xf32, #tpu.memory_space<vmem>>, vector<1x16xf32>,
        %swap3A_289 = vector.shape_cast %swap3A_288 : vector<1x16xf32> to vector<16xf32>
        %swap3A_290 = vector.shape_cast %add3A_285 : vector<16xf32> to vector<1x16xf32>
        tpu.vector_store %arg9[%swap3A_286, %swap3A_287], %swap3A_290 {strides = array<i32>} : memref<40x512xf32, #tpu.memory_space<vmem>>, vector<1x16xf32>,
        %get3A_291 = arith.index_cast %scan3A_152 : i32 to index
        %get3A_292 = arith.constant 160 : index
        %get3A_293 = tpu.vector_load %arg9[%get3A_291, %get3A_292] {strides = array<i32>} : memref<40x512xf32, #tpu.memory_space<vmem>>, vector<1x16xf32>,
        %get3A_294 = vector.shape_cast %get3A_293 : vector<1x16xf32> to vector<16xf32>
        %get3A_295 = arith.index_cast %scan3A_152 : i32 to index
        %get3A_296 = arith.constant 160 : index
        %get3A_297 = tpu.vector_load %arg11[%get3A_295, %get3A_296] {strides = array<i32>} : memref<40x512xf32, #tpu.memory_space<vmem>>, vector<1x16xf32>,
        %get3A_298 = vector.shape_cast %get3A_297 : vector<1x16xf32> to vector<16xf32>
        %add3A_299 = arith.addf %get3A_294, %get3A_298 : vector<16xf32>
        %swap3A_300 = arith.index_cast %scan3A_152 : i32 to index
        %swap3A_301 = arith.constant 160 : index
        %swap3A_302 = tpu.vector_load %arg9[%swap3A_300, %swap3A_301] {strides = array<i32>} : memref<40x512xf32, #tpu.memory_space<vmem>>, vector<1x16xf32>,
        %swap3A_303 = vector.shape_cast %swap3A_302 : vector<1x16xf32> to vector<16xf32>
        %swap3A_304 = vector.shape_cast %add3A_299 : vector<16xf32> to vector<1x16xf32>
        tpu.vector_store %arg9[%swap3A_300, %swap3A_301], %swap3A_304 {strides = array<i32>} : memref<40x512xf32, #tpu.memory_space<vmem>>, vector<1x16xf32>,
        %get3A_305 = arith.index_cast %scan3A_152 : i32 to index
        %get3A_306 = arith.constant 176 : index
        %get3A_307 = tpu.vector_load %arg9[%get3A_305, %get3A_306] {strides = array<i32>} : memref<40x512xf32, #tpu.memory_space<vmem>>, vector<1x16xf32>,
        %get3A_308 = vector.shape_cast %get3A_307 : vector<1x16xf32> to vector<16xf32>
        %get3A_309 = arith.index_cast %scan3A_152 : i32 to index
        %get3A_310 = arith.constant 176 : index
        %get3A_311 = tpu.vector_load %arg11[%get3A_309, %get3A_310] {strides = array<i32>} : memref<40x512xf32, #tpu.memory_space<vmem>>, vector<1x16xf32>,
        %get3A_312 = vector.shape_cast %get3A_311 : vector<1x16xf32> to vector<16xf32>
        %add3A_313 = arith.addf %get3A_308, %get3A_312 : vector<16xf32>
        %swap3A_314 = arith.index_cast %scan3A_152 : i32 to index
        %swap3A_315 = arith.constant 176 : index
        %swap3A_316 = tpu.vector_load %arg9[%swap3A_314, %swap3A_315] {strides = array<i32>} : memref<40x512xf32, #tpu.memory_space<vmem>>, vector<1x16xf32>,
        %swap3A_317 = vector.shape_cast %swap3A_316 : vector<1x16xf32> to vector<16xf32>
        %swap3A_318 = vector.shape_cast %add3A_313 : vector<16xf32> to vector<1x16xf32>
        tpu.vector_store %arg9[%swap3A_314, %swap3A_315], %swap3A_318 {strides = array<i32>} : memref<40x512xf32, #tpu.memory_space<vmem>>, vector<1x16xf32>,
        %get3A_319 = arith.index_cast %scan3A_152 : i32 to index
        %get3A_320 = arith.constant 192 : index
        %get3A_321 = tpu.vector_load %arg9[%get3A_319, %get3A_320] {strides = array<i32>} : memref<40x512xf32, #tpu.memory_space<vmem>>, vector<1x16xf32>,
        %get3A_322 = vector.shape_cast %get3A_321 : vector<1x16xf32> to vector<16xf32>
        %get3A_323 = arith.index_cast %scan3A_152 : i32 to index
        %get3A_324 = arith.constant 192 : index
        %get3A_325 = tpu.vector_load %arg11[%get3A_323, %get3A_324] {strides = array<i32>} : memref<40x512xf32, #tpu.memory_space<vmem>>, vector<1x16xf32>,
        %get3A_326 = vector.shape_cast %get3A_325 : vector<1x16xf32> to vector<16xf32>
        %add3A_327 = arith.addf %get3A_322, %get3A_326 : vector<16xf32>
        %swap3A_328 = arith.index_cast %scan3A_152 : i32 to index
        %swap3A_329 = arith.constant 192 : index
        %swap3A_330 = tpu.vector_load %arg9[%swap3A_328, %swap3A_329] {strides = array<i32>} : memref<40x512xf32, #tpu.memory_space<vmem>>, vector<1x16xf32>,
        %swap3A_331 = vector.shape_cast %swap3A_330 : vector<1x16xf32> to vector<16xf32>
        %swap3A_332 = vector.shape_cast %add3A_327 : vector<16xf32> to vector<1x16xf32>
        tpu.vector_store %arg9[%swap3A_328, %swap3A_329], %swap3A_332 {strides = array<i32>} : memref<40x512xf32, #tpu.memory_space<vmem>>, vector<1x16xf32>,
        %get3A_333 = arith.index_cast %scan3A_152 : i32 to index
        %get3A_334 = arith.constant 208 : index
        %get3A_335 = tpu.vector_load %arg9[%get3A_333, %get3A_334] {strides = array<i32>} : memref<40x512xf32, #tpu.memory_space<vmem>>, vector<1x16xf32>,
        %get3A_336 = vector.shape_cast %get3A_335 : vector<1x16xf32> to vector<16xf32>
        %get3A_337 = arith.index_cast %scan3A_152 : i32 to index
        %get3A_338 = arith.constant 208 : index
        %get3A_339 = tpu.vector_load %arg11[%get3A_337, %get3A_338] {strides = array<i32>} : memref<40x512xf32, #tpu.memory_space<vmem>>, vector<1x16xf32>,
        %get3A_340 = vector.shape_cast %get3A_339 : vector<1x16xf32> to vector<16xf32>
        %add3A_341 = arith.addf %get3A_336, %get3A_340 : vector<16xf32>
        %swap3A_342 = arith.index_cast %scan3A_152 : i32 to index
        %swap3A_343 = arith.constant 208 : index
        %swap3A_344 = tpu.vector_load %arg9[%swap3A_342, %swap3A_343] {strides = array<i32>} : memref<40x512xf32, #tpu.memory_space<vmem>>, vector<1x16xf32>,
        %swap3A_345 = vector.shape_cast %swap3A_344 : vector<1x16xf32> to vector<16xf32>
        %swap3A_346 = vector.shape_cast %add3A_341 : vector<16xf32> to vector<1x16xf32>
        tpu.vector_store %arg9[%swap3A_342, %swap3A_343], %swap3A_346 {strides = array<i32>} : memref<40x512xf32, #tpu.memory_space<vmem>>, vector<1x16xf32>,
        %get3A_347 = arith.index_cast %scan3A_152 : i32 to index
        %get3A_348 = arith.constant 224 : index
        %get3A_349 = tpu.vector_load %arg9[%get3A_347, %get3A_348] {strides = array<i32>} : memref<40x512xf32, #tpu.memory_space<vmem>>, vector<1x16xf32>,
        %get3A_350 = vector.shape_cast %get3A_349 : vector<1x16xf32> to vector<16xf32>
        %get3A_351 = arith.index_cast %scan3A_152 : i32 to index
        %get3A_352 = arith.constant 224 : index
        %get3A_353 = tpu.vector_load %arg11[%get3A_351, %get3A_352] {strides = array<i32>} : memref<40x512xf32, #tpu.memory_space<vmem>>, vector<1x16xf32>,
        %get3A_354 = vector.shape_cast %get3A_353 : vector<1x16xf32> to vector<16xf32>
        %add3A_355 = arith.addf %get3A_350, %get3A_354 : vector<16xf32>
        %swap3A_356 = arith.index_cast %scan3A_152 : i32 to index
        %swap3A_357 = arith.constant 224 : index
        %swap3A_358 = tpu.vector_load %arg9[%swap3A_356, %swap3A_357] {strides = array<i32>} : memref<40x512xf32, #tpu.memory_space<vmem>>, vector<1x16xf32>,
        %swap3A_359 = vector.shape_cast %swap3A_358 : vector<1x16xf32> to vector<16xf32>
        %swap3A_360 = vector.shape_cast %add3A_355 : vector<16xf32> to vector<1x16xf32>
        tpu.vector_store %arg9[%swap3A_356, %swap3A_357], %swap3A_360 {strides = array<i32>} : memref<40x512xf32, #tpu.memory_space<vmem>>, vector<1x16xf32>,
        %get3A_361 = arith.index_cast %scan3A_152 : i32 to index
        %get3A_362 = arith.constant 240 : index
        %get3A_363 = tpu.vector_load %arg9[%get3A_361, %get3A_362] {strides = array<i32>} : memref<40x512xf32, #tpu.memory_space<vmem>>, vector<1x16xf32>,
        %get3A_364 = vector.shape_cast %get3A_363 : vector<1x16xf32> to vector<16xf32>
        %get3A_365 = arith.index_cast %scan3A_152 : i32 to index
        %get3A_366 = arith.constant 240 : index
        %get3A_367 = tpu.vector_load %arg11[%get3A_365, %get3A_366] {strides = array<i32>} : memref<40x512xf32, #tpu.memory_space<vmem>>, vector<1x16xf32>,
        %get3A_368 = vector.shape_cast %get3A_367 : vector<1x16xf32> to vector<16xf32>
        %add3A_369 = arith.addf %get3A_364, %get3A_368 : vector<16xf32>
        %swap3A_370 = arith.index_cast %scan3A_152 : i32 to index
        %swap3A_371 = arith.constant 240 : index
        %swap3A_372 = tpu.vector_load %arg9[%swap3A_370, %swap3A_371] {strides = array<i32>} : memref<40x512xf32, #tpu.memory_space<vmem>>, vector<1x16xf32>,
        %swap3A_373 = vector.shape_cast %swap3A_372 : vector<1x16xf32> to vector<16xf32>
        %swap3A_374 = vector.shape_cast %add3A_369 : vector<16xf32> to vector<1x16xf32>
        tpu.vector_store %arg9[%swap3A_370, %swap3A_371], %swap3A_374 {strides = array<i32>} : memref<40x512xf32, #tpu.memory_space<vmem>>, vector<1x16xf32>,
        %get3A_375 = arith.index_cast %scan3A_152 : i32 to index
        %get3A_376 = arith.constant 256 : index
        %get3A_377 = tpu.vector_load %arg9[%get3A_375, %get3A_376] {strides = array<i32>} : memref<40x512xf32, #tpu.memory_space<vmem>>, vector<1x16xf32>,
        %get3A_378 = vector.shape_cast %get3A_377 : vector<1x16xf32> to vector<16xf32>
        %get3A_379 = arith.index_cast %scan3A_152 : i32 to index
        %get3A_380 = arith.constant 256 : index
        %get3A_381 = tpu.vector_load %arg11[%get3A_379, %get3A_380] {strides = array<i32>} : memref<40x512xf32, #tpu.memory_space<vmem>>, vector<1x16xf32>,
        %get3A_382 = vector.shape_cast %get3A_381 : vector<1x16xf32> to vector<16xf32>
        %add3A_383 = arith.addf %get3A_378, %get3A_382 : vector<16xf32>
        %swap3A_384 = arith.index_cast %scan3A_152 : i32 to index
        %swap3A_385 = arith.constant 256 : index
        %swap3A_386 = tpu.vector_load %arg9[%swap3A_384, %swap3A_385] {strides = array<i32>} : memref<40x512xf32, #tpu.memory_space<vmem>>, vector<1x16xf32>,
        %swap3A_387 = vector.shape_cast %swap3A_386 : vector<1x16xf32> to vector<16xf32>
        %swap3A_388 = vector.shape_cast %add3A_383 : vector<16xf32> to vector<1x16xf32>
        tpu.vector_store %arg9[%swap3A_384, %swap3A_385], %swap3A_388 {strides = array<i32>} : memref<40x512xf32, #tpu.memory_space<vmem>>, vector<1x16xf32>,
        %get3A_389 = arith.index_cast %scan3A_152 : i32 to index
        %get3A_390 = arith.constant 272 : index
        %get3A_391 = tpu.vector_load %arg9[%get3A_389, %get3A_390] {strides = array<i32>} : memref<40x512xf32, #tpu.memory_space<vmem>>, vector<1x16xf32>,
        %get3A_392 = vector.shape_cast %get3A_391 : vector<1x16xf32> to vector<16xf32>
        %get3A_393 = arith.index_cast %scan3A_152 : i32 to index
        %get3A_394 = arith.constant 272 : index
        %get3A_395 = tpu.vector_load %arg11[%get3A_393, %get3A_394] {strides = array<i32>} : memref<40x512xf32, #tpu.memory_space<vmem>>, vector<1x16xf32>,
        %get3A_396 = vector.shape_cast %get3A_395 : vector<1x16xf32> to vector<16xf32>
        %add3A_397 = arith.addf %get3A_392, %get3A_396 : vector<16xf32>
        %swap3A_398 = arith.index_cast %scan3A_152 : i32 to index
        %swap3A_399 = arith.constant 272 : index
        %swap3A_400 = tpu.vector_load %arg9[%swap3A_398, %swap3A_399] {strides = array<i32>} : memref<40x512xf32, #tpu.memory_space<vmem>>, vector<1x16xf32>,
        %swap3A_401 = vector.shape_cast %swap3A_400 : vector<1x16xf32> to vector<16xf32>
        %swap3A_402 = vector.shape_cast %add3A_397 : vector<16xf32> to vector<1x16xf32>
        tpu.vector_store %arg9[%swap3A_398, %swap3A_399], %swap3A_402 {strides = array<i32>} : memref<40x512xf32, #tpu.memory_space<vmem>>, vector<1x16xf32>,
        %get3A_403 = arith.index_cast %scan3A_152 : i32 to index
        %get3A_404 = arith.constant 288 : index
        %get3A_405 = tpu.vector_load %arg9[%get3A_403, %get3A_404] {strides = array<i32>} : memref<40x512xf32, #tpu.memory_space<vmem>>, vector<1x16xf32>,
        %get3A_406 = vector.shape_cast %get3A_405 : vector<1x16xf32> to vector<16xf32>
        %get3A_407 = arith.index_cast %scan3A_152 : i32 to index
        %get3A_408 = arith.constant 288 : index
        %get3A_409 = tpu.vector_load %arg11[%get3A_407, %get3A_408] {strides = array<i32>} : memref<40x512xf32, #tpu.memory_space<vmem>>, vector<1x16xf32>,
        %get3A_410 = vector.shape_cast %get3A_409 : vector<1x16xf32> to vector<16xf32>
        %add3A_411 = arith.addf %get3A_406, %get3A_410 : vector<16xf32>
        %swap3A_412 = arith.index_cast %scan3A_152 : i32 to index
        %swap3A_413 = arith.constant 288 : index
        %swap3A_414 = tpu.vector_load %arg9[%swap3A_412, %swap3A_413] {strides = array<i32>} : memref<40x512xf32, #tpu.memory_space<vmem>>, vector<1x16xf32>,
        %swap3A_415 = vector.shape_cast %swap3A_414 : vector<1x16xf32> to vector<16xf32>
        %swap3A_416 = vector.shape_cast %add3A_411 : vector<16xf32> to vector<1x16xf32>
        tpu.vector_store %arg9[%swap3A_412, %swap3A_413], %swap3A_416 {strides = array<i32>} : memref<40x512xf32, #tpu.memory_space<vmem>>, vector<1x16xf32>,
        %get3A_417 = arith.index_cast %scan3A_152 : i32 to index
        %get3A_418 = arith.constant 304 : index
        %get3A_419 = tpu.vector_load %arg9[%get3A_417, %get3A_418] {strides = array<i32>} : memref<40x512xf32, #tpu.memory_space<vmem>>, vector<1x16xf32>,
        %get3A_420 = vector.shape_cast %get3A_419 : vector<1x16xf32> to vector<16xf32>
        %get3A_421 = arith.index_cast %scan3A_152 : i32 to index
        %get3A_422 = arith.constant 304 : index
        %get3A_423 = tpu.vector_load %arg11[%get3A_421, %get3A_422] {strides = array<i32>} : memref<40x512xf32, #tpu.memory_space<vmem>>, vector<1x16xf32>,
        %get3A_424 = vector.shape_cast %get3A_423 : vector<1x16xf32> to vector<16xf32>
        %add3A_425 = arith.addf %get3A_420, %get3A_424 : vector<16xf32>
        %swap3A_426 = arith.index_cast %scan3A_152 : i32 to index
        %swap3A_427 = arith.constant 304 : index
        %swap3A_428 = tpu.vector_load %arg9[%swap3A_426, %swap3A_427] {strides = array<i32>} : memref<40x512xf32, #tpu.memory_space<vmem>>, vector<1x16xf32>,
        %swap3A_429 = vector.shape_cast %swap3A_428 : vector<1x16xf32> to vector<16xf32>
        %swap3A_430 = vector.shape_cast %add3A_425 : vector<16xf32> to vector<1x16xf32>
        tpu.vector_store %arg9[%swap3A_426, %swap3A_427], %swap3A_430 {strides = array<i32>} : memref<40x512xf32, #tpu.memory_space<vmem>>, vector<1x16xf32>,
        %get3A_431 = arith.index_cast %scan3A_152 : i32 to index
        %get3A_432 = arith.constant 320 : index
        %get3A_433 = tpu.vector_load %arg9[%get3A_431, %get3A_432] {strides = array<i32>} : memref<40x512xf32, #tpu.memory_space<vmem>>, vector<1x16xf32>,
        %get3A_434 = vector.shape_cast %get3A_433 : vector<1x16xf32> to vector<16xf32>
        %get3A_435 = arith.index_cast %scan3A_152 : i32 to index
        %get3A_436 = arith.constant 320 : index
        %get3A_437 = tpu.vector_load %arg11[%get3A_435, %get3A_436] {strides = array<i32>} : memref<40x512xf32, #tpu.memory_space<vmem>>, vector<1x16xf32>,
        %get3A_438 = vector.shape_cast %get3A_437 : vector<1x16xf32> to vector<16xf32>
        %add3A_439 = arith.addf %get3A_434, %get3A_438 : vector<16xf32>
        %swap3A_440 = arith.index_cast %scan3A_152 : i32 to index
        %swap3A_441 = arith.constant 320 : index
        %swap3A_442 = tpu.vector_load %arg9[%swap3A_440, %swap3A_441] {strides = array<i32>} : memref<40x512xf32, #tpu.memory_space<vmem>>, vector<1x16xf32>,
        %swap3A_443 = vector.shape_cast %swap3A_442 : vector<1x16xf32> to vector<16xf32>
        %swap3A_444 = vector.shape_cast %add3A_439 : vector<16xf32> to vector<1x16xf32>
        tpu.vector_store %arg9[%swap3A_440, %swap3A_441], %swap3A_444 {strides = array<i32>} : memref<40x512xf32, #tpu.memory_space<vmem>>, vector<1x16xf32>,
        %get3A_445 = arith.index_cast %scan3A_152 : i32 to index
        %get3A_446 = arith.constant 336 : index
        %get3A_447 = tpu.vector_load %arg9[%get3A_445, %get3A_446] {strides = array<i32>} : memref<40x512xf32, #tpu.memory_space<vmem>>, vector<1x16xf32>,
        %get3A_448 = vector.shape_cast %get3A_447 : vector<1x16xf32> to vector<16xf32>
        %get3A_449 = arith.index_cast %scan3A_152 : i32 to index
        %get3A_450 = arith.constant 336 : index
        %get3A_451 = tpu.vector_load %arg11[%get3A_449, %get3A_450] {strides = array<i32>} : memref<40x512xf32, #tpu.memory_space<vmem>>, vector<1x16xf32>,
        %get3A_452 = vector.shape_cast %get3A_451 : vector<1x16xf32> to vector<16xf32>
        %add3A_453 = arith.addf %get3A_448, %get3A_452 : vector<16xf32>
        %swap3A_454 = arith.index_cast %scan3A_152 : i32 to index
        %swap3A_455 = arith.constant 336 : index
        %swap3A_456 = tpu.vector_load %arg9[%swap3A_454, %swap3A_455] {strides = array<i32>} : memref<40x512xf32, #tpu.memory_space<vmem>>, vector<1x16xf32>,
        %swap3A_457 = vector.shape_cast %swap3A_456 : vector<1x16xf32> to vector<16xf32>
        %swap3A_458 = vector.shape_cast %add3A_453 : vector<16xf32> to vector<1x16xf32>
        tpu.vector_store %arg9[%swap3A_454, %swap3A_455], %swap3A_458 {strides = array<i32>} : memref<40x512xf32, #tpu.memory_space<vmem>>, vector<1x16xf32>,
        %get3A_459 = arith.index_cast %scan3A_152 : i32 to index
        %get3A_460 = arith.constant 352 : index
        %get3A_461 = tpu.vector_load %arg9[%get3A_459, %get3A_460] {strides = array<i32>} : memref<40x512xf32, #tpu.memory_space<vmem>>, vector<1x16xf32>,
        %get3A_462 = vector.shape_cast %get3A_461 : vector<1x16xf32> to vector<16xf32>
        %get3A_463 = arith.index_cast %scan3A_152 : i32 to index
        %get3A_464 = arith.constant 352 : index
        %get3A_465 = tpu.vector_load %arg11[%get3A_463, %get3A_464] {strides = array<i32>} : memref<40x512xf32, #tpu.memory_space<vmem>>, vector<1x16xf32>,
        %get3A_466 = vector.shape_cast %get3A_465 : vector<1x16xf32> to vector<16xf32>
        %add3A_467 = arith.addf %get3A_462, %get3A_466 : vector<16xf32>
        %swap3A_468 = arith.index_cast %scan3A_152 : i32 to index
        %swap3A_469 = arith.constant 352 : index
        %swap3A_470 = tpu.vector_load %arg9[%swap3A_468, %swap3A_469] {strides = array<i32>} : memref<40x512xf32, #tpu.memory_space<vmem>>, vector<1x16xf32>,
        %swap3A_471 = vector.shape_cast %swap3A_470 : vector<1x16xf32> to vector<16xf32>
        %swap3A_472 = vector.shape_cast %add3A_467 : vector<16xf32> to vector<1x16xf32>
        tpu.vector_store %arg9[%swap3A_468, %swap3A_469], %swap3A_472 {strides = array<i32>} : memref<40x512xf32, #tpu.memory_space<vmem>>, vector<1x16xf32>,
        %get3A_473 = arith.index_cast %scan3A_152 : i32 to index
        %get3A_474 = arith.constant 368 : index
        %get3A_475 = tpu.vector_load %arg9[%get3A_473, %get3A_474] {strides = array<i32>} : memref<40x512xf32, #tpu.memory_space<vmem>>, vector<1x16xf32>,
        %get3A_476 = vector.shape_cast %get3A_475 : vector<1x16xf32> to vector<16xf32>
        %get3A_477 = arith.index_cast %scan3A_152 : i32 to index
        %get3A_478 = arith.constant 368 : index
        %get3A_479 = tpu.vector_load %arg11[%get3A_477, %get3A_478] {strides = array<i32>} : memref<40x512xf32, #tpu.memory_space<vmem>>, vector<1x16xf32>,
        %get3A_480 = vector.shape_cast %get3A_479 : vector<1x16xf32> to vector<16xf32>
        %add3A_481 = arith.addf %get3A_476, %get3A_480 : vector<16xf32>
        %swap3A_482 = arith.index_cast %scan3A_152 : i32 to index
        %swap3A_483 = arith.constant 368 : index
        %swap3A_484 = tpu.vector_load %arg9[%swap3A_482, %swap3A_483] {strides = array<i32>} : memref<40x512xf32, #tpu.memory_space<vmem>>, vector<1x16xf32>,
        %swap3A_485 = vector.shape_cast %swap3A_484 : vector<1x16xf32> to vector<16xf32>
        %swap3A_486 = vector.shape_cast %add3A_481 : vector<16xf32> to vector<1x16xf32>
        tpu.vector_store %arg9[%swap3A_482, %swap3A_483], %swap3A_486 {strides = array<i32>} : memref<40x512xf32, #tpu.memory_space<vmem>>, vector<1x16xf32>,
        %get3A_487 = arith.index_cast %scan3A_152 : i32 to index
        %get3A_488 = arith.constant 384 : index
        %get3A_489 = tpu.vector_load %arg9[%get3A_487, %get3A_488] {strides = array<i32>} : memref<40x512xf32, #tpu.memory_space<vmem>>, vector<1x16xf32>,
        %get3A_490 = vector.shape_cast %get3A_489 : vector<1x16xf32> to vector<16xf32>
        %get3A_491 = arith.index_cast %scan3A_152 : i32 to index
        %get3A_492 = arith.constant 384 : index
        %get3A_493 = tpu.vector_load %arg11[%get3A_491, %get3A_492] {strides = array<i32>} : memref<40x512xf32, #tpu.memory_space<vmem>>, vector<1x16xf32>,
        %get3A_494 = vector.shape_cast %get3A_493 : vector<1x16xf32> to vector<16xf32>
        %add3A_495 = arith.addf %get3A_490, %get3A_494 : vector<16xf32>
        %swap3A_496 = arith.index_cast %scan3A_152 : i32 to index
        %swap3A_497 = arith.constant 384 : index
        %swap3A_498 = tpu.vector_load %arg9[%swap3A_496, %swap3A_497] {strides = array<i32>} : memref<40x512xf32, #tpu.memory_space<vmem>>, vector<1x16xf32>,
        %swap3A_499 = vector.shape_cast %swap3A_498 : vector<1x16xf32> to vector<16xf32>
        %swap3A_500 = vector.shape_cast %add3A_495 : vector<16xf32> to vector<1x16xf32>
        tpu.vector_store %arg9[%swap3A_496, %swap3A_497], %swap3A_500 {strides = array<i32>} : memref<40x512xf32, #tpu.memory_space<vmem>>, vector<1x16xf32>,
        %get3A_501 = arith.index_cast %scan3A_152 : i32 to index
        %get3A_502 = arith.constant 400 : index
        %get3A_503 = tpu.vector_load %arg9[%get3A_501, %get3A_502] {strides = array<i32>} : memref<40x512xf32, #tpu.memory_space<vmem>>, vector<1x16xf32>,
        %get3A_504 = vector.shape_cast %get3A_503 : vector<1x16xf32> to vector<16xf32>
        %get3A_505 = arith.index_cast %scan3A_152 : i32 to index
        %get3A_506 = arith.constant 400 : index
        %get3A_507 = tpu.vector_load %arg11[%get3A_505, %get3A_506] {strides = array<i32>} : memref<40x512xf32, #tpu.memory_space<vmem>>, vector<1x16xf32>,
        %get3A_508 = vector.shape_cast %get3A_507 : vector<1x16xf32> to vector<16xf32>
        %add3A_509 = arith.addf %get3A_504, %get3A_508 : vector<16xf32>
        %swap3A_510 = arith.index_cast %scan3A_152 : i32 to index
        %swap3A_511 = arith.constant 400 : index
        %swap3A_512 = tpu.vector_load %arg9[%swap3A_510, %swap3A_511] {strides = array<i32>} : memref<40x512xf32, #tpu.memory_space<vmem>>, vector<1x16xf32>,
        %swap3A_513 = vector.shape_cast %swap3A_512 : vector<1x16xf32> to vector<16xf32>
        %swap3A_514 = vector.shape_cast %add3A_509 : vector<16xf32> to vector<1x16xf32>
        tpu.vector_store %arg9[%swap3A_510, %swap3A_511], %swap3A_514 {strides = array<i32>} : memref<40x512xf32, #tpu.memory_space<vmem>>, vector<1x16xf32>,
        %get3A_515 = arith.index_cast %scan3A_152 : i32 to index
        %get3A_516 = arith.constant 416 : index
        %get3A_517 = tpu.vector_load %arg9[%get3A_515, %get3A_516] {strides = array<i32>} : memref<40x512xf32, #tpu.memory_space<vmem>>, vector<1x16xf32>,
        %get3A_518 = vector.shape_cast %get3A_517 : vector<1x16xf32> to vector<16xf32>
        %get3A_519 = arith.index_cast %scan3A_152 : i32 to index
        %get3A_520 = arith.constant 416 : index
        %get3A_521 = tpu.vector_load %arg11[%get3A_519, %get3A_520] {strides = array<i32>} : memref<40x512xf32, #tpu.memory_space<vmem>>, vector<1x16xf32>,
        %get3A_522 = vector.shape_cast %get3A_521 : vector<1x16xf32> to vector<16xf32>
        %add3A_523 = arith.addf %get3A_518, %get3A_522 : vector<16xf32>
        %swap3A_524 = arith.index_cast %scan3A_152 : i32 to index
        %swap3A_525 = arith.constant 416 : index
        %swap3A_526 = tpu.vector_load %arg9[%swap3A_524, %swap3A_525] {strides = array<i32>} : memref<40x512xf32, #tpu.memory_space<vmem>>, vector<1x16xf32>,
        %swap3A_527 = vector.shape_cast %swap3A_526 : vector<1x16xf32> to vector<16xf32>
        %swap3A_528 = vector.shape_cast %add3A_523 : vector<16xf32> to vector<1x16xf32>
        tpu.vector_store %arg9[%swap3A_524, %swap3A_525], %swap3A_528 {strides = array<i32>} : memref<40x512xf32, #tpu.memory_space<vmem>>, vector<1x16xf32>,
        %get3A_529 = arith.index_cast %scan3A_152 : i32 to index
        %get3A_530 = arith.constant 432 : index
        %get3A_531 = tpu.vector_load %arg9[%get3A_529, %get3A_530] {strides = array<i32>} : memref<40x512xf32, #tpu.memory_space<vmem>>, vector<1x16xf32>,
        %get3A_532 = vector.shape_cast %get3A_531 : vector<1x16xf32> to vector<16xf32>
        %get3A_533 = arith.index_cast %scan3A_152 : i32 to index
        %get3A_534 = arith.constant 432 : index
        %get3A_535 = tpu.vector_load %arg11[%get3A_533, %get3A_534] {strides = array<i32>} : memref<40x512xf32, #tpu.memory_space<vmem>>, vector<1x16xf32>,
        %get3A_536 = vector.shape_cast %get3A_535 : vector<1x16xf32> to vector<16xf32>
        %add3A_537 = arith.addf %get3A_532, %get3A_536 : vector<16xf32>
        %swap3A_538 = arith.index_cast %scan3A_152 : i32 to index
        %swap3A_539 = arith.constant 432 : index
        %swap3A_540 = tpu.vector_load %arg9[%swap3A_538, %swap3A_539] {strides = array<i32>} : memref<40x512xf32, #tpu.memory_space<vmem>>, vector<1x16xf32>,
        %swap3A_541 = vector.shape_cast %swap3A_540 : vector<1x16xf32> to vector<16xf32>
        %swap3A_542 = vector.shape_cast %add3A_537 : vector<16xf32> to vector<1x16xf32>
        tpu.vector_store %arg9[%swap3A_538, %swap3A_539], %swap3A_542 {strides = array<i32>} : memref<40x512xf32, #tpu.memory_space<vmem>>, vector<1x16xf32>,
        %get3A_543 = arith.index_cast %scan3A_152 : i32 to index
        %get3A_544 = arith.constant 448 : index
        %get3A_545 = tpu.vector_load %arg9[%get3A_543, %get3A_544] {strides = array<i32>} : memref<40x512xf32, #tpu.memory_space<vmem>>, vector<1x16xf32>,
        %get3A_546 = vector.shape_cast %get3A_545 : vector<1x16xf32> to vector<16xf32>
        %get3A_547 = arith.index_cast %scan3A_152 : i32 to index
        %get3A_548 = arith.constant 448 : index
        %get3A_549 = tpu.vector_load %arg11[%get3A_547, %get3A_548] {strides = array<i32>} : memref<40x512xf32, #tpu.memory_space<vmem>>, vector<1x16xf32>,
        %get3A_550 = vector.shape_cast %get3A_549 : vector<1x16xf32> to vector<16xf32>
        %add3A_551 = arith.addf %get3A_546, %get3A_550 : vector<16xf32>
        %swap3A_552 = arith.index_cast %scan3A_152 : i32 to index
        %swap3A_553 = arith.constant 448 : index
        %swap3A_554 = tpu.vector_load %arg9[%swap3A_552, %swap3A_553] {strides = array<i32>} : memref<40x512xf32, #tpu.memory_space<vmem>>, vector<1x16xf32>,
        %swap3A_555 = vector.shape_cast %swap3A_554 : vector<1x16xf32> to vector<16xf32>
        %swap3A_556 = vector.shape_cast %add3A_551 : vector<16xf32> to vector<1x16xf32>
        tpu.vector_store %arg9[%swap3A_552, %swap3A_553], %swap3A_556 {strides = array<i32>} : memref<40x512xf32, #tpu.memory_space<vmem>>, vector<1x16xf32>,
        %get3A_557 = arith.index_cast %scan3A_152 : i32 to index
        %get3A_558 = arith.constant 464 : index
        %get3A_559 = tpu.vector_load %arg9[%get3A_557, %get3A_558] {strides = array<i32>} : memref<40x512xf32, #tpu.memory_space<vmem>>, vector<1x16xf32>,
        %get3A_560 = vector.shape_cast %get3A_559 : vector<1x16xf32> to vector<16xf32>
        %get3A_561 = arith.index_cast %scan3A_152 : i32 to index
        %get3A_562 = arith.constant 464 : index
        %get3A_563 = tpu.vector_load %arg11[%get3A_561, %get3A_562] {strides = array<i32>} : memref<40x512xf32, #tpu.memory_space<vmem>>, vector<1x16xf32>,
        %get3A_564 = vector.shape_cast %get3A_563 : vector<1x16xf32> to vector<16xf32>
        %add3A_565 = arith.addf %get3A_560, %get3A_564 : vector<16xf32>
        %swap3A_566 = arith.index_cast %scan3A_152 : i32 to index
        %swap3A_567 = arith.constant 464 : index
        %swap3A_568 = tpu.vector_load %arg9[%swap3A_566, %swap3A_567] {strides = array<i32>} : memref<40x512xf32, #tpu.memory_space<vmem>>, vector<1x16xf32>,
        %swap3A_569 = vector.shape_cast %swap3A_568 : vector<1x16xf32> to vector<16xf32>
        %swap3A_570 = vector.shape_cast %add3A_565 : vector<16xf32> to vector<1x16xf32>
        tpu.vector_store %arg9[%swap3A_566, %swap3A_567], %swap3A_570 {strides = array<i32>} : memref<40x512xf32, #tpu.memory_space<vmem>>, vector<1x16xf32>,
        %get3A_571 = arith.index_cast %scan3A_152 : i32 to index
        %get3A_572 = arith.constant 480 : index
        %get3A_573 = tpu.vector_load %arg9[%get3A_571, %get3A_572] {strides = array<i32>} : memref<40x512xf32, #tpu.memory_space<vmem>>, vector<1x16xf32>,
        %get3A_574 = vector.shape_cast %get3A_573 : vector<1x16xf32> to vector<16xf32>
        %get3A_575 = arith.index_cast %scan3A_152 : i32 to index
        %get3A_576 = arith.constant 480 : index
        %get3A_577 = tpu.vector_load %arg11[%get3A_575, %get3A_576] {strides = array<i32>} : memref<40x512xf32, #tpu.memory_space<vmem>>, vector<1x16xf32>,
        %get3A_578 = vector.shape_cast %get3A_577 : vector<1x16xf32> to vector<16xf32>
        %add3A_579 = arith.addf %get3A_574, %get3A_578 : vector<16xf32>
        %swap3A_580 = arith.index_cast %scan3A_152 : i32 to index
        %swap3A_581 = arith.constant 480 : index
        %swap3A_582 = tpu.vector_load %arg9[%swap3A_580, %swap3A_581] {strides = array<i32>} : memref<40x512xf32, #tpu.memory_space<vmem>>, vector<1x16xf32>,
        %swap3A_583 = vector.shape_cast %swap3A_582 : vector<1x16xf32> to vector<16xf32>
        %swap3A_584 = vector.shape_cast %add3A_579 : vector<16xf32> to vector<1x16xf32>
        tpu.vector_store %arg9[%swap3A_580, %swap3A_581], %swap3A_584 {strides = array<i32>} : memref<40x512xf32, #tpu.memory_space<vmem>>, vector<1x16xf32>,
        %get3A_585 = arith.index_cast %scan3A_152 : i32 to index
        %get3A_586 = arith.constant 496 : index
        %get3A_587 = tpu.vector_load %arg9[%get3A_585, %get3A_586] {strides = array<i32>} : memref<40x512xf32, #tpu.memory_space<vmem>>, vector<1x16xf32>,
        %get3A_588 = vector.shape_cast %get3A_587 : vector<1x16xf32> to vector<16xf32>
        %get3A_589 = arith.index_cast %scan3A_152 : i32 to index
        %get3A_590 = arith.constant 496 : index
        %get3A_591 = tpu.vector_load %arg11[%get3A_589, %get3A_590] {strides = array<i32>} : memref<40x512xf32, #tpu.memory_space<vmem>>, vector<1x16xf32>,
        %get3A_592 = vector.shape_cast %get3A_591 : vector<1x16xf32> to vector<16xf32>
        %add3A_593 = arith.addf %get3A_588, %get3A_592 : vector<16xf32>
        %swap3A_594 = arith.index_cast %scan3A_152 : i32 to index
        %swap3A_595 = arith.constant 496 : index
        %swap3A_596 = tpu.vector_load %arg9[%swap3A_594, %swap3A_595] {strides = array<i32>} : memref<40x512xf32, #tpu.memory_space<vmem>>, vector<1x16xf32>,
        %swap3A_597 = vector.shape_cast %swap3A_596 : vector<1x16xf32> to vector<16xf32>
        %swap3A_598 = vector.shape_cast %add3A_593 : vector<16xf32> to vector<1x16xf32>
        tpu.vector_store %arg9[%swap3A_594, %swap3A_595], %swap3A_598 {strides = array<i32>} : memref<40x512xf32, #tpu.memory_space<vmem>>, vector<1x16xf32>,
      }
      %scan3A_88 = arith.constant 40 : i32
      %mul3A_89 = arith.constant 5000 : i32
      %mul3A_90 = arith.muli %add3A, %mul3A_89 : i32
      %mul3A_91 = arith.constant 40 : i32
      %mul3A_92 = arith.muli %mul3A_68, %mul3A_91 : i32
      %add3A_93 = arith.addi %mul3A_90, %mul3A_92 : i32
      %dma_start3A_94 = arith.constant 0 : i32
      %dma_start3A_95 = tpu.memref_slice %arg6[%add3A_93, %dma_start3A_94] : memref<160000x512xf32, #tpu.memory_space<hbm>> -> memref<40x512xf32, #tpu.memory_space<hbm>>
      %dma_start3A_96 = arith.constant 0 : i32
      %dma_start3A_97 = tpu.memref_slice %arg6[%add3A_93, %dma_start3A_96] : memref<160000x512xf32, #tpu.memory_space<hbm>> -> memref<40x512xf32, #tpu.memory_space<hbm>>
      tpu.enqueue_dma source(%arg9 : memref<40x512xf32, #tpu.memory_space<vmem>>) target(%dma_start3A_97 : memref<40x512xf32, #tpu.memory_space<hbm>>) target_semaphore(%arg15 : memref<!tpu.dma_semaphore, #tpu.memory_space<semaphore_mem>>)
      %dma_wait3A_98 = arith.constant 0 : i32
      %dma_wait3A_99 = arith.constant 0 : i32
      %dma_wait3A_100 = tpu.memref_slice %arg7[%dma_wait3A_98, %dma_wait3A_99] : memref<125x40xi32, #tpu.memory_space<vmem>> -> memref<1x40xi32, #tpu.memory_space<vmem>>
      %dma_wait3A_101 = tpu.memref_squeeze %dma_wait3A_100 : memref<1x40xi32, #tpu.memory_space<vmem>> -> memref<40xi32, #tpu.memory_space<vmem>>
      %dma_wait3A_102 = arith.constant 0 : i32
      %dma_wait3A_103 = arith.constant 0 : i32
      %dma_wait3A_104 = tpu.memref_slice %arg2[%dma_wait3A_102, %dma_wait3A_103] : memref<10000x512xf32, #tpu.memory_space<hbm>> -> memref<10000x512xf32, #tpu.memory_space<hbm>>
      tpu.wait_indirect_dma semaphore(%arg14 : memref<!tpu.dma_semaphore, #tpu.memory_space<semaphore_mem>>) src(%dma_wait3A_104 : memref<10000x512xf32, #tpu.memory_space<hbm>>) dst(%arg10 : memref<40x512xf32, #tpu.memory_space<vmem>>)
      %dma_wait3A_105 = arith.constant 0 : i32
      %dma_wait3A_106 = arith.constant 0 : i32
      %dma_wait3A_107 = tpu.memref_slice %arg8[%dma_wait3A_105, %dma_wait3A_106] : memref<125x40xi32, #tpu.memory_space<vmem>> -> memref<1x40xi32, #tpu.memory_space<vmem>>
      %dma_wait3A_108 = tpu.memref_squeeze %dma_wait3A_107 : memref<1x40xi32, #tpu.memory_space<vmem>> -> memref<40xi32, #tpu.memory_space<vmem>>
      %dma_wait3A_109 = arith.constant 0 : i32
      %dma_wait3A_110 = arith.constant 0 : i32
      %dma_wait3A_111 = tpu.memref_slice %arg3[%dma_wait3A_109, %dma_wait3A_110] : memref<10000x512xf32, #tpu.memory_space<hbm>> -> memref<10000x512xf32, #tpu.memory_space<hbm>>
      tpu.wait_indirect_dma semaphore(%arg14 : memref<!tpu.dma_semaphore, #tpu.memory_space<semaphore_mem>>) src(%dma_wait3A_111 : memref<10000x512xf32, #tpu.memory_space<hbm>>) dst(%arg12 : memref<40x512xf32, #tpu.memory_space<vmem>>)
      %scan3A_112 = arith.constant 0 : i32
      %scan3A_113 = arith.constant 0 : i32
      %scan3A_114 = arith.constant 40 : i32
      %scan3A_115 = arith.addi %scan3A_113, %scan3A_114 : i32
      %scan3A_116 = arith.constant 1 : i32
      scf.for %scan3A_152 = %scan3A_113 to %scan3A_115 step %scan3A_116  : i32 {
        %get3A = arith.index_cast %scan3A_152 : i32 to index
        %get3A_153 = arith.constant 0 : index
        %get3A_154 = tpu.vector_load %arg10[%get3A, %get3A_153] {strides = array<i32>} : memref<40x512xf32, #tpu.memory_space<vmem>>, vector<1x16xf32>,
        %get3A_155 = vector.shape_cast %get3A_154 : vector<1x16xf32> to vector<16xf32>
        %get3A_156 = arith.index_cast %scan3A_152 : i32 to index
        %get3A_157 = arith.constant 0 : index
        %get3A_158 = tpu.vector_load %arg12[%get3A_156, %get3A_157] {strides = array<i32>} : memref<40x512xf32, #tpu.memory_space<vmem>>, vector<1x16xf32>,
        %get3A_159 = vector.shape_cast %get3A_158 : vector<1x16xf32> to vector<16xf32>
        %add3A_160 = arith.addf %get3A_155, %get3A_159 : vector<16xf32>
        %swap3A = arith.index_cast %scan3A_152 : i32 to index
        %swap3A_161 = arith.constant 0 : index
        %swap3A_162 = tpu.vector_load %arg10[%swap3A, %swap3A_161] {strides = array<i32>} : memref<40x512xf32, #tpu.memory_space<vmem>>, vector<1x16xf32>,
        %swap3A_163 = vector.shape_cast %swap3A_162 : vector<1x16xf32> to vector<16xf32>
        %swap3A_164 = vector.shape_cast %add3A_160 : vector<16xf32> to vector<1x16xf32>
        tpu.vector_store %arg10[%swap3A, %swap3A_161], %swap3A_164 {strides = array<i32>} : memref<40x512xf32, #tpu.memory_space<vmem>>, vector<1x16xf32>,
        %get3A_165 = arith.index_cast %scan3A_152 : i32 to index
        %get3A_166 = arith.constant 16 : index
        %get3A_167 = tpu.vector_load %arg10[%get3A_165, %get3A_166] {strides = array<i32>} : memref<40x512xf32, #tpu.memory_space<vmem>>, vector<1x16xf32>,
        %get3A_168 = vector.shape_cast %get3A_167 : vector<1x16xf32> to vector<16xf32>
        %get3A_169 = arith.index_cast %scan3A_152 : i32 to index
        %get3A_170 = arith.constant 16 : index
        %get3A_171 = tpu.vector_load %arg12[%get3A_169, %get3A_170] {strides = array<i32>} : memref<40x512xf32, #tpu.memory_space<vmem>>, vector<1x16xf32>,
        %get3A_172 = vector.shape_cast %get3A_171 : vector<1x16xf32> to vector<16xf32>
        %add3A_173 = arith.addf %get3A_168, %get3A_172 : vector<16xf32>
        %swap3A_174 = arith.index_cast %scan3A_152 : i32 to index
        %swap3A_175 = arith.constant 16 : index
        %swap3A_176 = tpu.vector_load %arg10[%swap3A_174, %swap3A_175] {strides = array<i32>} : memref<40x512xf32, #tpu.memory_space<vmem>>, vector<1x16xf32>,
        %swap3A_177 = vector.shape_cast %swap3A_176 : vector<1x16xf32> to vector<16xf32>
        %swap3A_178 = vector.shape_cast %add3A_173 : vector<16xf32> to vector<1x16xf32>
        tpu.vector_store %arg10[%swap3A_174, %swap3A_175], %swap3A_178 {strides = array<i32>} : memref<40x512xf32, #tpu.memory_space<vmem>>, vector<1x16xf32>,
        %get3A_179 = arith.index_cast %scan3A_152 : i32 to index
        %get3A_180 = arith.constant 32 : index
        %get3A_181 = tpu.vector_load %arg10[%get3A_179, %get3A_180] {strides = array<i32>} : memref<40x512xf32, #tpu.memory_space<vmem>>, vector<1x16xf32>,
        %get3A_182 = vector.shape_cast %get3A_181 : vector<1x16xf32> to vector<16xf32>
        %get3A_183 = arith.index_cast %scan3A_152 : i32 to index
        %get3A_184 = arith.constant 32 : index
        %get3A_185 = tpu.vector_load %arg12[%get3A_183, %get3A_184] {strides = array<i32>} : memref<40x512xf32, #tpu.memory_space<vmem>>, vector<1x16xf32>,
        %get3A_186 = vector.shape_cast %get3A_185 : vector<1x16xf32> to vector<16xf32>
        %add3A_187 = arith.addf %get3A_182, %get3A_186 : vector<16xf32>
        %swap3A_188 = arith.index_cast %scan3A_152 : i32 to index
        %swap3A_189 = arith.constant 32 : index
        %swap3A_190 = tpu.vector_load %arg10[%swap3A_188, %swap3A_189] {strides = array<i32>} : memref<40x512xf32, #tpu.memory_space<vmem>>, vector<1x16xf32>,
        %swap3A_191 = vector.shape_cast %swap3A_190 : vector<1x16xf32> to vector<16xf32>
        %swap3A_192 = vector.shape_cast %add3A_187 : vector<16xf32> to vector<1x16xf32>
        tpu.vector_store %arg10[%swap3A_188, %swap3A_189], %swap3A_192 {strides = array<i32>} : memref<40x512xf32, #tpu.memory_space<vmem>>, vector<1x16xf32>,
        %get3A_193 = arith.index_cast %scan3A_152 : i32 to index
        %get3A_194 = arith.constant 48 : index
        %get3A_195 = tpu.vector_load %arg10[%get3A_193, %get3A_194] {strides = array<i32>} : memref<40x512xf32, #tpu.memory_space<vmem>>, vector<1x16xf32>,
        %get3A_196 = vector.shape_cast %get3A_195 : vector<1x16xf32> to vector<16xf32>
        %get3A_197 = arith.index_cast %scan3A_152 : i32 to index
        %get3A_198 = arith.constant 48 : index
        %get3A_199 = tpu.vector_load %arg12[%get3A_197, %get3A_198] {strides = array<i32>} : memref<40x512xf32, #tpu.memory_space<vmem>>, vector<1x16xf32>,
        %get3A_200 = vector.shape_cast %get3A_199 : vector<1x16xf32> to vector<16xf32>
        %add3A_201 = arith.addf %get3A_196, %get3A_200 : vector<16xf32>
        %swap3A_202 = arith.index_cast %scan3A_152 : i32 to index
        %swap3A_203 = arith.constant 48 : index
        %swap3A_204 = tpu.vector_load %arg10[%swap3A_202, %swap3A_203] {strides = array<i32>} : memref<40x512xf32, #tpu.memory_space<vmem>>, vector<1x16xf32>,
        %swap3A_205 = vector.shape_cast %swap3A_204 : vector<1x16xf32> to vector<16xf32>
        %swap3A_206 = vector.shape_cast %add3A_201 : vector<16xf32> to vector<1x16xf32>
        tpu.vector_store %arg10[%swap3A_202, %swap3A_203], %swap3A_206 {strides = array<i32>} : memref<40x512xf32, #tpu.memory_space<vmem>>, vector<1x16xf32>,
        %get3A_207 = arith.index_cast %scan3A_152 : i32 to index
        %get3A_208 = arith.constant 64 : index
        %get3A_209 = tpu.vector_load %arg10[%get3A_207, %get3A_208] {strides = array<i32>} : memref<40x512xf32, #tpu.memory_space<vmem>>, vector<1x16xf32>,
        %get3A_210 = vector.shape_cast %get3A_209 : vector<1x16xf32> to vector<16xf32>
        %get3A_211 = arith.index_cast %scan3A_152 : i32 to index
        %get3A_212 = arith.constant 64 : index
        %get3A_213 = tpu.vector_load %arg12[%get3A_211, %get3A_212] {strides = array<i32>} : memref<40x512xf32, #tpu.memory_space<vmem>>, vector<1x16xf32>,
        %get3A_214 = vector.shape_cast %get3A_213 : vector<1x16xf32> to vector<16xf32>
        %add3A_215 = arith.addf %get3A_210, %get3A_214 : vector<16xf32>
        %swap3A_216 = arith.index_cast %scan3A_152 : i32 to index
        %swap3A_217 = arith.constant 64 : index
        %swap3A_218 = tpu.vector_load %arg10[%swap3A_216, %swap3A_217] {strides = array<i32>} : memref<40x512xf32, #tpu.memory_space<vmem>>, vector<1x16xf32>,
        %swap3A_219 = vector.shape_cast %swap3A_218 : vector<1x16xf32> to vector<16xf32>
        %swap3A_220 = vector.shape_cast %add3A_215 : vector<16xf32> to vector<1x16xf32>
        tpu.vector_store %arg10[%swap3A_216, %swap3A_217], %swap3A_220 {strides = array<i32>} : memref<40x512xf32, #tpu.memory_space<vmem>>, vector<1x16xf32>,
        %get3A_221 = arith.index_cast %scan3A_152 : i32 to index
        %get3A_222 = arith.constant 80 : index
        %get3A_223 = tpu.vector_load %arg10[%get3A_221, %get3A_222] {strides = array<i32>} : memref<40x512xf32, #tpu.memory_space<vmem>>, vector<1x16xf32>,
        %get3A_224 = vector.shape_cast %get3A_223 : vector<1x16xf32> to vector<16xf32>
        %get3A_225 = arith.index_cast %scan3A_152 : i32 to index
        %get3A_226 = arith.constant 80 : index
        %get3A_227 = tpu.vector_load %arg12[%get3A_225, %get3A_226] {strides = array<i32>} : memref<40x512xf32, #tpu.memory_space<vmem>>, vector<1x16xf32>,
        %get3A_228 = vector.shape_cast %get3A_227 : vector<1x16xf32> to vector<16xf32>
        %add3A_229 = arith.addf %get3A_224, %get3A_228 : vector<16xf32>
        %swap3A_230 = arith.index_cast %scan3A_152 : i32 to index
        %swap3A_231 = arith.constant 80 : index
        %swap3A_232 = tpu.vector_load %arg10[%swap3A_230, %swap3A_231] {strides = array<i32>} : memref<40x512xf32, #tpu.memory_space<vmem>>, vector<1x16xf32>,
        %swap3A_233 = vector.shape_cast %swap3A_232 : vector<1x16xf32> to vector<16xf32>
        %swap3A_234 = vector.shape_cast %add3A_229 : vector<16xf32> to vector<1x16xf32>
        tpu.vector_store %arg10[%swap3A_230, %swap3A_231], %swap3A_234 {strides = array<i32>} : memref<40x512xf32, #tpu.memory_space<vmem>>, vector<1x16xf32>,
        %get3A_235 = arith.index_cast %scan3A_152 : i32 to index
        %get3A_236 = arith.constant 96 : index
        %get3A_237 = tpu.vector_load %arg10[%get3A_235, %get3A_236] {strides = array<i32>} : memref<40x512xf32, #tpu.memory_space<vmem>>, vector<1x16xf32>,
        %get3A_238 = vector.shape_cast %get3A_237 : vector<1x16xf32> to vector<16xf32>
        %get3A_239 = arith.index_cast %scan3A_152 : i32 to index
        %get3A_240 = arith.constant 96 : index
        %get3A_241 = tpu.vector_load %arg12[%get3A_239, %get3A_240] {strides = array<i32>} : memref<40x512xf32, #tpu.memory_space<vmem>>, vector<1x16xf32>,
        %get3A_242 = vector.shape_cast %get3A_241 : vector<1x16xf32> to vector<16xf32>
        %add3A_243 = arith.addf %get3A_238, %get3A_242 : vector<16xf32>
        %swap3A_244 = arith.index_cast %scan3A_152 : i32 to index
        %swap3A_245 = arith.constant 96 : index
        %swap3A_246 = tpu.vector_load %arg10[%swap3A_244, %swap3A_245] {strides = array<i32>} : memref<40x512xf32, #tpu.memory_space<vmem>>, vector<1x16xf32>,
        %swap3A_247 = vector.shape_cast %swap3A_246 : vector<1x16xf32> to vector<16xf32>
        %swap3A_248 = vector.shape_cast %add3A_243 : vector<16xf32> to vector<1x16xf32>
        tpu.vector_store %arg10[%swap3A_244, %swap3A_245], %swap3A_248 {strides = array<i32>} : memref<40x512xf32, #tpu.memory_space<vmem>>, vector<1x16xf32>,
        %get3A_249 = arith.index_cast %scan3A_152 : i32 to index
        %get3A_250 = arith.constant 112 : index
        %get3A_251 = tpu.vector_load %arg10[%get3A_249, %get3A_250] {strides = array<i32>} : memref<40x512xf32, #tpu.memory_space<vmem>>, vector<1x16xf32>,
        %get3A_252 = vector.shape_cast %get3A_251 : vector<1x16xf32> to vector<16xf32>
        %get3A_253 = arith.index_cast %scan3A_152 : i32 to index
        %get3A_254 = arith.constant 112 : index
        %get3A_255 = tpu.vector_load %arg12[%get3A_253, %get3A_254] {strides = array<i32>} : memref<40x512xf32, #tpu.memory_space<vmem>>, vector<1x16xf32>,
        %get3A_256 = vector.shape_cast %get3A_255 : vector<1x16xf32> to vector<16xf32>
        %add3A_257 = arith.addf %get3A_252, %get3A_256 : vector<16xf32>
        %swap3A_258 = arith.index_cast %scan3A_152 : i32 to index
        %swap3A_259 = arith.constant 112 : index
        %swap3A_260 = tpu.vector_load %arg10[%swap3A_258, %swap3A_259] {strides = array<i32>} : memref<40x512xf32, #tpu.memory_space<vmem>>, vector<1x16xf32>,
        %swap3A_261 = vector.shape_cast %swap3A_260 : vector<1x16xf32> to vector<16xf32>
        %swap3A_262 = vector.shape_cast %add3A_257 : vector<16xf32> to vector<1x16xf32>
        tpu.vector_store %arg10[%swap3A_258, %swap3A_259], %swap3A_262 {strides = array<i32>} : memref<40x512xf32, #tpu.memory_space<vmem>>, vector<1x16xf32>,
        %get3A_263 = arith.index_cast %scan3A_152 : i32 to index
        %get3A_264 = arith.constant 128 : index
        %get3A_265 = tpu.vector_load %arg10[%get3A_263, %get3A_264] {strides = array<i32>} : memref<40x512xf32, #tpu.memory_space<vmem>>, vector<1x16xf32>,
        %get3A_266 = vector.shape_cast %get3A_265 : vector<1x16xf32> to vector<16xf32>
        %get3A_267 = arith.index_cast %scan3A_152 : i32 to index
        %get3A_268 = arith.constant 128 : index
        %get3A_269 = tpu.vector_load %arg12[%get3A_267, %get3A_268] {strides = array<i32>} : memref<40x512xf32, #tpu.memory_space<vmem>>, vector<1x16xf32>,
        %get3A_270 = vector.shape_cast %get3A_269 : vector<1x16xf32> to vector<16xf32>
        %add3A_271 = arith.addf %get3A_266, %get3A_270 : vector<16xf32>
        %swap3A_272 = arith.index_cast %scan3A_152 : i32 to index
        %swap3A_273 = arith.constant 128 : index
        %swap3A_274 = tpu.vector_load %arg10[%swap3A_272, %swap3A_273] {strides = array<i32>} : memref<40x512xf32, #tpu.memory_space<vmem>>, vector<1x16xf32>,
        %swap3A_275 = vector.shape_cast %swap3A_274 : vector<1x16xf32> to vector<16xf32>
        %swap3A_276 = vector.shape_cast %add3A_271 : vector<16xf32> to vector<1x16xf32>
        tpu.vector_store %arg10[%swap3A_272, %swap3A_273], %swap3A_276 {strides = array<i32>} : memref<40x512xf32, #tpu.memory_space<vmem>>, vector<1x16xf32>,
        %get3A_277 = arith.index_cast %scan3A_152 : i32 to index
        %get3A_278 = arith.constant 144 : index
        %get3A_279 = tpu.vector_load %arg10[%get3A_277, %get3A_278] {strides = array<i32>} : memref<40x512xf32, #tpu.memory_space<vmem>>, vector<1x16xf32>,
        %get3A_280 = vector.shape_cast %get3A_279 : vector<1x16xf32> to vector<16xf32>
        %get3A_281 = arith.index_cast %scan3A_152 : i32 to index
        %get3A_282 = arith.constant 144 : index
        %get3A_283 = tpu.vector_load %arg12[%get3A_281, %get3A_282] {strides = array<i32>} : memref<40x512xf32, #tpu.memory_space<vmem>>, vector<1x16xf32>,
        %get3A_284 = vector.shape_cast %get3A_283 : vector<1x16xf32> to vector<16xf32>
        %add3A_285 = arith.addf %get3A_280, %get3A_284 : vector<16xf32>
        %swap3A_286 = arith.index_cast %scan3A_152 : i32 to index
        %swap3A_287 = arith.constant 144 : index
        %swap3A_288 = tpu.vector_load %arg10[%swap3A_286, %swap3A_287] {strides = array<i32>} : memref<40x512xf32, #tpu.memory_space<vmem>>, vector<1x16xf32>,
        %swap3A_289 = vector.shape_cast %swap3A_288 : vector<1x16xf32> to vector<16xf32>
        %swap3A_290 = vector.shape_cast %add3A_285 : vector<16xf32> to vector<1x16xf32>
        tpu.vector_store %arg10[%swap3A_286, %swap3A_287], %swap3A_290 {strides = array<i32>} : memref<40x512xf32, #tpu.memory_space<vmem>>, vector<1x16xf32>,
        %get3A_291 = arith.index_cast %scan3A_152 : i32 to index
        %get3A_292 = arith.constant 160 : index
        %get3A_293 = tpu.vector_load %arg10[%get3A_291, %get3A_292] {strides = array<i32>} : memref<40x512xf32, #tpu.memory_space<vmem>>, vector<1x16xf32>,
        %get3A_294 = vector.shape_cast %get3A_293 : vector<1x16xf32> to vector<16xf32>
        %get3A_295 = arith.index_cast %scan3A_152 : i32 to index
        %get3A_296 = arith.constant 160 : index
        %get3A_297 = tpu.vector_load %arg12[%get3A_295, %get3A_296] {strides = array<i32>} : memref<40x512xf32, #tpu.memory_space<vmem>>, vector<1x16xf32>,
        %get3A_298 = vector.shape_cast %get3A_297 : vector<1x16xf32> to vector<16xf32>
        %add3A_299 = arith.addf %get3A_294, %get3A_298 : vector<16xf32>
        %swap3A_300 = arith.index_cast %scan3A_152 : i32 to index
        %swap3A_301 = arith.constant 160 : index
        %swap3A_302 = tpu.vector_load %arg10[%swap3A_300, %swap3A_301] {strides = array<i32>} : memref<40x512xf32, #tpu.memory_space<vmem>>, vector<1x16xf32>,
        %swap3A_303 = vector.shape_cast %swap3A_302 : vector<1x16xf32> to vector<16xf32>
        %swap3A_304 = vector.shape_cast %add3A_299 : vector<16xf32> to vector<1x16xf32>
        tpu.vector_store %arg10[%swap3A_300, %swap3A_301], %swap3A_304 {strides = array<i32>} : memref<40x512xf32, #tpu.memory_space<vmem>>, vector<1x16xf32>,
        %get3A_305 = arith.index_cast %scan3A_152 : i32 to index
        %get3A_306 = arith.constant 176 : index
        %get3A_307 = tpu.vector_load %arg10[%get3A_305, %get3A_306] {strides = array<i32>} : memref<40x512xf32, #tpu.memory_space<vmem>>, vector<1x16xf32>,
        %get3A_308 = vector.shape_cast %get3A_307 : vector<1x16xf32> to vector<16xf32>
        %get3A_309 = arith.index_cast %scan3A_152 : i32 to index
        %get3A_310 = arith.constant 176 : index
        %get3A_311 = tpu.vector_load %arg12[%get3A_309, %get3A_310] {strides = array<i32>} : memref<40x512xf32, #tpu.memory_space<vmem>>, vector<1x16xf32>,
        %get3A_312 = vector.shape_cast %get3A_311 : vector<1x16xf32> to vector<16xf32>
        %add3A_313 = arith.addf %get3A_308, %get3A_312 : vector<16xf32>
        %swap3A_314 = arith.index_cast %scan3A_152 : i32 to index
        %swap3A_315 = arith.constant 176 : index
        %swap3A_316 = tpu.vector_load %arg10[%swap3A_314, %swap3A_315] {strides = array<i32>} : memref<40x512xf32, #tpu.memory_space<vmem>>, vector<1x16xf32>,
        %swap3A_317 = vector.shape_cast %swap3A_316 : vector<1x16xf32> to vector<16xf32>
        %swap3A_318 = vector.shape_cast %add3A_313 : vector<16xf32> to vector<1x16xf32>
        tpu.vector_store %arg10[%swap3A_314, %swap3A_315], %swap3A_318 {strides = array<i32>} : memref<40x512xf32, #tpu.memory_space<vmem>>, vector<1x16xf32>,
        %get3A_319 = arith.index_cast %scan3A_152 : i32 to index
        %get3A_320 = arith.constant 192 : index
        %get3A_321 = tpu.vector_load %arg10[%get3A_319, %get3A_320] {strides = array<i32>} : memref<40x512xf32, #tpu.memory_space<vmem>>, vector<1x16xf32>,
        %get3A_322 = vector.shape_cast %get3A_321 : vector<1x16xf32> to vector<16xf32>
        %get3A_323 = arith.index_cast %scan3A_152 : i32 to index
        %get3A_324 = arith.constant 192 : index
        %get3A_325 = tpu.vector_load %arg12[%get3A_323, %get3A_324] {strides = array<i32>} : memref<40x512xf32, #tpu.memory_space<vmem>>, vector<1x16xf32>,
        %get3A_326 = vector.shape_cast %get3A_325 : vector<1x16xf32> to vector<16xf32>
        %add3A_327 = arith.addf %get3A_322, %get3A_326 : vector<16xf32>
        %swap3A_328 = arith.index_cast %scan3A_152 : i32 to index
        %swap3A_329 = arith.constant 192 : index
        %swap3A_330 = tpu.vector_load %arg10[%swap3A_328, %swap3A_329] {strides = array<i32>} : memref<40x512xf32, #tpu.memory_space<vmem>>, vector<1x16xf32>,
        %swap3A_331 = vector.shape_cast %swap3A_330 : vector<1x16xf32> to vector<16xf32>
        %swap3A_332 = vector.shape_cast %add3A_327 : vector<16xf32> to vector<1x16xf32>
        tpu.vector_store %arg10[%swap3A_328, %swap3A_329], %swap3A_332 {strides = array<i32>} : memref<40x512xf32, #tpu.memory_space<vmem>>, vector<1x16xf32>,
        %get3A_333 = arith.index_cast %scan3A_152 : i32 to index
        %get3A_334 = arith.constant 208 : index
        %get3A_335 = tpu.vector_load %arg10[%get3A_333, %get3A_334] {strides = array<i32>} : memref<40x512xf32, #tpu.memory_space<vmem>>, vector<1x16xf32>,
        %get3A_336 = vector.shape_cast %get3A_335 : vector<1x16xf32> to vector<16xf32>
        %get3A_337 = arith.index_cast %scan3A_152 : i32 to index
        %get3A_338 = arith.constant 208 : index
        %get3A_339 = tpu.vector_load %arg12[%get3A_337, %get3A_338] {strides = array<i32>} : memref<40x512xf32, #tpu.memory_space<vmem>>, vector<1x16xf32>,
        %get3A_340 = vector.shape_cast %get3A_339 : vector<1x16xf32> to vector<16xf32>
        %add3A_341 = arith.addf %get3A_336, %get3A_340 : vector<16xf32>
        %swap3A_342 = arith.index_cast %scan3A_152 : i32 to index
        %swap3A_343 = arith.constant 208 : index
        %swap3A_344 = tpu.vector_load %arg10[%swap3A_342, %swap3A_343] {strides = array<i32>} : memref<40x512xf32, #tpu.memory_space<vmem>>, vector<1x16xf32>,
        %swap3A_345 = vector.shape_cast %swap3A_344 : vector<1x16xf32> to vector<16xf32>
        %swap3A_346 = vector.shape_cast %add3A_341 : vector<16xf32> to vector<1x16xf32>
        tpu.vector_store %arg10[%swap3A_342, %swap3A_343], %swap3A_346 {strides = array<i32>} : memref<40x512xf32, #tpu.memory_space<vmem>>, vector<1x16xf32>,
        %get3A_347 = arith.index_cast %scan3A_152 : i32 to index
        %get3A_348 = arith.constant 224 : index
        %get3A_349 = tpu.vector_load %arg10[%get3A_347, %get3A_348] {strides = array<i32>} : memref<40x512xf32, #tpu.memory_space<vmem>>, vector<1x16xf32>,
        %get3A_350 = vector.shape_cast %get3A_349 : vector<1x16xf32> to vector<16xf32>
        %get3A_351 = arith.index_cast %scan3A_152 : i32 to index
        %get3A_352 = arith.constant 224 : index
        %get3A_353 = tpu.vector_load %arg12[%get3A_351, %get3A_352] {strides = array<i32>} : memref<40x512xf32, #tpu.memory_space<vmem>>, vector<1x16xf32>,
        %get3A_354 = vector.shape_cast %get3A_353 : vector<1x16xf32> to vector<16xf32>
        %add3A_355 = arith.addf %get3A_350, %get3A_354 : vector<16xf32>
        %swap3A_356 = arith.index_cast %scan3A_152 : i32 to index
        %swap3A_357 = arith.constant 224 : index
        %swap3A_358 = tpu.vector_load %arg10[%swap3A_356, %swap3A_357] {strides = array<i32>} : memref<40x512xf32, #tpu.memory_space<vmem>>, vector<1x16xf32>,
        %swap3A_359 = vector.shape_cast %swap3A_358 : vector<1x16xf32> to vector<16xf32>
        %swap3A_360 = vector.shape_cast %add3A_355 : vector<16xf32> to vector<1x16xf32>
        tpu.vector_store %arg10[%swap3A_356, %swap3A_357], %swap3A_360 {strides = array<i32>} : memref<40x512xf32, #tpu.memory_space<vmem>>, vector<1x16xf32>,
        %get3A_361 = arith.index_cast %scan3A_152 : i32 to index
        %get3A_362 = arith.constant 240 : index
        %get3A_363 = tpu.vector_load %arg10[%get3A_361, %get3A_362] {strides = array<i32>} : memref<40x512xf32, #tpu.memory_space<vmem>>, vector<1x16xf32>,
        %get3A_364 = vector.shape_cast %get3A_363 : vector<1x16xf32> to vector<16xf32>
        %get3A_365 = arith.index_cast %scan3A_152 : i32 to index
        %get3A_366 = arith.constant 240 : index
        %get3A_367 = tpu.vector_load %arg12[%get3A_365, %get3A_366] {strides = array<i32>} : memref<40x512xf32, #tpu.memory_space<vmem>>, vector<1x16xf32>,
        %get3A_368 = vector.shape_cast %get3A_367 : vector<1x16xf32> to vector<16xf32>
        %add3A_369 = arith.addf %get3A_364, %get3A_368 : vector<16xf32>
        %swap3A_370 = arith.index_cast %scan3A_152 : i32 to index
        %swap3A_371 = arith.constant 240 : index
        %swap3A_372 = tpu.vector_load %arg10[%swap3A_370, %swap3A_371] {strides = array<i32>} : memref<40x512xf32, #tpu.memory_space<vmem>>, vector<1x16xf32>,
        %swap3A_373 = vector.shape_cast %swap3A_372 : vector<1x16xf32> to vector<16xf32>
        %swap3A_374 = vector.shape_cast %add3A_369 : vector<16xf32> to vector<1x16xf32>
        tpu.vector_store %arg10[%swap3A_370, %swap3A_371], %swap3A_374 {strides = array<i32>} : memref<40x512xf32, #tpu.memory_space<vmem>>, vector<1x16xf32>,
        %get3A_375 = arith.index_cast %scan3A_152 : i32 to index
        %get3A_376 = arith.constant 256 : index
        %get3A_377 = tpu.vector_load %arg10[%get3A_375, %get3A_376] {strides = array<i32>} : memref<40x512xf32, #tpu.memory_space<vmem>>, vector<1x16xf32>,
        %get3A_378 = vector.shape_cast %get3A_377 : vector<1x16xf32> to vector<16xf32>
        %get3A_379 = arith.index_cast %scan3A_152 : i32 to index
        %get3A_380 = arith.constant 256 : index
        %get3A_381 = tpu.vector_load %arg12[%get3A_379, %get3A_380] {strides = array<i32>} : memref<40x512xf32, #tpu.memory_space<vmem>>, vector<1x16xf32>,
        %get3A_382 = vector.shape_cast %get3A_381 : vector<1x16xf32> to vector<16xf32>
        %add3A_383 = arith.addf %get3A_378, %get3A_382 : vector<16xf32>
        %swap3A_384 = arith.index_cast %scan3A_152 : i32 to index
        %swap3A_385 = arith.constant 256 : index
        %swap3A_386 = tpu.vector_load %arg10[%swap3A_384, %swap3A_385] {strides = array<i32>} : memref<40x512xf32, #tpu.memory_space<vmem>>, vector<1x16xf32>,
        %swap3A_387 = vector.shape_cast %swap3A_386 : vector<1x16xf32> to vector<16xf32>
        %swap3A_388 = vector.shape_cast %add3A_383 : vector<16xf32> to vector<1x16xf32>
        tpu.vector_store %arg10[%swap3A_384, %swap3A_385], %swap3A_388 {strides = array<i32>} : memref<40x512xf32, #tpu.memory_space<vmem>>, vector<1x16xf32>,
        %get3A_389 = arith.index_cast %scan3A_152 : i32 to index
        %get3A_390 = arith.constant 272 : index
        %get3A_391 = tpu.vector_load %arg10[%get3A_389, %get3A_390] {strides = array<i32>} : memref<40x512xf32, #tpu.memory_space<vmem>>, vector<1x16xf32>,
        %get3A_392 = vector.shape_cast %get3A_391 : vector<1x16xf32> to vector<16xf32>
        %get3A_393 = arith.index_cast %scan3A_152 : i32 to index
        %get3A_394 = arith.constant 272 : index
        %get3A_395 = tpu.vector_load %arg12[%get3A_393, %get3A_394] {strides = array<i32>} : memref<40x512xf32, #tpu.memory_space<vmem>>, vector<1x16xf32>,
        %get3A_396 = vector.shape_cast %get3A_395 : vector<1x16xf32> to vector<16xf32>
        %add3A_397 = arith.addf %get3A_392, %get3A_396 : vector<16xf32>
        %swap3A_398 = arith.index_cast %scan3A_152 : i32 to index
        %swap3A_399 = arith.constant 272 : index
        %swap3A_400 = tpu.vector_load %arg10[%swap3A_398, %swap3A_399] {strides = array<i32>} : memref<40x512xf32, #tpu.memory_space<vmem>>, vector<1x16xf32>,
        %swap3A_401 = vector.shape_cast %swap3A_400 : vector<1x16xf32> to vector<16xf32>
        %swap3A_402 = vector.shape_cast %add3A_397 : vector<16xf32> to vector<1x16xf32>
        tpu.vector_store %arg10[%swap3A_398, %swap3A_399], %swap3A_402 {strides = array<i32>} : memref<40x512xf32, #tpu.memory_space<vmem>>, vector<1x16xf32>,
        %get3A_403 = arith.index_cast %scan3A_152 : i32 to index
        %get3A_404 = arith.constant 288 : index
        %get3A_405 = tpu.vector_load %arg10[%get3A_403, %get3A_404] {strides = array<i32>} : memref<40x512xf32, #tpu.memory_space<vmem>>, vector<1x16xf32>,
        %get3A_406 = vector.shape_cast %get3A_405 : vector<1x16xf32> to vector<16xf32>
        %get3A_407 = arith.index_cast %scan3A_152 : i32 to index
        %get3A_408 = arith.constant 288 : index
        %get3A_409 = tpu.vector_load %arg12[%get3A_407, %get3A_408] {strides = array<i32>} : memref<40x512xf32, #tpu.memory_space<vmem>>, vector<1x16xf32>,
        %get3A_410 = vector.shape_cast %get3A_409 : vector<1x16xf32> to vector<16xf32>
        %add3A_411 = arith.addf %get3A_406, %get3A_410 : vector<16xf32>
        %swap3A_412 = arith.index_cast %scan3A_152 : i32 to index
        %swap3A_413 = arith.constant 288 : index
        %swap3A_414 = tpu.vector_load %arg10[%swap3A_412, %swap3A_413] {strides = array<i32>} : memref<40x512xf32, #tpu.memory_space<vmem>>, vector<1x16xf32>,
        %swap3A_415 = vector.shape_cast %swap3A_414 : vector<1x16xf32> to vector<16xf32>
        %swap3A_416 = vector.shape_cast %add3A_411 : vector<16xf32> to vector<1x16xf32>
        tpu.vector_store %arg10[%swap3A_412, %swap3A_413], %swap3A_416 {strides = array<i32>} : memref<40x512xf32, #tpu.memory_space<vmem>>, vector<1x16xf32>,
        %get3A_417 = arith.index_cast %scan3A_152 : i32 to index
        %get3A_418 = arith.constant 304 : index
        %get3A_419 = tpu.vector_load %arg10[%get3A_417, %get3A_418] {strides = array<i32>} : memref<40x512xf32, #tpu.memory_space<vmem>>, vector<1x16xf32>,
        %get3A_420 = vector.shape_cast %get3A_419 : vector<1x16xf32> to vector<16xf32>
        %get3A_421 = arith.index_cast %scan3A_152 : i32 to index
        %get3A_422 = arith.constant 304 : index
        %get3A_423 = tpu.vector_load %arg12[%get3A_421, %get3A_422] {strides = array<i32>} : memref<40x512xf32, #tpu.memory_space<vmem>>, vector<1x16xf32>,
        %get3A_424 = vector.shape_cast %get3A_423 : vector<1x16xf32> to vector<16xf32>
        %add3A_425 = arith.addf %get3A_420, %get3A_424 : vector<16xf32>
        %swap3A_426 = arith.index_cast %scan3A_152 : i32 to index
        %swap3A_427 = arith.constant 304 : index
        %swap3A_428 = tpu.vector_load %arg10[%swap3A_426, %swap3A_427] {strides = array<i32>} : memref<40x512xf32, #tpu.memory_space<vmem>>, vector<1x16xf32>,
        %swap3A_429 = vector.shape_cast %swap3A_428 : vector<1x16xf32> to vector<16xf32>
        %swap3A_430 = vector.shape_cast %add3A_425 : vector<16xf32> to vector<1x16xf32>
        tpu.vector_store %arg10[%swap3A_426, %swap3A_427], %swap3A_430 {strides = array<i32>} : memref<40x512xf32, #tpu.memory_space<vmem>>, vector<1x16xf32>,
        %get3A_431 = arith.index_cast %scan3A_152 : i32 to index
        %get3A_432 = arith.constant 320 : index
        %get3A_433 = tpu.vector_load %arg10[%get3A_431, %get3A_432] {strides = array<i32>} : memref<40x512xf32, #tpu.memory_space<vmem>>, vector<1x16xf32>,
        %get3A_434 = vector.shape_cast %get3A_433 : vector<1x16xf32> to vector<16xf32>
        %get3A_435 = arith.index_cast %scan3A_152 : i32 to index
        %get3A_436 = arith.constant 320 : index
        %get3A_437 = tpu.vector_load %arg12[%get3A_435, %get3A_436] {strides = array<i32>} : memref<40x512xf32, #tpu.memory_space<vmem>>, vector<1x16xf32>,
        %get3A_438 = vector.shape_cast %get3A_437 : vector<1x16xf32> to vector<16xf32>
        %add3A_439 = arith.addf %get3A_434, %get3A_438 : vector<16xf32>
        %swap3A_440 = arith.index_cast %scan3A_152 : i32 to index
        %swap3A_441 = arith.constant 320 : index
        %swap3A_442 = tpu.vector_load %arg10[%swap3A_440, %swap3A_441] {strides = array<i32>} : memref<40x512xf32, #tpu.memory_space<vmem>>, vector<1x16xf32>,
        %swap3A_443 = vector.shape_cast %swap3A_442 : vector<1x16xf32> to vector<16xf32>
        %swap3A_444 = vector.shape_cast %add3A_439 : vector<16xf32> to vector<1x16xf32>
        tpu.vector_store %arg10[%swap3A_440, %swap3A_441], %swap3A_444 {strides = array<i32>} : memref<40x512xf32, #tpu.memory_space<vmem>>, vector<1x16xf32>,
        %get3A_445 = arith.index_cast %scan3A_152 : i32 to index
        %get3A_446 = arith.constant 336 : index
        %get3A_447 = tpu.vector_load %arg10[%get3A_445, %get3A_446] {strides = array<i32>} : memref<40x512xf32, #tpu.memory_space<vmem>>, vector<1x16xf32>,
        %get3A_448 = vector.shape_cast %get3A_447 : vector<1x16xf32> to vector<16xf32>
        %get3A_449 = arith.index_cast %scan3A_152 : i32 to index
        %get3A_450 = arith.constant 336 : index
        %get3A_451 = tpu.vector_load %arg12[%get3A_449, %get3A_450] {strides = array<i32>} : memref<40x512xf32, #tpu.memory_space<vmem>>, vector<1x16xf32>,
        %get3A_452 = vector.shape_cast %get3A_451 : vector<1x16xf32> to vector<16xf32>
        %add3A_453 = arith.addf %get3A_448, %get3A_452 : vector<16xf32>
        %swap3A_454 = arith.index_cast %scan3A_152 : i32 to index
        %swap3A_455 = arith.constant 336 : index
        %swap3A_456 = tpu.vector_load %arg10[%swap3A_454, %swap3A_455] {strides = array<i32>} : memref<40x512xf32, #tpu.memory_space<vmem>>, vector<1x16xf32>,
        %swap3A_457 = vector.shape_cast %swap3A_456 : vector<1x16xf32> to vector<16xf32>
        %swap3A_458 = vector.shape_cast %add3A_453 : vector<16xf32> to vector<1x16xf32>
        tpu.vector_store %arg10[%swap3A_454, %swap3A_455], %swap3A_458 {strides = array<i32>} : memref<40x512xf32, #tpu.memory_space<vmem>>, vector<1x16xf32>,
        %get3A_459 = arith.index_cast %scan3A_152 : i32 to index
        %get3A_460 = arith.constant 352 : index
        %get3A_461 = tpu.vector_load %arg10[%get3A_459, %get3A_460] {strides = array<i32>} : memref<40x512xf32, #tpu.memory_space<vmem>>, vector<1x16xf32>,
        %get3A_462 = vector.shape_cast %get3A_461 : vector<1x16xf32> to vector<16xf32>
        %get3A_463 = arith.index_cast %scan3A_152 : i32 to index
        %get3A_464 = arith.constant 352 : index
        %get3A_465 = tpu.vector_load %arg12[%get3A_463, %get3A_464] {strides = array<i32>} : memref<40x512xf32, #tpu.memory_space<vmem>>, vector<1x16xf32>,
        %get3A_466 = vector.shape_cast %get3A_465 : vector<1x16xf32> to vector<16xf32>
        %add3A_467 = arith.addf %get3A_462, %get3A_466 : vector<16xf32>
        %swap3A_468 = arith.index_cast %scan3A_152 : i32 to index
        %swap3A_469 = arith.constant 352 : index
        %swap3A_470 = tpu.vector_load %arg10[%swap3A_468, %swap3A_469] {strides = array<i32>} : memref<40x512xf32, #tpu.memory_space<vmem>>, vector<1x16xf32>,
        %swap3A_471 = vector.shape_cast %swap3A_470 : vector<1x16xf32> to vector<16xf32>
        %swap3A_472 = vector.shape_cast %add3A_467 : vector<16xf32> to vector<1x16xf32>
        tpu.vector_store %arg10[%swap3A_468, %swap3A_469], %swap3A_472 {strides = array<i32>} : memref<40x512xf32, #tpu.memory_space<vmem>>, vector<1x16xf32>,
        %get3A_473 = arith.index_cast %scan3A_152 : i32 to index
        %get3A_474 = arith.constant 368 : index
        %get3A_475 = tpu.vector_load %arg10[%get3A_473, %get3A_474] {strides = array<i32>} : memref<40x512xf32, #tpu.memory_space<vmem>>, vector<1x16xf32>,
        %get3A_476 = vector.shape_cast %get3A_475 : vector<1x16xf32> to vector<16xf32>
        %get3A_477 = arith.index_cast %scan3A_152 : i32 to index
        %get3A_478 = arith.constant 368 : index
        %get3A_479 = tpu.vector_load %arg12[%get3A_477, %get3A_478] {strides = array<i32>} : memref<40x512xf32, #tpu.memory_space<vmem>>, vector<1x16xf32>,
        %get3A_480 = vector.shape_cast %get3A_479 : vector<1x16xf32> to vector<16xf32>
        %add3A_481 = arith.addf %get3A_476, %get3A_480 : vector<16xf32>
        %swap3A_482 = arith.index_cast %scan3A_152 : i32 to index
        %swap3A_483 = arith.constant 368 : index
        %swap3A_484 = tpu.vector_load %arg10[%swap3A_482, %swap3A_483] {strides = array<i32>} : memref<40x512xf32, #tpu.memory_space<vmem>>, vector<1x16xf32>,
        %swap3A_485 = vector.shape_cast %swap3A_484 : vector<1x16xf32> to vector<16xf32>
        %swap3A_486 = vector.shape_cast %add3A_481 : vector<16xf32> to vector<1x16xf32>
        tpu.vector_store %arg10[%swap3A_482, %swap3A_483], %swap3A_486 {strides = array<i32>} : memref<40x512xf32, #tpu.memory_space<vmem>>, vector<1x16xf32>,
        %get3A_487 = arith.index_cast %scan3A_152 : i32 to index
        %get3A_488 = arith.constant 384 : index
        %get3A_489 = tpu.vector_load %arg10[%get3A_487, %get3A_488] {strides = array<i32>} : memref<40x512xf32, #tpu.memory_space<vmem>>, vector<1x16xf32>,
        %get3A_490 = vector.shape_cast %get3A_489 : vector<1x16xf32> to vector<16xf32>
        %get3A_491 = arith.index_cast %scan3A_152 : i32 to index
        %get3A_492 = arith.constant 384 : index
        %get3A_493 = tpu.vector_load %arg12[%get3A_491, %get3A_492] {strides = array<i32>} : memref<40x512xf32, #tpu.memory_space<vmem>>, vector<1x16xf32>,
        %get3A_494 = vector.shape_cast %get3A_493 : vector<1x16xf32> to vector<16xf32>
        %add3A_495 = arith.addf %get3A_490, %get3A_494 : vector<16xf32>
        %swap3A_496 = arith.index_cast %scan3A_152 : i32 to index
        %swap3A_497 = arith.constant 384 : index
        %swap3A_498 = tpu.vector_load %arg10[%swap3A_496, %swap3A_497] {strides = array<i32>} : memref<40x512xf32, #tpu.memory_space<vmem>>, vector<1x16xf32>,
        %swap3A_499 = vector.shape_cast %swap3A_498 : vector<1x16xf32> to vector<16xf32>
        %swap3A_500 = vector.shape_cast %add3A_495 : vector<16xf32> to vector<1x16xf32>
        tpu.vector_store %arg10[%swap3A_496, %swap3A_497], %swap3A_500 {strides = array<i32>} : memref<40x512xf32, #tpu.memory_space<vmem>>, vector<1x16xf32>,
        %get3A_501 = arith.index_cast %scan3A_152 : i32 to index
        %get3A_502 = arith.constant 400 : index
        %get3A_503 = tpu.vector_load %arg10[%get3A_501, %get3A_502] {strides = array<i32>} : memref<40x512xf32, #tpu.memory_space<vmem>>, vector<1x16xf32>,
        %get3A_504 = vector.shape_cast %get3A_503 : vector<1x16xf32> to vector<16xf32>
        %get3A_505 = arith.index_cast %scan3A_152 : i32 to index
        %get3A_506 = arith.constant 400 : index
        %get3A_507 = tpu.vector_load %arg12[%get3A_505, %get3A_506] {strides = array<i32>} : memref<40x512xf32, #tpu.memory_space<vmem>>, vector<1x16xf32>,
        %get3A_508 = vector.shape_cast %get3A_507 : vector<1x16xf32> to vector<16xf32>
        %add3A_509 = arith.addf %get3A_504, %get3A_508 : vector<16xf32>
        %swap3A_510 = arith.index_cast %scan3A_152 : i32 to index
        %swap3A_511 = arith.constant 400 : index
        %swap3A_512 = tpu.vector_load %arg10[%swap3A_510, %swap3A_511] {strides = array<i32>} : memref<40x512xf32, #tpu.memory_space<vmem>>, vector<1x16xf32>,
        %swap3A_513 = vector.shape_cast %swap3A_512 : vector<1x16xf32> to vector<16xf32>
        %swap3A_514 = vector.shape_cast %add3A_509 : vector<16xf32> to vector<1x16xf32>
        tpu.vector_store %arg10[%swap3A_510, %swap3A_511], %swap3A_514 {strides = array<i32>} : memref<40x512xf32, #tpu.memory_space<vmem>>, vector<1x16xf32>,
        %get3A_515 = arith.index_cast %scan3A_152 : i32 to index
        %get3A_516 = arith.constant 416 : index
        %get3A_517 = tpu.vector_load %arg10[%get3A_515, %get3A_516] {strides = array<i32>} : memref<40x512xf32, #tpu.memory_space<vmem>>, vector<1x16xf32>,
        %get3A_518 = vector.shape_cast %get3A_517 : vector<1x16xf32> to vector<16xf32>
        %get3A_519 = arith.index_cast %scan3A_152 : i32 to index
        %get3A_520 = arith.constant 416 : index
        %get3A_521 = tpu.vector_load %arg12[%get3A_519, %get3A_520] {strides = array<i32>} : memref<40x512xf32, #tpu.memory_space<vmem>>, vector<1x16xf32>,
        %get3A_522 = vector.shape_cast %get3A_521 : vector<1x16xf32> to vector<16xf32>
        %add3A_523 = arith.addf %get3A_518, %get3A_522 : vector<16xf32>
        %swap3A_524 = arith.index_cast %scan3A_152 : i32 to index
        %swap3A_525 = arith.constant 416 : index
        %swap3A_526 = tpu.vector_load %arg10[%swap3A_524, %swap3A_525] {strides = array<i32>} : memref<40x512xf32, #tpu.memory_space<vmem>>, vector<1x16xf32>,
        %swap3A_527 = vector.shape_cast %swap3A_526 : vector<1x16xf32> to vector<16xf32>
        %swap3A_528 = vector.shape_cast %add3A_523 : vector<16xf32> to vector<1x16xf32>
        tpu.vector_store %arg10[%swap3A_524, %swap3A_525], %swap3A_528 {strides = array<i32>} : memref<40x512xf32, #tpu.memory_space<vmem>>, vector<1x16xf32>,
        %get3A_529 = arith.index_cast %scan3A_152 : i32 to index
        %get3A_530 = arith.constant 432 : index
        %get3A_531 = tpu.vector_load %arg10[%get3A_529, %get3A_530] {strides = array<i32>} : memref<40x512xf32, #tpu.memory_space<vmem>>, vector<1x16xf32>,
        %get3A_532 = vector.shape_cast %get3A_531 : vector<1x16xf32> to vector<16xf32>
        %get3A_533 = arith.index_cast %scan3A_152 : i32 to index
        %get3A_534 = arith.constant 432 : index
        %get3A_535 = tpu.vector_load %arg12[%get3A_533, %get3A_534] {strides = array<i32>} : memref<40x512xf32, #tpu.memory_space<vmem>>, vector<1x16xf32>,
        %get3A_536 = vector.shape_cast %get3A_535 : vector<1x16xf32> to vector<16xf32>
        %add3A_537 = arith.addf %get3A_532, %get3A_536 : vector<16xf32>
        %swap3A_538 = arith.index_cast %scan3A_152 : i32 to index
        %swap3A_539 = arith.constant 432 : index
        %swap3A_540 = tpu.vector_load %arg10[%swap3A_538, %swap3A_539] {strides = array<i32>} : memref<40x512xf32, #tpu.memory_space<vmem>>, vector<1x16xf32>,
        %swap3A_541 = vector.shape_cast %swap3A_540 : vector<1x16xf32> to vector<16xf32>
        %swap3A_542 = vector.shape_cast %add3A_537 : vector<16xf32> to vector<1x16xf32>
        tpu.vector_store %arg10[%swap3A_538, %swap3A_539], %swap3A_542 {strides = array<i32>} : memref<40x512xf32, #tpu.memory_space<vmem>>, vector<1x16xf32>,
        %get3A_543 = arith.index_cast %scan3A_152 : i32 to index
        %get3A_544 = arith.constant 448 : index
        %get3A_545 = tpu.vector_load %arg10[%get3A_543, %get3A_544] {strides = array<i32>} : memref<40x512xf32, #tpu.memory_space<vmem>>, vector<1x16xf32>,
        %get3A_546 = vector.shape_cast %get3A_545 : vector<1x16xf32> to vector<16xf32>
        %get3A_547 = arith.index_cast %scan3A_152 : i32 to index
        %get3A_548 = arith.constant 448 : index
        %get3A_549 = tpu.vector_load %arg12[%get3A_547, %get3A_548] {strides = array<i32>} : memref<40x512xf32, #tpu.memory_space<vmem>>, vector<1x16xf32>,
        %get3A_550 = vector.shape_cast %get3A_549 : vector<1x16xf32> to vector<16xf32>
        %add3A_551 = arith.addf %get3A_546, %get3A_550 : vector<16xf32>
        %swap3A_552 = arith.index_cast %scan3A_152 : i32 to index
        %swap3A_553 = arith.constant 448 : index
        %swap3A_554 = tpu.vector_load %arg10[%swap3A_552, %swap3A_553] {strides = array<i32>} : memref<40x512xf32, #tpu.memory_space<vmem>>, vector<1x16xf32>,
        %swap3A_555 = vector.shape_cast %swap3A_554 : vector<1x16xf32> to vector<16xf32>
        %swap3A_556 = vector.shape_cast %add3A_551 : vector<16xf32> to vector<1x16xf32>
        tpu.vector_store %arg10[%swap3A_552, %swap3A_553], %swap3A_556 {strides = array<i32>} : memref<40x512xf32, #tpu.memory_space<vmem>>, vector<1x16xf32>,
        %get3A_557 = arith.index_cast %scan3A_152 : i32 to index
        %get3A_558 = arith.constant 464 : index
        %get3A_559 = tpu.vector_load %arg10[%get3A_557, %get3A_558] {strides = array<i32>} : memref<40x512xf32, #tpu.memory_space<vmem>>, vector<1x16xf32>,
        %get3A_560 = vector.shape_cast %get3A_559 : vector<1x16xf32> to vector<16xf32>
        %get3A_561 = arith.index_cast %scan3A_152 : i32 to index
        %get3A_562 = arith.constant 464 : index
        %get3A_563 = tpu.vector_load %arg12[%get3A_561, %get3A_562] {strides = array<i32>} : memref<40x512xf32, #tpu.memory_space<vmem>>, vector<1x16xf32>,
        %get3A_564 = vector.shape_cast %get3A_563 : vector<1x16xf32> to vector<16xf32>
        %add3A_565 = arith.addf %get3A_560, %get3A_564 : vector<16xf32>
        %swap3A_566 = arith.index_cast %scan3A_152 : i32 to index
        %swap3A_567 = arith.constant 464 : index
        %swap3A_568 = tpu.vector_load %arg10[%swap3A_566, %swap3A_567] {strides = array<i32>} : memref<40x512xf32, #tpu.memory_space<vmem>>, vector<1x16xf32>,
        %swap3A_569 = vector.shape_cast %swap3A_568 : vector<1x16xf32> to vector<16xf32>
        %swap3A_570 = vector.shape_cast %add3A_565 : vector<16xf32> to vector<1x16xf32>
        tpu.vector_store %arg10[%swap3A_566, %swap3A_567], %swap3A_570 {strides = array<i32>} : memref<40x512xf32, #tpu.memory_space<vmem>>, vector<1x16xf32>,
        %get3A_571 = arith.index_cast %scan3A_152 : i32 to index
        %get3A_572 = arith.constant 480 : index
        %get3A_573 = tpu.vector_load %arg10[%get3A_571, %get3A_572] {strides = array<i32>} : memref<40x512xf32, #tpu.memory_space<vmem>>, vector<1x16xf32>,
        %get3A_574 = vector.shape_cast %get3A_573 : vector<1x16xf32> to vector<16xf32>
        %get3A_575 = arith.index_cast %scan3A_152 : i32 to index
        %get3A_576 = arith.constant 480 : index
        %get3A_577 = tpu.vector_load %arg12[%get3A_575, %get3A_576] {strides = array<i32>} : memref<40x512xf32, #tpu.memory_space<vmem>>, vector<1x16xf32>,
        %get3A_578 = vector.shape_cast %get3A_577 : vector<1x16xf32> to vector<16xf32>
        %add3A_579 = arith.addf %get3A_574, %get3A_578 : vector<16xf32>
        %swap3A_580 = arith.index_cast %scan3A_152 : i32 to index
        %swap3A_581 = arith.constant 480 : index
        %swap3A_582 = tpu.vector_load %arg10[%swap3A_580, %swap3A_581] {strides = array<i32>} : memref<40x512xf32, #tpu.memory_space<vmem>>, vector<1x16xf32>,
        %swap3A_583 = vector.shape_cast %swap3A_582 : vector<1x16xf32> to vector<16xf32>
        %swap3A_584 = vector.shape_cast %add3A_579 : vector<16xf32> to vector<1x16xf32>
        tpu.vector_store %arg10[%swap3A_580, %swap3A_581], %swap3A_584 {strides = array<i32>} : memref<40x512xf32, #tpu.memory_space<vmem>>, vector<1x16xf32>,
        %get3A_585 = arith.index_cast %scan3A_152 : i32 to index
        %get3A_586 = arith.constant 496 : index
        %get3A_587 = tpu.vector_load %arg10[%get3A_585, %get3A_586] {strides = array<i32>} : memref<40x512xf32, #tpu.memory_space<vmem>>, vector<1x16xf32>,
        %get3A_588 = vector.shape_cast %get3A_587 : vector<1x16xf32> to vector<16xf32>
        %get3A_589 = arith.index_cast %scan3A_152 : i32 to index
        %get3A_590 = arith.constant 496 : index
        %get3A_591 = tpu.vector_load %arg12[%get3A_589, %get3A_590] {strides = array<i32>} : memref<40x512xf32, #tpu.memory_space<vmem>>, vector<1x16xf32>,
        %get3A_592 = vector.shape_cast %get3A_591 : vector<1x16xf32> to vector<16xf32>
        %add3A_593 = arith.addf %get3A_588, %get3A_592 : vector<16xf32>
        %swap3A_594 = arith.index_cast %scan3A_152 : i32 to index
        %swap3A_595 = arith.constant 496 : index
        %swap3A_596 = tpu.vector_load %arg10[%swap3A_594, %swap3A_595] {strides = array<i32>} : memref<40x512xf32, #tpu.memory_space<vmem>>, vector<1x16xf32>,
        %swap3A_597 = vector.shape_cast %swap3A_596 : vector<1x16xf32> to vector<16xf32>
        %swap3A_598 = vector.shape_cast %add3A_593 : vector<16xf32> to vector<1x16xf32>
        tpu.vector_store %arg10[%swap3A_594, %swap3A_595], %swap3A_598 {strides = array<i32>} : memref<40x512xf32, #tpu.memory_space<vmem>>, vector<1x16xf32>,
      }
      %scan3A_117 = arith.constant 40 : i32
      %add3A_118 = arith.constant 1 : i32
      %add3A_119 = arith.addi %mul3A_68, %add3A_118 : i32
      %mul3A_120 = arith.constant 5000 : i32
      %mul3A_121 = arith.muli %add3A, %mul3A_120 : i32
      %mul3A_122 = arith.constant 40 : i32
      %mul3A_123 = arith.muli %add3A_119, %mul3A_122 : i32
      %add3A_124 = arith.addi %mul3A_121, %mul3A_123 : i32
      %dma_start3A_125 = arith.constant 0 : i32
      %dma_start3A_126 = tpu.memref_slice %arg6[%add3A_124, %dma_start3A_125] : memref<160000x512xf32, #tpu.memory_space<hbm>> -> memref<40x512xf32, #tpu.memory_space<hbm>>
      %dma_start3A_127 = arith.constant 0 : i32
      %dma_start3A_128 = tpu.memref_slice %arg6[%add3A_124, %dma_start3A_127] : memref<160000x512xf32, #tpu.memory_space<hbm>> -> memref<40x512xf32, #tpu.memory_space<hbm>>
      tpu.enqueue_dma source(%arg10 : memref<40x512xf32, #tpu.memory_space<vmem>>) target(%dma_start3A_128 : memref<40x512xf32, #tpu.memory_space<hbm>>) target_semaphore(%arg16 : memref<!tpu.dma_semaphore, #tpu.memory_space<semaphore_mem>>)
      %dma_wait3A_129 = arith.constant 0 : i32
      %dma_wait3A_130 = arith.constant 0 : i32
      %dma_wait3A_131 = tpu.memref_slice %arg6[%dma_wait3A_129, %dma_wait3A_130] : memref<160000x512xf32, #tpu.memory_space<hbm>> -> memref<40x512xf32, #tpu.memory_space<hbm>>
      %dma_wait3A_132 = arith.constant 0 : i32
      %dma_wait3A_133 = arith.constant 0 : i32
      %dma_wait3A_134 = tpu.memref_slice %arg6[%dma_wait3A_132, %dma_wait3A_133] : memref<160000x512xf32, #tpu.memory_space<hbm>> -> memref<40x512xf32, #tpu.memory_space<hbm>>
      tpu.wait_dma2 semaphore(%arg15 : memref<!tpu.dma_semaphore, #tpu.memory_space<semaphore_mem>>) src(%arg9 : memref<40x512xf32, #tpu.memory_space<vmem>>) dst(%dma_wait3A_134 : memref<40x512xf32, #tpu.memory_space<hbm>>)
      %add3A_135 = arith.constant 2 : i32
      %add3A_136 = arith.addi %mul3A_68, %add3A_135 : i32
      %lt3A = arith.constant 125 : i32
      %lt3A_137 = arith.cmpi slt, %add3A_136, %lt3A : i32
      %convert_element_type3A = arith.extui %lt3A_137 : i1 to i32
      %cond3A = arith.constant 0 : i32
      %cond3A_138 = arith.cmpi ne, %convert_element_type3A, %cond3A : i32
      scf.if %cond3A_138 {
        %add3A_152 = arith.constant 2 : i32
        %add3A_153 = arith.addi %mul3A_68, %add3A_152 : i32
        %dma_start3A_154 = arith.constant 0 : i32
        %dma_start3A_155 = tpu.memref_slice %arg7[%add3A_153, %dma_start3A_154] : memref<125x40xi32, #tpu.memory_space<vmem>> -> memref<1x40xi32, #tpu.memory_space<vmem>>
        %dma_start3A_156 = tpu.memref_squeeze %dma_start3A_155 : memref<1x40xi32, #tpu.memory_space<vmem>> -> memref<40xi32, #tpu.memory_space<vmem>>
        %dma_start3A_157 = arith.constant 0 : i32
        %dma_start3A_158 = arith.constant 0 : i32
        %dma_start3A_159 = tpu.memref_slice %arg2[%dma_start3A_157, %dma_start3A_158] : memref<10000x512xf32, #tpu.memory_space<hbm>> -> memref<10000x512xf32, #tpu.memory_space<hbm>>
        tpu.enqueue_indirect_dma source(%dma_start3A_159 : memref<10000x512xf32, #tpu.memory_space<hbm>>) target(%arg9 : memref<40x512xf32, #tpu.memory_space<vmem>>) offsets(%dma_start3A_156 : memref<40xi32, #tpu.memory_space<vmem>>) semaphore(%arg13 : memref<!tpu.dma_semaphore, #tpu.memory_space<semaphore_mem>>)
        %dma_start3A_160 = arith.constant 0 : i32
        %dma_start3A_161 = tpu.memref_slice %arg8[%add3A_153, %dma_start3A_160] : memref<125x40xi32, #tpu.memory_space<vmem>> -> memref<1x40xi32, #tpu.memory_space<vmem>>
        %dma_start3A_162 = tpu.memref_squeeze %dma_start3A_161 : memref<1x40xi32, #tpu.memory_space<vmem>> -> memref<40xi32, #tpu.memory_space<vmem>>
        %dma_start3A_163 = arith.constant 0 : i32
        %dma_start3A_164 = arith.constant 0 : i32
        %dma_start3A_165 = tpu.memref_slice %arg3[%dma_start3A_163, %dma_start3A_164] : memref<10000x512xf32, #tpu.memory_space<hbm>> -> memref<10000x512xf32, #tpu.memory_space<hbm>>
        tpu.enqueue_indirect_dma source(%dma_start3A_165 : memref<10000x512xf32, #tpu.memory_space<hbm>>) target(%arg11 : memref<40x512xf32, #tpu.memory_space<vmem>>) offsets(%dma_start3A_162 : memref<40xi32, #tpu.memory_space<vmem>>) semaphore(%arg13 : memref<!tpu.dma_semaphore, #tpu.memory_space<semaphore_mem>>)
      } else {
      }
      %dma_wait3A_139 = arith.constant 0 : i32
      %dma_wait3A_140 = arith.constant 0 : i32
      %dma_wait3A_141 = tpu.memref_slice %arg6[%dma_wait3A_139, %dma_wait3A_140] : memref<160000x512xf32, #tpu.memory_space<hbm>> -> memref<40x512xf32, #tpu.memory_space<hbm>>
      %dma_wait3A_142 = arith.constant 0 : i32
      %dma_wait3A_143 = arith.constant 0 : i32
      %dma_wait3A_144 = tpu.memref_slice %arg6[%dma_wait3A_142, %dma_wait3A_143] : memref<160000x512xf32, #tpu.memory_space<hbm>> -> memref<40x512xf32, #tpu.memory_space<hbm>>
      tpu.wait_dma2 semaphore(%arg16 : memref<!tpu.dma_semaphore, #tpu.memory_space<semaphore_mem>>) src(%arg10 : memref<40x512xf32, #tpu.memory_space<vmem>>) dst(%dma_wait3A_144 : memref<40x512xf32, #tpu.memory_space<hbm>>)
      %add3A_145 = arith.constant 3 : i32
      %add3A_146 = arith.addi %mul3A_68, %add3A_145 : i32
      %lt3A_147 = arith.constant 125 : i32
      %lt3A_148 = arith.cmpi slt, %add3A_146, %lt3A_147 : i32
      %convert_element_type3A_149 = arith.extui %lt3A_148 : i1 to i32
      %cond3A_150 = arith.constant 0 : i32
      %cond3A_151 = arith.cmpi ne, %convert_element_type3A_149, %cond3A_150 : i32
      scf.if %cond3A_151 {
        %add3A_152 = arith.constant 3 : i32
        %add3A_153 = arith.addi %mul3A_68, %add3A_152 : i32
        %dma_start3A_154 = arith.constant 0 : i32
        %dma_start3A_155 = tpu.memref_slice %arg7[%add3A_153, %dma_start3A_154] : memref<125x40xi32, #tpu.memory_space<vmem>> -> memref<1x40xi32, #tpu.memory_space<vmem>>
        %dma_start3A_156 = tpu.memref_squeeze %dma_start3A_155 : memref<1x40xi32, #tpu.memory_space<vmem>> -> memref<40xi32, #tpu.memory_space<vmem>>
        %dma_start3A_157 = arith.constant 0 : i32
        %dma_start3A_158 = arith.constant 0 : i32
        %dma_start3A_159 = tpu.memref_slice %arg2[%dma_start3A_157, %dma_start3A_158] : memref<10000x512xf32, #tpu.memory_space<hbm>> -> memref<10000x512xf32, #tpu.memory_space<hbm>>
        tpu.enqueue_indirect_dma source(%dma_start3A_159 : memref<10000x512xf32, #tpu.memory_space<hbm>>) target(%arg10 : memref<40x512xf32, #tpu.memory_space<vmem>>) offsets(%dma_start3A_156 : memref<40xi32, #tpu.memory_space<vmem>>) semaphore(%arg14 : memref<!tpu.dma_semaphore, #tpu.memory_space<semaphore_mem>>)
        %dma_start3A_160 = arith.constant 0 : i32
        %dma_start3A_161 = tpu.memref_slice %arg8[%add3A_153, %dma_start3A_160] : memref<125x40xi32, #tpu.memory_space<vmem>> -> memref<1x40xi32, #tpu.memory_space<vmem>>
        %dma_start3A_162 = tpu.memref_squeeze %dma_start3A_161 : memref<1x40xi32, #tpu.memory_space<vmem>> -> memref<40xi32, #tpu.memory_space<vmem>>
        %dma_start3A_163 = arith.constant 0 : i32
        %dma_start3A_164 = arith.constant 0 : i32
        %dma_start3A_165 = tpu.memref_slice %arg3[%dma_start3A_163, %dma_start3A_164] : memref<10000x512xf32, #tpu.memory_space<hbm>> -> memref<10000x512xf32, #tpu.memory_space<hbm>>
        tpu.enqueue_indirect_dma source(%dma_start3A_165 : memref<10000x512xf32, #tpu.memory_space<hbm>>) target(%arg12 : memref<40x512xf32, #tpu.memory_space<vmem>>) offsets(%dma_start3A_162 : memref<40xi32, #tpu.memory_space<vmem>>) semaphore(%arg14 : memref<!tpu.dma_semaphore, #tpu.memory_space<semaphore_mem>>)
      } else {
      }
    }
    %scan3A_32 = arith.constant 62 : i32
    %dma_wait3A = arith.constant 0 : i32
    %dma_wait3A_33 = arith.constant 0 : i32
    %dma_wait3A_34 = tpu.memref_slice %arg7[%dma_wait3A, %dma_wait3A_33] : memref<125x40xi32, #tpu.memory_space<vmem>> -> memref<1x40xi32, #tpu.memory_space<vmem>>
    %dma_wait3A_35 = tpu.memref_squeeze %dma_wait3A_34 : memref<1x40xi32, #tpu.memory_space<vmem>> -> memref<40xi32, #tpu.memory_space<vmem>>
    %dma_wait3A_36 = arith.constant 0 : i32
    %dma_wait3A_37 = arith.constant 0 : i32
    %dma_wait3A_38 = tpu.memref_slice %arg2[%dma_wait3A_36, %dma_wait3A_37] : memref<10000x512xf32, #tpu.memory_space<hbm>> -> memref<10000x512xf32, #tpu.memory_space<hbm>>
    tpu.wait_indirect_dma semaphore(%arg13 : memref<!tpu.dma_semaphore, #tpu.memory_space<semaphore_mem>>) src(%dma_wait3A_38 : memref<10000x512xf32, #tpu.memory_space<hbm>>) dst(%arg9 : memref<40x512xf32, #tpu.memory_space<vmem>>)
    %dma_wait3A_39 = arith.constant 0 : i32
    %dma_wait3A_40 = arith.constant 0 : i32
    %dma_wait3A_41 = tpu.memref_slice %arg8[%dma_wait3A_39, %dma_wait3A_40] : memref<125x40xi32, #tpu.memory_space<vmem>> -> memref<1x40xi32, #tpu.memory_space<vmem>>
    %dma_wait3A_42 = tpu.memref_squeeze %dma_wait3A_41 : memref<1x40xi32, #tpu.memory_space<vmem>> -> memref<40xi32, #tpu.memory_space<vmem>>
    %dma_wait3A_43 = arith.constant 0 : i32
    %dma_wait3A_44 = arith.constant 0 : i32
    %dma_wait3A_45 = tpu.memref_slice %arg3[%dma_wait3A_43, %dma_wait3A_44] : memref<10000x512xf32, #tpu.memory_space<hbm>> -> memref<10000x512xf32, #tpu.memory_space<hbm>>
    tpu.wait_indirect_dma semaphore(%arg13 : memref<!tpu.dma_semaphore, #tpu.memory_space<semaphore_mem>>) src(%dma_wait3A_45 : memref<10000x512xf32, #tpu.memory_space<hbm>>) dst(%arg11 : memref<40x512xf32, #tpu.memory_space<vmem>>)
    %scan3A_46 = arith.constant 0 : i32
    %scan3A_47 = arith.constant 0 : i32
    %scan3A_48 = arith.constant 40 : i32
    %scan3A_49 = arith.addi %scan3A_47, %scan3A_48 : i32
    %scan3A_50 = arith.constant 1 : i32
    scf.for %scan3A_66 = %scan3A_47 to %scan3A_49 step %scan3A_50  : i32 {
      %get3A = arith.index_cast %scan3A_66 : i32 to index
      %get3A_67 = arith.constant 0 : index
      %get3A_68 = tpu.vector_load %arg9[%get3A, %get3A_67] {strides = array<i32>} : memref<40x512xf32, #tpu.memory_space<vmem>>, vector<1x16xf32>,
      %get3A_69 = vector.shape_cast %get3A_68 : vector<1x16xf32> to vector<16xf32>
      %get3A_70 = arith.index_cast %scan3A_66 : i32 to index
      %get3A_71 = arith.constant 0 : index
      %get3A_72 = tpu.vector_load %arg11[%get3A_70, %get3A_71] {strides = array<i32>} : memref<40x512xf32, #tpu.memory_space<vmem>>, vector<1x16xf32>,
      %get3A_73 = vector.shape_cast %get3A_72 : vector<1x16xf32> to vector<16xf32>
      %add3A_74 = arith.addf %get3A_69, %get3A_73 : vector<16xf32>
      %swap3A = arith.index_cast %scan3A_66 : i32 to index
      %swap3A_75 = arith.constant 0 : index
      %swap3A_76 = tpu.vector_load %arg9[%swap3A, %swap3A_75] {strides = array<i32>} : memref<40x512xf32, #tpu.memory_space<vmem>>, vector<1x16xf32>,
      %swap3A_77 = vector.shape_cast %swap3A_76 : vector<1x16xf32> to vector<16xf32>
      %swap3A_78 = vector.shape_cast %add3A_74 : vector<16xf32> to vector<1x16xf32>
      tpu.vector_store %arg9[%swap3A, %swap3A_75], %swap3A_78 {strides = array<i32>} : memref<40x512xf32, #tpu.memory_space<vmem>>, vector<1x16xf32>,
      %get3A_79 = arith.index_cast %scan3A_66 : i32 to index
      %get3A_80 = arith.constant 16 : index
      %get3A_81 = tpu.vector_load %arg9[%get3A_79, %get3A_80] {strides = array<i32>} : memref<40x512xf32, #tpu.memory_space<vmem>>, vector<1x16xf32>,
      %get3A_82 = vector.shape_cast %get3A_81 : vector<1x16xf32> to vector<16xf32>
      %get3A_83 = arith.index_cast %scan3A_66 : i32 to index
      %get3A_84 = arith.constant 16 : index
      %get3A_85 = tpu.vector_load %arg11[%get3A_83, %get3A_84] {strides = array<i32>} : memref<40x512xf32, #tpu.memory_space<vmem>>, vector<1x16xf32>,
      %get3A_86 = vector.shape_cast %get3A_85 : vector<1x16xf32> to vector<16xf32>
      %add3A_87 = arith.addf %get3A_82, %get3A_86 : vector<16xf32>
      %swap3A_88 = arith.index_cast %scan3A_66 : i32 to index
      %swap3A_89 = arith.constant 16 : index
      %swap3A_90 = tpu.vector_load %arg9[%swap3A_88, %swap3A_89] {strides = array<i32>} : memref<40x512xf32, #tpu.memory_space<vmem>>, vector<1x16xf32>,
      %swap3A_91 = vector.shape_cast %swap3A_90 : vector<1x16xf32> to vector<16xf32>
      %swap3A_92 = vector.shape_cast %add3A_87 : vector<16xf32> to vector<1x16xf32>
      tpu.vector_store %arg9[%swap3A_88, %swap3A_89], %swap3A_92 {strides = array<i32>} : memref<40x512xf32, #tpu.memory_space<vmem>>, vector<1x16xf32>,
      %get3A_93 = arith.index_cast %scan3A_66 : i32 to index
      %get3A_94 = arith.constant 32 : index
      %get3A_95 = tpu.vector_load %arg9[%get3A_93, %get3A_94] {strides = array<i32>} : memref<40x512xf32, #tpu.memory_space<vmem>>, vector<1x16xf32>,
      %get3A_96 = vector.shape_cast %get3A_95 : vector<1x16xf32> to vector<16xf32>
      %get3A_97 = arith.index_cast %scan3A_66 : i32 to index
      %get3A_98 = arith.constant 32 : index
      %get3A_99 = tpu.vector_load %arg11[%get3A_97, %get3A_98] {strides = array<i32>} : memref<40x512xf32, #tpu.memory_space<vmem>>, vector<1x16xf32>,
      %get3A_100 = vector.shape_cast %get3A_99 : vector<1x16xf32> to vector<16xf32>
      %add3A_101 = arith.addf %get3A_96, %get3A_100 : vector<16xf32>
      %swap3A_102 = arith.index_cast %scan3A_66 : i32 to index
      %swap3A_103 = arith.constant 32 : index
      %swap3A_104 = tpu.vector_load %arg9[%swap3A_102, %swap3A_103] {strides = array<i32>} : memref<40x512xf32, #tpu.memory_space<vmem>>, vector<1x16xf32>,
      %swap3A_105 = vector.shape_cast %swap3A_104 : vector<1x16xf32> to vector<16xf32>
      %swap3A_106 = vector.shape_cast %add3A_101 : vector<16xf32> to vector<1x16xf32>
      tpu.vector_store %arg9[%swap3A_102, %swap3A_103], %swap3A_106 {strides = array<i32>} : memref<40x512xf32, #tpu.memory_space<vmem>>, vector<1x16xf32>,
      %get3A_107 = arith.index_cast %scan3A_66 : i32 to index
      %get3A_108 = arith.constant 48 : index
      %get3A_109 = tpu.vector_load %arg9[%get3A_107, %get3A_108] {strides = array<i32>} : memref<40x512xf32, #tpu.memory_space<vmem>>, vector<1x16xf32>,
      %get3A_110 = vector.shape_cast %get3A_109 : vector<1x16xf32> to vector<16xf32>
      %get3A_111 = arith.index_cast %scan3A_66 : i32 to index
      %get3A_112 = arith.constant 48 : index
      %get3A_113 = tpu.vector_load %arg11[%get3A_111, %get3A_112] {strides = array<i32>} : memref<40x512xf32, #tpu.memory_space<vmem>>, vector<1x16xf32>,
      %get3A_114 = vector.shape_cast %get3A_113 : vector<1x16xf32> to vector<16xf32>
      %add3A_115 = arith.addf %get3A_110, %get3A_114 : vector<16xf32>
      %swap3A_116 = arith.index_cast %scan3A_66 : i32 to index
      %swap3A_117 = arith.constant 48 : index
      %swap3A_118 = tpu.vector_load %arg9[%swap3A_116, %swap3A_117] {strides = array<i32>} : memref<40x512xf32, #tpu.memory_space<vmem>>, vector<1x16xf32>,
      %swap3A_119 = vector.shape_cast %swap3A_118 : vector<1x16xf32> to vector<16xf32>
      %swap3A_120 = vector.shape_cast %add3A_115 : vector<16xf32> to vector<1x16xf32>
      tpu.vector_store %arg9[%swap3A_116, %swap3A_117], %swap3A_120 {strides = array<i32>} : memref<40x512xf32, #tpu.memory_space<vmem>>, vector<1x16xf32>,
      %get3A_121 = arith.index_cast %scan3A_66 : i32 to index
      %get3A_122 = arith.constant 64 : index
      %get3A_123 = tpu.vector_load %arg9[%get3A_121, %get3A_122] {strides = array<i32>} : memref<40x512xf32, #tpu.memory_space<vmem>>, vector<1x16xf32>,
      %get3A_124 = vector.shape_cast %get3A_123 : vector<1x16xf32> to vector<16xf32>
      %get3A_125 = arith.index_cast %scan3A_66 : i32 to index
      %get3A_126 = arith.constant 64 : index
      %get3A_127 = tpu.vector_load %arg11[%get3A_125, %get3A_126] {strides = array<i32>} : memref<40x512xf32, #tpu.memory_space<vmem>>, vector<1x16xf32>,
      %get3A_128 = vector.shape_cast %get3A_127 : vector<1x16xf32> to vector<16xf32>
      %add3A_129 = arith.addf %get3A_124, %get3A_128 : vector<16xf32>
      %swap3A_130 = arith.index_cast %scan3A_66 : i32 to index
      %swap3A_131 = arith.constant 64 : index
      %swap3A_132 = tpu.vector_load %arg9[%swap3A_130, %swap3A_131] {strides = array<i32>} : memref<40x512xf32, #tpu.memory_space<vmem>>, vector<1x16xf32>,
      %swap3A_133 = vector.shape_cast %swap3A_132 : vector<1x16xf32> to vector<16xf32>
      %swap3A_134 = vector.shape_cast %add3A_129 : vector<16xf32> to vector<1x16xf32>
      tpu.vector_store %arg9[%swap3A_130, %swap3A_131], %swap3A_134 {strides = array<i32>} : memref<40x512xf32, #tpu.memory_space<vmem>>, vector<1x16xf32>,
      %get3A_135 = arith.index_cast %scan3A_66 : i32 to index
      %get3A_136 = arith.constant 80 : index
      %get3A_137 = tpu.vector_load %arg9[%get3A_135, %get3A_136] {strides = array<i32>} : memref<40x512xf32, #tpu.memory_space<vmem>>, vector<1x16xf32>,
      %get3A_138 = vector.shape_cast %get3A_137 : vector<1x16xf32> to vector<16xf32>
      %get3A_139 = arith.index_cast %scan3A_66 : i32 to index
      %get3A_140 = arith.constant 80 : index
      %get3A_141 = tpu.vector_load %arg11[%get3A_139, %get3A_140] {strides = array<i32>} : memref<40x512xf32, #tpu.memory_space<vmem>>, vector<1x16xf32>,
      %get3A_142 = vector.shape_cast %get3A_141 : vector<1x16xf32> to vector<16xf32>
      %add3A_143 = arith.addf %get3A_138, %get3A_142 : vector<16xf32>
      %swap3A_144 = arith.index_cast %scan3A_66 : i32 to index
      %swap3A_145 = arith.constant 80 : index
      %swap3A_146 = tpu.vector_load %arg9[%swap3A_144, %swap3A_145] {strides = array<i32>} : memref<40x512xf32, #tpu.memory_space<vmem>>, vector<1x16xf32>,
      %swap3A_147 = vector.shape_cast %swap3A_146 : vector<1x16xf32> to vector<16xf32>
      %swap3A_148 = vector.shape_cast %add3A_143 : vector<16xf32> to vector<1x16xf32>
      tpu.vector_store %arg9[%swap3A_144, %swap3A_145], %swap3A_148 {strides = array<i32>} : memref<40x512xf32, #tpu.memory_space<vmem>>, vector<1x16xf32>,
      %get3A_149 = arith.index_cast %scan3A_66 : i32 to index
      %get3A_150 = arith.constant 96 : index
      %get3A_151 = tpu.vector_load %arg9[%get3A_149, %get3A_150] {strides = array<i32>} : memref<40x512xf32, #tpu.memory_space<vmem>>, vector<1x16xf32>,
      %get3A_152 = vector.shape_cast %get3A_151 : vector<1x16xf32> to vector<16xf32>
      %get3A_153 = arith.index_cast %scan3A_66 : i32 to index
      %get3A_154 = arith.constant 96 : index
      %get3A_155 = tpu.vector_load %arg11[%get3A_153, %get3A_154] {strides = array<i32>} : memref<40x512xf32, #tpu.memory_space<vmem>>, vector<1x16xf32>,
      %get3A_156 = vector.shape_cast %get3A_155 : vector<1x16xf32> to vector<16xf32>
      %add3A_157 = arith.addf %get3A_152, %get3A_156 : vector<16xf32>
      %swap3A_158 = arith.index_cast %scan3A_66 : i32 to index
      %swap3A_159 = arith.constant 96 : index
      %swap3A_160 = tpu.vector_load %arg9[%swap3A_158, %swap3A_159] {strides = array<i32>} : memref<40x512xf32, #tpu.memory_space<vmem>>, vector<1x16xf32>,
      %swap3A_161 = vector.shape_cast %swap3A_160 : vector<1x16xf32> to vector<16xf32>
      %swap3A_162 = vector.shape_cast %add3A_157 : vector<16xf32> to vector<1x16xf32>
      tpu.vector_store %arg9[%swap3A_158, %swap3A_159], %swap3A_162 {strides = array<i32>} : memref<40x512xf32, #tpu.memory_space<vmem>>, vector<1x16xf32>,
      %get3A_163 = arith.index_cast %scan3A_66 : i32 to index
      %get3A_164 = arith.constant 112 : index
      %get3A_165 = tpu.vector_load %arg9[%get3A_163, %get3A_164] {strides = array<i32>} : memref<40x512xf32, #tpu.memory_space<vmem>>, vector<1x16xf32>,
      %get3A_166 = vector.shape_cast %get3A_165 : vector<1x16xf32> to vector<16xf32>
      %get3A_167 = arith.index_cast %scan3A_66 : i32 to index
      %get3A_168 = arith.constant 112 : index
      %get3A_169 = tpu.vector_load %arg11[%get3A_167, %get3A_168] {strides = array<i32>} : memref<40x512xf32, #tpu.memory_space<vmem>>, vector<1x16xf32>,
      %get3A_170 = vector.shape_cast %get3A_169 : vector<1x16xf32> to vector<16xf32>
      %add3A_171 = arith.addf %get3A_166, %get3A_170 : vector<16xf32>
      %swap3A_172 = arith.index_cast %scan3A_66 : i32 to index
      %swap3A_173 = arith.constant 112 : index
      %swap3A_174 = tpu.vector_load %arg9[%swap3A_172, %swap3A_173] {strides = array<i32>} : memref<40x512xf32, #tpu.memory_space<vmem>>, vector<1x16xf32>,
      %swap3A_175 = vector.shape_cast %swap3A_174 : vector<1x16xf32> to vector<16xf32>
      %swap3A_176 = vector.shape_cast %add3A_171 : vector<16xf32> to vector<1x16xf32>
      tpu.vector_store %arg9[%swap3A_172, %swap3A_173], %swap3A_176 {strides = array<i32>} : memref<40x512xf32, #tpu.memory_space<vmem>>, vector<1x16xf32>,
      %get3A_177 = arith.index_cast %scan3A_66 : i32 to index
      %get3A_178 = arith.constant 128 : index
      %get3A_179 = tpu.vector_load %arg9[%get3A_177, %get3A_178] {strides = array<i32>} : memref<40x512xf32, #tpu.memory_space<vmem>>, vector<1x16xf32>,
      %get3A_180 = vector.shape_cast %get3A_179 : vector<1x16xf32> to vector<16xf32>
      %get3A_181 = arith.index_cast %scan3A_66 : i32 to index
      %get3A_182 = arith.constant 128 : index
      %get3A_183 = tpu.vector_load %arg11[%get3A_181, %get3A_182] {strides = array<i32>} : memref<40x512xf32, #tpu.memory_space<vmem>>, vector<1x16xf32>,
      %get3A_184 = vector.shape_cast %get3A_183 : vector<1x16xf32> to vector<16xf32>
      %add3A_185 = arith.addf %get3A_180, %get3A_184 : vector<16xf32>
      %swap3A_186 = arith.index_cast %scan3A_66 : i32 to index
      %swap3A_187 = arith.constant 128 : index
      %swap3A_188 = tpu.vector_load %arg9[%swap3A_186, %swap3A_187] {strides = array<i32>} : memref<40x512xf32, #tpu.memory_space<vmem>>, vector<1x16xf32>,
      %swap3A_189 = vector.shape_cast %swap3A_188 : vector<1x16xf32> to vector<16xf32>
      %swap3A_190 = vector.shape_cast %add3A_185 : vector<16xf32> to vector<1x16xf32>
      tpu.vector_store %arg9[%swap3A_186, %swap3A_187], %swap3A_190 {strides = array<i32>} : memref<40x512xf32, #tpu.memory_space<vmem>>, vector<1x16xf32>,
      %get3A_191 = arith.index_cast %scan3A_66 : i32 to index
      %get3A_192 = arith.constant 144 : index
      %get3A_193 = tpu.vector_load %arg9[%get3A_191, %get3A_192] {strides = array<i32>} : memref<40x512xf32, #tpu.memory_space<vmem>>, vector<1x16xf32>,
      %get3A_194 = vector.shape_cast %get3A_193 : vector<1x16xf32> to vector<16xf32>
      %get3A_195 = arith.index_cast %scan3A_66 : i32 to index
      %get3A_196 = arith.constant 144 : index
      %get3A_197 = tpu.vector_load %arg11[%get3A_195, %get3A_196] {strides = array<i32>} : memref<40x512xf32, #tpu.memory_space<vmem>>, vector<1x16xf32>,
      %get3A_198 = vector.shape_cast %get3A_197 : vector<1x16xf32> to vector<16xf32>
      %add3A_199 = arith.addf %get3A_194, %get3A_198 : vector<16xf32>
      %swap3A_200 = arith.index_cast %scan3A_66 : i32 to index
      %swap3A_201 = arith.constant 144 : index
      %swap3A_202 = tpu.vector_load %arg9[%swap3A_200, %swap3A_201] {strides = array<i32>} : memref<40x512xf32, #tpu.memory_space<vmem>>, vector<1x16xf32>,
      %swap3A_203 = vector.shape_cast %swap3A_202 : vector<1x16xf32> to vector<16xf32>
      %swap3A_204 = vector.shape_cast %add3A_199 : vector<16xf32> to vector<1x16xf32>
      tpu.vector_store %arg9[%swap3A_200, %swap3A_201], %swap3A_204 {strides = array<i32>} : memref<40x512xf32, #tpu.memory_space<vmem>>, vector<1x16xf32>,
      %get3A_205 = arith.index_cast %scan3A_66 : i32 to index
      %get3A_206 = arith.constant 160 : index
      %get3A_207 = tpu.vector_load %arg9[%get3A_205, %get3A_206] {strides = array<i32>} : memref<40x512xf32, #tpu.memory_space<vmem>>, vector<1x16xf32>,
      %get3A_208 = vector.shape_cast %get3A_207 : vector<1x16xf32> to vector<16xf32>
      %get3A_209 = arith.index_cast %scan3A_66 : i32 to index
      %get3A_210 = arith.constant 160 : index
      %get3A_211 = tpu.vector_load %arg11[%get3A_209, %get3A_210] {strides = array<i32>} : memref<40x512xf32, #tpu.memory_space<vmem>>, vector<1x16xf32>,
      %get3A_212 = vector.shape_cast %get3A_211 : vector<1x16xf32> to vector<16xf32>
      %add3A_213 = arith.addf %get3A_208, %get3A_212 : vector<16xf32>
      %swap3A_214 = arith.index_cast %scan3A_66 : i32 to index
      %swap3A_215 = arith.constant 160 : index
      %swap3A_216 = tpu.vector_load %arg9[%swap3A_214, %swap3A_215] {strides = array<i32>} : memref<40x512xf32, #tpu.memory_space<vmem>>, vector<1x16xf32>,
      %swap3A_217 = vector.shape_cast %swap3A_216 : vector<1x16xf32> to vector<16xf32>
      %swap3A_218 = vector.shape_cast %add3A_213 : vector<16xf32> to vector<1x16xf32>
      tpu.vector_store %arg9[%swap3A_214, %swap3A_215], %swap3A_218 {strides = array<i32>} : memref<40x512xf32, #tpu.memory_space<vmem>>, vector<1x16xf32>,
      %get3A_219 = arith.index_cast %scan3A_66 : i32 to index
      %get3A_220 = arith.constant 176 : index
      %get3A_221 = tpu.vector_load %arg9[%get3A_219, %get3A_220] {strides = array<i32>} : memref<40x512xf32, #tpu.memory_space<vmem>>, vector<1x16xf32>,
      %get3A_222 = vector.shape_cast %get3A_221 : vector<1x16xf32> to vector<16xf32>
      %get3A_223 = arith.index_cast %scan3A_66 : i32 to index
      %get3A_224 = arith.constant 176 : index
      %get3A_225 = tpu.vector_load %arg11[%get3A_223, %get3A_224] {strides = array<i32>} : memref<40x512xf32, #tpu.memory_space<vmem>>, vector<1x16xf32>,
      %get3A_226 = vector.shape_cast %get3A_225 : vector<1x16xf32> to vector<16xf32>
      %add3A_227 = arith.addf %get3A_222, %get3A_226 : vector<16xf32>
      %swap3A_228 = arith.index_cast %scan3A_66 : i32 to index
      %swap3A_229 = arith.constant 176 : index
      %swap3A_230 = tpu.vector_load %arg9[%swap3A_228, %swap3A_229] {strides = array<i32>} : memref<40x512xf32, #tpu.memory_space<vmem>>, vector<1x16xf32>,
      %swap3A_231 = vector.shape_cast %swap3A_230 : vector<1x16xf32> to vector<16xf32>
      %swap3A_232 = vector.shape_cast %add3A_227 : vector<16xf32> to vector<1x16xf32>
      tpu.vector_store %arg9[%swap3A_228, %swap3A_229], %swap3A_232 {strides = array<i32>} : memref<40x512xf32, #tpu.memory_space<vmem>>, vector<1x16xf32>,
      %get3A_233 = arith.index_cast %scan3A_66 : i32 to index
      %get3A_234 = arith.constant 192 : index
      %get3A_235 = tpu.vector_load %arg9[%get3A_233, %get3A_234] {strides = array<i32>} : memref<40x512xf32, #tpu.memory_space<vmem>>, vector<1x16xf32>,
      %get3A_236 = vector.shape_cast %get3A_235 : vector<1x16xf32> to vector<16xf32>
      %get3A_237 = arith.index_cast %scan3A_66 : i32 to index
      %get3A_238 = arith.constant 192 : index
      %get3A_239 = tpu.vector_load %arg11[%get3A_237, %get3A_238] {strides = array<i32>} : memref<40x512xf32, #tpu.memory_space<vmem>>, vector<1x16xf32>,
      %get3A_240 = vector.shape_cast %get3A_239 : vector<1x16xf32> to vector<16xf32>
      %add3A_241 = arith.addf %get3A_236, %get3A_240 : vector<16xf32>
      %swap3A_242 = arith.index_cast %scan3A_66 : i32 to index
      %swap3A_243 = arith.constant 192 : index
      %swap3A_244 = tpu.vector_load %arg9[%swap3A_242, %swap3A_243] {strides = array<i32>} : memref<40x512xf32, #tpu.memory_space<vmem>>, vector<1x16xf32>,
      %swap3A_245 = vector.shape_cast %swap3A_244 : vector<1x16xf32> to vector<16xf32>
      %swap3A_246 = vector.shape_cast %add3A_241 : vector<16xf32> to vector<1x16xf32>
      tpu.vector_store %arg9[%swap3A_242, %swap3A_243], %swap3A_246 {strides = array<i32>} : memref<40x512xf32, #tpu.memory_space<vmem>>, vector<1x16xf32>,
      %get3A_247 = arith.index_cast %scan3A_66 : i32 to index
      %get3A_248 = arith.constant 208 : index
      %get3A_249 = tpu.vector_load %arg9[%get3A_247, %get3A_248] {strides = array<i32>} : memref<40x512xf32, #tpu.memory_space<vmem>>, vector<1x16xf32>,
      %get3A_250 = vector.shape_cast %get3A_249 : vector<1x16xf32> to vector<16xf32>
      %get3A_251 = arith.index_cast %scan3A_66 : i32 to index
      %get3A_252 = arith.constant 208 : index
      %get3A_253 = tpu.vector_load %arg11[%get3A_251, %get3A_252] {strides = array<i32>} : memref<40x512xf32, #tpu.memory_space<vmem>>, vector<1x16xf32>,
      %get3A_254 = vector.shape_cast %get3A_253 : vector<1x16xf32> to vector<16xf32>
      %add3A_255 = arith.addf %get3A_250, %get3A_254 : vector<16xf32>
      %swap3A_256 = arith.index_cast %scan3A_66 : i32 to index
      %swap3A_257 = arith.constant 208 : index
      %swap3A_258 = tpu.vector_load %arg9[%swap3A_256, %swap3A_257] {strides = array<i32>} : memref<40x512xf32, #tpu.memory_space<vmem>>, vector<1x16xf32>,
      %swap3A_259 = vector.shape_cast %swap3A_258 : vector<1x16xf32> to vector<16xf32>
      %swap3A_260 = vector.shape_cast %add3A_255 : vector<16xf32> to vector<1x16xf32>
      tpu.vector_store %arg9[%swap3A_256, %swap3A_257], %swap3A_260 {strides = array<i32>} : memref<40x512xf32, #tpu.memory_space<vmem>>, vector<1x16xf32>,
      %get3A_261 = arith.index_cast %scan3A_66 : i32 to index
      %get3A_262 = arith.constant 224 : index
      %get3A_263 = tpu.vector_load %arg9[%get3A_261, %get3A_262] {strides = array<i32>} : memref<40x512xf32, #tpu.memory_space<vmem>>, vector<1x16xf32>,
      %get3A_264 = vector.shape_cast %get3A_263 : vector<1x16xf32> to vector<16xf32>
      %get3A_265 = arith.index_cast %scan3A_66 : i32 to index
      %get3A_266 = arith.constant 224 : index
      %get3A_267 = tpu.vector_load %arg11[%get3A_265, %get3A_266] {strides = array<i32>} : memref<40x512xf32, #tpu.memory_space<vmem>>, vector<1x16xf32>,
      %get3A_268 = vector.shape_cast %get3A_267 : vector<1x16xf32> to vector<16xf32>
      %add3A_269 = arith.addf %get3A_264, %get3A_268 : vector<16xf32>
      %swap3A_270 = arith.index_cast %scan3A_66 : i32 to index
      %swap3A_271 = arith.constant 224 : index
      %swap3A_272 = tpu.vector_load %arg9[%swap3A_270, %swap3A_271] {strides = array<i32>} : memref<40x512xf32, #tpu.memory_space<vmem>>, vector<1x16xf32>,
      %swap3A_273 = vector.shape_cast %swap3A_272 : vector<1x16xf32> to vector<16xf32>
      %swap3A_274 = vector.shape_cast %add3A_269 : vector<16xf32> to vector<1x16xf32>
      tpu.vector_store %arg9[%swap3A_270, %swap3A_271], %swap3A_274 {strides = array<i32>} : memref<40x512xf32, #tpu.memory_space<vmem>>, vector<1x16xf32>,
      %get3A_275 = arith.index_cast %scan3A_66 : i32 to index
      %get3A_276 = arith.constant 240 : index
      %get3A_277 = tpu.vector_load %arg9[%get3A_275, %get3A_276] {strides = array<i32>} : memref<40x512xf32, #tpu.memory_space<vmem>>, vector<1x16xf32>,
      %get3A_278 = vector.shape_cast %get3A_277 : vector<1x16xf32> to vector<16xf32>
      %get3A_279 = arith.index_cast %scan3A_66 : i32 to index
      %get3A_280 = arith.constant 240 : index
      %get3A_281 = tpu.vector_load %arg11[%get3A_279, %get3A_280] {strides = array<i32>} : memref<40x512xf32, #tpu.memory_space<vmem>>, vector<1x16xf32>,
      %get3A_282 = vector.shape_cast %get3A_281 : vector<1x16xf32> to vector<16xf32>
      %add3A_283 = arith.addf %get3A_278, %get3A_282 : vector<16xf32>
      %swap3A_284 = arith.index_cast %scan3A_66 : i32 to index
      %swap3A_285 = arith.constant 240 : index
      %swap3A_286 = tpu.vector_load %arg9[%swap3A_284, %swap3A_285] {strides = array<i32>} : memref<40x512xf32, #tpu.memory_space<vmem>>, vector<1x16xf32>,
      %swap3A_287 = vector.shape_cast %swap3A_286 : vector<1x16xf32> to vector<16xf32>
      %swap3A_288 = vector.shape_cast %add3A_283 : vector<16xf32> to vector<1x16xf32>
      tpu.vector_store %arg9[%swap3A_284, %swap3A_285], %swap3A_288 {strides = array<i32>} : memref<40x512xf32, #tpu.memory_space<vmem>>, vector<1x16xf32>,
      %get3A_289 = arith.index_cast %scan3A_66 : i32 to index
      %get3A_290 = arith.constant 256 : index
      %get3A_291 = tpu.vector_load %arg9[%get3A_289, %get3A_290] {strides = array<i32>} : memref<40x512xf32, #tpu.memory_space<vmem>>, vector<1x16xf32>,
      %get3A_292 = vector.shape_cast %get3A_291 : vector<1x16xf32> to vector<16xf32>
      %get3A_293 = arith.index_cast %scan3A_66 : i32 to index
      %get3A_294 = arith.constant 256 : index
      %get3A_295 = tpu.vector_load %arg11[%get3A_293, %get3A_294] {strides = array<i32>} : memref<40x512xf32, #tpu.memory_space<vmem>>, vector<1x16xf32>,
      %get3A_296 = vector.shape_cast %get3A_295 : vector<1x16xf32> to vector<16xf32>
      %add3A_297 = arith.addf %get3A_292, %get3A_296 : vector<16xf32>
      %swap3A_298 = arith.index_cast %scan3A_66 : i32 to index
      %swap3A_299 = arith.constant 256 : index
      %swap3A_300 = tpu.vector_load %arg9[%swap3A_298, %swap3A_299] {strides = array<i32>} : memref<40x512xf32, #tpu.memory_space<vmem>>, vector<1x16xf32>,
      %swap3A_301 = vector.shape_cast %swap3A_300 : vector<1x16xf32> to vector<16xf32>
      %swap3A_302 = vector.shape_cast %add3A_297 : vector<16xf32> to vector<1x16xf32>
      tpu.vector_store %arg9[%swap3A_298, %swap3A_299], %swap3A_302 {strides = array<i32>} : memref<40x512xf32, #tpu.memory_space<vmem>>, vector<1x16xf32>,
      %get3A_303 = arith.index_cast %scan3A_66 : i32 to index
      %get3A_304 = arith.constant 272 : index
      %get3A_305 = tpu.vector_load %arg9[%get3A_303, %get3A_304] {strides = array<i32>} : memref<40x512xf32, #tpu.memory_space<vmem>>, vector<1x16xf32>,
      %get3A_306 = vector.shape_cast %get3A_305 : vector<1x16xf32> to vector<16xf32>
      %get3A_307 = arith.index_cast %scan3A_66 : i32 to index
      %get3A_308 = arith.constant 272 : index
      %get3A_309 = tpu.vector_load %arg11[%get3A_307, %get3A_308] {strides = array<i32>} : memref<40x512xf32, #tpu.memory_space<vmem>>, vector<1x16xf32>,
      %get3A_310 = vector.shape_cast %get3A_309 : vector<1x16xf32> to vector<16xf32>
      %add3A_311 = arith.addf %get3A_306, %get3A_310 : vector<16xf32>
      %swap3A_312 = arith.index_cast %scan3A_66 : i32 to index
      %swap3A_313 = arith.constant 272 : index
      %swap3A_314 = tpu.vector_load %arg9[%swap3A_312, %swap3A_313] {strides = array<i32>} : memref<40x512xf32, #tpu.memory_space<vmem>>, vector<1x16xf32>,
      %swap3A_315 = vector.shape_cast %swap3A_314 : vector<1x16xf32> to vector<16xf32>
      %swap3A_316 = vector.shape_cast %add3A_311 : vector<16xf32> to vector<1x16xf32>
      tpu.vector_store %arg9[%swap3A_312, %swap3A_313], %swap3A_316 {strides = array<i32>} : memref<40x512xf32, #tpu.memory_space<vmem>>, vector<1x16xf32>,
      %get3A_317 = arith.index_cast %scan3A_66 : i32 to index
      %get3A_318 = arith.constant 288 : index
      %get3A_319 = tpu.vector_load %arg9[%get3A_317, %get3A_318] {strides = array<i32>} : memref<40x512xf32, #tpu.memory_space<vmem>>, vector<1x16xf32>,
      %get3A_320 = vector.shape_cast %get3A_319 : vector<1x16xf32> to vector<16xf32>
      %get3A_321 = arith.index_cast %scan3A_66 : i32 to index
      %get3A_322 = arith.constant 288 : index
      %get3A_323 = tpu.vector_load %arg11[%get3A_321, %get3A_322] {strides = array<i32>} : memref<40x512xf32, #tpu.memory_space<vmem>>, vector<1x16xf32>,
      %get3A_324 = vector.shape_cast %get3A_323 : vector<1x16xf32> to vector<16xf32>
      %add3A_325 = arith.addf %get3A_320, %get3A_324 : vector<16xf32>
      %swap3A_326 = arith.index_cast %scan3A_66 : i32 to index
      %swap3A_327 = arith.constant 288 : index
      %swap3A_328 = tpu.vector_load %arg9[%swap3A_326, %swap3A_327] {strides = array<i32>} : memref<40x512xf32, #tpu.memory_space<vmem>>, vector<1x16xf32>,
      %swap3A_329 = vector.shape_cast %swap3A_328 : vector<1x16xf32> to vector<16xf32>
      %swap3A_330 = vector.shape_cast %add3A_325 : vector<16xf32> to vector<1x16xf32>
      tpu.vector_store %arg9[%swap3A_326, %swap3A_327], %swap3A_330 {strides = array<i32>} : memref<40x512xf32, #tpu.memory_space<vmem>>, vector<1x16xf32>,
      %get3A_331 = arith.index_cast %scan3A_66 : i32 to index
      %get3A_332 = arith.constant 304 : index
      %get3A_333 = tpu.vector_load %arg9[%get3A_331, %get3A_332] {strides = array<i32>} : memref<40x512xf32, #tpu.memory_space<vmem>>, vector<1x16xf32>,
      %get3A_334 = vector.shape_cast %get3A_333 : vector<1x16xf32> to vector<16xf32>
      %get3A_335 = arith.index_cast %scan3A_66 : i32 to index
      %get3A_336 = arith.constant 304 : index
      %get3A_337 = tpu.vector_load %arg11[%get3A_335, %get3A_336] {strides = array<i32>} : memref<40x512xf32, #tpu.memory_space<vmem>>, vector<1x16xf32>,
      %get3A_338 = vector.shape_cast %get3A_337 : vector<1x16xf32> to vector<16xf32>
      %add3A_339 = arith.addf %get3A_334, %get3A_338 : vector<16xf32>
      %swap3A_340 = arith.index_cast %scan3A_66 : i32 to index
      %swap3A_341 = arith.constant 304 : index
      %swap3A_342 = tpu.vector_load %arg9[%swap3A_340, %swap3A_341] {strides = array<i32>} : memref<40x512xf32, #tpu.memory_space<vmem>>, vector<1x16xf32>,
      %swap3A_343 = vector.shape_cast %swap3A_342 : vector<1x16xf32> to vector<16xf32>
      %swap3A_344 = vector.shape_cast %add3A_339 : vector<16xf32> to vector<1x16xf32>
      tpu.vector_store %arg9[%swap3A_340, %swap3A_341], %swap3A_344 {strides = array<i32>} : memref<40x512xf32, #tpu.memory_space<vmem>>, vector<1x16xf32>,
      %get3A_345 = arith.index_cast %scan3A_66 : i32 to index
      %get3A_346 = arith.constant 320 : index
      %get3A_347 = tpu.vector_load %arg9[%get3A_345, %get3A_346] {strides = array<i32>} : memref<40x512xf32, #tpu.memory_space<vmem>>, vector<1x16xf32>,
      %get3A_348 = vector.shape_cast %get3A_347 : vector<1x16xf32> to vector<16xf32>
      %get3A_349 = arith.index_cast %scan3A_66 : i32 to index
      %get3A_350 = arith.constant 320 : index
      %get3A_351 = tpu.vector_load %arg11[%get3A_349, %get3A_350] {strides = array<i32>} : memref<40x512xf32, #tpu.memory_space<vmem>>, vector<1x16xf32>,
      %get3A_352 = vector.shape_cast %get3A_351 : vector<1x16xf32> to vector<16xf32>
      %add3A_353 = arith.addf %get3A_348, %get3A_352 : vector<16xf32>
      %swap3A_354 = arith.index_cast %scan3A_66 : i32 to index
      %swap3A_355 = arith.constant 320 : index
      %swap3A_356 = tpu.vector_load %arg9[%swap3A_354, %swap3A_355] {strides = array<i32>} : memref<40x512xf32, #tpu.memory_space<vmem>>, vector<1x16xf32>,
      %swap3A_357 = vector.shape_cast %swap3A_356 : vector<1x16xf32> to vector<16xf32>
      %swap3A_358 = vector.shape_cast %add3A_353 : vector<16xf32> to vector<1x16xf32>
      tpu.vector_store %arg9[%swap3A_354, %swap3A_355], %swap3A_358 {strides = array<i32>} : memref<40x512xf32, #tpu.memory_space<vmem>>, vector<1x16xf32>,
      %get3A_359 = arith.index_cast %scan3A_66 : i32 to index
      %get3A_360 = arith.constant 336 : index
      %get3A_361 = tpu.vector_load %arg9[%get3A_359, %get3A_360] {strides = array<i32>} : memref<40x512xf32, #tpu.memory_space<vmem>>, vector<1x16xf32>,
      %get3A_362 = vector.shape_cast %get3A_361 : vector<1x16xf32> to vector<16xf32>
      %get3A_363 = arith.index_cast %scan3A_66 : i32 to index
      %get3A_364 = arith.constant 336 : index
      %get3A_365 = tpu.vector_load %arg11[%get3A_363, %get3A_364] {strides = array<i32>} : memref<40x512xf32, #tpu.memory_space<vmem>>, vector<1x16xf32>,
      %get3A_366 = vector.shape_cast %get3A_365 : vector<1x16xf32> to vector<16xf32>
      %add3A_367 = arith.addf %get3A_362, %get3A_366 : vector<16xf32>
      %swap3A_368 = arith.index_cast %scan3A_66 : i32 to index
      %swap3A_369 = arith.constant 336 : index
      %swap3A_370 = tpu.vector_load %arg9[%swap3A_368, %swap3A_369] {strides = array<i32>} : memref<40x512xf32, #tpu.memory_space<vmem>>, vector<1x16xf32>,
      %swap3A_371 = vector.shape_cast %swap3A_370 : vector<1x16xf32> to vector<16xf32>
      %swap3A_372 = vector.shape_cast %add3A_367 : vector<16xf32> to vector<1x16xf32>
      tpu.vector_store %arg9[%swap3A_368, %swap3A_369], %swap3A_372 {strides = array<i32>} : memref<40x512xf32, #tpu.memory_space<vmem>>, vector<1x16xf32>,
      %get3A_373 = arith.index_cast %scan3A_66 : i32 to index
      %get3A_374 = arith.constant 352 : index
      %get3A_375 = tpu.vector_load %arg9[%get3A_373, %get3A_374] {strides = array<i32>} : memref<40x512xf32, #tpu.memory_space<vmem>>, vector<1x16xf32>,
      %get3A_376 = vector.shape_cast %get3A_375 : vector<1x16xf32> to vector<16xf32>
      %get3A_377 = arith.index_cast %scan3A_66 : i32 to index
      %get3A_378 = arith.constant 352 : index
      %get3A_379 = tpu.vector_load %arg11[%get3A_377, %get3A_378] {strides = array<i32>} : memref<40x512xf32, #tpu.memory_space<vmem>>, vector<1x16xf32>,
      %get3A_380 = vector.shape_cast %get3A_379 : vector<1x16xf32> to vector<16xf32>
      %add3A_381 = arith.addf %get3A_376, %get3A_380 : vector<16xf32>
      %swap3A_382 = arith.index_cast %scan3A_66 : i32 to index
      %swap3A_383 = arith.constant 352 : index
      %swap3A_384 = tpu.vector_load %arg9[%swap3A_382, %swap3A_383] {strides = array<i32>} : memref<40x512xf32, #tpu.memory_space<vmem>>, vector<1x16xf32>,
      %swap3A_385 = vector.shape_cast %swap3A_384 : vector<1x16xf32> to vector<16xf32>
      %swap3A_386 = vector.shape_cast %add3A_381 : vector<16xf32> to vector<1x16xf32>
      tpu.vector_store %arg9[%swap3A_382, %swap3A_383], %swap3A_386 {strides = array<i32>} : memref<40x512xf32, #tpu.memory_space<vmem>>, vector<1x16xf32>,
      %get3A_387 = arith.index_cast %scan3A_66 : i32 to index
      %get3A_388 = arith.constant 368 : index
      %get3A_389 = tpu.vector_load %arg9[%get3A_387, %get3A_388] {strides = array<i32>} : memref<40x512xf32, #tpu.memory_space<vmem>>, vector<1x16xf32>,
      %get3A_390 = vector.shape_cast %get3A_389 : vector<1x16xf32> to vector<16xf32>
      %get3A_391 = arith.index_cast %scan3A_66 : i32 to index
      %get3A_392 = arith.constant 368 : index
      %get3A_393 = tpu.vector_load %arg11[%get3A_391, %get3A_392] {strides = array<i32>} : memref<40x512xf32, #tpu.memory_space<vmem>>, vector<1x16xf32>,
      %get3A_394 = vector.shape_cast %get3A_393 : vector<1x16xf32> to vector<16xf32>
      %add3A_395 = arith.addf %get3A_390, %get3A_394 : vector<16xf32>
      %swap3A_396 = arith.index_cast %scan3A_66 : i32 to index
      %swap3A_397 = arith.constant 368 : index
      %swap3A_398 = tpu.vector_load %arg9[%swap3A_396, %swap3A_397] {strides = array<i32>} : memref<40x512xf32, #tpu.memory_space<vmem>>, vector<1x16xf32>,
      %swap3A_399 = vector.shape_cast %swap3A_398 : vector<1x16xf32> to vector<16xf32>
      %swap3A_400 = vector.shape_cast %add3A_395 : vector<16xf32> to vector<1x16xf32>
      tpu.vector_store %arg9[%swap3A_396, %swap3A_397], %swap3A_400 {strides = array<i32>} : memref<40x512xf32, #tpu.memory_space<vmem>>, vector<1x16xf32>,
      %get3A_401 = arith.index_cast %scan3A_66 : i32 to index
      %get3A_402 = arith.constant 384 : index
      %get3A_403 = tpu.vector_load %arg9[%get3A_401, %get3A_402] {strides = array<i32>} : memref<40x512xf32, #tpu.memory_space<vmem>>, vector<1x16xf32>,
      %get3A_404 = vector.shape_cast %get3A_403 : vector<1x16xf32> to vector<16xf32>
      %get3A_405 = arith.index_cast %scan3A_66 : i32 to index
      %get3A_406 = arith.constant 384 : index
      %get3A_407 = tpu.vector_load %arg11[%get3A_405, %get3A_406] {strides = array<i32>} : memref<40x512xf32, #tpu.memory_space<vmem>>, vector<1x16xf32>,
      %get3A_408 = vector.shape_cast %get3A_407 : vector<1x16xf32> to vector<16xf32>
      %add3A_409 = arith.addf %get3A_404, %get3A_408 : vector<16xf32>
      %swap3A_410 = arith.index_cast %scan3A_66 : i32 to index
      %swap3A_411 = arith.constant 384 : index
      %swap3A_412 = tpu.vector_load %arg9[%swap3A_410, %swap3A_411] {strides = array<i32>} : memref<40x512xf32, #tpu.memory_space<vmem>>, vector<1x16xf32>,
      %swap3A_413 = vector.shape_cast %swap3A_412 : vector<1x16xf32> to vector<16xf32>
      %swap3A_414 = vector.shape_cast %add3A_409 : vector<16xf32> to vector<1x16xf32>
      tpu.vector_store %arg9[%swap3A_410, %swap3A_411], %swap3A_414 {strides = array<i32>} : memref<40x512xf32, #tpu.memory_space<vmem>>, vector<1x16xf32>,
      %get3A_415 = arith.index_cast %scan3A_66 : i32 to index
      %get3A_416 = arith.constant 400 : index
      %get3A_417 = tpu.vector_load %arg9[%get3A_415, %get3A_416] {strides = array<i32>} : memref<40x512xf32, #tpu.memory_space<vmem>>, vector<1x16xf32>,
      %get3A_418 = vector.shape_cast %get3A_417 : vector<1x16xf32> to vector<16xf32>
      %get3A_419 = arith.index_cast %scan3A_66 : i32 to index
      %get3A_420 = arith.constant 400 : index
      %get3A_421 = tpu.vector_load %arg11[%get3A_419, %get3A_420] {strides = array<i32>} : memref<40x512xf32, #tpu.memory_space<vmem>>, vector<1x16xf32>,
      %get3A_422 = vector.shape_cast %get3A_421 : vector<1x16xf32> to vector<16xf32>
      %add3A_423 = arith.addf %get3A_418, %get3A_422 : vector<16xf32>
      %swap3A_424 = arith.index_cast %scan3A_66 : i32 to index
      %swap3A_425 = arith.constant 400 : index
      %swap3A_426 = tpu.vector_load %arg9[%swap3A_424, %swap3A_425] {strides = array<i32>} : memref<40x512xf32, #tpu.memory_space<vmem>>, vector<1x16xf32>,
      %swap3A_427 = vector.shape_cast %swap3A_426 : vector<1x16xf32> to vector<16xf32>
      %swap3A_428 = vector.shape_cast %add3A_423 : vector<16xf32> to vector<1x16xf32>
      tpu.vector_store %arg9[%swap3A_424, %swap3A_425], %swap3A_428 {strides = array<i32>} : memref<40x512xf32, #tpu.memory_space<vmem>>, vector<1x16xf32>,
      %get3A_429 = arith.index_cast %scan3A_66 : i32 to index
      %get3A_430 = arith.constant 416 : index
      %get3A_431 = tpu.vector_load %arg9[%get3A_429, %get3A_430] {strides = array<i32>} : memref<40x512xf32, #tpu.memory_space<vmem>>, vector<1x16xf32>,
      %get3A_432 = vector.shape_cast %get3A_431 : vector<1x16xf32> to vector<16xf32>
      %get3A_433 = arith.index_cast %scan3A_66 : i32 to index
      %get3A_434 = arith.constant 416 : index
      %get3A_435 = tpu.vector_load %arg11[%get3A_433, %get3A_434] {strides = array<i32>} : memref<40x512xf32, #tpu.memory_space<vmem>>, vector<1x16xf32>,
      %get3A_436 = vector.shape_cast %get3A_435 : vector<1x16xf32> to vector<16xf32>
      %add3A_437 = arith.addf %get3A_432, %get3A_436 : vector<16xf32>
      %swap3A_438 = arith.index_cast %scan3A_66 : i32 to index
      %swap3A_439 = arith.constant 416 : index
      %swap3A_440 = tpu.vector_load %arg9[%swap3A_438, %swap3A_439] {strides = array<i32>} : memref<40x512xf32, #tpu.memory_space<vmem>>, vector<1x16xf32>,
      %swap3A_441 = vector.shape_cast %swap3A_440 : vector<1x16xf32> to vector<16xf32>
      %swap3A_442 = vector.shape_cast %add3A_437 : vector<16xf32> to vector<1x16xf32>
      tpu.vector_store %arg9[%swap3A_438, %swap3A_439], %swap3A_442 {strides = array<i32>} : memref<40x512xf32, #tpu.memory_space<vmem>>, vector<1x16xf32>,
      %get3A_443 = arith.index_cast %scan3A_66 : i32 to index
      %get3A_444 = arith.constant 432 : index
      %get3A_445 = tpu.vector_load %arg9[%get3A_443, %get3A_444] {strides = array<i32>} : memref<40x512xf32, #tpu.memory_space<vmem>>, vector<1x16xf32>,
      %get3A_446 = vector.shape_cast %get3A_445 : vector<1x16xf32> to vector<16xf32>
      %get3A_447 = arith.index_cast %scan3A_66 : i32 to index
      %get3A_448 = arith.constant 432 : index
      %get3A_449 = tpu.vector_load %arg11[%get3A_447, %get3A_448] {strides = array<i32>} : memref<40x512xf32, #tpu.memory_space<vmem>>, vector<1x16xf32>,
      %get3A_450 = vector.shape_cast %get3A_449 : vector<1x16xf32> to vector<16xf32>
      %add3A_451 = arith.addf %get3A_446, %get3A_450 : vector<16xf32>
      %swap3A_452 = arith.index_cast %scan3A_66 : i32 to index
      %swap3A_453 = arith.constant 432 : index
      %swap3A_454 = tpu.vector_load %arg9[%swap3A_452, %swap3A_453] {strides = array<i32>} : memref<40x512xf32, #tpu.memory_space<vmem>>, vector<1x16xf32>,
      %swap3A_455 = vector.shape_cast %swap3A_454 : vector<1x16xf32> to vector<16xf32>
      %swap3A_456 = vector.shape_cast %add3A_451 : vector<16xf32> to vector<1x16xf32>
      tpu.vector_store %arg9[%swap3A_452, %swap3A_453], %swap3A_456 {strides = array<i32>} : memref<40x512xf32, #tpu.memory_space<vmem>>, vector<1x16xf32>,
      %get3A_457 = arith.index_cast %scan3A_66 : i32 to index
      %get3A_458 = arith.constant 448 : index
      %get3A_459 = tpu.vector_load %arg9[%get3A_457, %get3A_458] {strides = array<i32>} : memref<40x512xf32, #tpu.memory_space<vmem>>, vector<1x16xf32>,
      %get3A_460 = vector.shape_cast %get3A_459 : vector<1x16xf32> to vector<16xf32>
      %get3A_461 = arith.index_cast %scan3A_66 : i32 to index
      %get3A_462 = arith.constant 448 : index
      %get3A_463 = tpu.vector_load %arg11[%get3A_461, %get3A_462] {strides = array<i32>} : memref<40x512xf32, #tpu.memory_space<vmem>>, vector<1x16xf32>,
      %get3A_464 = vector.shape_cast %get3A_463 : vector<1x16xf32> to vector<16xf32>
      %add3A_465 = arith.addf %get3A_460, %get3A_464 : vector<16xf32>
      %swap3A_466 = arith.index_cast %scan3A_66 : i32 to index
      %swap3A_467 = arith.constant 448 : index
      %swap3A_468 = tpu.vector_load %arg9[%swap3A_466, %swap3A_467] {strides = array<i32>} : memref<40x512xf32, #tpu.memory_space<vmem>>, vector<1x16xf32>,
      %swap3A_469 = vector.shape_cast %swap3A_468 : vector<1x16xf32> to vector<16xf32>
      %swap3A_470 = vector.shape_cast %add3A_465 : vector<16xf32> to vector<1x16xf32>
      tpu.vector_store %arg9[%swap3A_466, %swap3A_467], %swap3A_470 {strides = array<i32>} : memref<40x512xf32, #tpu.memory_space<vmem>>, vector<1x16xf32>,
      %get3A_471 = arith.index_cast %scan3A_66 : i32 to index
      %get3A_472 = arith.constant 464 : index
      %get3A_473 = tpu.vector_load %arg9[%get3A_471, %get3A_472] {strides = array<i32>} : memref<40x512xf32, #tpu.memory_space<vmem>>, vector<1x16xf32>,
      %get3A_474 = vector.shape_cast %get3A_473 : vector<1x16xf32> to vector<16xf32>
      %get3A_475 = arith.index_cast %scan3A_66 : i32 to index
      %get3A_476 = arith.constant 464 : index
      %get3A_477 = tpu.vector_load %arg11[%get3A_475, %get3A_476] {strides = array<i32>} : memref<40x512xf32, #tpu.memory_space<vmem>>, vector<1x16xf32>,
      %get3A_478 = vector.shape_cast %get3A_477 : vector<1x16xf32> to vector<16xf32>
      %add3A_479 = arith.addf %get3A_474, %get3A_478 : vector<16xf32>
      %swap3A_480 = arith.index_cast %scan3A_66 : i32 to index
      %swap3A_481 = arith.constant 464 : index
      %swap3A_482 = tpu.vector_load %arg9[%swap3A_480, %swap3A_481] {strides = array<i32>} : memref<40x512xf32, #tpu.memory_space<vmem>>, vector<1x16xf32>,
      %swap3A_483 = vector.shape_cast %swap3A_482 : vector<1x16xf32> to vector<16xf32>
      %swap3A_484 = vector.shape_cast %add3A_479 : vector<16xf32> to vector<1x16xf32>
      tpu.vector_store %arg9[%swap3A_480, %swap3A_481], %swap3A_484 {strides = array<i32>} : memref<40x512xf32, #tpu.memory_space<vmem>>, vector<1x16xf32>,
      %get3A_485 = arith.index_cast %scan3A_66 : i32 to index
      %get3A_486 = arith.constant 480 : index
      %get3A_487 = tpu.vector_load %arg9[%get3A_485, %get3A_486] {strides = array<i32>} : memref<40x512xf32, #tpu.memory_space<vmem>>, vector<1x16xf32>,
      %get3A_488 = vector.shape_cast %get3A_487 : vector<1x16xf32> to vector<16xf32>
      %get3A_489 = arith.index_cast %scan3A_66 : i32 to index
      %get3A_490 = arith.constant 480 : index
      %get3A_491 = tpu.vector_load %arg11[%get3A_489, %get3A_490] {strides = array<i32>} : memref<40x512xf32, #tpu.memory_space<vmem>>, vector<1x16xf32>,
      %get3A_492 = vector.shape_cast %get3A_491 : vector<1x16xf32> to vector<16xf32>
      %add3A_493 = arith.addf %get3A_488, %get3A_492 : vector<16xf32>
      %swap3A_494 = arith.index_cast %scan3A_66 : i32 to index
      %swap3A_495 = arith.constant 480 : index
      %swap3A_496 = tpu.vector_load %arg9[%swap3A_494, %swap3A_495] {strides = array<i32>} : memref<40x512xf32, #tpu.memory_space<vmem>>, vector<1x16xf32>,
      %swap3A_497 = vector.shape_cast %swap3A_496 : vector<1x16xf32> to vector<16xf32>
      %swap3A_498 = vector.shape_cast %add3A_493 : vector<16xf32> to vector<1x16xf32>
      tpu.vector_store %arg9[%swap3A_494, %swap3A_495], %swap3A_498 {strides = array<i32>} : memref<40x512xf32, #tpu.memory_space<vmem>>, vector<1x16xf32>,
      %get3A_499 = arith.index_cast %scan3A_66 : i32 to index
      %get3A_500 = arith.constant 496 : index
      %get3A_501 = tpu.vector_load %arg9[%get3A_499, %get3A_500] {strides = array<i32>} : memref<40x512xf32, #tpu.memory_space<vmem>>, vector<1x16xf32>,
      %get3A_502 = vector.shape_cast %get3A_501 : vector<1x16xf32> to vector<16xf32>
      %get3A_503 = arith.index_cast %scan3A_66 : i32 to index
      %get3A_504 = arith.constant 496 : index
      %get3A_505 = tpu.vector_load %arg11[%get3A_503, %get3A_504] {strides = array<i32>} : memref<40x512xf32, #tpu.memory_space<vmem>>, vector<1x16xf32>,
      %get3A_506 = vector.shape_cast %get3A_505 : vector<1x16xf32> to vector<16xf32>
      %add3A_507 = arith.addf %get3A_502, %get3A_506 : vector<16xf32>
      %swap3A_508 = arith.index_cast %scan3A_66 : i32 to index
      %swap3A_509 = arith.constant 496 : index
      %swap3A_510 = tpu.vector_load %arg9[%swap3A_508, %swap3A_509] {strides = array<i32>} : memref<40x512xf32, #tpu.memory_space<vmem>>, vector<1x16xf32>,
      %swap3A_511 = vector.shape_cast %swap3A_510 : vector<1x16xf32> to vector<16xf32>
      %swap3A_512 = vector.shape_cast %add3A_507 : vector<16xf32> to vector<1x16xf32>
      tpu.vector_store %arg9[%swap3A_508, %swap3A_509], %swap3A_512 {strides = array<i32>} : memref<40x512xf32, #tpu.memory_space<vmem>>, vector<1x16xf32>,
    }
    %scan3A_51 = arith.constant 40 : i32
    %mul3A_52 = arith.constant 5000 : i32
    %mul3A_53 = arith.muli %add3A, %mul3A_52 : i32
    %add3A_54 = arith.constant 4960 : i32
    %add3A_55 = arith.addi %mul3A_53, %add3A_54 : i32
    %dma_start3A_56 = arith.constant 0 : i32
    %dma_start3A_57 = tpu.memref_slice %arg6[%add3A_55, %dma_start3A_56] : memref<160000x512xf32, #tpu.memory_space<hbm>> -> memref<40x512xf32, #tpu.memory_space<hbm>>
    %dma_start3A_58 = arith.constant 0 : i32
    %dma_start3A_59 = tpu.memref_slice %arg6[%add3A_55, %dma_start3A_58] : memref<160000x512xf32, #tpu.memory_space<hbm>> -> memref<40x512xf32, #tpu.memory_space<hbm>>
    tpu.enqueue_dma source(%arg9 : memref<40x512xf32, #tpu.memory_space<vmem>>) target(%dma_start3A_59 : memref<40x512xf32, #tpu.memory_space<hbm>>) target_semaphore(%arg15 : memref<!tpu.dma_semaphore, #tpu.memory_space<semaphore_mem>>)
    %dma_wait3A_60 = arith.constant 0 : i32
    %dma_wait3A_61 = arith.constant 0 : i32
    %dma_wait3A_62 = tpu.memref_slice %arg6[%dma_wait3A_60, %dma_wait3A_61] : memref<160000x512xf32, #tpu.memory_space<hbm>> -> memref<40x512xf32, #tpu.memory_space<hbm>>
    %dma_wait3A_63 = arith.constant 0 : i32
    %dma_wait3A_64 = arith.constant 0 : i32
    %dma_wait3A_65 = tpu.memref_slice %arg6[%dma_wait3A_63, %dma_wait3A_64] : memref<160000x512xf32, #tpu.memory_space<hbm>> -> memref<40x512xf32, #tpu.memory_space<hbm>>
    tpu.wait_dma2 semaphore(%arg15 : memref<!tpu.dma_semaphore, #tpu.memory_space<semaphore_mem>>) src(%arg9 : memref<40x512xf32, #tpu.memory_space<vmem>>) dst(%dma_wait3A_65 : memref<40x512xf32, #tpu.memory_space<hbm>>)
    return
  }
}

module attributes {stable_mosaic.version = 14 : i64} {
  func.func @_preproj_body(%arg0: i32, %arg1: memref<1000x512xf32, #tpu.memory_space<vmem>>, %arg2: memref<1000x512xf32, #tpu.memory_space<vmem>>, %arg3: memref<512x512xf32, #tpu.memory_space<vmem>>, %arg4: memref<512x512xf32, #tpu.memory_space<vmem>>, %arg5: memref<1x512xf32, #tpu.memory_space<vmem>>, %arg6: memref<1000x512xf32, #tpu.memory_space<vmem>>, %arg7: memref<1000x512xf32, #tpu.memory_space<vmem>>) attributes {dimension_semantics = [#tpu.dimension_semantics<arbitrary>], iteration_bounds = array<i64: 10>, scalar_prefetch = 0 : i64, scratch_operands = 0 : i64, tpu.core_type = #tpu.core_type<tc>, window_params = [{transform_indices = @transform_0, window_bounds = array<i64: 1000, 512>}, {transform_indices = @transform_1, window_bounds = array<i64: 1000, 512>}, {pipeline_mode = #tpu.pipeline_mode<synchronous>, transform_indices = @transform_2, window_bounds = array<i64: 512, 512>}, {pipeline_mode = #tpu.pipeline_mode<synchronous>, transform_indices = @transform_3, window_bounds = array<i64: 512, 512>}, {pipeline_mode = #tpu.pipeline_mode<synchronous>, transform_indices = @transform_4, window_bounds = array<i64: 1, 512>}, {transform_indices = @transform_5, window_bounds = array<i64: 1000, 512>}, {transform_indices = @transform_6, window_bounds = array<i64: 1000, 512>}]} {
    %get3A = arith.constant 0 : index
    %get3A_0 = arith.constant 0 : index
    %get3A_1 = vector.load %arg1[%get3A, %get3A_0] : memref<1000x512xf32, #tpu.memory_space<vmem>>, vector<1000x512xf32>
    %get3A_2 = arith.constant 0 : index
    %get3A_3 = arith.constant 0 : index
    %get3A_4 = vector.load %arg3[%get3A_2, %get3A_3] : memref<512x512xf32, #tpu.memory_space<vmem>>, vector<512x512xf32>
    %dot_general3A = arith.constant dense<0.000000e+00> : vector<1000x512xf32>
    %dot_general3A_5 = tpu.matmul %get3A_1, %get3A_4, %dot_general3A {dimension_numbers = #tpu.dot_dimension_numbers<[1], [0], [0], [1], [0, 0, 1, 1], [], []>, transpose_lhs_hint = false} : vector<1000x512xf32>, vector<512x512xf32>, vector<1000x512xf32> -> vector<1000x512xf32>
    %swap3A = arith.constant 0 : index
    %swap3A_6 = arith.constant 0 : index
    %swap3A_7 = vector.load %arg6[%swap3A, %swap3A_6] : memref<1000x512xf32, #tpu.memory_space<vmem>>, vector<1000x512xf32>
    tpu.vector_store %arg6[%swap3A, %swap3A_6], %dot_general3A_5 {strides = array<i32>} : memref<1000x512xf32, #tpu.memory_space<vmem>>, vector<1000x512xf32>,
    %get3A_8 = arith.constant 0 : index
    %get3A_9 = arith.constant 0 : index
    %get3A_10 = vector.load %arg2[%get3A_8, %get3A_9] : memref<1000x512xf32, #tpu.memory_space<vmem>>, vector<1000x512xf32>
    %get3A_11 = arith.constant 0 : index
    %get3A_12 = arith.constant 0 : index
    %get3A_13 = vector.load %arg4[%get3A_11, %get3A_12] : memref<512x512xf32, #tpu.memory_space<vmem>>, vector<512x512xf32>
    %dot_general3A_14 = arith.constant dense<0.000000e+00> : vector<1000x512xf32>
    %dot_general3A_15 = tpu.matmul %get3A_10, %get3A_13, %dot_general3A_14 {dimension_numbers = #tpu.dot_dimension_numbers<[1], [0], [0], [1], [0, 0, 1, 1], [], []>, transpose_lhs_hint = false} : vector<1000x512xf32>, vector<512x512xf32>, vector<1000x512xf32> -> vector<1000x512xf32>
    %get3A_16 = arith.constant 0 : index
    %get3A_17 = arith.constant 0 : index
    %get3A_18 = vector.load %arg5[%get3A_16, %get3A_17] : memref<1x512xf32, #tpu.memory_space<vmem>>, vector<1x512xf32>
    %add3A = vector.broadcast %get3A_18 : vector<1x512xf32> to vector<1000x512xf32>
    %add3A_19 = arith.addf %dot_general3A_15, %add3A : vector<1000x512xf32>
    %swap3A_20 = arith.constant 0 : index
    %swap3A_21 = arith.constant 0 : index
    %swap3A_22 = vector.load %arg7[%swap3A_20, %swap3A_21] : memref<1000x512xf32, #tpu.memory_space<vmem>>, vector<1000x512xf32>
    tpu.vector_store %arg7[%swap3A_20, %swap3A_21], %add3A_19 {strides = array<i32>} : memref<1000x512xf32, #tpu.memory_space<vmem>>, vector<1000x512xf32>,
    return
  }
  func.func @transform_0(%arg0: i32) -> (i32, i32) {
    %c0_i32 = arith.constant 0 : i32
    %c0_i32_0 = arith.constant 0 : i32
    return %arg0, %c0_i32 : i32, i32
  }
  func.func @transform_1(%arg0: i32) -> (i32, i32) {
    %c0_i32 = arith.constant 0 : i32
    %c0_i32_0 = arith.constant 0 : i32
    return %arg0, %c0_i32 : i32, i32
  }
  func.func @transform_2(%arg0: i32) -> (i32, i32) {
    %c0_i32 = arith.constant 0 : i32
    %c0_i32_0 = arith.constant 0 : i32
    %c0_i32_1 = arith.constant 0 : i32
    return %c0_i32, %c0_i32_0 : i32, i32
  }
  func.func @transform_3(%arg0: i32) -> (i32, i32) {
    %c0_i32 = arith.constant 0 : i32
    %c0_i32_0 = arith.constant 0 : i32
    %c0_i32_1 = arith.constant 0 : i32
    return %c0_i32, %c0_i32_0 : i32, i32
  }
  func.func @transform_4(%arg0: i32) -> (i32, i32) {
    %c0_i32 = arith.constant 0 : i32
    %c0_i32_0 = arith.constant 0 : i32
    %c0_i32_1 = arith.constant 0 : i32
    return %c0_i32, %c0_i32_0 : i32, i32
  }
  func.func @transform_5(%arg0: i32) -> (i32, i32) {
    %c0_i32 = arith.constant 0 : i32
    %c0_i32_0 = arith.constant 0 : i32
    return %arg0, %c0_i32 : i32, i32
  }
  func.func @transform_6(%arg0: i32) -> (i32, i32) {
    %c0_i32 = arith.constant 0 : i32
    %c0_i32_0 = arith.constant 0 : i32
    return %arg0, %c0_i32 : i32, i32
  }
}

module attributes {stable_mosaic.version = 14 : i64} {
  func.func @_edge_body(%arg0: i32, %arg1: memref<1600x512xf32, #tpu.memory_space<vmem>>, %arg2: memref<1600x512xf32, #tpu.memory_space<vmem>>, %arg3: memref<512x512xbf16, #tpu.memory_space<vmem>>, %arg4: memref<512x512xbf16, #tpu.memory_space<vmem>>, %arg5: memref<1x512xf32, #tpu.memory_space<vmem>>, %arg6: memref<1x512xf32, #tpu.memory_space<vmem>>, %arg7: memref<1x512xf32, #tpu.memory_space<vmem>>, %arg8: memref<4x1600x128xf32, #tpu.memory_space<vmem>>) attributes {dimension_semantics = [#tpu.dimension_semantics<arbitrary>], iteration_bounds = array<i64: 100>, scalar_prefetch = 0 : i64, scratch_operands = 0 : i64, tpu.core_type = #tpu.core_type<tc>, window_params = [{transform_indices = @transform_0, window_bounds = array<i64: 1600, 512>}, {transform_indices = @transform_1, window_bounds = array<i64: 1600, 512>}, {pipeline_mode = #tpu.pipeline_mode<synchronous>, transform_indices = @transform_2, window_bounds = array<i64: 512, 512>}, {pipeline_mode = #tpu.pipeline_mode<synchronous>, transform_indices = @transform_3, window_bounds = array<i64: 512, 512>}, {pipeline_mode = #tpu.pipeline_mode<synchronous>, transform_indices = @transform_4, window_bounds = array<i64: 1, 512>}, {pipeline_mode = #tpu.pipeline_mode<synchronous>, transform_indices = @transform_5, window_bounds = array<i64: 1, 512>}, {pipeline_mode = #tpu.pipeline_mode<synchronous>, transform_indices = @transform_6, window_bounds = array<i64: 1, 512>}, {transform_indices = @transform_7, window_bounds = array<i64: 4, 1600, 128>}]} {
    %get3A = arith.constant 0 : index
    %get3A_0 = arith.constant 0 : index
    %get3A_1 = vector.load %arg1[%get3A, %get3A_0] : memref<1600x512xf32, #tpu.memory_space<vmem>>, vector<1600x512xf32>
    %convert_element_type3A = arith.truncf %get3A_1 : vector<1600x512xf32> to vector<1600x512xbf16>
    %get3A_2 = arith.constant 0 : index
    %get3A_3 = arith.constant 0 : index
    %get3A_4 = vector.load %arg3[%get3A_2, %get3A_3] : memref<512x512xbf16, #tpu.memory_space<vmem>>, vector<512x512xbf16>
    %dot_general3A = arith.constant dense<0.000000e+00> : vector<1600x512xf32>
    %dot_general3A_5 = tpu.matmul %convert_element_type3A, %get3A_4, %dot_general3A {dimension_numbers = #tpu.dot_dimension_numbers<[1], [0], [0], [1], [0, 0, 1, 1], [], []>, transpose_lhs_hint = false} : vector<1600x512xbf16>, vector<512x512xbf16>, vector<1600x512xf32> -> vector<1600x512xf32>
    %get3A_6 = arith.constant 0 : index
    %get3A_7 = arith.constant 0 : index
    %get3A_8 = vector.load %arg2[%get3A_6, %get3A_7] : memref<1600x512xf32, #tpu.memory_space<vmem>>, vector<1600x512xf32>
    %add3A = arith.addf %dot_general3A_5, %get3A_8 : vector<1600x512xf32>
    %logistic3A = arith.negf %add3A : vector<1600x512xf32>
    %logistic3A_9 = math.exp %logistic3A : vector<1600x512xf32>
    %logistic3A_10 = arith.constant 1.000000e+00 : f32
    %logistic3A_11 = vector.broadcast %logistic3A_10 : f32 to vector<1600x512xf32>
    %logistic3A_12 = arith.addf %logistic3A_11, %logistic3A_9 : vector<1600x512xf32>
    %logistic3A_13 = arith.divf %logistic3A_11, %logistic3A_12 : vector<1600x512xf32>
    %mul3A = arith.mulf %add3A, %logistic3A_13 : vector<1600x512xf32>
    %convert_element_type3A_14 = arith.truncf %mul3A : vector<1600x512xf32> to vector<1600x512xbf16>
    %get3A_15 = arith.constant 0 : index
    %get3A_16 = arith.constant 0 : index
    %get3A_17 = vector.load %arg4[%get3A_15, %get3A_16] : memref<512x512xbf16, #tpu.memory_space<vmem>>, vector<512x512xbf16>
    %dot_general3A_18 = arith.constant dense<0.000000e+00> : vector<1600x512xf32>
    %dot_general3A_19 = tpu.matmul %convert_element_type3A_14, %get3A_17, %dot_general3A_18 {dimension_numbers = #tpu.dot_dimension_numbers<[1], [0], [0], [1], [0, 0, 1, 1], [], []>, transpose_lhs_hint = false} : vector<1600x512xbf16>, vector<512x512xbf16>, vector<1600x512xf32> -> vector<1600x512xf32>
    %get3A_20 = arith.constant 0 : index
    %get3A_21 = arith.constant 0 : index
    %get3A_22 = vector.load %arg5[%get3A_20, %get3A_21] : memref<1x512xf32, #tpu.memory_space<vmem>>, vector<1x512xf32>
    %add3A_23 = vector.broadcast %get3A_22 : vector<1x512xf32> to vector<1600x512xf32>
    %add3A_24 = arith.addf %dot_general3A_19, %add3A_23 : vector<1600x512xf32>
    %get3A_25 = arith.constant 0 : index
    %get3A_26 = arith.constant 0 : index
    %get3A_27 = vector.load %arg6[%get3A_25, %get3A_26] : memref<1x512xf32, #tpu.memory_space<vmem>>, vector<1x512xf32>
    %get3A_28 = arith.constant 0 : index
    %get3A_29 = arith.constant 0 : index
    %get3A_30 = vector.load %arg7[%get3A_28, %get3A_29] : memref<1x512xf32, #tpu.memory_space<vmem>>, vector<1x512xf32>
    %reduce_sum3A = arith.constant dense<0.000000e+00> : vector<1600xf32>
    %reduce_sum3A_31 = vector.multi_reduction <add>, %add3A_24, %reduce_sum3A [1] : vector<1600x512xf32> to vector<1600xf32>
    %broadcast_in_dim3A = vector.shape_cast %reduce_sum3A_31 : vector<1600xf32> to vector<1600x1xf32>
    %div3A = arith.constant 5.120000e+02 : f32
    %div3A_32 = vector.broadcast %div3A : f32 to vector<1600x1xf32>
    %div3A_33 = arith.divf %broadcast_in_dim3A, %div3A_32 : vector<1600x1xf32>
    %jit3A = arith.constant 0 : i32
    %reduce_sum3A_34 = arith.constant dense<0.000000e+00> : vector<1600xf32>
    %reduce_sum3A_35 = vector.multi_reduction <add>, %add3A_24, %reduce_sum3A_34 [1] : vector<1600x512xf32> to vector<1600xf32>
    %broadcast_in_dim3A_36 = vector.shape_cast %reduce_sum3A_35 : vector<1600xf32> to vector<1600x1xf32>
    %div3A_37 = arith.constant 5.120000e+02 : f32
    %div3A_38 = vector.broadcast %div3A_37 : f32 to vector<1600x1xf32>
    %div3A_39 = arith.divf %broadcast_in_dim3A_36, %div3A_38 : vector<1600x1xf32>
    %sub3A = vector.broadcast %div3A_39 : vector<1600x1xf32> to vector<1600x512xf32>
    %sub3A_40 = arith.subf %add3A_24, %sub3A : vector<1600x512xf32>
    %square3A = arith.mulf %sub3A_40, %sub3A_40 : vector<1600x512xf32>
    %convert_element_type3A_41 = arith.sitofp %jit3A : i32 to f32
    %sub3A_42 = arith.constant 5.120000e+02 : f32
    %sub3A_43 = arith.subf %sub3A_42, %convert_element_type3A_41 : f32
    %reduce_sum3A_44 = arith.constant dense<0.000000e+00> : vector<1600xf32>
    %reduce_sum3A_45 = vector.multi_reduction <add>, %square3A, %reduce_sum3A_44 [1] : vector<1600x512xf32> to vector<1600xf32>
    %broadcast_in_dim3A_46 = vector.shape_cast %reduce_sum3A_45 : vector<1600xf32> to vector<1600x1xf32>
    %div3A_47 = vector.broadcast %sub3A_43 : f32 to vector<1600x1xf32>
    %div3A_48 = arith.divf %broadcast_in_dim3A_46, %div3A_47 : vector<1600x1xf32>
    %gt3A = arith.constant 0.000000e+00 : f32
    %gt3A_49 = arith.cmpf ogt, %sub3A_43, %gt3A : f32
    %jit3A_50 = arith.constant 0x7FC00000 : f32
    %broadcast_in_dim3A_51 = vector.broadcast %jit3A_50 : f32 to vector<1600x1xf32>
    %select_n3A = arith.select %gt3A_49, %div3A_48, %broadcast_in_dim3A_51 : vector<1600x1xf32>
    %sub3A_52 = vector.broadcast %div3A_33 : vector<1600x1xf32> to vector<1600x512xf32>
    %sub3A_53 = arith.subf %add3A_24, %sub3A_52 : vector<1600x512xf32>
    %add3A_54 = arith.constant 9.99999974E-6 : f32
    %add3A_55 = vector.broadcast %add3A_54 : f32 to vector<1600x1xf32>
    %add3A_56 = arith.addf %select_n3A, %add3A_55 : vector<1600x1xf32>
    %sqrt3A = math.sqrt %add3A_56 : vector<1600x1xf32>
    %div3A_57 = vector.broadcast %sqrt3A : vector<1600x1xf32> to vector<1600x512xf32>
    %div3A_58 = arith.divf %sub3A_53, %div3A_57 : vector<1600x512xf32>
    %mul3A_59 = vector.broadcast %get3A_27 : vector<1x512xf32> to vector<1600x512xf32>
    %mul3A_60 = arith.mulf %div3A_58, %mul3A_59 : vector<1600x512xf32>
    %add3A_61 = vector.broadcast %get3A_30 : vector<1x512xf32> to vector<1600x512xf32>
    %add3A_62 = arith.addf %mul3A_60, %add3A_61 : vector<1600x512xf32>
    %add3A_63 = arith.addf %get3A_1, %add3A_62 : vector<1600x512xf32>
    %slice3A = vector.extract_strided_slice %add3A_63 {offsets = [0, 0], sizes = [1600, 128], strides = [1, 1]} : vector<1600x512xf32> to vector<1600x128xf32>
    %swap3A = arith.constant 0 : index
    %swap3A_64 = arith.constant 0 : index
    %swap3A_65 = arith.constant 0 : index
    %swap3A_66 = vector.load %arg8[%swap3A, %swap3A_64, %swap3A_65] : memref<4x1600x128xf32, #tpu.memory_space<vmem>>, vector<1x1600x128xf32>
    %swap3A_67 = vector.shape_cast %swap3A_66 : vector<1x1600x128xf32> to vector<1600x128xf32>
    %swap3A_68 = vector.shape_cast %slice3A : vector<1600x128xf32> to vector<1x1600x128xf32>
    tpu.vector_store %arg8[%swap3A, %swap3A_64, %swap3A_65], %swap3A_68 {strides = array<i32>} : memref<4x1600x128xf32, #tpu.memory_space<vmem>>, vector<1x1600x128xf32>,
    %slice3A_69 = vector.extract_strided_slice %add3A_63 {offsets = [0, 128], sizes = [1600, 128], strides = [1, 1]} : vector<1600x512xf32> to vector<1600x128xf32>
    %swap3A_70 = arith.constant 1 : index
    %swap3A_71 = arith.constant 0 : index
    %swap3A_72 = arith.constant 0 : index
    %swap3A_73 = vector.load %arg8[%swap3A_70, %swap3A_71, %swap3A_72] : memref<4x1600x128xf32, #tpu.memory_space<vmem>>, vector<1x1600x128xf32>
    %swap3A_74 = vector.shape_cast %swap3A_73 : vector<1x1600x128xf32> to vector<1600x128xf32>
    %swap3A_75 = vector.shape_cast %slice3A_69 : vector<1600x128xf32> to vector<1x1600x128xf32>
    tpu.vector_store %arg8[%swap3A_70, %swap3A_71, %swap3A_72], %swap3A_75 {strides = array<i32>} : memref<4x1600x128xf32, #tpu.memory_space<vmem>>, vector<1x1600x128xf32>,
    %slice3A_76 = vector.extract_strided_slice %add3A_63 {offsets = [0, 256], sizes = [1600, 128], strides = [1, 1]} : vector<1600x512xf32> to vector<1600x128xf32>
    %swap3A_77 = arith.constant 2 : index
    %swap3A_78 = arith.constant 0 : index
    %swap3A_79 = arith.constant 0 : index
    %swap3A_80 = vector.load %arg8[%swap3A_77, %swap3A_78, %swap3A_79] : memref<4x1600x128xf32, #tpu.memory_space<vmem>>, vector<1x1600x128xf32>
    %swap3A_81 = vector.shape_cast %swap3A_80 : vector<1x1600x128xf32> to vector<1600x128xf32>
    %swap3A_82 = vector.shape_cast %slice3A_76 : vector<1600x128xf32> to vector<1x1600x128xf32>
    tpu.vector_store %arg8[%swap3A_77, %swap3A_78, %swap3A_79], %swap3A_82 {strides = array<i32>} : memref<4x1600x128xf32, #tpu.memory_space<vmem>>, vector<1x1600x128xf32>,
    %slice3A_83 = vector.extract_strided_slice %add3A_63 {offsets = [0, 384], sizes = [1600, 128], strides = [1, 1]} : vector<1600x512xf32> to vector<1600x128xf32>
    %swap3A_84 = arith.constant 3 : index
    %swap3A_85 = arith.constant 0 : index
    %swap3A_86 = arith.constant 0 : index
    %swap3A_87 = vector.load %arg8[%swap3A_84, %swap3A_85, %swap3A_86] : memref<4x1600x128xf32, #tpu.memory_space<vmem>>, vector<1x1600x128xf32>
    %swap3A_88 = vector.shape_cast %swap3A_87 : vector<1x1600x128xf32> to vector<1600x128xf32>
    %swap3A_89 = vector.shape_cast %slice3A_83 : vector<1600x128xf32> to vector<1x1600x128xf32>
    tpu.vector_store %arg8[%swap3A_84, %swap3A_85, %swap3A_86], %swap3A_89 {strides = array<i32>} : memref<4x1600x128xf32, #tpu.memory_space<vmem>>, vector<1x1600x128xf32>,
    return
  }
  func.func @transform_0(%arg0: i32) -> (i32, i32) {
    %c0_i32 = arith.constant 0 : i32
    %c0_i32_0 = arith.constant 0 : i32
    return %arg0, %c0_i32 : i32, i32
  }
  func.func @transform_1(%arg0: i32) -> (i32, i32) {
    %c0_i32 = arith.constant 0 : i32
    %c0_i32_0 = arith.constant 0 : i32
    return %arg0, %c0_i32 : i32, i32
  }
  func.func @transform_2(%arg0: i32) -> (i32, i32) {
    %c0_i32 = arith.constant 0 : i32
    %c0_i32_0 = arith.constant 0 : i32
    %c0_i32_1 = arith.constant 0 : i32
    return %c0_i32, %c0_i32_0 : i32, i32
  }
  func.func @transform_3(%arg0: i32) -> (i32, i32) {
    %c0_i32 = arith.constant 0 : i32
    %c0_i32_0 = arith.constant 0 : i32
    %c0_i32_1 = arith.constant 0 : i32
    return %c0_i32, %c0_i32_0 : i32, i32
  }
  func.func @transform_4(%arg0: i32) -> (i32, i32) {
    %c0_i32 = arith.constant 0 : i32
    %c0_i32_0 = arith.constant 0 : i32
    %c0_i32_1 = arith.constant 0 : i32
    return %c0_i32, %c0_i32_0 : i32, i32
  }
  func.func @transform_5(%arg0: i32) -> (i32, i32) {
    %c0_i32 = arith.constant 0 : i32
    %c0_i32_0 = arith.constant 0 : i32
    %c0_i32_1 = arith.constant 0 : i32
    return %c0_i32, %c0_i32_0 : i32, i32
  }
  func.func @transform_6(%arg0: i32) -> (i32, i32) {
    %c0_i32 = arith.constant 0 : i32
    %c0_i32_0 = arith.constant 0 : i32
    %c0_i32_1 = arith.constant 0 : i32
    return %c0_i32, %c0_i32_0 : i32, i32
  }
  func.func @transform_7(%arg0: i32) -> (i32, i32, i32) {
    %c0_i32 = arith.constant 0 : i32
    %c0_i32_0 = arith.constant 0 : i32
    %c0_i32_1 = arith.constant 0 : i32
    return %c0_i32, %arg0, %c0_i32_0 : i32, i32, i32
  }
}

module attributes {stable_mosaic.version = 14 : i64} {
  func.func @_node_body(%arg0: i32, %arg1: memref<1000x512xf32, #tpu.memory_space<vmem>>, %arg2: memref<1000x512xf32, #tpu.memory_space<vmem>>, %arg3: memref<512x512xf32, #tpu.memory_space<vmem>>, %arg4: memref<512x512xf32, #tpu.memory_space<vmem>>, %arg5: memref<1x512xf32, #tpu.memory_space<vmem>>, %arg6: memref<512x512xf32, #tpu.memory_space<vmem>>, %arg7: memref<1x512xf32, #tpu.memory_space<vmem>>, %arg8: memref<1x512xf32, #tpu.memory_space<vmem>>, %arg9: memref<1x512xf32, #tpu.memory_space<vmem>>, %arg10: memref<1000x512xf32, #tpu.memory_space<vmem>>) attributes {dimension_semantics = [#tpu.dimension_semantics<arbitrary>], iteration_bounds = array<i64: 10>, scalar_prefetch = 0 : i64, scratch_operands = 0 : i64, tpu.core_type = #tpu.core_type<tc>, window_params = [{transform_indices = @transform_0, window_bounds = array<i64: 1000, 512>}, {transform_indices = @transform_1, window_bounds = array<i64: 1000, 512>}, {pipeline_mode = #tpu.pipeline_mode<synchronous>, transform_indices = @transform_2, window_bounds = array<i64: 512, 512>}, {pipeline_mode = #tpu.pipeline_mode<synchronous>, transform_indices = @transform_3, window_bounds = array<i64: 512, 512>}, {pipeline_mode = #tpu.pipeline_mode<synchronous>, transform_indices = @transform_4, window_bounds = array<i64: 1, 512>}, {pipeline_mode = #tpu.pipeline_mode<synchronous>, transform_indices = @transform_5, window_bounds = array<i64: 512, 512>}, {pipeline_mode = #tpu.pipeline_mode<synchronous>, transform_indices = @transform_6, window_bounds = array<i64: 1, 512>}, {pipeline_mode = #tpu.pipeline_mode<synchronous>, transform_indices = @transform_7, window_bounds = array<i64: 1, 512>}, {pipeline_mode = #tpu.pipeline_mode<synchronous>, transform_indices = @transform_8, window_bounds = array<i64: 1, 512>}, {transform_indices = @transform_9, window_bounds = array<i64: 1000, 512>}]} {
    %get3A = arith.constant 0 : index
    %get3A_0 = arith.constant 0 : index
    %get3A_1 = vector.load %arg1[%get3A, %get3A_0] : memref<1000x512xf32, #tpu.memory_space<vmem>>, vector<1000x512xf32>
    %get3A_2 = arith.constant 0 : index
    %get3A_3 = arith.constant 0 : index
    %get3A_4 = vector.load %arg3[%get3A_2, %get3A_3] : memref<512x512xf32, #tpu.memory_space<vmem>>, vector<512x512xf32>
    %dot_general3A = arith.constant dense<0.000000e+00> : vector<1000x512xf32>
    %dot_general3A_5 = tpu.matmul %get3A_1, %get3A_4, %dot_general3A {dimension_numbers = #tpu.dot_dimension_numbers<[1], [0], [0], [1], [0, 0, 1, 1], [], []>, transpose_lhs_hint = false} : vector<1000x512xf32>, vector<512x512xf32>, vector<1000x512xf32> -> vector<1000x512xf32>
    %get3A_6 = arith.constant 0 : index
    %get3A_7 = arith.constant 0 : index
    %get3A_8 = vector.load %arg2[%get3A_6, %get3A_7] : memref<1000x512xf32, #tpu.memory_space<vmem>>, vector<1000x512xf32>
    %get3A_9 = arith.constant 0 : index
    %get3A_10 = arith.constant 0 : index
    %get3A_11 = vector.load %arg4[%get3A_9, %get3A_10] : memref<512x512xf32, #tpu.memory_space<vmem>>, vector<512x512xf32>
    %dot_general3A_12 = arith.constant dense<0.000000e+00> : vector<1000x512xf32>
    %dot_general3A_13 = tpu.matmul %get3A_8, %get3A_11, %dot_general3A_12 {dimension_numbers = #tpu.dot_dimension_numbers<[1], [0], [0], [1], [0, 0, 1, 1], [], []>, transpose_lhs_hint = false} : vector<1000x512xf32>, vector<512x512xf32>, vector<1000x512xf32> -> vector<1000x512xf32>
    %add3A = arith.addf %dot_general3A_5, %dot_general3A_13 : vector<1000x512xf32>
    %get3A_14 = arith.constant 0 : index
    %get3A_15 = arith.constant 0 : index
    %get3A_16 = vector.load %arg5[%get3A_14, %get3A_15] : memref<1x512xf32, #tpu.memory_space<vmem>>, vector<1x512xf32>
    %add3A_17 = vector.broadcast %get3A_16 : vector<1x512xf32> to vector<1000x512xf32>
    %add3A_18 = arith.addf %add3A, %add3A_17 : vector<1000x512xf32>
    %logistic3A = arith.negf %add3A_18 : vector<1000x512xf32>
    %logistic3A_19 = math.exp %logistic3A : vector<1000x512xf32>
    %logistic3A_20 = arith.constant 1.000000e+00 : f32
    %logistic3A_21 = vector.broadcast %logistic3A_20 : f32 to vector<1000x512xf32>
    %logistic3A_22 = arith.addf %logistic3A_21, %logistic3A_19 : vector<1000x512xf32>
    %logistic3A_23 = arith.divf %logistic3A_21, %logistic3A_22 : vector<1000x512xf32>
    %mul3A = arith.mulf %add3A_18, %logistic3A_23 : vector<1000x512xf32>
    %get3A_24 = arith.constant 0 : index
    %get3A_25 = arith.constant 0 : index
    %get3A_26 = vector.load %arg6[%get3A_24, %get3A_25] : memref<512x512xf32, #tpu.memory_space<vmem>>, vector<512x512xf32>
    %dot_general3A_27 = arith.constant dense<0.000000e+00> : vector<1000x512xf32>
    %dot_general3A_28 = tpu.matmul %mul3A, %get3A_26, %dot_general3A_27 {dimension_numbers = #tpu.dot_dimension_numbers<[1], [0], [0], [1], [0, 0, 1, 1], [], []>, transpose_lhs_hint = false} : vector<1000x512xf32>, vector<512x512xf32>, vector<1000x512xf32> -> vector<1000x512xf32>
    %get3A_29 = arith.constant 0 : index
    %get3A_30 = arith.constant 0 : index
    %get3A_31 = vector.load %arg7[%get3A_29, %get3A_30] : memref<1x512xf32, #tpu.memory_space<vmem>>, vector<1x512xf32>
    %add3A_32 = vector.broadcast %get3A_31 : vector<1x512xf32> to vector<1000x512xf32>
    %add3A_33 = arith.addf %dot_general3A_28, %add3A_32 : vector<1000x512xf32>
    %get3A_34 = arith.constant 0 : index
    %get3A_35 = arith.constant 0 : index
    %get3A_36 = vector.load %arg8[%get3A_34, %get3A_35] : memref<1x512xf32, #tpu.memory_space<vmem>>, vector<1x512xf32>
    %get3A_37 = arith.constant 0 : index
    %get3A_38 = arith.constant 0 : index
    %get3A_39 = vector.load %arg9[%get3A_37, %get3A_38] : memref<1x512xf32, #tpu.memory_space<vmem>>, vector<1x512xf32>
    %reduce_sum3A = arith.constant dense<0.000000e+00> : vector<1000xf32>
    %reduce_sum3A_40 = vector.multi_reduction <add>, %add3A_33, %reduce_sum3A [1] : vector<1000x512xf32> to vector<1000xf32>
    %broadcast_in_dim3A = vector.shape_cast %reduce_sum3A_40 : vector<1000xf32> to vector<1000x1xf32>
    %div3A = arith.constant 5.120000e+02 : f32
    %div3A_41 = vector.broadcast %div3A : f32 to vector<1000x1xf32>
    %div3A_42 = arith.divf %broadcast_in_dim3A, %div3A_41 : vector<1000x1xf32>
    %jit3A = arith.constant 0 : i32
    %reduce_sum3A_43 = arith.constant dense<0.000000e+00> : vector<1000xf32>
    %reduce_sum3A_44 = vector.multi_reduction <add>, %add3A_33, %reduce_sum3A_43 [1] : vector<1000x512xf32> to vector<1000xf32>
    %broadcast_in_dim3A_45 = vector.shape_cast %reduce_sum3A_44 : vector<1000xf32> to vector<1000x1xf32>
    %div3A_46 = arith.constant 5.120000e+02 : f32
    %div3A_47 = vector.broadcast %div3A_46 : f32 to vector<1000x1xf32>
    %div3A_48 = arith.divf %broadcast_in_dim3A_45, %div3A_47 : vector<1000x1xf32>
    %sub3A = vector.broadcast %div3A_48 : vector<1000x1xf32> to vector<1000x512xf32>
    %sub3A_49 = arith.subf %add3A_33, %sub3A : vector<1000x512xf32>
    %square3A = arith.mulf %sub3A_49, %sub3A_49 : vector<1000x512xf32>
    %convert_element_type3A = arith.sitofp %jit3A : i32 to f32
    %sub3A_50 = arith.constant 5.120000e+02 : f32
    %sub3A_51 = arith.subf %sub3A_50, %convert_element_type3A : f32
    %reduce_sum3A_52 = arith.constant dense<0.000000e+00> : vector<1000xf32>
    %reduce_sum3A_53 = vector.multi_reduction <add>, %square3A, %reduce_sum3A_52 [1] : vector<1000x512xf32> to vector<1000xf32>
    %broadcast_in_dim3A_54 = vector.shape_cast %reduce_sum3A_53 : vector<1000xf32> to vector<1000x1xf32>
    %div3A_55 = vector.broadcast %sub3A_51 : f32 to vector<1000x1xf32>
    %div3A_56 = arith.divf %broadcast_in_dim3A_54, %div3A_55 : vector<1000x1xf32>
    %gt3A = arith.constant 0.000000e+00 : f32
    %gt3A_57 = arith.cmpf ogt, %sub3A_51, %gt3A : f32
    %jit3A_58 = arith.constant 0x7FC00000 : f32
    %broadcast_in_dim3A_59 = vector.broadcast %jit3A_58 : f32 to vector<1000x1xf32>
    %select_n3A = arith.select %gt3A_57, %div3A_56, %broadcast_in_dim3A_59 : vector<1000x1xf32>
    %sub3A_60 = vector.broadcast %div3A_42 : vector<1000x1xf32> to vector<1000x512xf32>
    %sub3A_61 = arith.subf %add3A_33, %sub3A_60 : vector<1000x512xf32>
    %add3A_62 = arith.constant 9.99999974E-6 : f32
    %add3A_63 = vector.broadcast %add3A_62 : f32 to vector<1000x1xf32>
    %add3A_64 = arith.addf %select_n3A, %add3A_63 : vector<1000x1xf32>
    %sqrt3A = math.sqrt %add3A_64 : vector<1000x1xf32>
    %div3A_65 = vector.broadcast %sqrt3A : vector<1000x1xf32> to vector<1000x512xf32>
    %div3A_66 = arith.divf %sub3A_61, %div3A_65 : vector<1000x512xf32>
    %mul3A_67 = vector.broadcast %get3A_36 : vector<1x512xf32> to vector<1000x512xf32>
    %mul3A_68 = arith.mulf %div3A_66, %mul3A_67 : vector<1000x512xf32>
    %add3A_69 = vector.broadcast %get3A_39 : vector<1x512xf32> to vector<1000x512xf32>
    %add3A_70 = arith.addf %mul3A_68, %add3A_69 : vector<1000x512xf32>
    %add3A_71 = arith.addf %get3A_1, %add3A_70 : vector<1000x512xf32>
    %swap3A = arith.constant 0 : index
    %swap3A_72 = arith.constant 0 : index
    %swap3A_73 = vector.load %arg10[%swap3A, %swap3A_72] : memref<1000x512xf32, #tpu.memory_space<vmem>>, vector<1000x512xf32>
    tpu.vector_store %arg10[%swap3A, %swap3A_72], %add3A_71 {strides = array<i32>} : memref<1000x512xf32, #tpu.memory_space<vmem>>, vector<1000x512xf32>,
    return
  }
  func.func @transform_0(%arg0: i32) -> (i32, i32) {
    %c0_i32 = arith.constant 0 : i32
    %c0_i32_0 = arith.constant 0 : i32
    return %arg0, %c0_i32 : i32, i32
  }
  func.func @transform_1(%arg0: i32) -> (i32, i32) {
    %c0_i32 = arith.constant 0 : i32
    %c0_i32_0 = arith.constant 0 : i32
    return %arg0, %c0_i32 : i32, i32
  }
  func.func @transform_2(%arg0: i32) -> (i32, i32) {
    %c0_i32 = arith.constant 0 : i32
    %c0_i32_0 = arith.constant 0 : i32
    %c0_i32_1 = arith.constant 0 : i32
    return %c0_i32, %c0_i32_0 : i32, i32
  }
  func.func @transform_3(%arg0: i32) -> (i32, i32) {
    %c0_i32 = arith.constant 0 : i32
    %c0_i32_0 = arith.constant 0 : i32
    %c0_i32_1 = arith.constant 0 : i32
    return %c0_i32, %c0_i32_0 : i32, i32
  }
  func.func @transform_4(%arg0: i32) -> (i32, i32) {
    %c0_i32 = arith.constant 0 : i32
    %c0_i32_0 = arith.constant 0 : i32
    %c0_i32_1 = arith.constant 0 : i32
    return %c0_i32, %c0_i32_0 : i32, i32
  }
  func.func @transform_5(%arg0: i32) -> (i32, i32) {
    %c0_i32 = arith.constant 0 : i32
    %c0_i32_0 = arith.constant 0 : i32
    %c0_i32_1 = arith.constant 0 : i32
    return %c0_i32, %c0_i32_0 : i32, i32
  }
  func.func @transform_6(%arg0: i32) -> (i32, i32) {
    %c0_i32 = arith.constant 0 : i32
    %c0_i32_0 = arith.constant 0 : i32
    %c0_i32_1 = arith.constant 0 : i32
    return %c0_i32, %c0_i32_0 : i32, i32
  }
  func.func @transform_7(%arg0: i32) -> (i32, i32) {
    %c0_i32 = arith.constant 0 : i32
    %c0_i32_0 = arith.constant 0 : i32
    %c0_i32_1 = arith.constant 0 : i32
    return %c0_i32, %c0_i32_0 : i32, i32
  }
  func.func @transform_8(%arg0: i32) -> (i32, i32) {
    %c0_i32 = arith.constant 0 : i32
    %c0_i32_0 = arith.constant 0 : i32
    %c0_i32_1 = arith.constant 0 : i32
    return %c0_i32, %c0_i32_0 : i32, i32
  }
  func.func @transform_9(%arg0: i32) -> (i32, i32) {
    %c0_i32 = arith.constant 0 : i32
    %c0_i32_0 = arith.constant 0 : i32
    return %arg0, %c0_i32 : i32, i32
  }
}

</mosaic_0001>

<sc_bundles>
// kernel: kernel.10.cloned.1.call-start
scs
__scs_entry_jumppad:
0x0: {  	(pc) =	sbr.rel $0x88, $3  }
0x1: {  	(tag) =	ssettag $0x0;
	lr =	simm.s32 $0x1  }
0x2: {  	[smem:$0x3F91] =	sst lr;
	_ =	strace $0xD0000000  }
0x3: {  	_ = 	snop  }
0x4: {  	_ = 	snop  }
0x5: {  	_ = 	snop  }
0x6: {  	_ = 	snop  }
0x7: {  	_ = 	snop  }
__scs_overlays_trampoline_lowered:
0x8: {  	[smem:$0x3FA0] =	sst s0  }
0x9: {  	[smem:$0x3FA1] =	sst s1  }
0xa: {  	[smem:$0x3FA2] =	sst s2  }
0xb: {  	[smem:$0x3FA3] =	sst s3  }
0xc: {  	[smem:$0x3FA4] =	sst s4  }
0xd: {  	[smem:$0x3FA5] =	sst s5  }
0xe: {  	[smem:$0x3FA6] =	sst s6  }
0xf: {  	[smem:$0x3FA7] =	sst s7  }
0x10: {  	[smem:$0x3FA8] =	sst s8  }
0x11: {  	[smem:$0x3FA9] =	sst s9;
	s0 =	simm.s32 @!p0 $0x0  }
0x12: {  	s1 =	sld [smem:$0x3F8F];
	s0 =	simm.s32 @p0 $0x1  }
0x13: {  	[smem:$0x3FAA] =	sst s0;
	s0 =	simm.s32 @!p1 $0x0  }
0x14: {  	s2 =	sld [smem:$0x3F8E];
	s0 =	simm.s32 @p1 $0x1  }
0x15: {  	[smem:$0x3FAB] =	sst s0;
	s0 =	simm.s32 @!p2 $0x0  }
0x16: {  	s3 =	sld [smem:$0x3FDB];
	s0 =	simm.s32 @p2 $0x1  }
0x17: {  	s4 =	simm.s32 $0x1BF5;
	[smem:$0x3FAD] =	sst s0  }
0x18: {  	s0 =	sld [smem:$0x3F90];
	_ =	swait.ge [sflag:s4], $0x0  }
0x19: {  	s7 =	sld [smem:$0x3F91]  }
0x1a: {  	s8 =	sadd.s32 $0xFFFFE003, lr  }
0x1b: {  	s9 =	sadd.s32 $0xFFFFFEF7, lr;
	s5 =	simm.s32 $0xFFFFFFFF;
	p2 =	slt.u32 s8, $0xFFFFF086  }
0x1c: {  	p1 =	slt.u32 s9, $0xF7A;
	s5 =	simm.s32 @!p2 $0x0  }
0x1d: {  	s5 =	simm.s32 @p1 $0x1;
	p0 =	seq.s32 s7, s2  }
0x1e: {  	s7 =	smul.u32 @!p0 $0xF7A, s2;
	p2 =	seq.s32 @!p0 s5, $0x0  }
0x1f: {  	s9 =	smul.u32 $0xF7A, s1;
	s8 =	simm.s32 @!p0 $0x1BF5;
	p2 =	por !p2, p0  }
0x20: {  	[sflag:s8] =	ssyncset.s32 @!p0 $0xFFFFF086;
	s6 =	sadd.s32 @!p0 s3, s7;
	s7 =	simm.s32 @!p0 $0x108  }
0x21: {  	s3 =	sadd.s32 s3, s9;
	s6 =	sadd.s32 @!p0 $0x88, s6;
	s7 =	simm.s32 @p2 $0x1082  }
0x22: {  	[simem:s7], [sflag:s8] =	dma.local @!p0 [hbm:s6], $0xF7A  }
0x23: {  	s9 =	sor.u32 $0xD0000000, s2;
	s6 =	simm.s32 $0x108;
	_ =	swait.ge @!p0 [sflag:s8], $0x0  }
0x24: {  	s3 =	sadd.s32 $0x88, s3;
	s6 =	simm.s32 @!p1 $0x1082;
	[sflag:s4] =	ssyncset.s32 $0xFFFFF086  }
0x25: {  	[simem:s6], [sflag:s4] =	dma.local [hbm:s3], $0xF7A  }
0x26: {  	[smem:$0x3F91] =	sst s1;
	(tag) =	ssettag s2;
	_ =	strace s9  }
0x27: {  	s1 =	sld [smem:$0x3FA1]  }
0x28: {  	s2 =	sld [smem:$0x3FA2]  }
0x29: {  	s4 =	sld [smem:$0x3FA4]  }
0x2a: {  	p0 =	seq.s32 s5, $0x0;
	s5 =	sld [smem:$0x3FA5]  }
0x2b: {  	s6 =	sld [smem:$0x3FA6]  }
0x2c: {  	s7 =	sld [smem:$0x3FA7]  }
0x2d: {  	s3 =	simm.s32 $0x108;
	s8 =	sld [smem:$0x3FA8]  }
0x2e: {  	s3 =	simm.s32 @!p0 $0x1082;
	s9 =	sld [smem:$0x3FA9]  }
0x2f: {  	lr =	sadd.s32 s0, s3;
	s0 =	sld [smem:$0x3FA0]  }
0x30: {  	s3 =	sld [smem:$0x3FA3]  }
0x31: {  	[smem:$0x3FAC] =	sst s10  }
0x32: {  	s10 =	sld [smem:$0x3FAA];
	_ =	sdelay $0x3  }
0x33: {  	p0 =	seq.s32 s10, $0x1;
	s10 =	sld [smem:$0x3FAC];
	_ =	sdelay $0x3  }
0x34: {  	[smem:$0x3FAC] =	sst s10  }
0x35: {  	s10 =	sld [smem:$0x3FAB];
	_ =	sdelay $0x3  }
0x36: {  	p1 =	seq.s32 s10, $0x1;
	s10 =	sld [smem:$0x3FAC];
	_ =	sdelay $0x3  }
0x37: {  	[smem:$0x3FAC] =	sst s10  }
0x38: {  	s10 =	sld [smem:$0x3FAD]  }
0x39: {  	_ = 	snop;
	(pc) =	sbr.ind lr, $3  }
0x3a: {  	_ = 	snop  }
0x3b: {  	_ = 	snop  }
0x3c: {  	p2 =	seq.s32 s10, $0x1;
	s10 =	sld [smem:$0x3FAC]  }
0x3d: {  	_ =	shalt  }
0x3e: {  	_ =	shalt  }
0x3f: {  	_ =	shalt  }
0x40: {  	_ =	shalt  }
0x41: {  	_ =	shalt  }
0x42: {  	_ =	shalt  }
0x43: {  	_ =	shalt  }
0x44: {  	_ =	shalt  }
0x45: {  	_ =	shalt  }
0x46: {  	_ =	shalt  }
0x47: {  	_ =	shalt  }
0x48: {  	_ =	shalt  }
0x49: {  	_ =	shalt  }
0x4a: {  	_ =	shalt  }
0x4b: {  	_ =	shalt  }
0x4c: {  	_ =	shalt  }
0x4d: {  	_ =	shalt  }
0x4e: {  	_ =	shalt  }
0x4f: {  	_ =	shalt  }
0x50: {  	_ =	shalt  }
0x51: {  	_ =	shalt  }
0x52: {  	_ =	shalt  }
0x53: {  	_ =	shalt  }
0x54: {  	_ =	shalt  }
0x55: {  	_ =	shalt  }
0x56: {  	_ =	shalt  }
0x57: {  	_ =	shalt  }
0x58: {  	_ =	shalt  }
0x59: {  	_ =	shalt  }
0x5a: {  	_ =	shalt  }
0x5b: {  	_ =	shalt  }
0x5c: {  	_ =	shalt  }
0x5d: {  	_ =	shalt  }
0x5e: {  	_ =	shalt  }
0x5f: {  	_ =	shalt  }
0x60: {  	_ =	shalt  }
0x61: {  	_ =	shalt  }
0x62: {  	_ =	shalt  }
0x63: {  	_ =	shalt  }
0x64: {  	_ =	shalt  }
0x65: {  	_ =	shalt  }
0x66: {  	_ =	shalt  }
0x67: {  	_ =	shalt  }
0x68: {  	_ =	shalt  }
0x69: {  	_ =	shalt  }
0x6a: {  	_ =	shalt  }
0x6b: {  	_ =	shalt  }
0x6c: {  	_ =	shalt  }
0x6d: {  	_ =	shalt  }
0x6e: {  	_ =	shalt  }
0x6f: {  	_ =	shalt  }
0x70: {  	_ =	shalt  }
0x71: {  	_ =	shalt  }
0x72: {  	_ =	shalt  }
0x73: {  	_ =	shalt  }
0x74: {  	_ =	shalt  }
0x75: {  	_ =	shalt  }
0x76: {  	_ =	shalt  }
0x77: {  	_ =	shalt  }
0x78: {  	_ =	shalt  }
0x79: {  	_ =	shalt  }
0x7a: {  	_ =	shalt  }
0x7b: {  	_ =	shalt  }
0x7c: {  	_ =	shalt  }
0x7d: {  	_ =	shalt  }
0x7e: {  	_ =	shalt  }
0x7f: {  	_ =	shalt  }
0x80: {  	_ =	shalt  }
0x81: {  	_ =	shalt  }
0x82: {  	_ =	shalt  }
0x83: {  	_ =	shalt  }
0x84: {  	_ =	shalt  }
0x85: {  	_ =	shalt  }
0x86: {  	_ =	shalt  }
0x87: {  	_ =	shalt  }
.Lfunc_end0:
.L_simem_size_0:
called_computation.1_lowered:
.L_overlay_start_0:
0x88: {  	s2 =	sld [smem:$0x3FD9]  }
0x89: {  	s3 =	sld [smem:$0x3FFE];
	_ =	sdelay $0x1  }
0x8a: {  	s1 =	srdreg.scid  }
0x8b: {  	s0 =	sand.u32 $0x1, s1  }
0x8c: {  	s17 =	sshll.u32 s0, $0xA;
	s2 =	sadd.s32 s3, s2  }
0x8d: {  	s2 =	sadd.s32 s2, s17  }
0x8e: {  	[smem:$0x3FB8] =	sst s2  }
0x8f: {  	_ = 	snop  }
0x90: {  	s2 =	sld [smem:$0x3FD0];
	(tm) =	ssettm $0x1  }
0x91: {  	s18 =	sld [smem:$0x3FFB];
	_ =	sdelay $0x3  }
0x92: {  	_ =	strace s18  }
0x93: {  	s3 =	sld [smem:$0x3FFC];
	_ =	sdelay $0x3  }
0x94: {  	_ =	strace s3  }
0x95: {  	s3 =	sld [smem:$0x3FFD];
	_ =	sdelay $0x3  }
0x96: {  	_ =	strace s3  }
0x97: {  	_ =	strace $0x8FFFFFFF  }
0x98: {  	s19 =	sld [smem:$0x3FDB];
	_ =	sdelay $0x1  }
0x99: {  	s4 =	simm.s32 $_scs_section_size  }
0x9a: {  	s5 =	simm.s32 $_size__tile_overlayer_lowered;
	s6 =	simm.s32 $_tile_overlayer_lowered  }
0x9b: {  	s22 =	simm.s32 $0x1BFF;
	s21 =	sshll.u32 s6, $0x1;
	s3 =	sadd.s32 s4, s19  }
0x9c: {  	s7 =	simm.s32 $0x0;
	s20 =	sshll.u32 s5, $0x1;
	s5 =	sadd.s32 s21, s3  }
0x9d: {  	[timem:s7], [sflag:s22] =	dma.local [hbm:s5], s20  }
0x9e: {  	_ =	swait.ge [sflag:s22], s20  }
0x9f: {  	s4 =	ssub.s32 $0x0, s20;
	[sflag:s22] =	ssyncset.done $0x0  }
0xa0: {  	[sflag:s22] =	ssyncadd.s32 s4;
	_ =	sdelay $0x1  }
0xa1: {  	s23 =	simm.s32 $0x1B8B  }
0xa2: {  	_ =	swait.ge [sflag:s23], $0x1  }
0xa3: {  	[sflag:s23] =	ssyncset.done $0x0  }
0xa4: {  	s25 =	simm.s32 $0x1B8E;
	s24 =	sld [smem:$0x3FFE];
	[sflag:s23] =	ssyncadd.s32 $0xFFFFFFFF  }
0xa5: {  	s26 =	simm.s32 $execute0_lowered;
	[smem:$0x3FD2] =	sst s25  }
0xa6: {  	s5 =	sshll.u32 s26, $0x1;
	_ =	strace $0x80000049;
	[dreg:$0x1] =	wrdreg $0xFFFFFFFF  }
0xa7: {  	s28 =	simm.s32 $_size_execute0_lowered;
	s3 =	sadd.s32 s3, s5;
	[dreg:$0x0] =	wrdreg $0x0  }
0xa8: {  	s5 =	sshll.u32 s28, $0x1;
	[dreg:$0x2] =	wrdreg s3  }
0xa9: {  	[dreg:$0x3] =	wrdreg s5  }
0xaa: {  	[dreg:$0x4] =	wrdreg $0xC0  }
0xab: {  	_ =	task [dreg:s7], $0x5FFFF  }
0xac: {  	[dreg:$0x1] =	wrdreg $0xFFFFFFFF  }
0xad: {  	[dreg:$0x0] =	wrdreg $0x60  }
0xae: {  	[dreg:$0x2] =	wrdreg s24  }
0xaf: {  	[dreg:$0x3] =	wrdreg s2  }
0xb0: {  	[dreg:$0x4] =	wrdreg $0x8E800  }
0xb1: {  	[dreg:$0x5] =	wrdreg $0x9  }
0xb2: {  	_ =	task.clear_ibuf [dreg:s7], $0x6FFFF;
	_ =	strace $0x90000049  }
0xb3: {  	s29 =	simm.s32 $0x9;
	_ =	strace $0x8000004B  }
0xb4: {  	_ =	swait.ge [sflag:s29], $0x1  }
0xb5: {  	[sflag:s29] =	ssyncadd.s32 $0xFFFFFFFF  }
0xb6: {  	_ =	strace $0x9000004B  }
0xb7: {  	_ =	sfence  }
0xb8: {  	s30 =	sld [smem:$0x0];
	_ =	sdelay $0x2  }
0xb9: {  	s31 =	sshll.u32 s1, $0xD;
	s1 =	sshrl.u32 s1, $0x2  }
0xba: {  	s3 =	sand.u32 $0x4000, s31;
	s1 =	sadd.s32 s1, s30  }
0xbb: {  	s0 =	sor.u32 s3, s0;
	s1 =	sshll.u32 s1, $0x11  }
0xbc: {  	s0 =	sor.u32 s1, s0  }
0xbd: {  	s0 =	sadd.s32 $0x8F2B, s0  }
0xbe: {  	[sflag:s0] =	ssyncadd.remote.s32 $0x1  }
0xbf: {  	_ =	sfence.sel $0xFFFF  }
0xc0: {  	[dreg:$0x0] =	wrdreg $0xFFFFFFFF;
	(pc) =	sbr.abs _section_cstart, $3  }
0xc1: {  	[dreg:$0x1] =	wrdreg $0xFFFFFFFF  }
0xc2: {  	_ =	task.clear_ibuf [dreg:s7], $0x2FFFF;
	_ =	strace $0x9FFFFFFF  }
0xc3: {  	(tm) =	ssettm $0x7FFFFFFF  }
tec
execute0_lowered:
.L_overlay_start_1:
0x0: {  	(tag) =	ssettag $0x1  }
0x1: {  	s0 =	rddreg [dreg:$0x0]  }
0x2: {  	s1 =	rddreg [dreg:$0x1]  }
0x3: {  	s2 =	rddreg [dreg:$0x2];
	s3 =	simm.s32 $0x0;
	s16 =	stileid.u32  }
0x4: {  	s4 =	srdreg.scid;
	s28 =	simm.s32 $0x3E00;
	s5 =	smul.u32 $0x7D0, s16  }
0x5: {  	s29 =	simm.s32 $0x8;
	s30 =	simm.s32 $0x200;
	s9 =	smul.u32 $0x138800, s16  }
0x6: {  	s31 =	simm.s32 $0x80;
	[smem:$0x7FF] =	sst s3;
	s13 =	smul.u32 $0x32000, s16  }
0x7: {  	s6 =	sand.u32 $0x1, s4;
	s4 =	sadd.s32 $0xA8F400, s0;
	s23 =	smul.u32 $0x1900, s16  }
0x8: {  	_ =	strace $0x8000004A;
	s7 =	smul.u32 $0x1388000, s6;
	s8 =	ssub.s32 $0x2, s6  }
0x9: {  	s10 =	sor.u32 $0x2, s6;
	s6 =	sshll.u32 s6, $0xA;
	s5 =	sadd.s32 s5, s0  }
0xa: {  	s11 =	sshrl.u32 s8, $0x1;
	s12 =	smul.u32 $0x1388000, s10;
	s0 =	sadd.s32 $0x2200, s0  }
0xb: {  	s14 =	sshll.u32 s10, $0xA;
	s22 =	sshrl.u32 s13, $0x2;
	s26 =	sor.u32 s6, s13  }
0xc: {  	s10 =	sadd.s32 s1, s23;
	s8 =	ssub.s32 s8, s11;
	s5 =	sadd.s32 $0xA87600, s5  }
0xd: {  	s7 =	sadd.s32 s9, s7;
	s17 =	sshrl.u32 s26, $0x3;
	[dreg:$0x4] =	wrdreg s5  }
0xe: {  	s20 =	sshrl.u32 s7, $0x3;
	s9 =	sadd.s32 s9, s12;
	s8 =	smax.u32 s8, $0x1  }
0xf: {  	s18 =	sadd.s32 s0, s17;
	s5 =	sadd.s32 s4, s20;
	s21 =	sshrl.u32 s9, $0x3  }
0x10: {  	s17 =	sadd.s32 $0x5000, s7;
	[dreg:$0x5] =	wrdreg s5;
	s5 =	sadd.s32 s4, s21  }
0x11: {  	s26 =	sadd.s32 $0x2712800, s7;
	[dreg:$0x6] =	wrdreg s5;
	s5 =	sor.u32 $0x10, s16  }
0x12: {  	[dreg:$0x7] =	wrdreg s8;
	s9 =	sadd.s32 s22, s2;
	s15 =	smul.u32 $0x32000, s5  }
0x13: {  	[dreg:$0x8] =	wrdreg s18;
	s20 =	sor.u32 s14, s13;
	s25 =	smul.u32 $0x1900, s5  }
0x14: {  	s22 =	sshrl.u32 s20, $0x3;
	p0 =	sgt.u32 s5, $0x18;
	s24 =	sshrl.u32 s15, $0x2  }
0x15: {  	s12 =	sadd.s32 s1, s25;
	s19 =	sor.u32 s6, s15;
	s21 =	sor.u32 s14, s15  }
0x16: {  	s25 =	sadd.s32 $0x2715000, s7;
	s6 =	sshrl.u32 s26, $0x3;
	s26 =	simm.s32 $0x2  }
0x17: {  	s11 =	sadd.s32 s24, s2;
	s1 =	sshrl.u32 s19, $0x3;
	s23 =	sshrl.u32 s21, $0x3  }
0x18: {  	s24 =	sadd.s32 $0x2800, s7;
	s20 =	sadd.s32 s6, s4;
	s1 =	sadd.s32 s0, s1  }
0x19: {  	s21 =	simm.s32 $0x3;
	[dreg:$0x9] =	wrdreg s1;
	s1 =	sadd.s32 s0, s22  }
0x1a: {  	s0 =	sadd.s32 s0, s23;
	s22 =	simm.s32 $0x3E80;
	[dreg:$0xa] =	wrdreg s1  }
0x1b: {  	s23 =	simm.s32 $0x6680;
	[dreg:$0xb] =	wrdreg s0;
	s0 =	sshrl.u32 s24, $0x3  }
0x1c: {  	s1 =	sshrl.u32 s25, $0x3;
	s24 =	simm.s32 $0x1;
	s25 =	simm.s32 $0x50  }
0x1d: {  	s18 =	sadd.s32 s0, s4;
	s19 =	sadd.s32 s1, s4;
	s0 =	simm.s32 $0x0  }
.LBB2_1:
0x1e: {  	s1 =	rddreg [dreg:$0x4]  }
0x1f: {  	[tilespmem:s3], [sflag:$0x3] =	stream.linear.gather [hbm4b:s1+s3], $0x3E80, $0x38;
	[tilespmem:$0x1C700] =	vst v63  }
0x20: {  	s8 =	stileid.u32;
	_ =	swait.ge [sflag:s21], $0x3E80  }
0x21: {  	s1 =	sshll.u32 s8, $0x6;
	[sflag:s21] =	ssyncset.done $0x0  }
0x22: {  	s6 =	sshrl.u32 s9, $0x3;
	s1 =	sor.u32 $0x1C03, s1;
	[sflag:s21] =	ssyncadd.s32 $0xFFFFC180  }
0x23: {  	[spmem:s6], [sflag:s1] =	dma.local [hbm:s10], $0x1900  }
0x24: {  	_ =	swait.ge [sflag:s21], $0x1900  }
0x25: {  	[sflag:s21] =	ssyncset.done $0x0  }
0x26: {  	s5 =	sshrl.u32 @!p0 s11, $0x3;
	s7 =	simm.s32 @!p0 $0x3;
	[sflag:s21] =	ssyncadd.s32 $0xFFFFE700  }
0x27: {  	[spmem:s5], [sflag:s1] =	dma.local @!p0 [hbm:s12], $0x1900  }
0x28: {  	_ =	swait.ge @!p0 [sflag:s7], $0x1900  }
0x29: {  	[sflag:s7] =	ssyncset.done @!p0 $0x0  }
0x2a: {  	[sflag:s7] =	ssyncadd.s32 @!p0 $0xFFFFE700  }
0x2b: {  	[bflag:$0x0] =	sbarrier.arrive $0xFFFF  }
0x2c: {  	s13 =	rddreg [dreg:$0x5]  }
0x2d: {  	[tilespmem:s22], [sflag:$0x1] =	stream.linear.gather [hbm4b:s13+s3], $0x2800, $0x38;
	[tilespmem:$0x1C700] =	vst v63  }
0x2e: {  	s14 =	sadd.s32 $0x0, s18  }
0x2f: {  	[tilespmem:s23], [sflag:$0x2] =	stream.linear.gather [hbm4b:s14+s3], $0x2800, $0x38;
	[tilespmem:$0x1C700] =	vst v63  }
0x30: {  	_ =	swait.ge [sflag:s24], $0x2800  }
0x31: {  	[sflag:s24] =	ssyncset.done $0x0  }
0x32: {  	[sflag:s24] =	ssyncadd.s32 $0xFFFFD800  }
0x33: {  	[spmem:s2] =	stream.indirect.scatter.add.f32 [tilespmem:s22], [sflag:$0x3], $0x80, s3, s25, $0xb8;
	[tilespmem:$0x1C700] =	vst v63  }
0x34: {  	_ =	swait.ge [sflag:s21], $0x2800  }
0x35: {  	s15 =	sshrl.u32 s17, $0x3;
	[sflag:s21] =	ssyncset.done $0x0  }
0x36: {  	s7 =	sadd.s32 s4, s15;
	[sflag:s21] =	ssyncadd.s32 $0xFFFFD800  }
0x37: {  	[tilespmem:s22], [sflag:$0x1] =	stream.linear.gather [hbm4b:s7+s3], $0x2800, $0x38;
	[tilespmem:$0x1C700] =	vst v63  }
0x38: {  	_ =	swait.ge [sflag:s26], $0x2800  }
0x39: {  	[sflag:s26] =	ssyncset.done $0x0  }
0x3a: {  	s16 =	simm.s32 $0x80;
	[sflag:s26] =	ssyncadd.s32 $0xFFFFD800  }
0x3b: {  	[spmem:s2] =	stream.indirect.scatter.add.f32 [tilespmem:s23], [sflag:$0x3], $0x80, s16, s25, $0xb8;
	[tilespmem:$0x1C700] =	vst v63  }
0x3c: {  	s8 =	sadd.s32 $0x5000, s17;
	s13 =	simm.s32 $0xA00;
	_ =	swait.ge [sflag:s21], $0x2800  }
0x3d: {  	s14 =	simm.s32 $0x1400;
	s7 =	simm.s32 $0x100;
	[sflag:s21] =	ssyncset.done $0x0  }
.LBB2_2:
0x3e: {  	s15 =	sadd.s32 s13, s18  }
0x3f: {  	[sflag:s21] =	ssyncadd.s32 $0xFFFFD800;
	s13 =	smov.u32 s14;
	s16 =	sadd.s32 $0xA00, s14  }
0x40: {  	[tilespmem:s23], [sflag:$0x2] =	stream.linear.gather [hbm4b:s15+s3], $0x2800, $0x38;
	[tilespmem:$0x1C700] =	vst v63  }
0x41: {  	p1 =	sne.s32 s14, $0x26200;
	_ =	swait.ge [sflag:s24], $0x2800  }
0x42: {  	[sflag:s24] =	ssyncset.done $0x0  }
0x43: {  	[sflag:s24] =	ssyncadd.s32 $0xFFFFD800  }
0x44: {  	[spmem:s2] =	stream.indirect.scatter.add.f32 [tilespmem:s22], [sflag:$0x3], $0x80, s7, s25, $0xb8;
	[tilespmem:$0x1C700] =	vst v63  }
0x45: {  	_ =	swait.ge [sflag:s21], $0x2800  }
0x46: {  	s14 =	sshrl.u32 s8, $0x3;
	[sflag:s21] =	ssyncset.done $0x0  }
0x47: {  	s14 =	sadd.s32 s4, s14;
	[sflag:s21] =	ssyncadd.s32 $0xFFFFD800  }
0x48: {  	[tilespmem:s22], [sflag:$0x1] =	stream.linear.gather [hbm4b:s14+s3], $0x2800, $0x38;
	[tilespmem:$0x1C700] =	vst v63  }
0x49: {  	_ =	swait.ge [sflag:s26], $0x2800  }
.Ltmp0:
0x4a: {  	[sflag:s26] =	ssyncset.done $0x0;
	(pc) =	sbr.rel @p1 .LBB2_2-.Ltmp0, $4  }
0x4b: {  	s14 =	sadd.s32 $0x80, s7;
	[sflag:s26] =	ssyncadd.s32 $0xFFFFD800  }
0x4c: {  	[spmem:s2] =	stream.indirect.scatter.add.f32 [tilespmem:s23], [sflag:$0x3], $0x80, s14, s25, $0xb8;
	[tilespmem:$0x1C700] =	vst v63  }
0x4d: {  	s8 =	sadd.s32 $0x5000, s8;
	_ =	swait.ge [sflag:s21], $0x2800  }
0x4e: {  	s7 =	sadd.s32 $0x100, s7;
	s14 =	smov.u32 s16;
	[sflag:s21] =	ssyncset.done $0x0  }
0x4f: {  	s13 =	sadd.s32 s13, s18;
	[sflag:s21] =	ssyncadd.s32 $0xFFFFD800  }
0x50: {  	[tilespmem:s23], [sflag:$0x2] =	stream.linear.gather [hbm4b:s13+s3], $0x2800, $0x38;
	[tilespmem:$0x1C700] =	vst v63  }
0x51: {  	_ =	swait.ge [sflag:s24], $0x2800  }
0x52: {  	[sflag:s24] =	ssyncset.done $0x0  }
0x53: {  	[sflag:s24] =	ssyncadd.s32 $0xFFFFD800  }
0x54: {  	[spmem:s2] =	stream.indirect.scatter.add.f32 [tilespmem:s22], [sflag:$0x3], $0x80, s7, s25, $0xb8;
	[tilespmem:$0x1C700] =	vst v63  }
0x55: {  	_ =	swait.ge [sflag:s21], $0x2800  }
0x56: {  	s8 =	sshrl.u32 s8, $0x3;
	[sflag:s21] =	ssyncset.done $0x0  }
0x57: {  	s8 =	sadd.s32 s4, s8;
	[sflag:s21] =	ssyncadd.s32 $0xFFFFD800  }
0x58: {  	[tilespmem:s22], [sflag:$0x1] =	stream.linear.gather [hbm4b:s8+s3], $0x2800, $0x38;
	[tilespmem:$0x1C700] =	vst v63  }
0x59: {  	_ =	swait.ge [sflag:s26], $0x2800  }
0x5a: {  	[sflag:s26] =	ssyncset.done $0x0  }
0x5b: {  	s13 =	sadd.s32 $0x80, s7;
	[sflag:s26] =	ssyncadd.s32 $0xFFFFD800  }
0x5c: {  	[spmem:s2] =	stream.indirect.scatter.add.f32 [tilespmem:s23], [sflag:$0x3], $0x80, s13, s25, $0xb8;
	[tilespmem:$0x1C700] =	vst v63  }
0x5d: {  	_ =	swait.ge [sflag:s21], $0x2800  }
0x5e: {  	[sflag:s21] =	ssyncset.done $0x0  }
0x5f: {  	[sflag:s21] =	ssyncadd.s32 $0xFFFFD800  }
0x60: {  	_ =	swait.ge [sflag:s24], $0x2800  }
0x61: {  	[sflag:s24] =	ssyncset.done $0x0  }
0x62: {  	[sflag:s24] =	ssyncadd.s32 $0xFFFFD800  }
0x63: {  	[spmem:s2] =	stream.indirect.scatter.add.f32 [tilespmem:s22], [sflag:$0x3], $0x80, s28, s25, $0xb8;
	[tilespmem:$0x1C700] =	vst v63  }
0x64: {  	_ =	swait.ge [sflag:s21], $0x2800  }
0x65: {  	[sflag:s21] =	ssyncset.done $0x0  }
0x66: {  	[sflag:s21] =	ssyncadd.s32 $0xFFFFD800  }
0x67: {  	[bflag:$0x0] =	sbarrier.arrive $0xFFFF  }
0x68: {  	s14 =	rddreg [dreg:$0x8]  }
0x69: {  	[hbm:s14@s30], [sflag:s1] =	dma.strided [spmem:s6@s31], $0x1900, s29, $0x10   }
0x6a: {  	_ =	swait.ge [sflag:s21], $0x1900  }
0x6b: {  	[sflag:s21] =	ssyncset.done $0x0  }
0x6c: {  	[sflag:s21] =	ssyncadd.s32 $0xFFFFE700  }
0x6d: {  	s7 =	simm.s32 @!p0 $0x8;
	[bflag:$0x0] =	sbarrier.arrive @p0 $0xFFFF  }
0x6e: {  	s8 =	simm.s32 @!p0 $0x200;
	s13 =	simm.s32 @!p0 $0x80;
	s14 =	rddreg [dreg:$0x9]  }
0x6f: {  	[hbm:s14@s8], [sflag:s1] =	dma.strided @!p0 [spmem:s5@s13], $0x1900, s7, $0x10   }
0x70: {  	s7 =	simm.s32 @!p0 $0x3  }
0x71: {  	_ =	swait.ge @!p0 [sflag:s7], $0x1900  }
0x72: {  	[sflag:s7] =	ssyncset.done @!p0 $0x0  }
0x73: {  	[sflag:s7] =	ssyncadd.s32 @!p0 $0xFFFFE700  }
0x74: {  	s8 =	sshrl.u32 @!p0 s9, $0x3;
	[bflag:$0x0] =	sbarrier.arrive @!p0 $0xFFFF  }
0x75: {  	[spmem:s8], [sflag:s1] =	dma.local @!p0 [hbm:s10], $0x1900  }
0x76: {  	s8 =	smov.u32 s11;
	_ =	swait.ge @!p0 [sflag:s7], $0x1900  }
0x77: {  	s13 =	smov.u32 s12;
	s8 =	smov.u32 @p0 s9;
	[sflag:s7] =	ssyncset.done @!p0 $0x0  }
0x78: {  	s13 =	smov.u32 @p0 s10;
	s15 =	sshrl.u32 s8, $0x3;
	[sflag:s7] =	ssyncadd.s32 @!p0 $0xFFFFE700  }
0x79: {  	[spmem:s15], [sflag:s1] =	dma.local [hbm:s13], $0x1900  }
0x7a: {  	_ =	swait.ge [sflag:s21], $0x1900  }
0x7b: {  	[sflag:s21] =	ssyncset.done $0x0  }
0x7c: {  	[sflag:s21] =	ssyncadd.s32 $0xFFFFE700  }
0x7d: {  	[bflag:$0x0] =	sbarrier.arrive $0xFFFF  }
0x7e: {  	s16 =	simm.s32 $0x0;
	s13 =	rddreg [dreg:$0x6]  }
0x7f: {  	[tilespmem:s22], [sflag:$0x1] =	stream.linear.gather [hbm4b:s13+s16], $0x2800, $0x38;
	[tilespmem:$0x1C700] =	vst v63  }
0x80: {  	s14 =	sadd.s32 $0x0, s20  }
0x81: {  	[tilespmem:s23], [sflag:$0x2] =	stream.linear.gather [hbm4b:s14+s3], $0x2800, $0x38;
	[tilespmem:$0x1C700] =	vst v63  }
0x82: {  	_ =	swait.ge [sflag:s24], $0x2800  }
0x83: {  	[sflag:s24] =	ssyncset.done $0x0  }
0x84: {  	[sflag:s24] =	ssyncadd.s32 $0xFFFFD800  }
0x85: {  	[spmem:s2] =	stream.indirect.scatter.add.f32 [tilespmem:s22], [sflag:$0x3], $0x80, s16, s25, $0xb8;
	[tilespmem:$0x1C700] =	vst v63  }
0x86: {  	_ =	swait.ge [sflag:s21], $0x2800  }
0x87: {  	[sflag:s21] =	ssyncset.done $0x0  }
0x88: {  	s15 =	sadd.s32 $0x0, s19;
	[sflag:s21] =	ssyncadd.s32 $0xFFFFD800  }
0x89: {  	[tilespmem:s22], [sflag:$0x1] =	stream.linear.gather [hbm4b:s15+s3], $0x2800, $0x38;
	[tilespmem:$0x1C700] =	vst v63  }
0x8a: {  	_ =	swait.ge [sflag:s26], $0x2800  }
0x8b: {  	[sflag:s26] =	ssyncset.done $0x0  }
0x8c: {  	s16 =	simm.s32 $0x80;
	[sflag:s26] =	ssyncadd.s32 $0xFFFFD800  }
0x8d: {  	[spmem:s2] =	stream.indirect.scatter.add.f32 [tilespmem:s23], [sflag:$0x3], $0x80, s16, s25, $0xb8;
	[tilespmem:$0x1C700] =	vst v63  }
0x8e: {  	s8 =	simm.s32 $0xA00;
	_ =	swait.ge [sflag:s21], $0x2800  }
0x8f: {  	s7 =	simm.s32 $0x100;
	s13 =	simm.s32 $0x1400;
	[sflag:s21] =	ssyncset.done $0x0  }
.LBB2_4:
0x90: {  	s14 =	sadd.s32 s8, s20  }
0x91: {  	[sflag:s21] =	ssyncadd.s32 $0xFFFFD800;
	s15 =	smov.u32 s13;
	s16 =	sadd.s32 $0xA00, s13  }
0x92: {  	[tilespmem:s23], [sflag:$0x2] =	stream.linear.gather [hbm4b:s14+s3], $0x2800, $0x38;
	[tilespmem:$0x1C700] =	vst v63  }
0x93: {  	p1 =	sne.s32 s13, $0x26200;
	_ =	swait.ge [sflag:s24], $0x2800  }
0x94: {  	[sflag:s24] =	ssyncset.done $0x0  }
0x95: {  	[sflag:s24] =	ssyncadd.s32 $0xFFFFD800  }
0x96: {  	[spmem:s2] =	stream.indirect.scatter.add.f32 [tilespmem:s22], [sflag:$0x3], $0x80, s7, s25, $0xb8;
	[tilespmem:$0x1C700] =	vst v63  }
0x97: {  	_ =	swait.ge [sflag:s21], $0x2800  }
0x98: {  	[sflag:s21] =	ssyncset.done $0x0  }
0x99: {  	s13 =	sadd.s32 s8, s19;
	s8 =	smov.u32 s15;
	[sflag:s21] =	ssyncadd.s32 $0xFFFFD800  }
0x9a: {  	[tilespmem:s22], [sflag:$0x1] =	stream.linear.gather [hbm4b:s13+s3], $0x2800, $0x38;
	[tilespmem:$0x1C700] =	vst v63  }
0x9b: {  	_ =	swait.ge [sflag:s26], $0x2800  }
.Ltmp1:
0x9c: {  	[sflag:s26] =	ssyncset.done $0x0;
	(pc) =	sbr.rel @p1 .LBB2_4-.Ltmp1, $4  }
0x9d: {  	s13 =	sadd.s32 $0x80, s7;
	[sflag:s26] =	ssyncadd.s32 $0xFFFFD800  }
0x9e: {  	[spmem:s2] =	stream.indirect.scatter.add.f32 [tilespmem:s23], [sflag:$0x3], $0x80, s13, s25, $0xb8;
	[tilespmem:$0x1C700] =	vst v63  }
0x9f: {  	_ =	swait.ge [sflag:s21], $0x2800  }
0xa0: {  	s7 =	sadd.s32 $0x100, s7;
	s13 =	smov.u32 s16;
	[sflag:s21] =	ssyncset.done $0x0  }
0xa1: {  	s13 =	sadd.s32 s8, s20;
	[sflag:s21] =	ssyncadd.s32 $0xFFFFD800  }
0xa2: {  	[tilespmem:s23], [sflag:$0x2] =	stream.linear.gather [hbm4b:s13+s3], $0x2800, $0x38;
	[tilespmem:$0x1C700] =	vst v63  }
0xa3: {  	_ =	swait.ge [sflag:s24], $0x2800  }
0xa4: {  	[sflag:s24] =	ssyncset.done $0x0  }
0xa5: {  	[sflag:s24] =	ssyncadd.s32 $0xFFFFD800  }
0xa6: {  	[spmem:s2] =	stream.indirect.scatter.add.f32 [tilespmem:s22], [sflag:$0x3], $0x80, s7, s25, $0xb8;
	[tilespmem:$0x1C700] =	vst v63  }
0xa7: {  	_ =	swait.ge [sflag:s21], $0x2800  }
0xa8: {  	[sflag:s21] =	ssyncset.done $0x0  }
0xa9: {  	s13 =	sadd.s32 s8, s19;
	[sflag:s21] =	ssyncadd.s32 $0xFFFFD800  }
0xaa: {  	[tilespmem:s22], [sflag:$0x1] =	stream.linear.gather [hbm4b:s13+s3], $0x2800, $0x38;
	[tilespmem:$0x1C700] =	vst v63  }
0xab: {  	_ =	swait.ge [sflag:s26], $0x2800  }
0xac: {  	[sflag:s26] =	ssyncset.done $0x0  }
0xad: {  	s14 =	sadd.s32 $0x80, s7;
	[sflag:s26] =	ssyncadd.s32 $0xFFFFD800  }
0xae: {  	[spmem:s2] =	stream.indirect.scatter.add.f32 [tilespmem:s23], [sflag:$0x3], $0x80, s14, s25, $0xb8;
	[tilespmem:$0x1C700] =	vst v63  }
0xaf: {  	_ =	swait.ge [sflag:s21], $0x2800  }
0xb0: {  	[sflag:s21] =	ssyncset.done $0x0  }
0xb1: {  	[sflag:s21] =	ssyncadd.s32 $0xFFFFD800  }
0xb2: {  	_ =	swait.ge [sflag:s24], $0x2800  }
0xb3: {  	[sflag:s24] =	ssyncset.done $0x0  }
0xb4: {  	[sflag:s24] =	ssyncadd.s32 $0xFFFFD800  }
0xb5: {  	[spmem:s2] =	stream.indirect.scatter.add.f32 [tilespmem:s22], [sflag:$0x3], $0x80, s28, s25, $0xb8;
	[tilespmem:$0x1C700] =	vst v63  }
0xb6: {  	_ =	swait.ge [sflag:s21], $0x2800  }
0xb7: {  	[sflag:s21] =	ssyncset.done $0x0  }
0xb8: {  	[sflag:s21] =	ssyncadd.s32 $0xFFFFD800  }
0xb9: {  	[bflag:$0x0] =	sbarrier.arrive $0xFFFF  }
0xba: {  	s15 =	rddreg [dreg:$0xa]  }
0xbb: {  	[hbm:s15@s30], [sflag:s1] =	dma.strided [spmem:s6@s31], $0x1900, s29, $0x10   }
0xbc: {  	_ =	swait.ge [sflag:s21], $0x1900  }
0xbd: {  	s8 =	simm.s32 @!p0 $0x80;
	s7 =	simm.s32 @!p0 $0x200;
	[sflag:s21] =	ssyncset.done $0x0  }
0xbe: {  	s6 =	simm.s32 @!p0 $0x8;
	s13 =	rddreg [dreg:$0xb];
	[sflag:s21] =	ssyncadd.s32 $0xFFFFE700  }
0xbf: {  	[hbm:s13@s7], [sflag:s1] =	dma.strided @!p0 [spmem:s5@s8], $0x1900, s6, $0x10   }
0xc0: {  	s1 =	simm.s32 @!p0 $0x3  }
0xc1: {  	_ =	swait.ge @!p0 [sflag:s1], $0x1900  }
0xc2: {  	s0 =	sadd.s32 $0x1, s0;
	s16 =	rddreg [dreg:$0x7]  }
0xc3: {  	p1 =	sne.s32 s0, s16  }
.Ltmp2:
0xc4: {  	_ = 	snop;
	(pc) =	sbr.rel @p1 .LBB2_1-.Ltmp2, $3  }
0xc5: {  	[sflag:s1] =	ssyncset.done @!p0 $0x0  }
0xc6: {  	[sflag:s1] =	ssyncadd.s32 @!p0 $0xFFFFE700  }
0xc7: {  	[bflag:$0x0] =	sbarrier.arrive $0xFFFF;
	_ =	sdelay $0x1  }
0xc8: {  	_ =	sfence.sel $0x180000  }
0xc9: {  	[bflag:$0x0] =	sbarrier.arrive $0xFFFF  }
0xca: {  	_ =	strace $0x9000004A  }
0xcb: {  	s0 =	stileid.u32;
	[bflag:$0x2] =	sbarrier.arrive $0xFFFF  }
0xcc: {  	p0 =	sne.s32 s0, $0x0;
	s0 =	rddreg [dreg:$0x3]  }
0xcd: {  	s0 =	sadd.s32 @!p0 $0x100000, s0  }
0xce: {  	[sflag:s0] =	ssyncadd.tile.s32 @!p0 $0x1;
	_ =	shalt  }
.Lfunc_end2:
_tile_overlayer_lowered:
.L_overlay_start_2:
0xcf: {  	(tag) =	ssettag $0x2  }
0xd0: {  	s0 =	rddreg [dreg:$0x0];
	s2 =	stileid.u32  }
0xd1: {  	s1 =	rddreg [dreg:$0x1];
	p0 =	sne.s32 s2, $0x0  }
0xd2: {  	s3 =	rddreg [dreg:$0x2];
	[bflag:$0x3] =	sbarrier.arrive $0xFFFF;
	s2 =	simm.s32 @!p0 $0x1C03  }
0xd3: {  	[timem:s3], [sflag:s2] =	dma.local @!p0 [hbm:s0], s1  }
0xd4: {  	s0 =	simm.s32 @!p0 $0x3  }
0xd5: {  	_ =	swait.ge @!p0 [sflag:s0], s1  }
0xd6: {  	s1 =	ssub.s32 @!p0 $0x0, s1;
	[sflag:s0] =	ssyncset.done @!p0 $0x0  }
0xd7: {  	[sflag:s0] =	ssyncadd.s32 @!p0 s1  }
0xd8: {  	[bflag:$0x3] =	sbarrier.arrive $0xFFFF  }
0xd9: {  	_ =	shalt  }

// kernel: kernel.7.cloned.1.call-start
scs
__scs_entry_jumppad:
0x0: {  	(pc) =	sbr.rel $0x88, $3  }
0x1: {  	(tag) =	ssettag $0x0;
	lr =	simm.s32 $0x1  }
0x2: {  	[smem:$0x3F91] =	sst lr;
	_ =	strace $0xD0000000  }
0x3: {  	_ = 	snop  }
0x4: {  	_ = 	snop  }
0x5: {  	_ = 	snop  }
0x6: {  	_ = 	snop  }
0x7: {  	_ = 	snop  }
__scs_overlays_trampoline_lowered:
0x8: {  	[smem:$0x3FA0] =	sst s0  }
0x9: {  	[smem:$0x3FA1] =	sst s1  }
0xa: {  	[smem:$0x3FA2] =	sst s2  }
0xb: {  	[smem:$0x3FA3] =	sst s3  }
0xc: {  	[smem:$0x3FA4] =	sst s4  }
0xd: {  	[smem:$0x3FA5] =	sst s5  }
0xe: {  	[smem:$0x3FA6] =	sst s6  }
0xf: {  	[smem:$0x3FA7] =	sst s7  }
0x10: {  	[smem:$0x3FA8] =	sst s8  }
0x11: {  	[smem:$0x3FA9] =	sst s9;
	s0 =	simm.s32 @!p0 $0x0  }
0x12: {  	s1 =	sld [smem:$0x3F8F];
	s0 =	simm.s32 @p0 $0x1  }
0x13: {  	[smem:$0x3FAA] =	sst s0;
	s0 =	simm.s32 @!p1 $0x0  }
0x14: {  	s2 =	sld [smem:$0x3F8E];
	s0 =	simm.s32 @p1 $0x1  }
0x15: {  	[smem:$0x3FAB] =	sst s0;
	s0 =	simm.s32 @!p2 $0x0  }
0x16: {  	s3 =	sld [smem:$0x3FDB];
	s0 =	simm.s32 @p2 $0x1  }
0x17: {  	s4 =	simm.s32 $0x1BF5;
	[smem:$0x3FAD] =	sst s0  }
0x18: {  	s0 =	sld [smem:$0x3F90];
	_ =	swait.ge [sflag:s4], $0x0  }
0x19: {  	s7 =	sld [smem:$0x3F91]  }
0x1a: {  	s8 =	sadd.s32 $0xFFFFE003, lr  }
0x1b: {  	s9 =	sadd.s32 $0xFFFFFEF7, lr;
	s5 =	simm.s32 $0xFFFFFFFF;
	p2 =	slt.u32 s8, $0xFFFFF086  }
0x1c: {  	p1 =	slt.u32 s9, $0xF7A;
	s5 =	simm.s32 @!p2 $0x0  }
0x1d: {  	s5 =	simm.s32 @p1 $0x1;
	p0 =	seq.s32 s7, s2  }
0x1e: {  	s7 =	smul.u32 @!p0 $0xF7A, s2;
	p2 =	seq.s32 @!p0 s5, $0x0  }
0x1f: {  	s9 =	smul.u32 $0xF7A, s1;
	s8 =	simm.s32 @!p0 $0x1BF5;
	p2 =	por !p2, p0  }
0x20: {  	[sflag:s8] =	ssyncset.s32 @!p0 $0xFFFFF086;
	s6 =	sadd.s32 @!p0 s3, s7;
	s7 =	simm.s32 @!p0 $0x108  }
0x21: {  	s3 =	sadd.s32 s3, s9;
	s6 =	sadd.s32 @!p0 $0x88, s6;
	s7 =	simm.s32 @p2 $0x1082  }
0x22: {  	[simem:s7], [sflag:s8] =	dma.local @!p0 [hbm:s6], $0xF7A  }
0x23: {  	s9 =	sor.u32 $0xD0000000, s2;
	s6 =	simm.s32 $0x108;
	_ =	swait.ge @!p0 [sflag:s8], $0x0  }
0x24: {  	s3 =	sadd.s32 $0x88, s3;
	s6 =	simm.s32 @!p1 $0x1082;
	[sflag:s4] =	ssyncset.s32 $0xFFFFF086  }
0x25: {  	[simem:s6], [sflag:s4] =	dma.local [hbm:s3], $0xF7A  }
0x26: {  	[smem:$0x3F91] =	sst s1;
	(tag) =	ssettag s2;
	_ =	strace s9  }
0x27: {  	s1 =	sld [smem:$0x3FA1]  }
0x28: {  	s2 =	sld [smem:$0x3FA2]  }
0x29: {  	s4 =	sld [smem:$0x3FA4]  }
0x2a: {  	p0 =	seq.s32 s5, $0x0;
	s5 =	sld [smem:$0x3FA5]  }
0x2b: {  	s6 =	sld [smem:$0x3FA6]  }
0x2c: {  	s7 =	sld [smem:$0x3FA7]  }
0x2d: {  	s3 =	simm.s32 $0x108;
	s8 =	sld [smem:$0x3FA8]  }
0x2e: {  	s3 =	simm.s32 @!p0 $0x1082;
	s9 =	sld [smem:$0x3FA9]  }
0x2f: {  	lr =	sadd.s32 s0, s3;
	s0 =	sld [smem:$0x3FA0]  }
0x30: {  	s3 =	sld [smem:$0x3FA3]  }
0x31: {  	[smem:$0x3FAC] =	sst s10  }
0x32: {  	s10 =	sld [smem:$0x3FAA];
	_ =	sdelay $0x3  }
0x33: {  	p0 =	seq.s32 s10, $0x1;
	s10 =	sld [smem:$0x3FAC];
	_ =	sdelay $0x3  }
0x34: {  	[smem:$0x3FAC] =	sst s10  }
0x35: {  	s10 =	sld [smem:$0x3FAB];
	_ =	sdelay $0x3  }
0x36: {  	p1 =	seq.s32 s10, $0x1;
	s10 =	sld [smem:$0x3FAC];
	_ =	sdelay $0x3  }
0x37: {  	[smem:$0x3FAC] =	sst s10  }
0x38: {  	s10 =	sld [smem:$0x3FAD]  }
0x39: {  	_ = 	snop;
	(pc) =	sbr.ind lr, $3  }
0x3a: {  	_ = 	snop  }
0x3b: {  	_ = 	snop  }
0x3c: {  	p2 =	seq.s32 s10, $0x1;
	s10 =	sld [smem:$0x3FAC]  }
0x3d: {  	_ =	shalt  }
0x3e: {  	_ =	shalt  }
0x3f: {  	_ =	shalt  }
0x40: {  	_ =	shalt  }
0x41: {  	_ =	shalt  }
0x42: {  	_ =	shalt  }
0x43: {  	_ =	shalt  }
0x44: {  	_ =	shalt  }
0x45: {  	_ =	shalt  }
0x46: {  	_ =	shalt  }
0x47: {  	_ =	shalt  }
0x48: {  	_ =	shalt  }
0x49: {  	_ =	shalt  }
0x4a: {  	_ =	shalt  }
0x4b: {  	_ =	shalt  }
0x4c: {  	_ =	shalt  }
0x4d: {  	_ =	shalt  }
0x4e: {  	_ =	shalt  }
0x4f: {  	_ =	shalt  }
0x50: {  	_ =	shalt  }
0x51: {  	_ =	shalt  }
0x52: {  	_ =	shalt  }
0x53: {  	_ =	shalt  }
0x54: {  	_ =	shalt  }
0x55: {  	_ =	shalt  }
0x56: {  	_ =	shalt  }
0x57: {  	_ =	shalt  }
0x58: {  	_ =	shalt  }
0x59: {  	_ =	shalt  }
0x5a: {  	_ =	shalt  }
0x5b: {  	_ =	shalt  }
0x5c: {  	_ =	shalt  }
0x5d: {  	_ =	shalt  }
0x5e: {  	_ =	shalt  }
0x5f: {  	_ =	shalt  }
0x60: {  	_ =	shalt  }
0x61: {  	_ =	shalt  }
0x62: {  	_ =	shalt  }
0x63: {  	_ =	shalt  }
0x64: {  	_ =	shalt  }
0x65: {  	_ =	shalt  }
0x66: {  	_ =	shalt  }
0x67: {  	_ =	shalt  }
0x68: {  	_ =	shalt  }
0x69: {  	_ =	shalt  }
0x6a: {  	_ =	shalt  }
0x6b: {  	_ =	shalt  }
0x6c: {  	_ =	shalt  }
0x6d: {  	_ =	shalt  }
0x6e: {  	_ =	shalt  }
0x6f: {  	_ =	shalt  }
0x70: {  	_ =	shalt  }
0x71: {  	_ =	shalt  }
0x72: {  	_ =	shalt  }
0x73: {  	_ =	shalt  }
0x74: {  	_ =	shalt  }
0x75: {  	_ =	shalt  }
0x76: {  	_ =	shalt  }
0x77: {  	_ =	shalt  }
0x78: {  	_ =	shalt  }
0x79: {  	_ =	shalt  }
0x7a: {  	_ =	shalt  }
0x7b: {  	_ =	shalt  }
0x7c: {  	_ =	shalt  }
0x7d: {  	_ =	shalt  }
0x7e: {  	_ =	shalt  }
0x7f: {  	_ =	shalt  }
0x80: {  	_ =	shalt  }
0x81: {  	_ =	shalt  }
0x82: {  	_ =	shalt  }
0x83: {  	_ =	shalt  }
0x84: {  	_ =	shalt  }
0x85: {  	_ =	shalt  }
0x86: {  	_ =	shalt  }
0x87: {  	_ =	shalt  }
.Lfunc_end0:
.L_simem_size_0:
called_computation_lowered:
.L_overlay_start_0:
0x88: {  	s2 =	sld [smem:$0x3FD9]  }
0x89: {  	s3 =	sld [smem:$0x3FFE];
	_ =	sdelay $0x1  }
0x8a: {  	s1 =	srdreg.scid  }
0x8b: {  	s0 =	sand.u32 $0x1, s1  }
0x8c: {  	s17 =	sshll.u32 s0, $0xA;
	s2 =	sadd.s32 s3, s2  }
0x8d: {  	s2 =	sadd.s32 s2, s17  }
0x8e: {  	[smem:$0x3FB8] =	sst s2  }
0x8f: {  	_ = 	snop  }
0x90: {  	s2 =	sld [smem:$0x3FD0];
	(tm) =	ssettm $0x1  }
0x91: {  	s18 =	sld [smem:$0x3FFB];
	_ =	sdelay $0x3  }
0x92: {  	_ =	strace s18  }
0x93: {  	s3 =	sld [smem:$0x3FFC];
	_ =	sdelay $0x3  }
0x94: {  	_ =	strace s3  }
0x95: {  	s3 =	sld [smem:$0x3FFD];
	_ =	sdelay $0x3  }
0x96: {  	_ =	strace s3  }
0x97: {  	_ =	strace $0x8FFFFFFF  }
0x98: {  	s19 =	sld [smem:$0x3FDB];
	_ =	sdelay $0x1  }
0x99: {  	s4 =	simm.s32 $_scs_section_size  }
0x9a: {  	s5 =	simm.s32 $_size__tile_overlayer_lowered;
	s6 =	simm.s32 $_tile_overlayer_lowered  }
0x9b: {  	s22 =	simm.s32 $0x1BFF;
	s21 =	sshll.u32 s6, $0x1;
	s3 =	sadd.s32 s4, s19  }
0x9c: {  	s7 =	simm.s32 $0x0;
	s20 =	sshll.u32 s5, $0x1;
	s5 =	sadd.s32 s21, s3  }
0x9d: {  	[timem:s7], [sflag:s22] =	dma.local [hbm:s5], s20  }
0x9e: {  	_ =	swait.ge [sflag:s22], s20  }
0x9f: {  	s4 =	ssub.s32 $0x0, s20;
	[sflag:s22] =	ssyncset.done $0x0  }
0xa0: {  	[sflag:s22] =	ssyncadd.s32 s4;
	_ =	sdelay $0x1  }
0xa1: {  	s23 =	simm.s32 $0x1B8B  }
0xa2: {  	_ =	swait.ge [sflag:s23], $0x1  }
0xa3: {  	[sflag:s23] =	ssyncset.done $0x0  }
0xa4: {  	s25 =	simm.s32 $0x1B8E;
	s24 =	sld [smem:$0x3FFE];
	[sflag:s23] =	ssyncadd.s32 $0xFFFFFFFF  }
0xa5: {  	s26 =	simm.s32 $execute0_lowered;
	[smem:$0x3FD2] =	sst s25  }
0xa6: {  	s5 =	sshll.u32 s26, $0x1;
	_ =	strace $0x80000046;
	[dreg:$0x1] =	wrdreg $0xFFFFFFFF  }
0xa7: {  	s28 =	simm.s32 $_size_execute0_lowered;
	s3 =	sadd.s32 s3, s5;
	[dreg:$0x0] =	wrdreg $0x0  }
0xa8: {  	s5 =	sshll.u32 s28, $0x1;
	[dreg:$0x2] =	wrdreg s3  }
0xa9: {  	[dreg:$0x3] =	wrdreg s5  }
0xaa: {  	[dreg:$0x4] =	wrdreg $0xC0  }
0xab: {  	_ =	task [dreg:s7], $0x5FFFF  }
0xac: {  	[dreg:$0x1] =	wrdreg $0xFFFFFFFF  }
0xad: {  	[dreg:$0x0] =	wrdreg $0x60  }
0xae: {  	[dreg:$0x2] =	wrdreg s24  }
0xaf: {  	[dreg:$0x3] =	wrdreg s2  }
0xb0: {  	[dreg:$0x4] =	wrdreg $0x9  }
0xb1: {  	_ =	task.clear_ibuf [dreg:s7], $0x5FFFF;
	_ =	strace $0x90000046  }
0xb2: {  	s29 =	simm.s32 $0x9;
	_ =	strace $0x80000048  }
0xb3: {  	_ =	swait.ge [sflag:s29], $0x1  }
0xb4: {  	[sflag:s29] =	ssyncadd.s32 $0xFFFFFFFF  }
0xb5: {  	_ =	strace $0x90000048  }
0xb6: {  	_ =	sfence  }
0xb7: {  	s30 =	sld [smem:$0x0];
	_ =	sdelay $0x2  }
0xb8: {  	s31 =	sshll.u32 s1, $0xD;
	s1 =	sshrl.u32 s1, $0x2  }
0xb9: {  	s3 =	sand.u32 $0x4000, s31;
	s1 =	sadd.s32 s1, s30  }
0xba: {  	s0 =	sor.u32 s3, s0;
	s1 =	sshll.u32 s1, $0x11  }
0xbb: {  	s0 =	sor.u32 s1, s0  }
0xbc: {  	s0 =	sadd.s32 $0x8F2B, s0  }
0xbd: {  	[sflag:s0] =	ssyncadd.remote.s32 $0x1  }
0xbe: {  	_ =	sfence.sel $0xFFFF  }
0xbf: {  	[dreg:$0x0] =	wrdreg $0xFFFFFFFF;
	(pc) =	sbr.abs _section_cstart, $3  }
0xc0: {  	[dreg:$0x1] =	wrdreg $0xFFFFFFFF  }
0xc1: {  	_ =	task.clear_ibuf [dreg:s7], $0x2FFFF;
	_ =	strace $0x9FFFFFFF  }
0xc2: {  	(tm) =	ssettm $0x7FFFFFFF  }
0xc3: {  	_ =	shalt  }
tec
execute0_lowered:
.L_overlay_start_1:
0x0: {  	(tag) =	ssettag $0x1  }
0x1: {  	s0 =	rddreg [dreg:$0x0]  }
0x2: {  	s1 =	rddreg [dreg:$0x1];
	s3 =	simm.s32 $0x0;
	s2 =	srdreg.scid  }
0x3: {  	s4 =	stileid.u32;
	s16 =	simm.s32 $0x8000;
	s28 =	simm.s32 $0x12800  }
0x4: {  	s29 =	simm.s32 $0x13000;
	s30 =	simm.s32 $0x13800;
	s31 =	simm.s32 $0x14000  }
0x5: {  	s15 =	simm.s32 $0x15800;
	s12 =	simm.s32 $0xD000;
	s14 =	simm.s32 $0x1  }
0x6: {  	s13 =	simm.s32 $0x2;
	s17 =	simm.s32 $0x3;
	s18 =	simm.s32 $0x4  }
0x7: {  	s20 =	simm.s32 $0x0;
	[smem:$0x7FF] =	sst s3;
	s2 =	sand.u32 $0x1, s2  }
0x8: {  	s5 =	sshll.u32 s4, $0x1;
	s4 =	sadd.s32 $0x27200, s0;
	s10 =	sadd.s32 $0x100, s1  }
0x9: {  	_ =	strace $0x80000047;
	s6 =	sor.u32 s2, s5;
	s2 =	ssub.s32 $0x2, s2  }
0xa: {  	s5 =	sshll.u32 s6, $0xB;
	s7 =	sshrl.u32 s2, $0x1;
	s8 =	smul.u32 $0x271000, s6  }
0xb: {  	s9 =	sadd.s32 s5, s0;
	s5 =	sadd.s32 $0xC3600, s0;
	s2 =	ssub.s32 s2, s7  }
0xc: {  	s7 =	smul.u32 $0x1388, s6;
	s6 =	simm.s32 $0x16000;
	s22 =	sadd.s32 $0x17200, s9  }
0xd: {  	s23 =	sshrl.u32 s8, $0x3;
	s24 =	sadd.s32 $0x7200, s9;
	s9 =	sadd.s32 $0x27300, s0  }
0xe: {  	s26 =	smax.u32 s2, $0x1;
	s2 =	simm.s32 $0x15000;
	[dreg:$0x3] =	wrdreg s22  }
0xf: {  	v2 =	vlaneseq.u32;
	s8 =	simm.s32 $0x16800;
	[dreg:$0x4] =	wrdreg s24;
	s25 =	sadd.s32 s5, s23  }
0x10: {  	vm0 =	vmmov $0xffff;
	v1 =	vshrl.u32 v2, $0x3;
	s11 =	sadd.s32 $0x28, s7;
	[dreg:$0x6] =	wrdreg s26;
	s0 =	sadd.s32 $0x4D800, s25  }
0x11: {  	v0 =	vand.u32 $0x7, v2;
	v2 =	vor.u32 $0x8, v2;
	v1 =	vmul.u32 $0x8, v1;
	s26 =	simm.s32 $0x12000;
	[dreg:$0x5] =	wrdreg s0;
	s0 =	simm.s32 $0x14800  }
.LBB2_1:
0x12: {  	[dreg:$0x7] =	wrdreg s20  }
0x13: {  	s19 =	rddreg [dreg:$0x3];
	s24 =	simm.s32 $0x5  }
0x14: {  	[tilespmem:s3], [sflag:$0x5] =	stream.linear.gather [hbm4b:s19+s3], $0x3E80, $0x38;
	[tilespmem:$0x1C000] =	vst v63  }
0x15: {  	_ =	swait.ge [sflag:s24], $0x3E80  }
0x16: {  	[sflag:s24] =	ssyncset.done $0x0  }
0x17: {  	s21 =	simm.s32 $0x4000;
	s25 =	rddreg [dreg:$0x4];
	[sflag:s24] =	ssyncadd.s32 $0xFFFFC180  }
0x18: {  	[tilespmem:s21], [sflag:$0x5] =	stream.linear.gather [hbm4b:s25+s3], $0x3E80, $0x38;
	[tilespmem:$0x1C000] =	vst v63  }
0x19: {  	_ =	swait.ge [sflag:s24], $0x3E80  }
0x1a: {  	[sflag:s24] =	ssyncset.done $0x0  }
0x1b: {  	[sflag:s24] =	ssyncadd.s32 $0xFFFFC180  }
0x1c: {  	v3 =	vld [tilespmem:$0x0];
	_ =	sdelay $0x4  }
0x1d: {  	v4 =	vshll.u32 v3, $0x2  }
0x1e: {  	v3 =	vand.u32 $0x7, v3;
	v4 =	vand.u32 $0xFFFFFFE0, v4  }
0x1f: {  	v3 =	vor.u32 v3, v4  }
0x20: {  	v4 =	vperm.xlane v3, v0;
	_ =	sdelay $0x1  }
0x21: {  	v4 =	vadd.s32 v1, v4;
	_ =	sdelay $0x1  }
0x22: {  	v3 =	vperm.xlane v3, v2;
	_ =	sdelay $0x1  }
0x23: {  	v3 =	vadd.s32 v1, v3  }
0x24: {  	[tilespmem:s16], [sflag:$0x1] =	stream.indirect_vreg.gather [hbm4b:s4+s3], $0x80, v4, vm0, $0xb8;
	[tilespmem:$0x1C000] =	vst v63  }
0x25: {  	s22 =	simm.s32 $0x8800  }
0x26: {  	[tilespmem:s22], [sflag:$0x1] =	stream.indirect_vreg.gather [hbm4b:s9+s3], $0x80, v4, vm0, $0xb8;
	[tilespmem:$0x1C000] =	vst v63  }
0x27: {  	s23 =	simm.s32 $0x9000  }
0x28: {  	[tilespmem:s23], [sflag:$0x1] =	stream.indirect_vreg.gather [hbm4b:s4+s3], $0x80, v3, vm0, $0xb8;
	[tilespmem:$0x1C000] =	vst v63  }
0x29: {  	s24 =	simm.s32 $0x9800  }
0x2a: {  	[tilespmem:s24], [sflag:$0x1] =	stream.indirect_vreg.gather [hbm4b:s9+s3], $0x80, v3, vm0, $0xb8;
	[tilespmem:$0x1C000] =	vst v63  }
0x2b: {  	v3 =	vld [tilespmem:$0x10];
	_ =	sdelay $0x4  }
0x2c: {  	v53 =	vshll.u32 v3, $0x2  }
0x2d: {  	v3 =	vand.u32 $0x7, v3;
	v4 =	vand.u32 $0xFFFFFFE0, v53  }
0x2e: {  	v3 =	vor.u32 v3, v4  }
0x2f: {  	v4 =	vperm.xlane v3, v0;
	_ =	sdelay $0x1  }
0x30: {  	v4 =	vadd.s32 v1, v4;
	_ =	sdelay $0x1  }
0x31: {  	v3 =	vperm.xlane v3, v2;
	_ =	sdelay $0x1  }
0x32: {  	s25 =	simm.s32 $0xA000;
	v3 =	vadd.s32 v1, v3  }
0x33: {  	[tilespmem:s25], [sflag:$0x1] =	stream.indirect_vreg.gather [hbm4b:s4+s3], $0x80, v4, vm0, $0xb8;
	[tilespmem:$0x1C000] =	vst v63  }
0x34: {  	s20 =	simm.s32 $0xA800  }
0x35: {  	[tilespmem:s20], [sflag:$0x1] =	stream.indirect_vreg.gather [hbm4b:s9+s3], $0x80, v4, vm0, $0xb8;
	[tilespmem:$0x1C000] =	vst v63  }
0x36: {  	s21 =	simm.s32 $0xB000  }
0x37: {  	[tilespmem:s21], [sflag:$0x1] =	stream.indirect_vreg.gather [hbm4b:s4+s3], $0x80, v3, vm0, $0xb8;
	[tilespmem:$0x1C000] =	vst v63  }
0x38: {  	s22 =	simm.s32 $0xB800  }
0x39: {  	[tilespmem:s22], [sflag:$0x1] =	stream.indirect_vreg.gather [hbm4b:s9+s3], $0x80, v3, vm0, $0xb8;
	[tilespmem:$0x1C000] =	vst v63  }
0x3a: {  	v3 =	vld.msk [tilespmem:$0x20], $0xff;
	_ =	sdelay $0x4  }
0x3b: {  	v54 =	vshll.u32 v3, $0x2  }
0x3c: {  	v3 =	vand.u32 $0x7, v3;
	v4 =	vand.u32 $0xFFFFFFE0, v54  }
0x3d: {  	v3 =	vor.u32 v3, v4  }
0x3e: {  	v3 =	vperm.xlane v3, v0;
	_ =	sdelay $0x1  }
0x3f: {  	v3 =	vadd.s32 v1, v3;
	_ =	sdelay $0x3  }
0x40: {  	s23 =	simm.s32 $0xC000  }
0x41: {  	[tilespmem:s23], [sflag:$0x1] =	stream.indirect_vreg.gather [hbm4b:s4+s3], $0x80, v3, vm0, $0xb8;
	[tilespmem:$0x1C000] =	vst v63  }
0x42: {  	s24 =	simm.s32 $0xC800  }
0x43: {  	[tilespmem:s24], [sflag:$0x1] =	stream.indirect_vreg.gather [hbm4b:s9+s3], $0x80, v3, vm0, $0xb8;
	[tilespmem:$0x1C000] =	vst v63  }
0x44: {  	v3 =	vld [tilespmem:$0x4000];
	_ =	sdelay $0x4  }
0x45: {  	v55 =	vshll.u32 v3, $0x2  }
0x46: {  	v3 =	vand.u32 $0x7, v3;
	v4 =	vand.u32 $0xFFFFFFE0, v55  }
0x47: {  	v3 =	vor.u32 v3, v4  }
0x48: {  	v4 =	vperm.xlane v3, v0;
	_ =	sdelay $0x1  }
0x49: {  	v4 =	vadd.s32 v1, v4;
	_ =	sdelay $0x1  }
0x4a: {  	v3 =	vperm.xlane v3, v2;
	_ =	sdelay $0x1  }
0x4b: {  	v3 =	vadd.s32 v1, v3  }
0x4c: {  	[tilespmem:s26], [sflag:$0x1] =	stream.indirect_vreg.gather [hbm4b:s1+s3], $0x80, v4, vm0, $0xb8;
	[tilespmem:$0x1C000] =	vst v63  }
0x4d: {  	_ = 	snop  }
0x4e: {  	[tilespmem:s28], [sflag:$0x1] =	stream.indirect_vreg.gather [hbm4b:s10+s3], $0x80, v4, vm0, $0xb8;
	[tilespmem:$0x1C000] =	vst v63  }
0x4f: {  	_ = 	snop  }
0x50: {  	[tilespmem:s29], [sflag:$0x1] =	stream.indirect_vreg.gather [hbm4b:s1+s3], $0x80, v3, vm0, $0xb8;
	[tilespmem:$0x1C000] =	vst v63  }
0x51: {  	_ = 	snop  }
0x52: {  	[tilespmem:s30], [sflag:$0x1] =	stream.indirect_vreg.gather [hbm4b:s10+s3], $0x80, v3, vm0, $0xb8;
	[tilespmem:$0x1C000] =	vst v63  }
0x53: {  	v3 =	vld [tilespmem:$0x4010];
	_ =	sdelay $0x4  }
0x54: {  	v56 =	vshll.u32 v3, $0x2  }
0x55: {  	v3 =	vand.u32 $0x7, v3;
	v4 =	vand.u32 $0xFFFFFFE0, v56  }
0x56: {  	v3 =	vor.u32 v3, v4  }
0x57: {  	v4 =	vperm.xlane v3, v0;
	_ =	sdelay $0x1  }
0x58: {  	v4 =	vadd.s32 v1, v4;
	_ =	sdelay $0x1  }
0x59: {  	v3 =	vperm.xlane v3, v2;
	_ =	sdelay $0x1  }
0x5a: {  	v3 =	vadd.s32 v1, v3  }
0x5b: {  	[tilespmem:s31], [sflag:$0x1] =	stream.indirect_vreg.gather [hbm4b:s1+s3], $0x80, v4, vm0, $0xb8;
	[tilespmem:$0x1C000] =	vst v63  }
0x5c: {  	_ = 	snop  }
0x5d: {  	[tilespmem:s0], [sflag:$0x1] =	stream.indirect_vreg.gather [hbm4b:s10+s3], $0x80, v4, vm0, $0xb8;
	[tilespmem:$0x1C000] =	vst v63  }
0x5e: {  	_ = 	snop  }
0x5f: {  	[tilespmem:s2], [sflag:$0x1] =	stream.indirect_vreg.gather [hbm4b:s1+s3], $0x80, v3, vm0, $0xb8;
	[tilespmem:$0x1C000] =	vst v63  }
0x60: {  	_ = 	snop  }
0x61: {  	[tilespmem:s15], [sflag:$0x1] =	stream.indirect_vreg.gather [hbm4b:s10+s3], $0x80, v3, vm0, $0xb8;
	[tilespmem:$0x1C000] =	vst v63  }
0x62: {  	v3 =	vld.msk [tilespmem:$0x4020], $0xff;
	_ =	sdelay $0x4  }
0x63: {  	v57 =	vshll.u32 v3, $0x2  }
0x64: {  	v3 =	vand.u32 $0x7, v3;
	v4 =	vand.u32 $0xFFFFFFE0, v57  }
0x65: {  	v3 =	vor.u32 v3, v4  }
0x66: {  	v3 =	vperm.xlane v3, v0;
	_ =	sdelay $0x1  }
0x67: {  	v3 =	vadd.s32 v1, v3;
	_ =	sdelay $0x4  }
0x68: {  	[tilespmem:s6], [sflag:$0x1] =	stream.indirect_vreg.gather [hbm4b:s1+s3], $0x80, v3, vm0, $0xb8;
	[tilespmem:$0x1C000] =	vst v63  }
0x69: {  	_ = 	snop  }
0x6a: {  	[tilespmem:s8], [sflag:$0x1] =	stream.indirect_vreg.gather [hbm4b:s10+s3], $0x80, v3, vm0, $0xb8;
	[tilespmem:$0x1C000] =	vst v63  }
0x6b: {  	v3 =	vld [tilespmem:$0x80];
	_ =	sdelay $0x4  }
0x6c: {  	v58 =	vshll.u32 v3, $0x2  }
0x6d: {  	v3 =	vand.u32 $0x7, v3;
	v4 =	vand.u32 $0xFFFFFFE0, v58  }
0x6e: {  	v3 =	vor.u32 v3, v4  }
0x6f: {  	v4 =	vperm.xlane v3, v0;
	_ =	sdelay $0x1  }
0x70: {  	v4 =	vadd.s32 v1, v4;
	_ =	sdelay $0x1  }
0x71: {  	v3 =	vperm.xlane v3, v2;
	_ =	sdelay $0x1  }
0x72: {  	v3 =	vadd.s32 v1, v3  }
0x73: {  	[tilespmem:s12], [sflag:$0x2] =	stream.indirect_vreg.gather [hbm4b:s4+s3], $0x80, v4, vm0, $0xb8;
	[tilespmem:$0x1C000] =	vst v63  }
0x74: {  	s25 =	simm.s32 $0xD800  }
0x75: {  	[tilespmem:s25], [sflag:$0x2] =	stream.indirect_vreg.gather [hbm4b:s9+s3], $0x80, v4, vm0, $0xb8;
	[tilespmem:$0x1C000] =	vst v63  }
0x76: {  	s20 =	simm.s32 $0xE000  }
0x77: {  	[tilespmem:s20], [sflag:$0x2] =	stream.indirect_vreg.gather [hbm4b:s4+s3], $0x80, v3, vm0, $0xb8;
	[tilespmem:$0x1C000] =	vst v63  }
0x78: {  	s21 =	simm.s32 $0xE800  }
0x79: {  	[tilespmem:s21], [sflag:$0x2] =	stream.indirect_vreg.gather [hbm4b:s9+s3], $0x80, v3, vm0, $0xb8;
	[tilespmem:$0x1C000] =	vst v63  }
0x7a: {  	v3 =	vld [tilespmem:$0x90];
	_ =	sdelay $0x4  }
0x7b: {  	v59 =	vshll.u32 v3, $0x2  }
0x7c: {  	v3 =	vand.u32 $0x7, v3;
	v4 =	vand.u32 $0xFFFFFFE0, v59  }
0x7d: {  	v3 =	vor.u32 v3, v4  }
0x7e: {  	v4 =	vperm.xlane v3, v0;
	_ =	sdelay $0x1  }
0x7f: {  	v4 =	vadd.s32 v1, v4;
	_ =	sdelay $0x1  }
0x80: {  	v3 =	vperm.xlane v3, v2;
	_ =	sdelay $0x1  }
0x81: {  	s22 =	simm.s32 $0xF000;
	v3 =	vadd.s32 v1, v3  }
0x82: {  	[tilespmem:s22], [sflag:$0x2] =	stream.indirect_vreg.gather [hbm4b:s4+s3], $0x80, v4, vm0, $0xb8;
	[tilespmem:$0x1C000] =	vst v63  }
0x83: {  	s23 =	simm.s32 $0xF800  }
0x84: {  	[tilespmem:s23], [sflag:$0x2] =	stream.indirect_vreg.gather [hbm4b:s9+s3], $0x80, v4, vm0, $0xb8;
	[tilespmem:$0x1C000] =	vst v63  }
0x85: {  	s24 =	simm.s32 $0x10000  }
0x86: {  	[tilespmem:s24], [sflag:$0x2] =	stream.indirect_vreg.gather [hbm4b:s4+s3], $0x80, v3, vm0, $0xb8;
	[tilespmem:$0x1C000] =	vst v63  }
0x87: {  	s25 =	simm.s32 $0x10800  }
0x88: {  	[tilespmem:s25], [sflag:$0x2] =	stream.indirect_vreg.gather [hbm4b:s9+s3], $0x80, v3, vm0, $0xb8;
	[tilespmem:$0x1C000] =	vst v63  }
0x89: {  	v3 =	vld.msk [tilespmem:$0xA0], $0xff;
	_ =	sdelay $0x4  }
0x8a: {  	v60 =	vshll.u32 v3, $0x2  }
0x8b: {  	v3 =	vand.u32 $0x7, v3;
	v4 =	vand.u32 $0xFFFFFFE0, v60  }
0x8c: {  	v3 =	vor.u32 v3, v4  }
0x8d: {  	v3 =	vperm.xlane v3, v0;
	_ =	sdelay $0x1  }
0x8e: {  	v3 =	vadd.s32 v1, v3;
	_ =	sdelay $0x3  }
0x8f: {  	s20 =	simm.s32 $0x11000  }
0x90: {  	[tilespmem:s20], [sflag:$0x2] =	stream.indirect_vreg.gather [hbm4b:s4+s3], $0x80, v3, vm0, $0xb8;
	[tilespmem:$0x1C000] =	vst v63  }
0x91: {  	s21 =	simm.s32 $0x11800  }
0x92: {  	[tilespmem:s21], [sflag:$0x2] =	stream.indirect_vreg.gather [hbm4b:s9+s3], $0x80, v3, vm0, $0xb8;
	[tilespmem:$0x1C000] =	vst v63  }
0x93: {  	v3 =	vld [tilespmem:$0x4080];
	_ =	sdelay $0x4  }
0x94: {  	v61 =	vshll.u32 v3, $0x2  }
0x95: {  	v3 =	vand.u32 $0x7, v3;
	v4 =	vand.u32 $0xFFFFFFE0, v61  }
0x96: {  	v3 =	vor.u32 v3, v4  }
0x97: {  	v4 =	vperm.xlane v3, v0;
	_ =	sdelay $0x1  }
0x98: {  	v4 =	vadd.s32 v1, v4;
	_ =	sdelay $0x1  }
0x99: {  	v3 =	vperm.xlane v3, v2;
	_ =	sdelay $0x1  }
0x9a: {  	s22 =	simm.s32 $0x17000;
	v3 =	vadd.s32 v1, v3  }
0x9b: {  	[tilespmem:s22], [sflag:$0x2] =	stream.indirect_vreg.gather [hbm4b:s1+s3], $0x80, v4, vm0, $0xb8;
	[tilespmem:$0x1C000] =	vst v63  }
0x9c: {  	s23 =	simm.s32 $0x17800  }
0x9d: {  	[tilespmem:s23], [sflag:$0x2] =	stream.indirect_vreg.gather [hbm4b:s10+s3], $0x80, v4, vm0, $0xb8;
	[tilespmem:$0x1C000] =	vst v63  }
0x9e: {  	s24 =	simm.s32 $0x18000  }
0x9f: {  	[tilespmem:s24], [sflag:$0x2] =	stream.indirect_vreg.gather [hbm4b:s1+s3], $0x80, v3, vm0, $0xb8;
	[tilespmem:$0x1C000] =	vst v63  }
0xa0: {  	s25 =	simm.s32 $0x18800  }
0xa1: {  	[tilespmem:s25], [sflag:$0x2] =	stream.indirect_vreg.gather [hbm4b:s10+s3], $0x80, v3, vm0, $0xb8;
	[tilespmem:$0x1C000] =	vst v63  }
0xa2: {  	v3 =	vld [tilespmem:$0x4090];
	_ =	sdelay $0x4  }
0xa3: {  	v62 =	vshll.u32 v3, $0x2  }
0xa4: {  	v3 =	vand.u32 $0x7, v3;
	v4 =	vand.u32 $0xFFFFFFE0, v62  }
0xa5: {  	v3 =	vor.u32 v3, v4  }
0xa6: {  	v4 =	vperm.xlane v3, v0;
	_ =	sdelay $0x1  }
0xa7: {  	v4 =	vadd.s32 v1, v4;
	_ =	sdelay $0x1  }
0xa8: {  	v3 =	vperm.xlane v3, v2;
	_ =	sdelay $0x1  }
0xa9: {  	s20 =	simm.s32 $0x19000;
	v3 =	vadd.s32 v1, v3  }
0xaa: {  	[tilespmem:s20], [sflag:$0x2] =	stream.indirect_vreg.gather [hbm4b:s1+s3], $0x80, v4, vm0, $0xb8;
	[tilespmem:$0x1C000] =	vst v63  }
0xab: {  	s21 =	simm.s32 $0x19800  }
0xac: {  	[tilespmem:s21], [sflag:$0x2] =	stream.indirect_vreg.gather [hbm4b:s10+s3], $0x80, v4, vm0, $0xb8;
	[tilespmem:$0x1C000] =	vst v63  }
0xad: {  	s22 =	simm.s32 $0x1A000  }
0xae: {  	[tilespmem:s22], [sflag:$0x2] =	stream.indirect_vreg.gather [hbm4b:s1+s3], $0x80, v3, vm0, $0xb8;
	[tilespmem:$0x1C000] =	vst v63  }
0xaf: {  	s23 =	simm.s32 $0x1A800  }
0xb0: {  	[tilespmem:s23], [sflag:$0x2] =	stream.indirect_vreg.gather [hbm4b:s10+s3], $0x80, v3, vm0, $0xb8;
	[tilespmem:$0x1C000] =	vst v63  }
0xb1: {  	v3 =	vld.msk [tilespmem:$0x40A0], $0xff;
	_ =	sdelay $0x4  }
0xb2: {  	v63 =	vshll.u32 v3, $0x2  }
0xb3: {  	v3 =	vand.u32 $0x7, v3;
	v4 =	vand.u32 $0xFFFFFFE0, v63  }
0xb4: {  	v3 =	vor.u32 v3, v4  }
0xb5: {  	v3 =	vperm.xlane v3, v0;
	_ =	sdelay $0x1  }
0xb6: {  	v3 =	vadd.s32 v1, v3;
	_ =	sdelay $0x3  }
0xb7: {  	s24 =	simm.s32 $0x1B000  }
0xb8: {  	[tilespmem:s24], [sflag:$0x2] =	stream.indirect_vreg.gather [hbm4b:s1+s3], $0x80, v3, vm0, $0xb8;
	[tilespmem:$0x1C000] =	vst v63  }
0xb9: {  	s19 =	simm.s32 $0x0;
	s25 =	simm.s32 $0x1B800  }
0xba: {  	[tilespmem:s25], [sflag:$0x2] =	stream.indirect_vreg.gather [hbm4b:s10+s3], $0x80, v3, vm0, $0xb8;
	[tilespmem:$0x1C000] =	vst v63  }
.LBB2_2:
0xbb: {  	_ =	swait.ge [sflag:s14], $0x5000  }
0xbc: {  	[sflag:s14] =	ssyncset.done $0x0  }
0xbd: {  	[sflag:s14] =	ssyncadd.s32 $0xFFFFB000  }
0xbe: {  	s20 =	simm.s32 $0x0;
	_ =	swait.ge [sflag:s14], $0x5000  }
0xbf: {  	s21 =	sand.u32 $0x7000, s20;
	s20 =	sand.u32 $0x380, s20;
	[sflag:s14] =	ssyncset.done $0x0  }
0xc0: {  	s21 =	sor.u32 s20, s21;
	[sflag:s14] =	ssyncadd.s32 $0xFFFFB000  }
0xc1: {  	v10 =	vld [tilespmem:s21+$0x12000]  }
0xc2: {  	v11 =	vld [tilespmem:s21+$0x12010]  }
0xc3: {  	v12 =	vld [tilespmem:s21+$0x12020]  }
0xc4: {  	v13 =	vld [tilespmem:s21+$0x12030]  }
0xc5: {  	v14 =	vld [tilespmem:s21+$0x12040]  }
0xc6: {  	v15 =	vld [tilespmem:s21+$0x12050]  }
0xc7: {  	v16 =	vld [tilespmem:s21+$0x12060]  }
0xc8: {  	v17 =	vld [tilespmem:s21+$0x12070]  }
0xc9: {  	v18 =	vld [tilespmem:s21+$0x12400]  }
0xca: {  	v19 =	vld [tilespmem:s21+$0x12410]  }
0xcb: {  	v20 =	vld [tilespmem:s21+$0x12420]  }
0xcc: {  	v21 =	vld [tilespmem:s21+$0x12430]  }
0xcd: {  	v22 =	vld [tilespmem:s21+$0x12440]  }
0xce: {  	v23 =	vld [tilespmem:s21+$0x12450]  }
0xcf: {  	v24 =	vld [tilespmem:s21+$0x12460]  }
0xd0: {  	v25 =	vld [tilespmem:s21+$0x12470]  }
0xd1: {  	v26 =	vld [tilespmem:s21+$0x12800]  }
0xd2: {  	v27 =	vld [tilespmem:s21+$0x12810]  }
0xd3: {  	v28 =	vld [tilespmem:s21+$0x12820]  }
0xd4: {  	v29 =	vld [tilespmem:s21+$0x12830]  }
0xd5: {  	v30 =	vld [tilespmem:s21+$0x12840]  }
0xd6: {  	v31 =	vld [tilespmem:s21+$0x12850]  }
0xd7: {  	v32 =	vld [tilespmem:s21+$0x12860]  }
0xd8: {  	v33 =	vld [tilespmem:s21+$0x12870]  }
0xd9: {  	v34 =	vld [tilespmem:s21+$0x12C00]  }
0xda: {  	v9 =	vld [tilespmem:s21+$0x12C10]  }
0xdb: {  	v8 =	vld [tilespmem:s21+$0x12C20]  }
0xdc: {  	v7 =	vld [tilespmem:s21+$0x12C30]  }
0xdd: {  	v6 =	vld [tilespmem:s21+$0x12C40]  }
0xde: {  	v5 =	vld [tilespmem:s21+$0x12C50]  }
0xdf: {  	v4 =	vld [tilespmem:s21+$0x12C60]  }
0xe0: {  	v3 =	vld [tilespmem:s21+$0x12C70]  }
0xe1: {  	v35 =	vld [tilespmem:s21+$0x8000]  }
0xe2: {  	v36 =	vld [tilespmem:s21+$0x8010]  }
0xe3: {  	v37 =	vld [tilespmem:s21+$0x8020]  }
0xe4: {  	v38 =	vld [tilespmem:s21+$0x8030]  }
0xe5: {  	v39 =	vld [tilespmem:s21+$0x8040]  }
0xe6: {  	v62 =	vld [tilespmem:s21+$0x8050];
	v10 =	vadd.f32 v10, v35  }
0xe7: {  	v63 =	vld [tilespmem:s21+$0x8060];
	v11 =	vadd.f32 v11, v36  }
0xe8: {  	[tilespmem:s21+$0x8000] =	vst v10;
	v10 =	vadd.f32 v12, v37;
	v12 =	vld [tilespmem:s21+$0x8070]  }
0xe9: {  	[tilespmem:s21+$0x8010] =	vst v11;
	v11 =	vadd.f32 v13, v38;
	v13 =	vld [tilespmem:s21+$0x8400]  }
0xea: {  	[tilespmem:s21+$0x8020] =	vst v10;
	v10 =	vadd.f32 v14, v39;
	v14 =	vld [tilespmem:s21+$0x8410]  }
0xeb: {  	[tilespmem:s21+$0x8030] =	vst v11;
	v11 =	vadd.f32 v15, v62;
	v15 =	vld [tilespmem:s21+$0x8420]  }
0xec: {  	[tilespmem:s21+$0x8040] =	vst v10;
	v10 =	vadd.f32 v16, v63;
	v16 =	vld [tilespmem:s21+$0x8430]  }
0xed: {  	[tilespmem:s21+$0x8050] =	vst v11;
	v11 =	vadd.f32 v17, v12;
	v12 =	vld [tilespmem:s21+$0x8440]  }
0xee: {  	[tilespmem:s21+$0x8060] =	vst v10;
	v10 =	vadd.f32 v18, v13;
	v13 =	vld [tilespmem:s21+$0x8450]  }
0xef: {  	[tilespmem:s21+$0x8070] =	vst v11;
	v11 =	vadd.f32 v19, v14;
	v14 =	vld [tilespmem:s21+$0x8460]  }
0xf0: {  	[tilespmem:s21+$0x8400] =	vst v10;
	v10 =	vadd.f32 v20, v15;
	v15 =	vld [tilespmem:s21+$0x8470]  }
0xf1: {  	[tilespmem:s21+$0x8410] =	vst v11;
	v11 =	vadd.f32 v21, v16;
	v16 =	vld [tilespmem:s21+$0x8800]  }
0xf2: {  	[tilespmem:s21+$0x8420] =	vst v10;
	v10 =	vadd.f32 v22, v12;
	v12 =	vld [tilespmem:s21+$0x8810]  }
0xf3: {  	[tilespmem:s21+$0x8430] =	vst v11;
	v11 =	vadd.f32 v23, v13;
	v13 =	vld [tilespmem:s21+$0x8820]  }
0xf4: {  	[tilespmem:s21+$0x8440] =	vst v10;
	v10 =	vadd.f32 v24, v14;
	v14 =	vld [tilespmem:s21+$0x8830]  }
0xf5: {  	[tilespmem:s21+$0x8450] =	vst v11;
	v11 =	vadd.f32 v25, v15;
	v15 =	vld [tilespmem:s21+$0x8840]  }
0xf6: {  	[tilespmem:s21+$0x8460] =	vst v10;
	v10 =	vadd.f32 v26, v16;
	v16 =	vld [tilespmem:s21+$0x8850]  }
0xf7: {  	v17 =	vld [tilespmem:s21+$0x8860];
	[tilespmem:s21+$0x8470] =	vst v11;
	v11 =	vadd.f32 v27, v12  }
0xf8: {  	v18 =	vld [tilespmem:s21+$0x8870];
	[tilespmem:s21+$0x8800] =	vst v10;
	v10 =	vadd.f32 v28, v13  }
0xf9: {  	[tilespmem:s21+$0x8810] =	vst v11;
	v11 =	vadd.f32 v29, v14;
	v14 =	vld [tilespmem:s21+$0x8C00]  }
0xfa: {  	v13 =	vld [tilespmem:s21+$0x8C10];
	[tilespmem:s21+$0x8820] =	vst v10;
	v10 =	vadd.f32 v30, v15  }
0xfb: {  	v12 =	vld [tilespmem:s21+$0x8C20];
	[tilespmem:s21+$0x8830] =	vst v11;
	v11 =	vadd.f32 v31, v16  }
0xfc: {  	v15 =	vadd.f32 v32, v17;
	[tilespmem:s21+$0x8840] =	vst v10;
	v10 =	vld [tilespmem:s21+$0x8C30]  }
0xfd: {  	v16 =	vadd.f32 v33, v18;
	[tilespmem:s21+$0x8850] =	vst v11;
	v11 =	vld [tilespmem:s21+$0x8C40]  }
0xfe: {  	s22 =	simm.s32 $0x200;
	s20 =	simm.s32 $0x80;
	[tilespmem:s21+$0x8860] =	vst v15;
	v15 =	vadd.f32 v34, v14;
	v14 =	vld [tilespmem:s21+$0x8C50]  }
.LBB2_3:
0xff: {  	s23 =	sand.u32 $0x7000, s22;
	s24 =	sand.u32 $0x380, s20;
	p0 =	sne.s32 s22, $0x4E00;
	[tilespmem:s21+$0x8870] =	vst v16;
	v9 =	vadd.f32 v9, v13;
	v13 =	vld [tilespmem:s21+$0x8C60]  }
0x100: {  	s23 =	sor.u32 s24, s23;
	[tilespmem:s21+$0x8C00] =	vst v15;
	v8 =	vadd.f32 v8, v12;
	v12 =	vld [tilespmem:s21+$0x8C70]  }
0x101: {  	v15 =	vld [tilespmem:s23+$0x12000];
	[tilespmem:s21+$0x8C10] =	vst v9;
	v7 =	vadd.f32 v7, v10  }
0x102: {  	v10 =	vld [tilespmem:s23+$0x12010];
	[tilespmem:s21+$0x8C20] =	vst v8;
	v6 =	vadd.f32 v6, v11  }
0x103: {  	v11 =	vld [tilespmem:s23+$0x12020];
	[tilespmem:s21+$0x8C30] =	vst v7;
	v5 =	vadd.f32 v5, v14  }
0x104: {  	v14 =	vld [tilespmem:s23+$0x12030];
	[tilespmem:s21+$0x8C40] =	vst v6;
	v4 =	vadd.f32 v4, v13  }
0x105: {  	v13 =	vld [tilespmem:s23+$0x12040];
	[tilespmem:s21+$0x8C50] =	vst v5;
	v3 =	vadd.f32 v3, v12  }
0x106: {  	v12 =	vld [tilespmem:s23+$0x12050];
	[tilespmem:s21+$0x8C60] =	vst v4  }
0x107: {  	v16 =	vld [tilespmem:s23+$0x12060];
	[tilespmem:s21+$0x8C70] =	vst v3;
	s21 =	smov.u32 s23  }
0x108: {  	v17 =	vld [tilespmem:s21+$0x12070]  }
0x109: {  	v18 =	vld [tilespmem:s21+$0x12400]  }
0x10a: {  	v19 =	vld [tilespmem:s21+$0x12410]  }
0x10b: {  	v20 =	vld [tilespmem:s21+$0x12420]  }
0x10c: {  	v21 =	vld [tilespmem:s21+$0x12430]  }
0x10d: {  	v22 =	vld [tilespmem:s21+$0x12440]  }
0x10e: {  	v23 =	vld [tilespmem:s21+$0x12450]  }
0x10f: {  	v24 =	vld [tilespmem:s21+$0x12460]  }
0x110: {  	v25 =	vld [tilespmem:s21+$0x12470]  }
0x111: {  	v26 =	vld [tilespmem:s21+$0x12800]  }
0x112: {  	v27 =	vld [tilespmem:s21+$0x12810]  }
0x113: {  	v28 =	vld [tilespmem:s21+$0x12820]  }
0x114: {  	v29 =	vld [tilespmem:s21+$0x12830]  }
0x115: {  	v30 =	vld [tilespmem:s21+$0x12840]  }
0x116: {  	v31 =	vld [tilespmem:s21+$0x12850]  }
0x117: {  	v32 =	vld [tilespmem:s21+$0x12860]  }
0x118: {  	v33 =	vld [tilespmem:s21+$0x12870]  }
0x119: {  	v34 =	vld [tilespmem:s21+$0x12C00]  }
0x11a: {  	v9 =	vld [tilespmem:s21+$0x12C10]  }
0x11b: {  	v8 =	vld [tilespmem:s21+$0x12C20]  }
0x11c: {  	v7 =	vld [tilespmem:s21+$0x12C30]  }
0x11d: {  	v6 =	vld [tilespmem:s21+$0x12C40]  }
0x11e: {  	v5 =	vld [tilespmem:s21+$0x12C50]  }
0x11f: {  	v4 =	vld [tilespmem:s21+$0x12C60]  }
0x120: {  	v3 =	vld [tilespmem:s21+$0x12C70]  }
0x121: {  	v35 =	vld [tilespmem:s21+$0x8000]  }
0x122: {  	v36 =	vld [tilespmem:s21+$0x8010]  }
0x123: {  	v37 =	vld [tilespmem:s21+$0x8020]  }
0x124: {  	v38 =	vld [tilespmem:s21+$0x8030]  }
0x125: {  	v39 =	vld [tilespmem:s21+$0x8040]  }
0x126: {  	v15 =	vadd.f32 v15, v35;
	v35 =	vld [tilespmem:s21+$0x8050]  }
0x127: {  	v10 =	vadd.f32 v10, v36;
	v36 =	vld [tilespmem:s21+$0x8060]  }
0x128: {  	[tilespmem:s21+$0x8000] =	vst v15;
	v11 =	vadd.f32 v11, v37;
	v15 =	vld [tilespmem:s21+$0x8070]  }
0x129: {  	[tilespmem:s21+$0x8010] =	vst v10;
	v10 =	vadd.f32 v14, v38;
	v14 =	vld [tilespmem:s21+$0x8400]  }
0x12a: {  	[tilespmem:s21+$0x8020] =	vst v11;
	v11 =	vadd.f32 v13, v39;
	v13 =	vld [tilespmem:s21+$0x8410]  }
0x12b: {  	[tilespmem:s21+$0x8030] =	vst v10;
	v10 =	vadd.f32 v12, v35;
	v12 =	vld [tilespmem:s21+$0x8420]  }
0x12c: {  	[tilespmem:s21+$0x8040] =	vst v11;
	v11 =	vadd.f32 v16, v36;
	v16 =	vld [tilespmem:s21+$0x8430]  }
0x12d: {  	[tilespmem:s21+$0x8050] =	vst v10;
	v10 =	vadd.f32 v17, v15;
	v15 =	vld [tilespmem:s21+$0x8440]  }
0x12e: {  	[tilespmem:s21+$0x8060] =	vst v11;
	v11 =	vadd.f32 v18, v14;
	v14 =	vld [tilespmem:s21+$0x8450]  }
0x12f: {  	[tilespmem:s21+$0x8070] =	vst v10;
	v10 =	vadd.f32 v19, v13;
	v13 =	vld [tilespmem:s21+$0x8460]  }
0x130: {  	[tilespmem:s21+$0x8400] =	vst v11;
	v11 =	vadd.f32 v20, v12;
	v12 =	vld [tilespmem:s21+$0x8470]  }
0x131: {  	[tilespmem:s21+$0x8410] =	vst v10;
	v10 =	vadd.f32 v21, v16;
	v16 =	vld [tilespmem:s21+$0x8800]  }
0x132: {  	[tilespmem:s21+$0x8420] =	vst v11;
	v11 =	vadd.f32 v22, v15;
	v15 =	vld [tilespmem:s21+$0x8810]  }
0x133: {  	[tilespmem:s21+$0x8430] =	vst v10;
	v10 =	vadd.f32 v23, v14;
	v14 =	vld [tilespmem:s21+$0x8820]  }
0x134: {  	[tilespmem:s21+$0x8440] =	vst v11;
	v11 =	vadd.f32 v24, v13;
	v13 =	vld [tilespmem:s21+$0x8830]  }
0x135: {  	[tilespmem:s21+$0x8450] =	vst v10;
	v10 =	vadd.f32 v25, v12;
	v12 =	vld [tilespmem:s21+$0x8840]  }
0x136: {  	[tilespmem:s21+$0x8460] =	vst v11;
	v11 =	vadd.f32 v26, v16;
	v16 =	vld [tilespmem:s21+$0x8850]  }
0x137: {  	[tilespmem:s21+$0x8470] =	vst v10;
	v10 =	vadd.f32 v27, v15;
	v15 =	vld [tilespmem:s21+$0x8860]  }
0x138: {  	[tilespmem:s21+$0x8800] =	vst v11;
	v11 =	vadd.f32 v28, v14;
	v14 =	vld [tilespmem:s21+$0x8870]  }
0x139: {  	[tilespmem:s21+$0x8810] =	vst v10;
	v10 =	vadd.f32 v29, v13;
	v17 =	vld [tilespmem:s21+$0x8C00]  }
.Ltmp0:
0x13a: {  	[tilespmem:s21+$0x8820] =	vst v11;
	v11 =	vadd.f32 v30, v12;
	v13 =	vld [tilespmem:s21+$0x8C10];
	(pc) =	sbr.rel @p0 .LBB2_3-.Ltmp0, $4  }
0x13b: {  	[tilespmem:s21+$0x8830] =	vst v10;
	v16 =	vadd.f32 v31, v16;
	v12 =	vld [tilespmem:s21+$0x8C20]  }
0x13c: {  	[tilespmem:s21+$0x8840] =	vst v11;
	v15 =	vadd.f32 v32, v15;
	v10 =	vld [tilespmem:s21+$0x8C30]  }
0x13d: {  	[tilespmem:s21+$0x8850] =	vst v16;
	v16 =	vadd.f32 v33, v14;
	v11 =	vld [tilespmem:s21+$0x8C40]  }
0x13e: {  	s20 =	sadd.s32 $0x80, s20;
	s22 =	sadd.s32 $0x200, s22;
	[tilespmem:s21+$0x8860] =	vst v15;
	v15 =	vadd.f32 v34, v17;
	v14 =	vld [tilespmem:s21+$0x8C50]  }
0x13f: {  	[tilespmem:s21+$0x8870] =	vst v16;
	v9 =	vadd.f32 v9, v13;
	v13 =	vld [tilespmem:s21+$0x8C60]  }
0x140: {  	[tilespmem:s21+$0x8C00] =	vst v15;
	v8 =	vadd.f32 v8, v12;
	v12 =	vld [tilespmem:s21+$0x8C70]  }
0x141: {  	[tilespmem:s21+$0x8C10] =	vst v9;
	v7 =	vadd.f32 v7, v10  }
0x142: {  	[tilespmem:s21+$0x8C20] =	vst v8;
	v6 =	vadd.f32 v6, v11  }
0x143: {  	s20 =	smul.u32 $0x50, s19;
	[tilespmem:s21+$0x8C30] =	vst v7;
	v5 =	vadd.f32 v5, v14  }
0x144: {  	[tilespmem:s21+$0x8C40] =	vst v6;
	v4 =	vadd.f32 v4, v13  }
0x145: {  	s22 =	sadd.s32 s7, s20;
	[tilespmem:s21+$0x8C50] =	vst v5;
	v3 =	vadd.f32 v3, v12  }
0x146: {  	s22 =	sshll.u32 s22, $0x6;
	[tilespmem:s21+$0x8C60] =	vst v4  }
0x147: {  	s24 =	simm.s32 $0x0;
	s23 =	sadd.s32 s5, s22;
	[tilespmem:s21+$0x8C70] =	vst v3  }
0x148: {  	[hbm4b:s23+s24] =	stream.linear.scatter [tilespmem:s16], [sflag:$0x3], $0x5000, $0x38;
	[tilespmem:$0x1C000] =	vst v63  }
0x149: {  	_ =	swait.ge [sflag:s13], $0x5000  }
0x14a: {  	[sflag:s13] =	ssyncset.done $0x0  }
0x14b: {  	[sflag:s13] =	ssyncadd.s32 $0xFFFFB000  }
0x14c: {  	_ =	swait.ge [sflag:s13], $0x5000  }
0x14d: {  	s25 =	sand.u32 $0x7000, s24;
	s22 =	sand.u32 $0x380, s24;
	[sflag:s13] =	ssyncset.done $0x0  }
0x14e: {  	s21 =	sor.u32 s22, s25;
	[sflag:s13] =	ssyncadd.s32 $0xFFFFB000  }
0x14f: {  	v10 =	vld [tilespmem:s21+$0x17000]  }
0x150: {  	v11 =	vld [tilespmem:s21+$0x17010]  }
0x151: {  	v12 =	vld [tilespmem:s21+$0x17020]  }
0x152: {  	v13 =	vld [tilespmem:s21+$0x17030]  }
0x153: {  	v14 =	vld [tilespmem:s21+$0x17040]  }
0x154: {  	v15 =	vld [tilespmem:s21+$0x17050]  }
0x155: {  	v16 =	vld [tilespmem:s21+$0x17060]  }
0x156: {  	v17 =	vld [tilespmem:s21+$0x17070]  }
0x157: {  	v18 =	vld [tilespmem:s21+$0x17400]  }
0x158: {  	v19 =	vld [tilespmem:s21+$0x17410]  }
0x159: {  	v20 =	vld [tilespmem:s21+$0x17420]  }
0x15a: {  	v21 =	vld [tilespmem:s21+$0x17430]  }
0x15b: {  	v22 =	vld [tilespmem:s21+$0x17440]  }
0x15c: {  	v23 =	vld [tilespmem:s21+$0x17450]  }
0x15d: {  	v24 =	vld [tilespmem:s21+$0x17460]  }
0x15e: {  	v25 =	vld [tilespmem:s21+$0x17470]  }
0x15f: {  	v26 =	vld [tilespmem:s21+$0x17800]  }
0x160: {  	v27 =	vld [tilespmem:s21+$0x17810]  }
0x161: {  	v28 =	vld [tilespmem:s21+$0x17820]  }
0x162: {  	v29 =	vld [tilespmem:s21+$0x17830]  }
0x163: {  	v30 =	vld [tilespmem:s21+$0x17840]  }
0x164: {  	v31 =	vld [tilespmem:s21+$0x17850]  }
0x165: {  	v32 =	vld [tilespmem:s21+$0x17860]  }
0x166: {  	v33 =	vld [tilespmem:s21+$0x17870]  }
0x167: {  	v34 =	vld [tilespmem:s21+$0x17C00]  }
0x168: {  	v9 =	vld [tilespmem:s21+$0x17C10]  }
0x169: {  	v8 =	vld [tilespmem:s21+$0x17C20]  }
0x16a: {  	v7 =	vld [tilespmem:s21+$0x17C30]  }
0x16b: {  	v6 =	vld [tilespmem:s21+$0x17C40]  }
0x16c: {  	v5 =	vld [tilespmem:s21+$0x17C50]  }
0x16d: {  	v4 =	vld [tilespmem:s21+$0x17C60]  }
0x16e: {  	v3 =	vld [tilespmem:s21+$0x17C70]  }
0x16f: {  	v35 =	vld [tilespmem:s21+$0xD000]  }
0x170: {  	v36 =	vld [tilespmem:s21+$0xD010]  }
0x171: {  	v37 =	vld [tilespmem:s21+$0xD020]  }
0x172: {  	v38 =	vld [tilespmem:s21+$0xD030]  }
0x173: {  	v39 =	vld [tilespmem:s21+$0xD040]  }
0x174: {  	v62 =	vld [tilespmem:s21+$0xD050];
	v10 =	vadd.f32 v10, v35  }
0x175: {  	v63 =	vld [tilespmem:s21+$0xD060];
	v11 =	vadd.f32 v11, v36  }
0x176: {  	[tilespmem:s21+$0xD000] =	vst v10;
	v10 =	vadd.f32 v12, v37;
	v12 =	vld [tilespmem:s21+$0xD070]  }
0x177: {  	[tilespmem:s21+$0xD010] =	vst v11;
	v11 =	vadd.f32 v13, v38;
	v13 =	vld [tilespmem:s21+$0xD400]  }
0x178: {  	[tilespmem:s21+$0xD020] =	vst v10;
	v10 =	vadd.f32 v14, v39;
	v14 =	vld [tilespmem:s21+$0xD410]  }
0x179: {  	[tilespmem:s21+$0xD030] =	vst v11;
	v11 =	vadd.f32 v15, v62;
	v15 =	vld [tilespmem:s21+$0xD420]  }
0x17a: {  	[tilespmem:s21+$0xD040] =	vst v10;
	v10 =	vadd.f32 v16, v63;
	v16 =	vld [tilespmem:s21+$0xD430]  }
0x17b: {  	[tilespmem:s21+$0xD050] =	vst v11;
	v11 =	vadd.f32 v17, v12;
	v12 =	vld [tilespmem:s21+$0xD440]  }
0x17c: {  	[tilespmem:s21+$0xD060] =	vst v10;
	v10 =	vadd.f32 v18, v13;
	v13 =	vld [tilespmem:s21+$0xD450]  }
0x17d: {  	[tilespmem:s21+$0xD070] =	vst v11;
	v11 =	vadd.f32 v19, v14;
	v14 =	vld [tilespmem:s21+$0xD460]  }
0x17e: {  	[tilespmem:s21+$0xD400] =	vst v10;
	v10 =	vadd.f32 v20, v15;
	v15 =	vld [tilespmem:s21+$0xD470]  }
0x17f: {  	[tilespmem:s21+$0xD410] =	vst v11;
	v11 =	vadd.f32 v21, v16;
	v16 =	vld [tilespmem:s21+$0xD800]  }
0x180: {  	[tilespmem:s21+$0xD420] =	vst v10;
	v10 =	vadd.f32 v22, v12;
	v12 =	vld [tilespmem:s21+$0xD810]  }
0x181: {  	[tilespmem:s21+$0xD430] =	vst v11;
	v11 =	vadd.f32 v23, v13;
	v13 =	vld [tilespmem:s21+$0xD820]  }
0x182: {  	[tilespmem:s21+$0xD440] =	vst v10;
	v10 =	vadd.f32 v24, v14;
	v14 =	vld [tilespmem:s21+$0xD830]  }
0x183: {  	[tilespmem:s21+$0xD450] =	vst v11;
	v11 =	vadd.f32 v25, v15;
	v15 =	vld [tilespmem:s21+$0xD840]  }
0x184: {  	[tilespmem:s21+$0xD460] =	vst v10;
	v10 =	vadd.f32 v26, v16;
	v16 =	vld [tilespmem:s21+$0xD850]  }
0x185: {  	v17 =	vld [tilespmem:s21+$0xD860];
	[tilespmem:s21+$0xD470] =	vst v11;
	v11 =	vadd.f32 v27, v12  }
0x186: {  	v18 =	vld [tilespmem:s21+$0xD870];
	[tilespmem:s21+$0xD800] =	vst v10;
	v10 =	vadd.f32 v28, v13  }
0x187: {  	[tilespmem:s21+$0xD810] =	vst v11;
	v11 =	vadd.f32 v29, v14;
	v14 =	vld [tilespmem:s21+$0xDC00]  }
0x188: {  	v13 =	vld [tilespmem:s21+$0xDC10];
	[tilespmem:s21+$0xD820] =	vst v10;
	v10 =	vadd.f32 v30, v15  }
0x189: {  	v12 =	vld [tilespmem:s21+$0xDC20];
	[tilespmem:s21+$0xD830] =	vst v11;
	v11 =	vadd.f32 v31, v16  }
0x18a: {  	v15 =	vadd.f32 v32, v17;
	[tilespmem:s21+$0xD840] =	vst v10;
	v10 =	vld [tilespmem:s21+$0xDC30]  }
0x18b: {  	v16 =	vadd.f32 v33, v18;
	[tilespmem:s21+$0xD850] =	vst v11;
	v11 =	vld [tilespmem:s21+$0xDC40]  }
0x18c: {  	s22 =	simm.s32 $0x80;
	s23 =	simm.s32 $0x200;
	[tilespmem:s21+$0xD860] =	vst v15;
	v15 =	vadd.f32 v34, v14;
	v14 =	vld [tilespmem:s21+$0xDC50]  }
.LBB2_5:
0x18d: {  	s24 =	sand.u32 $0x7000, s23;
	s25 =	sand.u32 $0x380, s22;
	p0 =	sne.s32 s23, $0x4E00;
	[tilespmem:s21+$0xD870] =	vst v16;
	v9 =	vadd.f32 v9, v13;
	v13 =	vld [tilespmem:s21+$0xDC60]  }
0x18e: {  	s24 =	sor.u32 s25, s24;
	[tilespmem:s21+$0xDC00] =	vst v15;
	v8 =	vadd.f32 v8, v12;
	v12 =	vld [tilespmem:s21+$0xDC70]  }
0x18f: {  	v15 =	vld [tilespmem:s24+$0x17000];
	[tilespmem:s21+$0xDC10] =	vst v9;
	v7 =	vadd.f32 v7, v10  }
0x190: {  	v10 =	vld [tilespmem:s24+$0x17010];
	[tilespmem:s21+$0xDC20] =	vst v8;
	v6 =	vadd.f32 v6, v11  }
0x191: {  	v11 =	vld [tilespmem:s24+$0x17020];
	[tilespmem:s21+$0xDC30] =	vst v7;
	v5 =	vadd.f32 v5, v14  }
0x192: {  	v14 =	vld [tilespmem:s24+$0x17030];
	[tilespmem:s21+$0xDC40] =	vst v6;
	v4 =	vadd.f32 v4, v13  }
0x193: {  	v13 =	vld [tilespmem:s24+$0x17040];
	[tilespmem:s21+$0xDC50] =	vst v5;
	v3 =	vadd.f32 v3, v12  }
0x194: {  	v12 =	vld [tilespmem:s24+$0x17050];
	[tilespmem:s21+$0xDC60] =	vst v4  }
0x195: {  	v16 =	vld [tilespmem:s24+$0x17060];
	[tilespmem:s21+$0xDC70] =	vst v3;
	s21 =	smov.u32 s24  }
0x196: {  	v17 =	vld [tilespmem:s21+$0x17070]  }
0x197: {  	v18 =	vld [tilespmem:s21+$0x17400]  }
0x198: {  	v19 =	vld [tilespmem:s21+$0x17410]  }
0x199: {  	v20 =	vld [tilespmem:s21+$0x17420]  }
0x19a: {  	v21 =	vld [tilespmem:s21+$0x17430]  }
0x19b: {  	v22 =	vld [tilespmem:s21+$0x17440]  }
0x19c: {  	v23 =	vld [tilespmem:s21+$0x17450]  }
0x19d: {  	v24 =	vld [tilespmem:s21+$0x17460]  }
0x19e: {  	v25 =	vld [tilespmem:s21+$0x17470]  }
0x19f: {  	v26 =	vld [tilespmem:s21+$0x17800]  }
0x1a0: {  	v27 =	vld [tilespmem:s21+$0x17810]  }
0x1a1: {  	v28 =	vld [tilespmem:s21+$0x17820]  }
0x1a2: {  	v29 =	vld [tilespmem:s21+$0x17830]  }
0x1a3: {  	v30 =	vld [tilespmem:s21+$0x17840]  }
0x1a4: {  	v31 =	vld [tilespmem:s21+$0x17850]  }
0x1a5: {  	v32 =	vld [tilespmem:s21+$0x17860]  }
0x1a6: {  	v33 =	vld [tilespmem:s21+$0x17870]  }
0x1a7: {  	v34 =	vld [tilespmem:s21+$0x17C00]  }
0x1a8: {  	v9 =	vld [tilespmem:s21+$0x17C10]  }
0x1a9: {  	v8 =	vld [tilespmem:s21+$0x17C20]  }
0x1aa: {  	v7 =	vld [tilespmem:s21+$0x17C30]  }
0x1ab: {  	v6 =	vld [tilespmem:s21+$0x17C40]  }
0x1ac: {  	v5 =	vld [tilespmem:s21+$0x17C50]  }
0x1ad: {  	v4 =	vld [tilespmem:s21+$0x17C60]  }
0x1ae: {  	v3 =	vld [tilespmem:s21+$0x17C70]  }
0x1af: {  	v35 =	vld [tilespmem:s21+$0xD000]  }
0x1b0: {  	v36 =	vld [tilespmem:s21+$0xD010]  }
0x1b1: {  	v37 =	vld [tilespmem:s21+$0xD020]  }
0x1b2: {  	v38 =	vld [tilespmem:s21+$0xD030]  }
0x1b3: {  	v39 =	vld [tilespmem:s21+$0xD040]  }
0x1b4: {  	v15 =	vadd.f32 v15, v35;
	v35 =	vld [tilespmem:s21+$0xD050]  }
0x1b5: {  	v10 =	vadd.f32 v10, v36;
	v36 =	vld [tilespmem:s21+$0xD060]  }
0x1b6: {  	[tilespmem:s21+$0xD000] =	vst v15;
	v11 =	vadd.f32 v11, v37;
	v15 =	vld [tilespmem:s21+$0xD070]  }
0x1b7: {  	[tilespmem:s21+$0xD010] =	vst v10;
	v10 =	vadd.f32 v14, v38;
	v14 =	vld [tilespmem:s21+$0xD400]  }
0x1b8: {  	[tilespmem:s21+$0xD020] =	vst v11;
	v11 =	vadd.f32 v13, v39;
	v13 =	vld [tilespmem:s21+$0xD410]  }
0x1b9: {  	[tilespmem:s21+$0xD030] =	vst v10;
	v10 =	vadd.f32 v12, v35;
	v12 =	vld [tilespmem:s21+$0xD420]  }
0x1ba: {  	[tilespmem:s21+$0xD040] =	vst v11;
	v11 =	vadd.f32 v16, v36;
	v16 =	vld [tilespmem:s21+$0xD430]  }
0x1bb: {  	[tilespmem:s21+$0xD050] =	vst v10;
	v10 =	vadd.f32 v17, v15;
	v15 =	vld [tilespmem:s21+$0xD440]  }
0x1bc: {  	[tilespmem:s21+$0xD060] =	vst v11;
	v11 =	vadd.f32 v18, v14;
	v14 =	vld [tilespmem:s21+$0xD450]  }
0x1bd: {  	[tilespmem:s21+$0xD070] =	vst v10;
	v10 =	vadd.f32 v19, v13;
	v13 =	vld [tilespmem:s21+$0xD460]  }
0x1be: {  	[tilespmem:s21+$0xD400] =	vst v11;
	v11 =	vadd.f32 v20, v12;
	v12 =	vld [tilespmem:s21+$0xD470]  }
0x1bf: {  	[tilespmem:s21+$0xD410] =	vst v10;
	v10 =	vadd.f32 v21, v16;
	v16 =	vld [tilespmem:s21+$0xD800]  }
0x1c0: {  	[tilespmem:s21+$0xD420] =	vst v11;
	v11 =	vadd.f32 v22, v15;
	v15 =	vld [tilespmem:s21+$0xD810]  }
0x1c1: {  	[tilespmem:s21+$0xD430] =	vst v10;
	v10 =	vadd.f32 v23, v14;
	v14 =	vld [tilespmem:s21+$0xD820]  }
0x1c2: {  	[tilespmem:s21+$0xD440] =	vst v11;
	v11 =	vadd.f32 v24, v13;
	v13 =	vld [tilespmem:s21+$0xD830]  }
0x1c3: {  	[tilespmem:s21+$0xD450] =	vst v10;
	v10 =	vadd.f32 v25, v12;
	v12 =	vld [tilespmem:s21+$0xD840]  }
0x1c4: {  	[tilespmem:s21+$0xD460] =	vst v11;
	v11 =	vadd.f32 v26, v16;
	v16 =	vld [tilespmem:s21+$0xD850]  }
0x1c5: {  	[tilespmem:s21+$0xD470] =	vst v10;
	v10 =	vadd.f32 v27, v15;
	v15 =	vld [tilespmem:s21+$0xD860]  }
0x1c6: {  	[tilespmem:s21+$0xD800] =	vst v11;
	v11 =	vadd.f32 v28, v14;
	v14 =	vld [tilespmem:s21+$0xD870]  }
0x1c7: {  	[tilespmem:s21+$0xD810] =	vst v10;
	v10 =	vadd.f32 v29, v13;
	v17 =	vld [tilespmem:s21+$0xDC00]  }
.Ltmp1:
0x1c8: {  	[tilespmem:s21+$0xD820] =	vst v11;
	v11 =	vadd.f32 v30, v12;
	v13 =	vld [tilespmem:s21+$0xDC10];
	(pc) =	sbr.rel @p0 .LBB2_5-.Ltmp1, $4  }
0x1c9: {  	[tilespmem:s21+$0xD830] =	vst v10;
	v16 =	vadd.f32 v31, v16;
	v12 =	vld [tilespmem:s21+$0xDC20]  }
0x1ca: {  	[tilespmem:s21+$0xD840] =	vst v11;
	v15 =	vadd.f32 v32, v15;
	v10 =	vld [tilespmem:s21+$0xDC30]  }
0x1cb: {  	[tilespmem:s21+$0xD850] =	vst v16;
	v16 =	vadd.f32 v33, v14;
	v11 =	vld [tilespmem:s21+$0xDC40]  }
0x1cc: {  	s22 =	sadd.s32 $0x80, s22;
	s23 =	sadd.s32 $0x200, s23;
	[tilespmem:s21+$0xD860] =	vst v15;
	v15 =	vadd.f32 v34, v17;
	v14 =	vld [tilespmem:s21+$0xDC50]  }
0x1cd: {  	[tilespmem:s21+$0xD870] =	vst v16;
	v9 =	vadd.f32 v9, v13;
	v56 =	vld [tilespmem:s21+$0xDC60]  }
0x1ce: {  	v57 =	vld [tilespmem:s21+$0xDC70];
	[tilespmem:s21+$0xDC00] =	vst v15;
	v8 =	vadd.f32 v8, v12  }
0x1cf: {  	[tilespmem:s21+$0xDC10] =	vst v9;
	v7 =	vadd.f32 v7, v10  }
0x1d0: {  	[tilespmem:s21+$0xDC20] =	vst v8;
	v6 =	vadd.f32 v6, v11  }
0x1d1: {  	[tilespmem:s21+$0xDC30] =	vst v7;
	v5 =	vadd.f32 v5, v14  }
0x1d2: {  	[tilespmem:s21+$0xDC40] =	vst v6;
	v4 =	vadd.f32 v4, v56  }
0x1d3: {  	s20 =	sadd.s32 s11, s20;
	v3 =	vadd.f32 v3, v57;
	[tilespmem:s21+$0xDC50] =	vst v5  }
0x1d4: {  	s20 =	sshll.u32 s20, $0x6;
	[tilespmem:s21+$0xDC60] =	vst v4  }
0x1d5: {  	s20 =	sadd.s32 s5, s20;
	[tilespmem:s21+$0xDC70] =	vst v3  }
0x1d6: {  	[hbm4b:s20+s3] =	stream.linear.scatter [tilespmem:s12], [sflag:$0x4], $0x5000, $0x38;
	[tilespmem:$0x1C000] =	vst v63  }
0x1d7: {  	_ =	swait.ge [sflag:s17], $0x5000  }
0x1d8: {  	[sflag:s17] =	ssyncset.done $0x0  }
0x1d9: {  	s20 =	sshll.u32 s19, $0x8;
	[sflag:s17] =	ssyncadd.s32 $0xFFFFB000  }
0x1da: {  	v3 =	vld [tilespmem:s20+$0x100];
	_ =	sdelay $0x4  }
0x1db: {  	v58 =	vshll.u32 v3, $0x2  }
0x1dc: {  	v3 =	vand.u32 $0x7, v3;
	v4 =	vand.u32 $0xFFFFFFE0, v58  }
0x1dd: {  	v3 =	vor.u32 v3, v4  }
0x1de: {  	v4 =	vperm.xlane v3, v0;
	_ =	sdelay $0x1  }
0x1df: {  	v4 =	vadd.s32 v1, v4;
	_ =	sdelay $0x1  }
0x1e0: {  	v3 =	vperm.xlane v3, v2;
	_ =	sdelay $0x1  }
0x1e1: {  	v3 =	vadd.s32 v1, v3  }
0x1e2: {  	[tilespmem:s16], [sflag:$0x1] =	stream.indirect_vreg.gather [hbm4b:s4+s3], $0x80, v4, vm0, $0xb8;
	[tilespmem:$0x1C000] =	vst v63  }
0x1e3: {  	s25 =	simm.s32 $0x8800  }
0x1e4: {  	[tilespmem:s25], [sflag:$0x1] =	stream.indirect_vreg.gather [hbm4b:s9+s3], $0x80, v4, vm0, $0xb8;
	[tilespmem:$0x1C000] =	vst v63  }
0x1e5: {  	s22 =	simm.s32 $0x9000  }
0x1e6: {  	[tilespmem:s22], [sflag:$0x1] =	stream.indirect_vreg.gather [hbm4b:s4+s3], $0x80, v3, vm0, $0xb8;
	[tilespmem:$0x1C000] =	vst v63  }
0x1e7: {  	s23 =	simm.s32 $0x9800  }
0x1e8: {  	[tilespmem:s23], [sflag:$0x1] =	stream.indirect_vreg.gather [hbm4b:s9+s3], $0x80, v3, vm0, $0xb8;
	[tilespmem:$0x1C000] =	vst v63  }
0x1e9: {  	v3 =	vld [tilespmem:s20+$0x110];
	_ =	sdelay $0x4  }
0x1ea: {  	v59 =	vshll.u32 v3, $0x2  }
0x1eb: {  	v3 =	vand.u32 $0x7, v3;
	v4 =	vand.u32 $0xFFFFFFE0, v59  }
0x1ec: {  	v3 =	vor.u32 v3, v4  }
0x1ed: {  	v4 =	vperm.xlane v3, v0;
	_ =	sdelay $0x1  }
0x1ee: {  	v4 =	vadd.s32 v1, v4;
	_ =	sdelay $0x1  }
0x1ef: {  	v3 =	vperm.xlane v3, v2;
	_ =	sdelay $0x1  }
0x1f0: {  	s24 =	simm.s32 $0xA000;
	v3 =	vadd.s32 v1, v3  }
0x1f1: {  	[tilespmem:s24], [sflag:$0x1] =	stream.indirect_vreg.gather [hbm4b:s4+s3], $0x80, v4, vm0, $0xb8;
	[tilespmem:$0x1C000] =	vst v63  }
0x1f2: {  	s25 =	simm.s32 $0xA800  }
0x1f3: {  	[tilespmem:s25], [sflag:$0x1] =	stream.indirect_vreg.gather [hbm4b:s9+s3], $0x80, v4, vm0, $0xb8;
	[tilespmem:$0x1C000] =	vst v63  }
0x1f4: {  	s22 =	simm.s32 $0xB000  }
0x1f5: {  	[tilespmem:s22], [sflag:$0x1] =	stream.indirect_vreg.gather [hbm4b:s4+s3], $0x80, v3, vm0, $0xb8;
	[tilespmem:$0x1C000] =	vst v63  }
0x1f6: {  	s23 =	simm.s32 $0xB800  }
0x1f7: {  	[tilespmem:s23], [sflag:$0x1] =	stream.indirect_vreg.gather [hbm4b:s9+s3], $0x80, v3, vm0, $0xb8;
	[tilespmem:$0x1C000] =	vst v63  }
0x1f8: {  	v3 =	vld.msk [tilespmem:s20+$0x120], $0xff;
	_ =	sdelay $0x4  }
0x1f9: {  	v60 =	vshll.u32 v3, $0x2  }
0x1fa: {  	v3 =	vand.u32 $0x7, v3;
	v4 =	vand.u32 $0xFFFFFFE0, v60  }
0x1fb: {  	v3 =	vor.u32 v3, v4  }
0x1fc: {  	v3 =	vperm.xlane v3, v0;
	_ =	sdelay $0x1  }
0x1fd: {  	v3 =	vadd.s32 v1, v3;
	_ =	sdelay $0x3  }
0x1fe: {  	s24 =	simm.s32 $0xC000  }
0x1ff: {  	[tilespmem:s24], [sflag:$0x1] =	stream.indirect_vreg.gather [hbm4b:s4+s3], $0x80, v3, vm0, $0xb8;
	[tilespmem:$0x1C000] =	vst v63  }
0x200: {  	s25 =	simm.s32 $0xC800  }
0x201: {  	[tilespmem:s25], [sflag:$0x1] =	stream.indirect_vreg.gather [hbm4b:s9+s3], $0x80, v3, vm0, $0xb8;
	[tilespmem:$0x1C000] =	vst v63  }
0x202: {  	v3 =	vld [tilespmem:s20+$0x4100];
	_ =	sdelay $0x4  }
0x203: {  	v61 =	vshll.u32 v3, $0x2  }
0x204: {  	v3 =	vand.u32 $0x7, v3;
	v4 =	vand.u32 $0xFFFFFFE0, v61  }
0x205: {  	v3 =	vor.u32 v3, v4  }
0x206: {  	v4 =	vperm.xlane v3, v0;
	_ =	sdelay $0x1  }
0x207: {  	v4 =	vadd.s32 v1, v4;
	_ =	sdelay $0x1  }
0x208: {  	v3 =	vperm.xlane v3, v2;
	_ =	sdelay $0x1  }
0x209: {  	v3 =	vadd.s32 v1, v3  }
0x20a: {  	[tilespmem:s26], [sflag:$0x1] =	stream.indirect_vreg.gather [hbm4b:s1+s3], $0x80, v4, vm0, $0xb8;
	[tilespmem:$0x1C000] =	vst v63  }
0x20b: {  	_ = 	snop  }
0x20c: {  	[tilespmem:s28], [sflag:$0x1] =	stream.indirect_vreg.gather [hbm4b:s10+s3], $0x80, v4, vm0, $0xb8;
	[tilespmem:$0x1C000] =	vst v63  }
0x20d: {  	_ = 	snop  }
0x20e: {  	[tilespmem:s29], [sflag:$0x1] =	stream.indirect_vreg.gather [hbm4b:s1+s3], $0x80, v3, vm0, $0xb8;
	[tilespmem:$0x1C000] =	vst v63  }
0x20f: {  	_ = 	snop  }
0x210: {  	[tilespmem:s30], [sflag:$0x1] =	stream.indirect_vreg.gather [hbm4b:s10+s3], $0x80, v3, vm0, $0xb8;
	[tilespmem:$0x1C000] =	vst v63  }
0x211: {  	v3 =	vld [tilespmem:s20+$0x4110];
	_ =	sdelay $0x4  }
0x212: {  	v62 =	vshll.u32 v3, $0x2  }
0x213: {  	v3 =	vand.u32 $0x7, v3;
	v4 =	vand.u32 $0xFFFFFFE0, v62  }
0x214: {  	v3 =	vor.u32 v3, v4  }
0x215: {  	v4 =	vperm.xlane v3, v0;
	_ =	sdelay $0x1  }
0x216: {  	v4 =	vadd.s32 v1, v4;
	_ =	sdelay $0x1  }
0x217: {  	v3 =	vperm.xlane v3, v2;
	_ =	sdelay $0x1  }
0x218: {  	v3 =	vadd.s32 v1, v3  }
0x219: {  	[tilespmem:s31], [sflag:$0x1] =	stream.indirect_vreg.gather [hbm4b:s1+s3], $0x80, v4, vm0, $0xb8;
	[tilespmem:$0x1C000] =	vst v63  }
0x21a: {  	_ = 	snop  }
0x21b: {  	[tilespmem:s0], [sflag:$0x1] =	stream.indirect_vreg.gather [hbm4b:s10+s3], $0x80, v4, vm0, $0xb8;
	[tilespmem:$0x1C000] =	vst v63  }
0x21c: {  	_ = 	snop  }
0x21d: {  	[tilespmem:s2], [sflag:$0x1] =	stream.indirect_vreg.gather [hbm4b:s1+s3], $0x80, v3, vm0, $0xb8;
	[tilespmem:$0x1C000] =	vst v63  }
0x21e: {  	_ = 	snop  }
0x21f: {  	[tilespmem:s15], [sflag:$0x1] =	stream.indirect_vreg.gather [hbm4b:s10+s3], $0x80, v3, vm0, $0xb8;
	[tilespmem:$0x1C000] =	vst v63  }
0x220: {  	v3 =	vld.msk [tilespmem:s20+$0x4120], $0xff;
	_ =	sdelay $0x4  }
0x221: {  	v63 =	vshll.u32 v3, $0x2  }
0x222: {  	v3 =	vand.u32 $0x7, v3;
	v4 =	vand.u32 $0xFFFFFFE0, v63  }
0x223: {  	v3 =	vor.u32 v3, v4  }
0x224: {  	v3 =	vperm.xlane v3, v0;
	_ =	sdelay $0x1  }
0x225: {  	v3 =	vadd.s32 v1, v3;
	_ =	sdelay $0x3  }
0x226: {  	p0 =	seq.s32 s19, $0x3D  }
0x227: {  	[tilespmem:s6], [sflag:$0x1] =	stream.indirect_vreg.gather [hbm4b:s1+s3], $0x80, v3, vm0, $0xb8;
	[tilespmem:$0x1C000] =	vst v63  }
.Ltmp2:
0x228: {  	_ = 	snop;
	(pc) =	sbr.rel @p0 .LBB2_8-.Ltmp2, $4  }
0x229: {  	[tilespmem:s8], [sflag:$0x1] =	stream.indirect_vreg.gather [hbm4b:s10+s3], $0x80, v3, vm0, $0xb8;
	[tilespmem:$0x1C000] =	vst v63  }
0x22a: {  	_ =	swait.ge [sflag:s18], $0x5000  }
0x22b: {  	[sflag:s18] =	ssyncset.done $0x0  }
0x22c: {  	[sflag:s18] =	ssyncadd.s32 $0xFFFFB000  }
0x22d: {  	v3 =	vld [tilespmem:s20+$0x180];
	_ =	sdelay $0x4  }
0x22e: {  	v4 =	vshll.u32 v3, $0x2  }
0x22f: {  	v3 =	vand.u32 $0x7, v3;
	v4 =	vand.u32 $0xFFFFFFE0, v4  }
0x230: {  	v3 =	vor.u32 v3, v4  }
0x231: {  	v4 =	vperm.xlane v3, v0;
	_ =	sdelay $0x1  }
0x232: {  	v4 =	vadd.s32 v1, v4;
	_ =	sdelay $0x1  }
0x233: {  	v3 =	vperm.xlane v3, v2;
	_ =	sdelay $0x1  }
0x234: {  	v3 =	vadd.s32 v1, v3  }
0x235: {  	[tilespmem:s12], [sflag:$0x2] =	stream.indirect_vreg.gather [hbm4b:s4+s3], $0x80, v4, vm0, $0xb8;
	[tilespmem:$0x1C000] =	vst v63  }
0x236: {  	s21 =	simm.s32 $0xD800  }
0x237: {  	[tilespmem:s21], [sflag:$0x2] =	stream.indirect_vreg.gather [hbm4b:s9+s3], $0x80, v4, vm0, $0xb8;
	[tilespmem:$0x1C000] =	vst v63  }
0x238: {  	s24 =	simm.s32 $0xE000  }
0x239: {  	[tilespmem:s24], [sflag:$0x2] =	stream.indirect_vreg.gather [hbm4b:s4+s3], $0x80, v3, vm0, $0xb8;
	[tilespmem:$0x1C000] =	vst v63  }
0x23a: {  	s25 =	simm.s32 $0xE800  }
0x23b: {  	[tilespmem:s25], [sflag:$0x2] =	stream.indirect_vreg.gather [hbm4b:s9+s3], $0x80, v3, vm0, $0xb8;
	[tilespmem:$0x1C000] =	vst v63  }
0x23c: {  	v3 =	vld [tilespmem:s20+$0x190];
	_ =	sdelay $0x4  }
0x23d: {  	v59 =	vshll.u32 v3, $0x2  }
0x23e: {  	v3 =	vand.u32 $0x7, v3;
	v4 =	vand.u32 $0xFFFFFFE0, v59  }
0x23f: {  	v3 =	vor.u32 v3, v4  }
0x240: {  	v4 =	vperm.xlane v3, v0;
	_ =	sdelay $0x1  }
0x241: {  	v4 =	vadd.s32 v1, v4;
	_ =	sdelay $0x1  }
0x242: {  	v3 =	vperm.xlane v3, v2;
	_ =	sdelay $0x1  }
0x243: {  	s22 =	simm.s32 $0xF000;
	v3 =	vadd.s32 v1, v3  }
0x244: {  	[tilespmem:s22], [sflag:$0x2] =	stream.indirect_vreg.gather [hbm4b:s4+s3], $0x80, v4, vm0, $0xb8;
	[tilespmem:$0x1C000] =	vst v63  }
0x245: {  	s23 =	simm.s32 $0xF800  }
0x246: {  	[tilespmem:s23], [sflag:$0x2] =	stream.indirect_vreg.gather [hbm4b:s9+s3], $0x80, v4, vm0, $0xb8;
	[tilespmem:$0x1C000] =	vst v63  }
0x247: {  	s24 =	simm.s32 $0x10000  }
0x248: {  	[tilespmem:s24], [sflag:$0x2] =	stream.indirect_vreg.gather [hbm4b:s4+s3], $0x80, v3, vm0, $0xb8;
	[tilespmem:$0x1C000] =	vst v63  }
0x249: {  	s25 =	simm.s32 $0x10800  }
0x24a: {  	[tilespmem:s25], [sflag:$0x2] =	stream.indirect_vreg.gather [hbm4b:s9+s3], $0x80, v3, vm0, $0xb8;
	[tilespmem:$0x1C000] =	vst v63  }
0x24b: {  	v3 =	vld.msk [tilespmem:s20+$0x1A0], $0xff;
	_ =	sdelay $0x4  }
0x24c: {  	v60 =	vshll.u32 v3, $0x2  }
0x24d: {  	v3 =	vand.u32 $0x7, v3;
	v4 =	vand.u32 $0xFFFFFFE0, v60  }
0x24e: {  	v3 =	vor.u32 v3, v4  }
0x24f: {  	v3 =	vperm.xlane v3, v0;
	_ =	sdelay $0x1  }
0x250: {  	v3 =	vadd.s32 v1, v3;
	_ =	sdelay $0x3  }
0x251: {  	s22 =	simm.s32 $0x11000  }
0x252: {  	[tilespmem:s22], [sflag:$0x2] =	stream.indirect_vreg.gather [hbm4b:s4+s3], $0x80, v3, vm0, $0xb8;
	[tilespmem:$0x1C000] =	vst v63  }
0x253: {  	s23 =	simm.s32 $0x11800  }
0x254: {  	[tilespmem:s23], [sflag:$0x2] =	stream.indirect_vreg.gather [hbm4b:s9+s3], $0x80, v3, vm0, $0xb8;
	[tilespmem:$0x1C000] =	vst v63  }
0x255: {  	v3 =	vld [tilespmem:s20+$0x4180];
	_ =	sdelay $0x4  }
0x256: {  	v61 =	vshll.u32 v3, $0x2  }
0x257: {  	v3 =	vand.u32 $0x7, v3;
	v4 =	vand.u32 $0xFFFFFFE0, v61  }
0x258: {  	v3 =	vor.u32 v3, v4  }
0x259: {  	v4 =	vperm.xlane v3, v0;
	_ =	sdelay $0x1  }
0x25a: {  	v4 =	vadd.s32 v1, v4;
	_ =	sdelay $0x1  }
0x25b: {  	v3 =	vperm.xlane v3, v2;
	_ =	sdelay $0x1  }
0x25c: {  	s24 =	simm.s32 $0x17000;
	v3 =	vadd.s32 v1, v3  }
0x25d: {  	[tilespmem:s24], [sflag:$0x2] =	stream.indirect_vreg.gather [hbm4b:s1+s3], $0x80, v4, vm0, $0xb8;
	[tilespmem:$0x1C000] =	vst v63  }
0x25e: {  	s25 =	simm.s32 $0x17800  }
0x25f: {  	[tilespmem:s25], [sflag:$0x2] =	stream.indirect_vreg.gather [hbm4b:s10+s3], $0x80, v4, vm0, $0xb8;
	[tilespmem:$0x1C000] =	vst v63  }
0x260: {  	s22 =	simm.s32 $0x18000  }
0x261: {  	[tilespmem:s22], [sflag:$0x2] =	stream.indirect_vreg.gather [hbm4b:s1+s3], $0x80, v3, vm0, $0xb8;
	[tilespmem:$0x1C000] =	vst v63  }
0x262: {  	s23 =	simm.s32 $0x18800  }
0x263: {  	[tilespmem:s23], [sflag:$0x2] =	stream.indirect_vreg.gather [hbm4b:s10+s3], $0x80, v3, vm0, $0xb8;
	[tilespmem:$0x1C000] =	vst v63  }
0x264: {  	v3 =	vld [tilespmem:s20+$0x4190];
	_ =	sdelay $0x4  }
0x265: {  	v62 =	vshll.u32 v3, $0x2  }
0x266: {  	v3 =	vand.u32 $0x7, v3;
	v4 =	vand.u32 $0xFFFFFFE0, v62  }
0x267: {  	v3 =	vor.u32 v3, v4  }
0x268: {  	v4 =	vperm.xlane v3, v0;
	_ =	sdelay $0x1  }
0x269: {  	v4 =	vadd.s32 v1, v4;
	_ =	sdelay $0x1  }
0x26a: {  	v3 =	vperm.xlane v3, v2;
	_ =	sdelay $0x1  }
0x26b: {  	s24 =	simm.s32 $0x19000;
	v3 =	vadd.s32 v1, v3  }
0x26c: {  	[tilespmem:s24], [sflag:$0x2] =	stream.indirect_vreg.gather [hbm4b:s1+s3], $0x80, v4, vm0, $0xb8;
	[tilespmem:$0x1C000] =	vst v63  }
0x26d: {  	s25 =	simm.s32 $0x19800  }
0x26e: {  	[tilespmem:s25], [sflag:$0x2] =	stream.indirect_vreg.gather [hbm4b:s10+s3], $0x80, v4, vm0, $0xb8;
	[tilespmem:$0x1C000] =	vst v63  }
0x26f: {  	s22 =	simm.s32 $0x1A000  }
0x270: {  	[tilespmem:s22], [sflag:$0x2] =	stream.indirect_vreg.gather [hbm4b:s1+s3], $0x80, v3, vm0, $0xb8;
	[tilespmem:$0x1C000] =	vst v63  }
0x271: {  	s23 =	simm.s32 $0x1A800  }
0x272: {  	[tilespmem:s23], [sflag:$0x2] =	stream.indirect_vreg.gather [hbm4b:s10+s3], $0x80, v3, vm0, $0xb8;
	[tilespmem:$0x1C000] =	vst v63  }
0x273: {  	v3 =	vld.msk [tilespmem:s20+$0x41A0], $0xff;
	_ =	sdelay $0x4  }
0x274: {  	v63 =	vshll.u32 v3, $0x2  }
0x275: {  	v3 =	vand.u32 $0x7, v3;
	v4 =	vand.u32 $0xFFFFFFE0, v63  }
0x276: {  	v3 =	vor.u32 v3, v4  }
0x277: {  	v3 =	vperm.xlane v3, v0;
	_ =	sdelay $0x1  }
0x278: {  	v3 =	vadd.s32 v1, v3;
	_ =	sdelay $0x2  }
.Ltmp3:
0x279: {  	_ = 	snop;
	(pc) =	sbr.rel .LBB2_2-.Ltmp3, $4  }
0x27a: {  	s24 =	simm.s32 $0x1B000  }
0x27b: {  	[tilespmem:s24], [sflag:$0x2] =	stream.indirect_vreg.gather [hbm4b:s1+s3], $0x80, v3, vm0, $0xb8;
	[tilespmem:$0x1C000] =	vst v63  }
0x27c: {  	s19 =	sadd.s32 $0x1, s19;
	s25 =	simm.s32 $0x1B800  }
0x27d: {  	[tilespmem:s25], [sflag:$0x2] =	stream.indirect_vreg.gather [hbm4b:s10+s3], $0x80, v3, vm0, $0xb8;
	[tilespmem:$0x1C000] =	vst v63  }
.LBB2_8:
0x27e: {  	_ =	swait.ge [sflag:s14], $0x5000  }
0x27f: {  	[sflag:s14] =	ssyncset.done $0x0  }
0x280: {  	[sflag:s14] =	ssyncadd.s32 $0xFFFFB000  }
0x281: {  	s19 =	simm.s32 $0x0;
	_ =	swait.ge [sflag:s14], $0x5000  }
0x282: {  	s20 =	sand.u32 $0x7000, s19;
	s19 =	sand.u32 $0x380, s19;
	[sflag:s14] =	ssyncset.done $0x0  }
0x283: {  	s19 =	sor.u32 s19, s20;
	[sflag:s14] =	ssyncadd.s32 $0xFFFFB000  }
0x284: {  	v10 =	vld [tilespmem:s19+$0x12000]  }
0x285: {  	v11 =	vld [tilespmem:s19+$0x12010]  }
0x286: {  	v12 =	vld [tilespmem:s19+$0x12020]  }
0x287: {  	v13 =	vld [tilespmem:s19+$0x12030]  }
0x288: {  	v14 =	vld [tilespmem:s19+$0x12040]  }
0x289: {  	v15 =	vld [tilespmem:s19+$0x12050]  }
0x28a: {  	v16 =	vld [tilespmem:s19+$0x12060]  }
0x28b: {  	v17 =	vld [tilespmem:s19+$0x12070]  }
0x28c: {  	v18 =	vld [tilespmem:s19+$0x12400]  }
0x28d: {  	v19 =	vld [tilespmem:s19+$0x12410]  }
0x28e: {  	v20 =	vld [tilespmem:s19+$0x12420]  }
0x28f: {  	v21 =	vld [tilespmem:s19+$0x12430]  }
0x290: {  	v22 =	vld [tilespmem:s19+$0x12440]  }
0x291: {  	v23 =	vld [tilespmem:s19+$0x12450]  }
0x292: {  	v24 =	vld [tilespmem:s19+$0x12460]  }
0x293: {  	v25 =	vld [tilespmem:s19+$0x12470]  }
0x294: {  	v26 =	vld [tilespmem:s19+$0x12800]  }
0x295: {  	v27 =	vld [tilespmem:s19+$0x12810]  }
0x296: {  	v28 =	vld [tilespmem:s19+$0x12820]  }
0x297: {  	v29 =	vld [tilespmem:s19+$0x12830]  }
0x298: {  	v30 =	vld [tilespmem:s19+$0x12840]  }
0x299: {  	v31 =	vld [tilespmem:s19+$0x12850]  }
0x29a: {  	v32 =	vld [tilespmem:s19+$0x12860]  }
0x29b: {  	v33 =	vld [tilespmem:s19+$0x12870]  }
0x29c: {  	v34 =	vld [tilespmem:s19+$0x12C00]  }
0x29d: {  	v9 =	vld [tilespmem:s19+$0x12C10]  }
0x29e: {  	v8 =	vld [tilespmem:s19+$0x12C20]  }
0x29f: {  	v7 =	vld [tilespmem:s19+$0x12C30]  }
0x2a0: {  	v6 =	vld [tilespmem:s19+$0x12C40]  }
0x2a1: {  	v5 =	vld [tilespmem:s19+$0x12C50]  }
0x2a2: {  	v4 =	vld [tilespmem:s19+$0x12C60]  }
0x2a3: {  	v3 =	vld [tilespmem:s19+$0x12C70]  }
0x2a4: {  	v35 =	vld [tilespmem:s19+$0x8000]  }
0x2a5: {  	v36 =	vld [tilespmem:s19+$0x8010]  }
0x2a6: {  	v37 =	vld [tilespmem:s19+$0x8020]  }
0x2a7: {  	v38 =	vld [tilespmem:s19+$0x8030]  }
0x2a8: {  	v39 =	vld [tilespmem:s19+$0x8040]  }
0x2a9: {  	v62 =	vld [tilespmem:s19+$0x8050];
	v10 =	vadd.f32 v10, v35  }
0x2aa: {  	v63 =	vld [tilespmem:s19+$0x8060];
	v11 =	vadd.f32 v11, v36  }
0x2ab: {  	[tilespmem:s19+$0x8000] =	vst v10;
	v10 =	vadd.f32 v12, v37;
	v12 =	vld [tilespmem:s19+$0x8070]  }
0x2ac: {  	[tilespmem:s19+$0x8010] =	vst v11;
	v11 =	vadd.f32 v13, v38;
	v13 =	vld [tilespmem:s19+$0x8400]  }
0x2ad: {  	[tilespmem:s19+$0x8020] =	vst v10;
	v10 =	vadd.f32 v14, v39;
	v14 =	vld [tilespmem:s19+$0x8410]  }
0x2ae: {  	[tilespmem:s19+$0x8030] =	vst v11;
	v11 =	vadd.f32 v15, v62;
	v15 =	vld [tilespmem:s19+$0x8420]  }
0x2af: {  	[tilespmem:s19+$0x8040] =	vst v10;
	v10 =	vadd.f32 v16, v63;
	v16 =	vld [tilespmem:s19+$0x8430]  }
0x2b0: {  	[tilespmem:s19+$0x8050] =	vst v11;
	v11 =	vadd.f32 v17, v12;
	v12 =	vld [tilespmem:s19+$0x8440]  }
0x2b1: {  	[tilespmem:s19+$0x8060] =	vst v10;
	v10 =	vadd.f32 v18, v13;
	v13 =	vld [tilespmem:s19+$0x8450]  }
0x2b2: {  	[tilespmem:s19+$0x8070] =	vst v11;
	v11 =	vadd.f32 v19, v14;
	v14 =	vld [tilespmem:s19+$0x8460]  }
0x2b3: {  	[tilespmem:s19+$0x8400] =	vst v10;
	v10 =	vadd.f32 v20, v15;
	v15 =	vld [tilespmem:s19+$0x8470]  }
0x2b4: {  	[tilespmem:s19+$0x8410] =	vst v11;
	v11 =	vadd.f32 v21, v16;
	v16 =	vld [tilespmem:s19+$0x8800]  }
0x2b5: {  	[tilespmem:s19+$0x8420] =	vst v10;
	v10 =	vadd.f32 v22, v12;
	v12 =	vld [tilespmem:s19+$0x8810]  }
0x2b6: {  	[tilespmem:s19+$0x8430] =	vst v11;
	v11 =	vadd.f32 v23, v13;
	v13 =	vld [tilespmem:s19+$0x8820]  }
0x2b7: {  	[tilespmem:s19+$0x8440] =	vst v10;
	v10 =	vadd.f32 v24, v14;
	v14 =	vld [tilespmem:s19+$0x8830]  }
0x2b8: {  	[tilespmem:s19+$0x8450] =	vst v11;
	v11 =	vadd.f32 v25, v15;
	v15 =	vld [tilespmem:s19+$0x8840]  }
0x2b9: {  	[tilespmem:s19+$0x8460] =	vst v10;
	v10 =	vadd.f32 v26, v16;
	v16 =	vld [tilespmem:s19+$0x8850]  }
0x2ba: {  	v17 =	vld [tilespmem:s19+$0x8860];
	[tilespmem:s19+$0x8470] =	vst v11;
	v11 =	vadd.f32 v27, v12  }
0x2bb: {  	v18 =	vld [tilespmem:s19+$0x8870];
	[tilespmem:s19+$0x8800] =	vst v10;
	v10 =	vadd.f32 v28, v13  }
0x2bc: {  	[tilespmem:s19+$0x8810] =	vst v11;
	v11 =	vadd.f32 v29, v14;
	v14 =	vld [tilespmem:s19+$0x8C00]  }
0x2bd: {  	v13 =	vld [tilespmem:s19+$0x8C10];
	[tilespmem:s19+$0x8820] =	vst v10;
	v10 =	vadd.f32 v30, v15  }
0x2be: {  	v12 =	vld [tilespmem:s19+$0x8C20];
	[tilespmem:s19+$0x8830] =	vst v11;
	v11 =	vadd.f32 v31, v16  }
0x2bf: {  	v15 =	vadd.f32 v32, v17;
	[tilespmem:s19+$0x8840] =	vst v10;
	v10 =	vld [tilespmem:s19+$0x8C30]  }
0x2c0: {  	v16 =	vadd.f32 v33, v18;
	[tilespmem:s19+$0x8850] =	vst v11;
	v11 =	vld [tilespmem:s19+$0x8C40]  }
0x2c1: {  	s21 =	simm.s32 $0x200;
	s20 =	simm.s32 $0x80;
	[tilespmem:s19+$0x8860] =	vst v15;
	v15 =	vadd.f32 v34, v14;
	v14 =	vld [tilespmem:s19+$0x8C50]  }
.LBB2_9:
0x2c2: {  	s22 =	sand.u32 $0x7000, s21;
	s23 =	sand.u32 $0x380, s20;
	p0 =	sne.s32 s21, $0x4E00;
	[tilespmem:s19+$0x8870] =	vst v16;
	v9 =	vadd.f32 v9, v13;
	v13 =	vld [tilespmem:s19+$0x8C60]  }
0x2c3: {  	s22 =	sor.u32 s23, s22;
	[tilespmem:s19+$0x8C00] =	vst v15;
	v8 =	vadd.f32 v8, v12;
	v12 =	vld [tilespmem:s19+$0x8C70]  }
0x2c4: {  	v15 =	vld [tilespmem:s22+$0x12000];
	[tilespmem:s19+$0x8C10] =	vst v9;
	v7 =	vadd.f32 v7, v10  }
0x2c5: {  	v10 =	vld [tilespmem:s22+$0x12010];
	[tilespmem:s19+$0x8C20] =	vst v8;
	v6 =	vadd.f32 v6, v11  }
0x2c6: {  	v11 =	vld [tilespmem:s22+$0x12020];
	[tilespmem:s19+$0x8C30] =	vst v7;
	v5 =	vadd.f32 v5, v14  }
0x2c7: {  	v14 =	vld [tilespmem:s22+$0x12030];
	[tilespmem:s19+$0x8C40] =	vst v6;
	v4 =	vadd.f32 v4, v13  }
0x2c8: {  	v13 =	vld [tilespmem:s22+$0x12040];
	[tilespmem:s19+$0x8C50] =	vst v5;
	v3 =	vadd.f32 v3, v12  }
0x2c9: {  	v12 =	vld [tilespmem:s22+$0x12050];
	[tilespmem:s19+$0x8C60] =	vst v4  }
0x2ca: {  	v16 =	vld [tilespmem:s22+$0x12060];
	[tilespmem:s19+$0x8C70] =	vst v3;
	s19 =	smov.u32 s22  }
0x2cb: {  	v17 =	vld [tilespmem:s19+$0x12070]  }
0x2cc: {  	v18 =	vld [tilespmem:s19+$0x12400]  }
0x2cd: {  	v19 =	vld [tilespmem:s19+$0x12410]  }
0x2ce: {  	v20 =	vld [tilespmem:s19+$0x12420]  }
0x2cf: {  	v21 =	vld [tilespmem:s19+$0x12430]  }
0x2d0: {  	v22 =	vld [tilespmem:s19+$0x12440]  }
0x2d1: {  	v23 =	vld [tilespmem:s19+$0x12450]  }
0x2d2: {  	v24 =	vld [tilespmem:s19+$0x12460]  }
0x2d3: {  	v25 =	vld [tilespmem:s19+$0x12470]  }
0x2d4: {  	v26 =	vld [tilespmem:s19+$0x12800]  }
0x2d5: {  	v27 =	vld [tilespmem:s19+$0x12810]  }
0x2d6: {  	v28 =	vld [tilespmem:s19+$0x12820]  }
0x2d7: {  	v29 =	vld [tilespmem:s19+$0x12830]  }
0x2d8: {  	v30 =	vld [tilespmem:s19+$0x12840]  }
0x2d9: {  	v31 =	vld [tilespmem:s19+$0x12850]  }
0x2da: {  	v32 =	vld [tilespmem:s19+$0x12860]  }
0x2db: {  	v33 =	vld [tilespmem:s19+$0x12870]  }
0x2dc: {  	v34 =	vld [tilespmem:s19+$0x12C00]  }
0x2dd: {  	v9 =	vld [tilespmem:s19+$0x12C10]  }
0x2de: {  	v8 =	vld [tilespmem:s19+$0x12C20]  }
0x2df: {  	v7 =	vld [tilespmem:s19+$0x12C30]  }
0x2e0: {  	v6 =	vld [tilespmem:s19+$0x12C40]  }
0x2e1: {  	v5 =	vld [tilespmem:s19+$0x12C50]  }
0x2e2: {  	v4 =	vld [tilespmem:s19+$0x12C60]  }
0x2e3: {  	v3 =	vld [tilespmem:s19+$0x12C70]  }
0x2e4: {  	v35 =	vld [tilespmem:s19+$0x8000]  }
0x2e5: {  	v36 =	vld [tilespmem:s19+$0x8010]  }
0x2e6: {  	v37 =	vld [tilespmem:s19+$0x8020]  }
0x2e7: {  	v38 =	vld [tilespmem:s19+$0x8030]  }
0x2e8: {  	v39 =	vld [tilespmem:s19+$0x8040]  }
0x2e9: {  	v15 =	vadd.f32 v15, v35;
	v35 =	vld [tilespmem:s19+$0x8050]  }
0x2ea: {  	v10 =	vadd.f32 v10, v36;
	v36 =	vld [tilespmem:s19+$0x8060]  }
0x2eb: {  	[tilespmem:s19+$0x8000] =	vst v15;
	v11 =	vadd.f32 v11, v37;
	v15 =	vld [tilespmem:s19+$0x8070]  }
0x2ec: {  	[tilespmem:s19+$0x8010] =	vst v10;
	v10 =	vadd.f32 v14, v38;
	v14 =	vld [tilespmem:s19+$0x8400]  }
0x2ed: {  	[tilespmem:s19+$0x8020] =	vst v11;
	v11 =	vadd.f32 v13, v39;
	v13 =	vld [tilespmem:s19+$0x8410]  }
0x2ee: {  	[tilespmem:s19+$0x8030] =	vst v10;
	v10 =	vadd.f32 v12, v35;
	v12 =	vld [tilespmem:s19+$0x8420]  }
0x2ef: {  	[tilespmem:s19+$0x8040] =	vst v11;
	v11 =	vadd.f32 v16, v36;
	v16 =	vld [tilespmem:s19+$0x8430]  }
0x2f0: {  	[tilespmem:s19+$0x8050] =	vst v10;
	v10 =	vadd.f32 v17, v15;
	v15 =	vld [tilespmem:s19+$0x8440]  }
0x2f1: {  	[tilespmem:s19+$0x8060] =	vst v11;
	v11 =	vadd.f32 v18, v14;
	v14 =	vld [tilespmem:s19+$0x8450]  }
0x2f2: {  	[tilespmem:s19+$0x8070] =	vst v10;
	v10 =	vadd.f32 v19, v13;
	v13 =	vld [tilespmem:s19+$0x8460]  }
0x2f3: {  	[tilespmem:s19+$0x8400] =	vst v11;
	v11 =	vadd.f32 v20, v12;
	v12 =	vld [tilespmem:s19+$0x8470]  }
0x2f4: {  	[tilespmem:s19+$0x8410] =	vst v10;
	v10 =	vadd.f32 v21, v16;
	v16 =	vld [tilespmem:s19+$0x8800]  }
0x2f5: {  	[tilespmem:s19+$0x8420] =	vst v11;
	v11 =	vadd.f32 v22, v15;
	v15 =	vld [tilespmem:s19+$0x8810]  }
0x2f6: {  	[tilespmem:s19+$0x8430] =	vst v10;
	v10 =	vadd.f32 v23, v14;
	v14 =	vld [tilespmem:s19+$0x8820]  }
0x2f7: {  	[tilespmem:s19+$0x8440] =	vst v11;
	v11 =	vadd.f32 v24, v13;
	v13 =	vld [tilespmem:s19+$0x8830]  }
0x2f8: {  	[tilespmem:s19+$0x8450] =	vst v10;
	v10 =	vadd.f32 v25, v12;
	v12 =	vld [tilespmem:s19+$0x8840]  }
0x2f9: {  	[tilespmem:s19+$0x8460] =	vst v11;
	v11 =	vadd.f32 v26, v16;
	v16 =	vld [tilespmem:s19+$0x8850]  }
0x2fa: {  	[tilespmem:s19+$0x8470] =	vst v10;
	v10 =	vadd.f32 v27, v15;
	v15 =	vld [tilespmem:s19+$0x8860]  }
0x2fb: {  	[tilespmem:s19+$0x8800] =	vst v11;
	v11 =	vadd.f32 v28, v14;
	v14 =	vld [tilespmem:s19+$0x8870]  }
0x2fc: {  	[tilespmem:s19+$0x8810] =	vst v10;
	v10 =	vadd.f32 v29, v13;
	v17 =	vld [tilespmem:s19+$0x8C00]  }
.Ltmp4:
0x2fd: {  	[tilespmem:s19+$0x8820] =	vst v11;
	v11 =	vadd.f32 v30, v12;
	v13 =	vld [tilespmem:s19+$0x8C10];
	(pc) =	sbr.rel @p0 .LBB2_9-.Ltmp4, $4  }
0x2fe: {  	[tilespmem:s19+$0x8830] =	vst v10;
	v16 =	vadd.f32 v31, v16;
	v12 =	vld [tilespmem:s19+$0x8C20]  }
0x2ff: {  	[tilespmem:s19+$0x8840] =	vst v11;
	v15 =	vadd.f32 v32, v15;
	v10 =	vld [tilespmem:s19+$0x8C30]  }
0x300: {  	[tilespmem:s19+$0x8850] =	vst v16;
	v16 =	vadd.f32 v33, v14;
	v11 =	vld [tilespmem:s19+$0x8C40]  }
0x301: {  	s20 =	sadd.s32 $0x80, s20;
	s21 =	sadd.s32 $0x200, s21;
	[tilespmem:s19+$0x8860] =	vst v15;
	v15 =	vadd.f32 v34, v17;
	v14 =	vld [tilespmem:s19+$0x8C50]  }
0x302: {  	[tilespmem:s19+$0x8870] =	vst v16;
	v9 =	vadd.f32 v9, v13;
	v62 =	vld [tilespmem:s19+$0x8C60]  }
0x303: {  	v63 =	vld [tilespmem:s19+$0x8C70];
	[tilespmem:s19+$0x8C00] =	vst v15;
	v8 =	vadd.f32 v8, v12  }
0x304: {  	[tilespmem:s19+$0x8C10] =	vst v9;
	v7 =	vadd.f32 v7, v10  }
0x305: {  	[tilespmem:s19+$0x8C20] =	vst v8;
	v6 =	vadd.f32 v6, v11  }
0x306: {  	[tilespmem:s19+$0x8C30] =	vst v7;
	v5 =	vadd.f32 v5, v14  }
0x307: {  	[tilespmem:s19+$0x8C40] =	vst v6;
	v4 =	vadd.f32 v4, v62  }
0x308: {  	v3 =	vadd.f32 v3, v63;
	[tilespmem:s19+$0x8C50] =	vst v5  }
0x309: {  	[tilespmem:s19+$0x8C60] =	vst v4  }
0x30a: {  	s24 =	rddreg [dreg:$0x5];
	[tilespmem:s19+$0x8C70] =	vst v3  }
0x30b: {  	[hbm4b:s24+s3] =	stream.linear.scatter [tilespmem:s16], [sflag:$0x3], $0x5000, $0x38;
	[tilespmem:$0x1C000] =	vst v63  }
0x30c: {  	_ =	swait.ge [sflag:s17], $0x5000  }
0x30d: {  	s20 =	rddreg [dreg:$0x7]  }
0x30e: {  	s25 =	rddreg [dreg:$0x6];
	s20 =	sadd.s32 $0x1, s20  }
0x30f: {  	p0 =	sne.s32 s20, s25  }
.Ltmp5:
0x310: {  	_ = 	snop;
	(pc) =	sbr.rel @p0 .LBB2_1-.Ltmp5, $3  }
0x311: {  	_ =	sdelay $0x1  }
0x312: {  	[sflag:s17] =	ssyncset.done $0x0  }
0x313: {  	[sflag:s17] =	ssyncadd.s32 $0xFFFFB000  }
0x314: {  	_ =	sfence.sel $0x180000  }
0x315: {  	[bflag:$0x0] =	sbarrier.arrive $0xFFFF  }
0x316: {  	_ =	strace $0x90000047  }
0x317: {  	s0 =	stileid.u32;
	[bflag:$0x2] =	sbarrier.arrive $0xFFFF  }
0x318: {  	p0 =	sne.s32 s0, $0x0;
	s0 =	rddreg [dreg:$0x2]  }
0x319: {  	s0 =	sadd.s32 @!p0 $0x100000, s0  }
0x31a: {  	[sflag:s0] =	ssyncadd.tile.s32 @!p0 $0x1;
	_ =	shalt  }
.Lfunc_end2:
_tile_overlayer_lowered:
.L_overlay_start_2:
0x31b: {  	(tag) =	ssettag $0x2  }
0x31c: {  	s0 =	rddreg [dreg:$0x0];
	s2 =	stileid.u32  }
0x31d: {  	s1 =	rddreg [dreg:$0x1];
	p0 =	sne.s32 s2, $0x0  }
0x31e: {  	s3 =	rddreg [dreg:$0x2];
	[bflag:$0x3] =	sbarrier.arrive $0xFFFF;
	s2 =	simm.s32 @!p0 $0x1C05  }
0x31f: {  	[timem:s3], [sflag:s2] =	dma.local @!p0 [hbm:s0], s1  }
0x320: {  	s0 =	simm.s32 @!p0 $0x5  }
0x321: {  	_ =	swait.ge @!p0 [sflag:s0], s1  }
0x322: {  	s1 =	ssub.s32 @!p0 $0x0, s1;
	[sflag:s0] =	ssyncset.done @!p0 $0x0  }
0x323: {  	[sflag:s0] =	ssyncadd.s32 @!p0 s1  }
0x324: {  	[bflag:$0x3] =	sbarrier.arrive $0xFFFF  }
0x325: {  	_ =	shalt  }

</sc_bundles>
